<compile_context>
chip_gen: v7x
topology: tpu7x:2x2x1
jax: 0.10.2.dev20260603
libtpu: 0.0.44.dev20260713+nightly
codegen_flags: <defaults>
</compile_context>

<pallas_src>
import functools

import jax
import jax.numpy as jnp
from jax import lax
from jax.experimental import pallas as pl
from jax.experimental.pallas import tpu as pltpu
from jax.experimental.pallas import tpu_sc as plsc

N = 10000
E = 320000
NP = 10112
W = 40
NT = 32
CH = 80
EP = NT * CH * 128
ROWS = NP // 16
NB = 8

_mesh = plsc.VectorSubcoreMesh(core_axis_name="c", subcore_axis_name="s")
_sc_params = pltpu.CompilerParams(needs_layout_passes=False,
                                  use_tc_tiling_on_sc=False)


@functools.partial(
    pl.kernel,
    out_type=jax.ShapeDtypeStruct((NT, 2, NP), jnp.float32),
    mesh=_mesh,
    compiler_params=_sc_params,
    scratch_types=[
        pltpu.VMEM((CH, 128), jnp.int32),
        pltpu.VMEM((CH, 128), jnp.int32),
        pltpu.VMEM((NP,), jnp.float32),
        pltpu.VMEM((NP,), jnp.float32),
    ],
)
def _deg_kernel(src_hbm, dst_hbm, out_hbm, src_v, dst_v, hs_v, hd_v):
    c = lax.axis_index("c")
    s = lax.axis_index("s")
    wid = c * 16 + s
    pltpu.sync_copy(src_hbm.at[wid], src_v)
    pltpu.sync_copy(dst_hbm.at[wid], dst_v)
    zeros = jnp.zeros((16,), jnp.float32)

    @pl.loop(0, NP // 16)
    def _(i):
        hs_v[pl.ds(i * 16, 16)] = zeros
        hd_v[pl.ds(i * 16, 16)] = zeros

    ones = jnp.ones((16,), jnp.float32)

    @pl.loop(0, CH)
    def _(k):
        for j in range(8):
            si = src_v[k, pl.ds(j * 16, 16)]
            plsc.addupdate_scatter(hs_v, [si], ones)
            di = dst_v[k, pl.ds(j * 16, 16)]
            plsc.addupdate_scatter(hd_v, [di], ones)

    pltpu.sync_copy(hs_v, out_hbm.at[wid, 0])
    pltpu.sync_copy(hd_v, out_hbm.at[wid, 1])


@functools.partial(
    pl.kernel,
    out_type=jax.ShapeDtypeStruct((2, NP, W), jnp.float32),
    mesh=_mesh,
    compiler_params=_sc_params,
    scratch_types=[
        pltpu.VMEM((CH, 128), jnp.int32),
        pltpu.VMEM((CH, 128), jnp.int32),
        pltpu.VMEM((NB, 128, W), jnp.float32),
        pltpu.VMEM_SHARED((NP, W), jnp.float32),
        pltpu.SemaphoreType.DMA((NB,)),
        pltpu.SemaphoreType.DMA((NB,)),
    ],
)
def _spmv_kernel(u_hbm, src_hbm, dst_hbm, zer_hbm, z_hbm,
                 src_v, dst_v, bufs, acc, gsem, ssem):
    c = lax.axis_index("c")
    s = lax.axis_index("s")
    wid = c * 16 + s
    pltpu.sync_copy(src_hbm.at[wid], src_v)
    pltpu.sync_copy(dst_hbm.at[wid], dst_v)
    pltpu.sync_copy(zer_hbm.at[pl.ds(s * ROWS, ROWS)],
                    acc.at[pl.ds(s * ROWS, ROWS)])
    plsc.subcore_barrier()

    for j in range(NB):
        pltpu.async_copy(u_hbm.at[src_v.at[j]], bufs.at[j], gsem.at[j])

    @pl.loop(0, CH, step=NB)
    def _(k):
        for j in range(NB):
            kk = k + j
            pltpu.make_async_copy(u_hbm.at[src_v.at[kk]], bufs.at[j],
                                  gsem.at[j]).wait()
            pltpu.async_copy(bufs.at[j], acc.at[dst_v.at[kk]], ssem.at[j],
                             add=True)
        for j in range(NB):
            kk = k + j
            pltpu.make_async_copy(bufs.at[j], acc.at[dst_v.at[kk]],
                                  ssem.at[j]).wait()

            @pl.when(kk + NB < CH)
            def _():
                pltpu.async_copy(u_hbm.at[src_v.at[kk + NB]], bufs.at[j],
                                 gsem.at[j])

    plsc.subcore_barrier()
    pltpu.sync_copy(acc.at[pl.ds(s * ROWS, ROWS)],
                    z_hbm.at[c, pl.ds(s * ROWS, ROWS)])


NBLK = 8
BR = NP // NBLK
FB = BR * W


def _dense_body(feat_ref, dsrc_ref, ddst_ref, w0, w1, w2, b2r, l0, l1, l2,
                y0b, yh1, yh2, u3, nsdo, nddo):
    W0, W1, W2 = w0[...], w1[...], w2[...]
    L0, L1, L2 = l0[...], l1[...], l2[...]
    C3 = W0 @ W1 @ W2
    C2 = L0 @ W1 @ W2 + W0 @ L1 @ W2 + W0 @ W1 @ L2
    C1 = L0 @ L1 @ W2 + L0 @ W1 @ L2 + W0 @ L1 @ L2
    C0 = L0 @ L1 @ L2

    X = feat_ref[...]
    deg_s = jnp.sum(dsrc_ref[...], axis=1, keepdims=True)
    deg_d = jnp.sum(ddst_ref[...], axis=1, keepdims=True)
    ns = lax.rsqrt(jnp.maximum(deg_s, 1.0))
    nd = lax.rsqrt(jnp.maximum(deg_d, 1.0))
    y0b[...] = X @ C0 + b2r[...]
    yh1[...] = ns * (X @ C1)
    yh2[...] = ns * (X @ C2)
    u3[...] = ns * (X @ C3)
    nsdo[...] = jnp.broadcast_to(ns * nd, (BR, W))
    nddo[...] = jnp.broadcast_to(nd, (BR, W))


def _wspec(shape):
    return pl.BlockSpec(shape, lambda i: (0, 0))


_dense_call = pl.pallas_call(
    _dense_body,
    grid=(NBLK,),
    in_specs=[
        pl.BlockSpec((BR, 128), lambda i: (i, 0)),
        pl.BlockSpec((BR, NT), lambda i: (i, 0)),
        pl.BlockSpec((BR, NT), lambda i: (i, 0)),
        _wspec((128, 128)), _wspec((128, 128)), _wspec((128, 40)),
        _wspec((1, W)),
        _wspec((128, 128)), _wspec((128, 128)), _wspec((128, 40)),
    ],
    out_specs=[pl.BlockSpec((BR, W), lambda i: (i, 0))] * 6,
    out_shape=[jax.ShapeDtypeStruct((NP, W), jnp.float32)] * 6,
)


def _comb_body(z_ref, yh_ref, sc_ref, u_ref):
    u_ref[...] = yh_ref[...] + sc_ref[...] * (z_ref[0] + z_ref[1])


_comb_call = pl.pallas_call(
    _comb_body,
    out_shape=jax.ShapeDtypeStruct((NP * W,), jnp.float32),
)


def kernel(feat, edge_index, W0, W1, W2, b2, L0, L1, L2):
    src = edge_index[0]
    dst = edge_index[1]
    pad = EP - E
    fill = N + (jnp.arange(pad, dtype=jnp.int32) % (NP - N))
    srcp = jnp.concatenate([src, fill]).reshape(NT, CH, 128)
    dstp = jnp.concatenate([dst, fill]).reshape(NT, CH, 128)
    featp = jnp.pad(feat, ((0, NP - N), (0, 0)))
    b2p = b2.reshape(1, W)
    zer = jnp.zeros((NP, W), jnp.float32)

    degp = _deg_kernel(srcp, dstp)
    dsrc_t = jnp.transpose(degp[:, 0, :])
    ddst_t = jnp.transpose(degp[:, 1, :])
    y0b, yh1, yh2, u3, nsdb, ndb = _dense_call(featp, dsrc_t, ddst_t,
                                               W0, W1, W2, b2p, L0, L1, L2)
    yh2f = yh2.reshape(NP * W)
    yh1f = yh1.reshape(NP * W)
    y0bf = y0b.reshape(NP * W)
    nsf = nsdb.reshape(NP * W)
    ndf = ndb.reshape(NP * W)
    z3 = _spmv_kernel(u3, srcp, dstp, zer)
    u2 = _comb_call(z3.reshape(2, NP * W), yh2f, nsf)
    z2 = _spmv_kernel(u2.reshape(NP, W), srcp, dstp, zer)
    u1 = _comb_call(z2.reshape(2, NP * W), yh1f, nsf)
    z1 = _spmv_kernel(u1.reshape(NP, W), srcp, dstp, zer)
    outp = _comb_call(z1.reshape(2, NP * W), y0bf, ndf)
    return outp.reshape(NP, W)[:N, :40]

# --- scband reference (transcript-rebuilt; emitter-appended) ---
"""Pipeline reference for scband-gcn-17660905521700 (READ-ONLY COPY).

The authoritative reference and input builder live on the scoring server;
editing this copy changes nothing except your own understanding.
"""

import jax, jax.numpy as jnp
import numpy as np

N = 10000
E = 320000
D_IN = 128
D_H = 128
D_OUT = 40


def setup_inputs(seed: int = 0):
    key = jax.random.key(seed)
    ks = jax.random.split(key, 10)
    feat = jax.random.normal(ks[0], (N, D_IN), dtype=jnp.float32)
    edge_index = jax.random.randint(ks[1], (2, E), 0, N, dtype=jnp.int32)
    # GraphConv weights (in, out); bias only on last layer
    W0 = jax.random.normal(ks[2], (D_IN, D_H), dtype=jnp.float32) * (1.0 / np.sqrt(D_IN))
    W1 = jax.random.normal(ks[3], (D_H, D_H), dtype=jnp.float32) * (1.0 / np.sqrt(D_H))
    W2 = jax.random.normal(ks[4], (D_H, D_OUT), dtype=jnp.float32) * (1.0 / np.sqrt(D_H))
    b2 = jnp.zeros((D_OUT,), dtype=jnp.float32)
    # parallel Linear weights (in, out), no bias
    L0 = jax.random.normal(ks[5], (D_IN, D_H), dtype=jnp.float32) * (1.0 / np.sqrt(D_IN))
    L1 = jax.random.normal(ks[6], (D_H, D_H), dtype=jnp.float32) * (1.0 / np.sqrt(D_H))
    L2 = jax.random.normal(ks[7], (D_H, D_OUT), dtype=jnp.float32) * (1.0 / np.sqrt(D_H))
    return {"feat": feat, "edge_index": edge_index, "W0": W0, "W1": W1, "W2": W2, "b2": b2, "L0": L0, "L1": L1, "L2": L2}


def _gcn_conv(h, src, dst, W, b=None):
    # DGL GraphConv with norm='both': symmetric D^{-1/2} A D^{-1/2} X W
    ones = jnp.ones((E,), dtype=jnp.float32)
    deg_out = jax.ops.segment_sum(ones, src, num_segments=N)
    deg_in = jax.ops.segment_sum(ones, dst, num_segments=N)
    norm_src = jnp.power(jnp.clip(deg_out, 1.0, None), -0.5)
    norm_dst = jnp.power(jnp.clip(deg_in, 1.0, None), -0.5)
    h = h * norm_src[:, None]
    h = h @ W
    msgs = jnp.take(h, src, axis=0)
    agg = jax.ops.segment_sum(msgs, dst, num_segments=N)
    out = agg * norm_dst[:, None]
    if b is not None:
        out = out + b
    return out


def reference(feat, edge_index, W0, W1, W2, b2, L0, L1, L2):
    src = edge_index[0]
    dst = edge_index[1]
    h = feat
    # layer 0 (no bias) + parallel linear
    h = _gcn_conv(h, src, dst, W0) + h @ L0
    # layer 1 (no bias) + parallel linear
    h = _gcn_conv(h, src, dst, W1) + h @ L1
    # layer 2 (bias) + parallel linear
    h = _gcn_conv(h, src, dst, W2, b2) + h @ L2
    return h

if __name__ == "__main__":
    import jax
    _d = setup_inputs()
    print(jax.jit(kernel)(*tuple(_d.values())))

</pallas_src>

<mosaic_0001>
#map = affine_map<(d0, d1) -> (0, 0)>
#map1 = affine_map<(d0, d1) -> (0, 0, 0)>
module attributes {stable_mosaic.version = 14 : i64} {
  func.func @_spmv_kernel(%arg0: i32, %arg1: i32, %arg2: memref<10112x40xf32, #tpu.memory_space<hbm>>, %arg3: memref<32x80x128xi32, #tpu.memory_space<hbm>>, %arg4: memref<32x80x128xi32, #tpu.memory_space<hbm>>, %arg5: memref<10112x40xf32, #tpu.memory_space<hbm>>, %arg6: memref<2x10112x40xf32, #tpu.memory_space<hbm>>, %arg7: memref<80x128xi32, #tpu.memory_space<vmem>>, %arg8: memref<80x128xi32, #tpu.memory_space<vmem>>, %arg9: memref<8x128x40xf32, #tpu.memory_space<vmem>>, %arg10: memref<10112x40xf32, #tpu.memory_space<vmem_shared>>, %arg11: memref<8x!tpu.dma_semaphore, #tpu.memory_space<semaphore_mem>>, %arg12: memref<8x!tpu.dma_semaphore, #tpu.memory_space<semaphore_mem>>) attributes {dimension_semantics = [#tpu.dimension_semantics<core_parallel>, #tpu.dimension_semantics<subcore_parallel>], iteration_bounds = array<i64: 2, 16>, scalar_prefetch = 0 : i64, scratch_operands = 6 : i64, tpu.core_type = #tpu.core_type<sc_vector_subcore>, window_params = [{transform_indices = #map}, {transform_indices = #map1}, {transform_indices = #map1}, {transform_indices = #map}, {transform_indices = #map1}]} {
    %mul3A = arith.constant 16 : i32
    %mul3A_0 = arith.muli %arg0, %mul3A : i32
    %add3A = arith.addi %mul3A_0, %arg1 : i32
    "tpu.region"() ({
      %run_scoped3A = tpu.sem_alloc : memref<!tpu.dma_semaphore, #tpu.memory_space<semaphore_mem>>
      %dma_start3A_133 = arith.constant 0 : i32
      %dma_start3A_134 = arith.constant 0 : i32
      %dma_start3A_135 = tpu.memref_slice %arg3[%add3A, %dma_start3A_133, %dma_start3A_134] : memref<32x80x128xi32, #tpu.memory_space<hbm>> -> memref<1x80x128xi32, #tpu.memory_space<hbm>>
      %dma_start3A_136 = tpu.memref_squeeze %dma_start3A_135 : memref<1x80x128xi32, #tpu.memory_space<hbm>> -> memref<80x128xi32, #tpu.memory_space<hbm>>
      %dma_start3A_137 = arith.constant 0 : i32
      %dma_start3A_138 = arith.constant 0 : i32
      %dma_start3A_139 = tpu.memref_slice %arg3[%add3A, %dma_start3A_137, %dma_start3A_138] : memref<32x80x128xi32, #tpu.memory_space<hbm>> -> memref<1x80x128xi32, #tpu.memory_space<hbm>>
      %dma_start3A_140 = tpu.memref_squeeze %dma_start3A_139 : memref<1x80x128xi32, #tpu.memory_space<hbm>> -> memref<80x128xi32, #tpu.memory_space<hbm>>
      tpu.enqueue_dma source(%dma_start3A_140 : memref<80x128xi32, #tpu.memory_space<hbm>>) target(%arg7 : memref<80x128xi32, #tpu.memory_space<vmem>>) target_semaphore(%run_scoped3A : memref<!tpu.dma_semaphore, #tpu.memory_space<semaphore_mem>>)
      %dma_wait3A = arith.constant 0 : i32
      %dma_wait3A_141 = arith.constant 0 : i32
      %dma_wait3A_142 = tpu.memref_slice %arg3[%add3A, %dma_wait3A, %dma_wait3A_141] : memref<32x80x128xi32, #tpu.memory_space<hbm>> -> memref<1x80x128xi32, #tpu.memory_space<hbm>>
      %dma_wait3A_143 = tpu.memref_squeeze %dma_wait3A_142 : memref<1x80x128xi32, #tpu.memory_space<hbm>> -> memref<80x128xi32, #tpu.memory_space<hbm>>
      %dma_wait3A_144 = arith.constant 0 : i32
      %dma_wait3A_145 = arith.constant 0 : i32
      %dma_wait3A_146 = tpu.memref_slice %arg3[%add3A, %dma_wait3A_144, %dma_wait3A_145] : memref<32x80x128xi32, #tpu.memory_space<hbm>> -> memref<1x80x128xi32, #tpu.memory_space<hbm>>
      %dma_wait3A_147 = tpu.memref_squeeze %dma_wait3A_146 : memref<1x80x128xi32, #tpu.memory_space<hbm>> -> memref<80x128xi32, #tpu.memory_space<hbm>>
      tpu.wait_dma2 semaphore(%run_scoped3A : memref<!tpu.dma_semaphore, #tpu.memory_space<semaphore_mem>>) src(%dma_wait3A_147 : memref<80x128xi32, #tpu.memory_space<hbm>>) dst(%arg7 : memref<80x128xi32, #tpu.memory_space<vmem>>)
      tpu.yield
    }) : () -> ()
    "tpu.region"() ({
      %run_scoped3A = tpu.sem_alloc : memref<!tpu.dma_semaphore, #tpu.memory_space<semaphore_mem>>
      %dma_start3A_133 = arith.constant 0 : i32
      %dma_start3A_134 = arith.constant 0 : i32
      %dma_start3A_135 = tpu.memref_slice %arg4[%add3A, %dma_start3A_133, %dma_start3A_134] : memref<32x80x128xi32, #tpu.memory_space<hbm>> -> memref<1x80x128xi32, #tpu.memory_space<hbm>>
      %dma_start3A_136 = tpu.memref_squeeze %dma_start3A_135 : memref<1x80x128xi32, #tpu.memory_space<hbm>> -> memref<80x128xi32, #tpu.memory_space<hbm>>
      %dma_start3A_137 = arith.constant 0 : i32
      %dma_start3A_138 = arith.constant 0 : i32
      %dma_start3A_139 = tpu.memref_slice %arg4[%add3A, %dma_start3A_137, %dma_start3A_138] : memref<32x80x128xi32, #tpu.memory_space<hbm>> -> memref<1x80x128xi32, #tpu.memory_space<hbm>>
      %dma_start3A_140 = tpu.memref_squeeze %dma_start3A_139 : memref<1x80x128xi32, #tpu.memory_space<hbm>> -> memref<80x128xi32, #tpu.memory_space<hbm>>
      tpu.enqueue_dma source(%dma_start3A_140 : memref<80x128xi32, #tpu.memory_space<hbm>>) target(%arg8 : memref<80x128xi32, #tpu.memory_space<vmem>>) target_semaphore(%run_scoped3A : memref<!tpu.dma_semaphore, #tpu.memory_space<semaphore_mem>>)
      %dma_wait3A = arith.constant 0 : i32
      %dma_wait3A_141 = arith.constant 0 : i32
      %dma_wait3A_142 = tpu.memref_slice %arg4[%add3A, %dma_wait3A, %dma_wait3A_141] : memref<32x80x128xi32, #tpu.memory_space<hbm>> -> memref<1x80x128xi32, #tpu.memory_space<hbm>>
      %dma_wait3A_143 = tpu.memref_squeeze %dma_wait3A_142 : memref<1x80x128xi32, #tpu.memory_space<hbm>> -> memref<80x128xi32, #tpu.memory_space<hbm>>
      %dma_wait3A_144 = arith.constant 0 : i32
      %dma_wait3A_145 = arith.constant 0 : i32
      %dma_wait3A_146 = tpu.memref_slice %arg4[%add3A, %dma_wait3A_144, %dma_wait3A_145] : memref<32x80x128xi32, #tpu.memory_space<hbm>> -> memref<1x80x128xi32, #tpu.memory_space<hbm>>
      %dma_wait3A_147 = tpu.memref_squeeze %dma_wait3A_146 : memref<1x80x128xi32, #tpu.memory_space<hbm>> -> memref<80x128xi32, #tpu.memory_space<hbm>>
      tpu.wait_dma2 semaphore(%run_scoped3A : memref<!tpu.dma_semaphore, #tpu.memory_space<semaphore_mem>>) src(%dma_wait3A_147 : memref<80x128xi32, #tpu.memory_space<hbm>>) dst(%arg8 : memref<80x128xi32, #tpu.memory_space<vmem>>)
      tpu.yield
    }) : () -> ()
    %mul3A_1 = arith.constant 632 : i32
    %mul3A_2 = arith.muli %arg1, %mul3A_1 : i32
    %mul3A_3 = arith.constant 632 : i32
    %mul3A_4 = arith.muli %arg1, %mul3A_3 : i32
    "tpu.region"() ({
      %run_scoped3A = tpu.sem_alloc : memref<!tpu.dma_semaphore, #tpu.memory_space<semaphore_mem>>
      %dma_start3A_133 = arith.constant 0 : i32
      %dma_start3A_134 = tpu.memref_slice %arg10[%mul3A_4, %dma_start3A_133] : memref<10112x40xf32, #tpu.memory_space<vmem_shared>> -> memref<632x40xf32, #tpu.memory_space<vmem_shared>>
      %dma_start3A_135 = arith.constant 0 : i32
      %dma_start3A_136 = tpu.memref_slice %arg5[%mul3A_2, %dma_start3A_135] : memref<10112x40xf32, #tpu.memory_space<hbm>> -> memref<632x40xf32, #tpu.memory_space<hbm>>
      tpu.enqueue_dma source(%dma_start3A_136 : memref<632x40xf32, #tpu.memory_space<hbm>>) target(%dma_start3A_134 : memref<632x40xf32, #tpu.memory_space<vmem_shared>>) target_semaphore(%run_scoped3A : memref<!tpu.dma_semaphore, #tpu.memory_space<semaphore_mem>>)
      %dma_wait3A = arith.constant 0 : i32
      %dma_wait3A_137 = tpu.memref_slice %arg10[%mul3A_4, %dma_wait3A] : memref<10112x40xf32, #tpu.memory_space<vmem_shared>> -> memref<632x40xf32, #tpu.memory_space<vmem_shared>>
      %dma_wait3A_138 = arith.constant 0 : i32
      %dma_wait3A_139 = tpu.memref_slice %arg5[%mul3A_2, %dma_wait3A_138] : memref<10112x40xf32, #tpu.memory_space<hbm>> -> memref<632x40xf32, #tpu.memory_space<hbm>>
      tpu.wait_dma2 semaphore(%run_scoped3A : memref<!tpu.dma_semaphore, #tpu.memory_space<semaphore_mem>>) src(%dma_wait3A_139 : memref<632x40xf32, #tpu.memory_space<hbm>>) dst(%dma_wait3A_137 : memref<632x40xf32, #tpu.memory_space<vmem_shared>>)
      tpu.yield
    }) : () -> ()
    %barrier3A = arith.constant 0 : index
    tpu.barrier barrier_id(%barrier3A)
    %dma_start3A = arith.constant 0 : i32
    %dma_start3A_5 = arith.constant 0 : i32
    %dma_start3A_6 = arith.constant 0 : i32
    %dma_start3A_7 = arith.constant 0 : i32
    %dma_start3A_8 = arith.constant 0 : i32
    %dma_start3A_9 = tpu.memref_slice %arg9[%dma_start3A_5, %dma_start3A_7, %dma_start3A_8] : memref<8x128x40xf32, #tpu.memory_space<vmem>> -> memref<1x128x40xf32, #tpu.memory_space<vmem>>
    %dma_start3A_10 = tpu.memref_squeeze %dma_start3A_9 : memref<1x128x40xf32, #tpu.memory_space<vmem>> -> memref<128x40xf32, #tpu.memory_space<vmem>>
    %dma_start3A_11 = arith.constant 0 : i32
    %dma_start3A_12 = tpu.memref_slice %arg7[%dma_start3A, %dma_start3A_11] : memref<80x128xi32, #tpu.memory_space<vmem>> -> memref<1x128xi32, #tpu.memory_space<vmem>>
    %dma_start3A_13 = tpu.memref_squeeze %dma_start3A_12 : memref<1x128xi32, #tpu.memory_space<vmem>> -> memref<128xi32, #tpu.memory_space<vmem>>
    %dma_start3A_14 = arith.constant 0 : i32
    %dma_start3A_15 = arith.constant 0 : i32
    %dma_start3A_16 = tpu.memref_slice %arg2[%dma_start3A_14, %dma_start3A_15] : memref<10112x40xf32, #tpu.memory_space<hbm>> -> memref<10112x40xf32, #tpu.memory_space<hbm>>
    %dma_start3A_17 = tpu.memref_slice %arg11[%dma_start3A_6] : memref<8x!tpu.dma_semaphore, #tpu.memory_space<semaphore_mem>> -> memref<1x!tpu.dma_semaphore, #tpu.memory_space<semaphore_mem>>
    %dma_start3A_18 = tpu.memref_squeeze %dma_start3A_17 : memref<1x!tpu.dma_semaphore, #tpu.memory_space<semaphore_mem>> -> memref<!tpu.dma_semaphore, #tpu.memory_space<semaphore_mem>>
    tpu.enqueue_indirect_dma source(%dma_start3A_16 : memref<10112x40xf32, #tpu.memory_space<hbm>>) target(%dma_start3A_10 : memref<128x40xf32, #tpu.memory_space<vmem>>) offsets(%dma_start3A_13 : memref<128xi32, #tpu.memory_space<vmem>>) semaphore(%dma_start3A_18 : memref<!tpu.dma_semaphore, #tpu.memory_space<semaphore_mem>>)
    %dma_start3A_19 = arith.constant 1 : i32
    %dma_start3A_20 = arith.constant 1 : i32
    %dma_start3A_21 = arith.constant 1 : i32
    %dma_start3A_22 = arith.constant 0 : i32
    %dma_start3A_23 = arith.constant 0 : i32
    %dma_start3A_24 = tpu.memref_slice %arg9[%dma_start3A_20, %dma_start3A_22, %dma_start3A_23] : memref<8x128x40xf32, #tpu.memory_space<vmem>> -> memref<1x128x40xf32, #tpu.memory_space<vmem>>
    %dma_start3A_25 = tpu.memref_squeeze %dma_start3A_24 : memref<1x128x40xf32, #tpu.memory_space<vmem>> -> memref<128x40xf32, #tpu.memory_space<vmem>>
    %dma_start3A_26 = arith.constant 0 : i32
    %dma_start3A_27 = tpu.memref_slice %arg7[%dma_start3A_19, %dma_start3A_26] : memref<80x128xi32, #tpu.memory_space<vmem>> -> memref<1x128xi32, #tpu.memory_space<vmem>>
    %dma_start3A_28 = tpu.memref_squeeze %dma_start3A_27 : memref<1x128xi32, #tpu.memory_space<vmem>> -> memref<128xi32, #tpu.memory_space<vmem>>
    %dma_start3A_29 = arith.constant 0 : i32
    %dma_start3A_30 = arith.constant 0 : i32
    %dma_start3A_31 = tpu.memref_slice %arg2[%dma_start3A_29, %dma_start3A_30] : memref<10112x40xf32, #tpu.memory_space<hbm>> -> memref<10112x40xf32, #tpu.memory_space<hbm>>
    %dma_start3A_32 = tpu.memref_slice %arg11[%dma_start3A_21] : memref<8x!tpu.dma_semaphore, #tpu.memory_space<semaphore_mem>> -> memref<1x!tpu.dma_semaphore, #tpu.memory_space<semaphore_mem>>
    %dma_start3A_33 = tpu.memref_squeeze %dma_start3A_32 : memref<1x!tpu.dma_semaphore, #tpu.memory_space<semaphore_mem>> -> memref<!tpu.dma_semaphore, #tpu.memory_space<semaphore_mem>>
    tpu.enqueue_indirect_dma source(%dma_start3A_31 : memref<10112x40xf32, #tpu.memory_space<hbm>>) target(%dma_start3A_25 : memref<128x40xf32, #tpu.memory_space<vmem>>) offsets(%dma_start3A_28 : memref<128xi32, #tpu.memory_space<vmem>>) semaphore(%dma_start3A_33 : memref<!tpu.dma_semaphore, #tpu.memory_space<semaphore_mem>>)
    %dma_start3A_34 = arith.constant 2 : i32
    %dma_start3A_35 = arith.constant 2 : i32
    %dma_start3A_36 = arith.constant 2 : i32
    %dma_start3A_37 = arith.constant 0 : i32
    %dma_start3A_38 = arith.constant 0 : i32
    %dma_start3A_39 = tpu.memref_slice %arg9[%dma_start3A_35, %dma_start3A_37, %dma_start3A_38] : memref<8x128x40xf32, #tpu.memory_space<vmem>> -> memref<1x128x40xf32, #tpu.memory_space<vmem>>
    %dma_start3A_40 = tpu.memref_squeeze %dma_start3A_39 : memref<1x128x40xf32, #tpu.memory_space<vmem>> -> memref<128x40xf32, #tpu.memory_space<vmem>>
    %dma_start3A_41 = arith.constant 0 : i32
    %dma_start3A_42 = tpu.memref_slice %arg7[%dma_start3A_34, %dma_start3A_41] : memref<80x128xi32, #tpu.memory_space<vmem>> -> memref<1x128xi32, #tpu.memory_space<vmem>>
    %dma_start3A_43 = tpu.memref_squeeze %dma_start3A_42 : memref<1x128xi32, #tpu.memory_space<vmem>> -> memref<128xi32, #tpu.memory_space<vmem>>
    %dma_start3A_44 = arith.constant 0 : i32
    %dma_start3A_45 = arith.constant 0 : i32
    %dma_start3A_46 = tpu.memref_slice %arg2[%dma_start3A_44, %dma_start3A_45] : memref<10112x40xf32, #tpu.memory_space<hbm>> -> memref<10112x40xf32, #tpu.memory_space<hbm>>
    %dma_start3A_47 = tpu.memref_slice %arg11[%dma_start3A_36] : memref<8x!tpu.dma_semaphore, #tpu.memory_space<semaphore_mem>> -> memref<1x!tpu.dma_semaphore, #tpu.memory_space<semaphore_mem>>
    %dma_start3A_48 = tpu.memref_squeeze %dma_start3A_47 : memref<1x!tpu.dma_semaphore, #tpu.memory_space<semaphore_mem>> -> memref<!tpu.dma_semaphore, #tpu.memory_space<semaphore_mem>>
    tpu.enqueue_indirect_dma source(%dma_start3A_46 : memref<10112x40xf32, #tpu.memory_space<hbm>>) target(%dma_start3A_40 : memref<128x40xf32, #tpu.memory_space<vmem>>) offsets(%dma_start3A_43 : memref<128xi32, #tpu.memory_space<vmem>>) semaphore(%dma_start3A_48 : memref<!tpu.dma_semaphore, #tpu.memory_space<semaphore_mem>>)
    %dma_start3A_49 = arith.constant 3 : i32
    %dma_start3A_50 = arith.constant 3 : i32
    %dma_start3A_51 = arith.constant 3 : i32
    %dma_start3A_52 = arith.constant 0 : i32
    %dma_start3A_53 = arith.constant 0 : i32
    %dma_start3A_54 = tpu.memref_slice %arg9[%dma_start3A_50, %dma_start3A_52, %dma_start3A_53] : memref<8x128x40xf32, #tpu.memory_space<vmem>> -> memref<1x128x40xf32, #tpu.memory_space<vmem>>
    %dma_start3A_55 = tpu.memref_squeeze %dma_start3A_54 : memref<1x128x40xf32, #tpu.memory_space<vmem>> -> memref<128x40xf32, #tpu.memory_space<vmem>>
    %dma_start3A_56 = arith.constant 0 : i32
    %dma_start3A_57 = tpu.memref_slice %arg7[%dma_start3A_49, %dma_start3A_56] : memref<80x128xi32, #tpu.memory_space<vmem>> -> memref<1x128xi32, #tpu.memory_space<vmem>>
    %dma_start3A_58 = tpu.memref_squeeze %dma_start3A_57 : memref<1x128xi32, #tpu.memory_space<vmem>> -> memref<128xi32, #tpu.memory_space<vmem>>
    %dma_start3A_59 = arith.constant 0 : i32
    %dma_start3A_60 = arith.constant 0 : i32
    %dma_start3A_61 = tpu.memref_slice %arg2[%dma_start3A_59, %dma_start3A_60] : memref<10112x40xf32, #tpu.memory_space<hbm>> -> memref<10112x40xf32, #tpu.memory_space<hbm>>
    %dma_start3A_62 = tpu.memref_slice %arg11[%dma_start3A_51] : memref<8x!tpu.dma_semaphore, #tpu.memory_space<semaphore_mem>> -> memref<1x!tpu.dma_semaphore, #tpu.memory_space<semaphore_mem>>
    %dma_start3A_63 = tpu.memref_squeeze %dma_start3A_62 : memref<1x!tpu.dma_semaphore, #tpu.memory_space<semaphore_mem>> -> memref<!tpu.dma_semaphore, #tpu.memory_space<semaphore_mem>>
    tpu.enqueue_indirect_dma source(%dma_start3A_61 : memref<10112x40xf32, #tpu.memory_space<hbm>>) target(%dma_start3A_55 : memref<128x40xf32, #tpu.memory_space<vmem>>) offsets(%dma_start3A_58 : memref<128xi32, #tpu.memory_space<vmem>>) semaphore(%dma_start3A_63 : memref<!tpu.dma_semaphore, #tpu.memory_space<semaphore_mem>>)
    %dma_start3A_64 = arith.constant 4 : i32
    %dma_start3A_65 = arith.constant 4 : i32
    %dma_start3A_66 = arith.constant 4 : i32
    %dma_start3A_67 = arith.constant 0 : i32
    %dma_start3A_68 = arith.constant 0 : i32
    %dma_start3A_69 = tpu.memref_slice %arg9[%dma_start3A_65, %dma_start3A_67, %dma_start3A_68] : memref<8x128x40xf32, #tpu.memory_space<vmem>> -> memref<1x128x40xf32, #tpu.memory_space<vmem>>
    %dma_start3A_70 = tpu.memref_squeeze %dma_start3A_69 : memref<1x128x40xf32, #tpu.memory_space<vmem>> -> memref<128x40xf32, #tpu.memory_space<vmem>>
    %dma_start3A_71 = arith.constant 0 : i32
    %dma_start3A_72 = tpu.memref_slice %arg7[%dma_start3A_64, %dma_start3A_71] : memref<80x128xi32, #tpu.memory_space<vmem>> -> memref<1x128xi32, #tpu.memory_space<vmem>>
    %dma_start3A_73 = tpu.memref_squeeze %dma_start3A_72 : memref<1x128xi32, #tpu.memory_space<vmem>> -> memref<128xi32, #tpu.memory_space<vmem>>
    %dma_start3A_74 = arith.constant 0 : i32
    %dma_start3A_75 = arith.constant 0 : i32
    %dma_start3A_76 = tpu.memref_slice %arg2[%dma_start3A_74, %dma_start3A_75] : memref<10112x40xf32, #tpu.memory_space<hbm>> -> memref<10112x40xf32, #tpu.memory_space<hbm>>
    %dma_start3A_77 = tpu.memref_slice %arg11[%dma_start3A_66] : memref<8x!tpu.dma_semaphore, #tpu.memory_space<semaphore_mem>> -> memref<1x!tpu.dma_semaphore, #tpu.memory_space<semaphore_mem>>
    %dma_start3A_78 = tpu.memref_squeeze %dma_start3A_77 : memref<1x!tpu.dma_semaphore, #tpu.memory_space<semaphore_mem>> -> memref<!tpu.dma_semaphore, #tpu.memory_space<semaphore_mem>>
    tpu.enqueue_indirect_dma source(%dma_start3A_76 : memref<10112x40xf32, #tpu.memory_space<hbm>>) target(%dma_start3A_70 : memref<128x40xf32, #tpu.memory_space<vmem>>) offsets(%dma_start3A_73 : memref<128xi32, #tpu.memory_space<vmem>>) semaphore(%dma_start3A_78 : memref<!tpu.dma_semaphore, #tpu.memory_space<semaphore_mem>>)
    %dma_start3A_79 = arith.constant 5 : i32
    %dma_start3A_80 = arith.constant 5 : i32
    %dma_start3A_81 = arith.constant 5 : i32
    %dma_start3A_82 = arith.constant 0 : i32
    %dma_start3A_83 = arith.constant 0 : i32
    %dma_start3A_84 = tpu.memref_slice %arg9[%dma_start3A_80, %dma_start3A_82, %dma_start3A_83] : memref<8x128x40xf32, #tpu.memory_space<vmem>> -> memref<1x128x40xf32, #tpu.memory_space<vmem>>
    %dma_start3A_85 = tpu.memref_squeeze %dma_start3A_84 : memref<1x128x40xf32, #tpu.memory_space<vmem>> -> memref<128x40xf32, #tpu.memory_space<vmem>>
    %dma_start3A_86 = arith.constant 0 : i32
    %dma_start3A_87 = tpu.memref_slice %arg7[%dma_start3A_79, %dma_start3A_86] : memref<80x128xi32, #tpu.memory_space<vmem>> -> memref<1x128xi32, #tpu.memory_space<vmem>>
    %dma_start3A_88 = tpu.memref_squeeze %dma_start3A_87 : memref<1x128xi32, #tpu.memory_space<vmem>> -> memref<128xi32, #tpu.memory_space<vmem>>
    %dma_start3A_89 = arith.constant 0 : i32
    %dma_start3A_90 = arith.constant 0 : i32
    %dma_start3A_91 = tpu.memref_slice %arg2[%dma_start3A_89, %dma_start3A_90] : memref<10112x40xf32, #tpu.memory_space<hbm>> -> memref<10112x40xf32, #tpu.memory_space<hbm>>
    %dma_start3A_92 = tpu.memref_slice %arg11[%dma_start3A_81] : memref<8x!tpu.dma_semaphore, #tpu.memory_space<semaphore_mem>> -> memref<1x!tpu.dma_semaphore, #tpu.memory_space<semaphore_mem>>
    %dma_start3A_93 = tpu.memref_squeeze %dma_start3A_92 : memref<1x!tpu.dma_semaphore, #tpu.memory_space<semaphore_mem>> -> memref<!tpu.dma_semaphore, #tpu.memory_space<semaphore_mem>>
    tpu.enqueue_indirect_dma source(%dma_start3A_91 : memref<10112x40xf32, #tpu.memory_space<hbm>>) target(%dma_start3A_85 : memref<128x40xf32, #tpu.memory_space<vmem>>) offsets(%dma_start3A_88 : memref<128xi32, #tpu.memory_space<vmem>>) semaphore(%dma_start3A_93 : memref<!tpu.dma_semaphore, #tpu.memory_space<semaphore_mem>>)
    %dma_start3A_94 = arith.constant 6 : i32
    %dma_start3A_95 = arith.constant 6 : i32
    %dma_start3A_96 = arith.constant 6 : i32
    %dma_start3A_97 = arith.constant 0 : i32
    %dma_start3A_98 = arith.constant 0 : i32
    %dma_start3A_99 = tpu.memref_slice %arg9[%dma_start3A_95, %dma_start3A_97, %dma_start3A_98] : memref<8x128x40xf32, #tpu.memory_space<vmem>> -> memref<1x128x40xf32, #tpu.memory_space<vmem>>
    %dma_start3A_100 = tpu.memref_squeeze %dma_start3A_99 : memref<1x128x40xf32, #tpu.memory_space<vmem>> -> memref<128x40xf32, #tpu.memory_space<vmem>>
    %dma_start3A_101 = arith.constant 0 : i32
    %dma_start3A_102 = tpu.memref_slice %arg7[%dma_start3A_94, %dma_start3A_101] : memref<80x128xi32, #tpu.memory_space<vmem>> -> memref<1x128xi32, #tpu.memory_space<vmem>>
    %dma_start3A_103 = tpu.memref_squeeze %dma_start3A_102 : memref<1x128xi32, #tpu.memory_space<vmem>> -> memref<128xi32, #tpu.memory_space<vmem>>
    %dma_start3A_104 = arith.constant 0 : i32
    %dma_start3A_105 = arith.constant 0 : i32
    %dma_start3A_106 = tpu.memref_slice %arg2[%dma_start3A_104, %dma_start3A_105] : memref<10112x40xf32, #tpu.memory_space<hbm>> -> memref<10112x40xf32, #tpu.memory_space<hbm>>
    %dma_start3A_107 = tpu.memref_slice %arg11[%dma_start3A_96] : memref<8x!tpu.dma_semaphore, #tpu.memory_space<semaphore_mem>> -> memref<1x!tpu.dma_semaphore, #tpu.memory_space<semaphore_mem>>
    %dma_start3A_108 = tpu.memref_squeeze %dma_start3A_107 : memref<1x!tpu.dma_semaphore, #tpu.memory_space<semaphore_mem>> -> memref<!tpu.dma_semaphore, #tpu.memory_space<semaphore_mem>>
    tpu.enqueue_indirect_dma source(%dma_start3A_106 : memref<10112x40xf32, #tpu.memory_space<hbm>>) target(%dma_start3A_100 : memref<128x40xf32, #tpu.memory_space<vmem>>) offsets(%dma_start3A_103 : memref<128xi32, #tpu.memory_space<vmem>>) semaphore(%dma_start3A_108 : memref<!tpu.dma_semaphore, #tpu.memory_space<semaphore_mem>>)
    %dma_start3A_109 = arith.constant 7 : i32
    %dma_start3A_110 = arith.constant 7 : i32
    %dma_start3A_111 = arith.constant 7 : i32
    %dma_start3A_112 = arith.constant 0 : i32
    %dma_start3A_113 = arith.constant 0 : i32
    %dma_start3A_114 = tpu.memref_slice %arg9[%dma_start3A_110, %dma_start3A_112, %dma_start3A_113] : memref<8x128x40xf32, #tpu.memory_space<vmem>> -> memref<1x128x40xf32, #tpu.memory_space<vmem>>
    %dma_start3A_115 = tpu.memref_squeeze %dma_start3A_114 : memref<1x128x40xf32, #tpu.memory_space<vmem>> -> memref<128x40xf32, #tpu.memory_space<vmem>>
    %dma_start3A_116 = arith.constant 0 : i32
    %dma_start3A_117 = tpu.memref_slice %arg7[%dma_start3A_109, %dma_start3A_116] : memref<80x128xi32, #tpu.memory_space<vmem>> -> memref<1x128xi32, #tpu.memory_space<vmem>>
    %dma_start3A_118 = tpu.memref_squeeze %dma_start3A_117 : memref<1x128xi32, #tpu.memory_space<vmem>> -> memref<128xi32, #tpu.memory_space<vmem>>
    %dma_start3A_119 = arith.constant 0 : i32
    %dma_start3A_120 = arith.constant 0 : i32
    %dma_start3A_121 = tpu.memref_slice %arg2[%dma_start3A_119, %dma_start3A_120] : memref<10112x40xf32, #tpu.memory_space<hbm>> -> memref<10112x40xf32, #tpu.memory_space<hbm>>
    %dma_start3A_122 = tpu.memref_slice %arg11[%dma_start3A_111] : memref<8x!tpu.dma_semaphore, #tpu.memory_space<semaphore_mem>> -> memref<1x!tpu.dma_semaphore, #tpu.memory_space<semaphore_mem>>
    %dma_start3A_123 = tpu.memref_squeeze %dma_start3A_122 : memref<1x!tpu.dma_semaphore, #tpu.memory_space<semaphore_mem>> -> memref<!tpu.dma_semaphore, #tpu.memory_space<semaphore_mem>>
    tpu.enqueue_indirect_dma source(%dma_start3A_121 : memref<10112x40xf32, #tpu.memory_space<hbm>>) target(%dma_start3A_115 : memref<128x40xf32, #tpu.memory_space<vmem>>) offsets(%dma_start3A_118 : memref<128xi32, #tpu.memory_space<vmem>>) semaphore(%dma_start3A_123 : memref<!tpu.dma_semaphore, #tpu.memory_space<semaphore_mem>>)
    %scan3A = arith.constant 0 : i32
    %scan3A_124 = arith.constant 10 : i32
    %scan3A_125 = arith.addi %scan3A, %scan3A_124 : i32
    %scan3A_126 = arith.constant 1 : i32
    scf.for %scan3A_133 = %scan3A to %scan3A_125 step %scan3A_126  : i32 {
      %mul3A_134 = arith.constant 8 : i32
      %mul3A_135 = arith.muli %scan3A_133, %mul3A_134 : i32
      %add3A_136 = arith.constant 0 : i32
      %add3A_137 = arith.addi %add3A_136, %mul3A_135 : i32
      %add3A_138 = arith.constant 0 : i32
      %add3A_139 = arith.addi %add3A_137, %add3A_138 : i32
      %dma_wait3A = arith.constant 0 : i32
      %dma_wait3A_140 = arith.constant 0 : i32
      %dma_wait3A_141 = arith.constant 0 : i32
      %dma_wait3A_142 = arith.constant 0 : i32
      %dma_wait3A_143 = tpu.memref_slice %arg9[%dma_wait3A, %dma_wait3A_141, %dma_wait3A_142] : memref<8x128x40xf32, #tpu.memory_space<vmem>> -> memref<1x128x40xf32, #tpu.memory_space<vmem>>
      %dma_wait3A_144 = tpu.memref_squeeze %dma_wait3A_143 : memref<1x128x40xf32, #tpu.memory_space<vmem>> -> memref<128x40xf32, #tpu.memory_space<vmem>>
      %dma_wait3A_145 = arith.constant 0 : i32
      %dma_wait3A_146 = tpu.memref_slice %arg7[%add3A_139, %dma_wait3A_145] : memref<80x128xi32, #tpu.memory_space<vmem>> -> memref<1x128xi32, #tpu.memory_space<vmem>>
      %dma_wait3A_147 = tpu.memref_squeeze %dma_wait3A_146 : memref<1x128xi32, #tpu.memory_space<vmem>> -> memref<128xi32, #tpu.memory_space<vmem>>
      %dma_wait3A_148 = arith.constant 0 : i32
      %dma_wait3A_149 = arith.constant 0 : i32
      %dma_wait3A_150 = tpu.memref_slice %arg2[%dma_wait3A_148, %dma_wait3A_149] : memref<10112x40xf32, #tpu.memory_space<hbm>> -> memref<10112x40xf32, #tpu.memory_space<hbm>>
      %dma_wait3A_151 = tpu.memref_slice %arg11[%dma_wait3A_140] : memref<8x!tpu.dma_semaphore, #tpu.memory_space<semaphore_mem>> -> memref<1x!tpu.dma_semaphore, #tpu.memory_space<semaphore_mem>>
      %dma_wait3A_152 = tpu.memref_squeeze %dma_wait3A_151 : memref<1x!tpu.dma_semaphore, #tpu.memory_space<semaphore_mem>> -> memref<!tpu.dma_semaphore, #tpu.memory_space<semaphore_mem>>
      tpu.wait_indirect_dma semaphore(%dma_wait3A_152 : memref<!tpu.dma_semaphore, #tpu.memory_space<semaphore_mem>>) src(%dma_wait3A_150 : memref<10112x40xf32, #tpu.memory_space<hbm>>) dst(%dma_wait3A_144 : memref<128x40xf32, #tpu.memory_space<vmem>>)
      %dma_start3A_153 = arith.constant 0 : i32
      %dma_start3A_154 = arith.constant 0 : i32
      %dma_start3A_155 = arith.constant 0 : i32
      %dma_start3A_156 = arith.constant 0 : i32
      %dma_start3A_157 = tpu.memref_slice %arg9[%dma_start3A_153, %dma_start3A_155, %dma_start3A_156] : memref<8x128x40xf32, #tpu.memory_space<vmem>> -> memref<1x128x40xf32, #tpu.memory_space<vmem>>
      %dma_start3A_158 = tpu.memref_squeeze %dma_start3A_157 : memref<1x128x40xf32, #tpu.memory_space<vmem>> -> memref<128x40xf32, #tpu.memory_space<vmem>>
      %dma_start3A_159 = arith.constant 0 : i32
      %dma_start3A_160 = tpu.memref_slice %arg8[%add3A_139, %dma_start3A_159] : memref<80x128xi32, #tpu.memory_space<vmem>> -> memref<1x128xi32, #tpu.memory_space<vmem>>
      %dma_start3A_161 = tpu.memref_squeeze %dma_start3A_160 : memref<1x128xi32, #tpu.memory_space<vmem>> -> memref<128xi32, #tpu.memory_space<vmem>>
      %dma_start3A_162 = arith.constant 0 : i32
      %dma_start3A_163 = arith.constant 0 : i32
      %dma_start3A_164 = tpu.memref_slice %arg10[%dma_start3A_162, %dma_start3A_163] : memref<10112x40xf32, #tpu.memory_space<vmem_shared>> -> memref<10112x40xf32, #tpu.memory_space<vmem_shared>>
      %dma_start3A_165 = tpu.memref_slice %arg12[%dma_start3A_154] : memref<8x!tpu.dma_semaphore, #tpu.memory_space<semaphore_mem>> -> memref<1x!tpu.dma_semaphore, #tpu.memory_space<semaphore_mem>>
      %dma_start3A_166 = tpu.memref_squeeze %dma_start3A_165 : memref<1x!tpu.dma_semaphore, #tpu.memory_space<semaphore_mem>> -> memref<!tpu.dma_semaphore, #tpu.memory_space<semaphore_mem>>
      tpu.enqueue_indirect_dma source(%dma_start3A_158 : memref<128x40xf32, #tpu.memory_space<vmem>>) target(%dma_start3A_164 : memref<10112x40xf32, #tpu.memory_space<vmem_shared>>) offsets(%dma_start3A_161 : memref<128xi32, #tpu.memory_space<vmem>>) semaphore(%dma_start3A_166 : memref<!tpu.dma_semaphore, #tpu.memory_space<semaphore_mem>>) {add = true}
      %add3A_167 = arith.constant 1 : i32
      %add3A_168 = arith.addi %add3A_137, %add3A_167 : i32
      %dma_wait3A_169 = arith.constant 1 : i32
      %dma_wait3A_170 = arith.constant 1 : i32
      %dma_wait3A_171 = arith.constant 0 : i32
      %dma_wait3A_172 = arith.constant 0 : i32
      %dma_wait3A_173 = tpu.memref_slice %arg9[%dma_wait3A_169, %dma_wait3A_171, %dma_wait3A_172] : memref<8x128x40xf32, #tpu.memory_space<vmem>> -> memref<1x128x40xf32, #tpu.memory_space<vmem>>
      %dma_wait3A_174 = tpu.memref_squeeze %dma_wait3A_173 : memref<1x128x40xf32, #tpu.memory_space<vmem>> -> memref<128x40xf32, #tpu.memory_space<vmem>>
      %dma_wait3A_175 = arith.constant 0 : i32
      %dma_wait3A_176 = tpu.memref_slice %arg7[%add3A_168, %dma_wait3A_175] : memref<80x128xi32, #tpu.memory_space<vmem>> -> memref<1x128xi32, #tpu.memory_space<vmem>>
      %dma_wait3A_177 = tpu.memref_squeeze %dma_wait3A_176 : memref<1x128xi32, #tpu.memory_space<vmem>> -> memref<128xi32, #tpu.memory_space<vmem>>
      %dma_wait3A_178 = arith.constant 0 : i32
      %dma_wait3A_179 = arith.constant 0 : i32
      %dma_wait3A_180 = tpu.memref_slice %arg2[%dma_wait3A_178, %dma_wait3A_179] : memref<10112x40xf32, #tpu.memory_space<hbm>> -> memref<10112x40xf32, #tpu.memory_space<hbm>>
      %dma_wait3A_181 = tpu.memref_slice %arg11[%dma_wait3A_170] : memref<8x!tpu.dma_semaphore, #tpu.memory_space<semaphore_mem>> -> memref<1x!tpu.dma_semaphore, #tpu.memory_space<semaphore_mem>>
      %dma_wait3A_182 = tpu.memref_squeeze %dma_wait3A_181 : memref<1x!tpu.dma_semaphore, #tpu.memory_space<semaphore_mem>> -> memref<!tpu.dma_semaphore, #tpu.memory_space<semaphore_mem>>
      tpu.wait_indirect_dma semaphore(%dma_wait3A_182 : memref<!tpu.dma_semaphore, #tpu.memory_space<semaphore_mem>>) src(%dma_wait3A_180 : memref<10112x40xf32, #tpu.memory_space<hbm>>) dst(%dma_wait3A_174 : memref<128x40xf32, #tpu.memory_space<vmem>>)
      %dma_start3A_183 = arith.constant 1 : i32
      %dma_start3A_184 = arith.constant 1 : i32
      %dma_start3A_185 = arith.constant 0 : i32
      %dma_start3A_186 = arith.constant 0 : i32
      %dma_start3A_187 = tpu.memref_slice %arg9[%dma_start3A_183, %dma_start3A_185, %dma_start3A_186] : memref<8x128x40xf32, #tpu.memory_space<vmem>> -> memref<1x128x40xf32, #tpu.memory_space<vmem>>
      %dma_start3A_188 = tpu.memref_squeeze %dma_start3A_187 : memref<1x128x40xf32, #tpu.memory_space<vmem>> -> memref<128x40xf32, #tpu.memory_space<vmem>>
      %dma_start3A_189 = arith.constant 0 : i32
      %dma_start3A_190 = tpu.memref_slice %arg8[%add3A_168, %dma_start3A_189] : memref<80x128xi32, #tpu.memory_space<vmem>> -> memref<1x128xi32, #tpu.memory_space<vmem>>
      %dma_start3A_191 = tpu.memref_squeeze %dma_start3A_190 : memref<1x128xi32, #tpu.memory_space<vmem>> -> memref<128xi32, #tpu.memory_space<vmem>>
      %dma_start3A_192 = arith.constant 0 : i32
      %dma_start3A_193 = arith.constant 0 : i32
      %dma_start3A_194 = tpu.memref_slice %arg10[%dma_start3A_192, %dma_start3A_193] : memref<10112x40xf32, #tpu.memory_space<vmem_shared>> -> memref<10112x40xf32, #tpu.memory_space<vmem_shared>>
      %dma_start3A_195 = tpu.memref_slice %arg12[%dma_start3A_184] : memref<8x!tpu.dma_semaphore, #tpu.memory_space<semaphore_mem>> -> memref<1x!tpu.dma_semaphore, #tpu.memory_space<semaphore_mem>>
      %dma_start3A_196 = tpu.memref_squeeze %dma_start3A_195 : memref<1x!tpu.dma_semaphore, #tpu.memory_space<semaphore_mem>> -> memref<!tpu.dma_semaphore, #tpu.memory_space<semaphore_mem>>
      tpu.enqueue_indirect_dma source(%dma_start3A_188 : memref<128x40xf32, #tpu.memory_space<vmem>>) target(%dma_start3A_194 : memref<10112x40xf32, #tpu.memory_space<vmem_shared>>) offsets(%dma_start3A_191 : memref<128xi32, #tpu.memory_space<vmem>>) semaphore(%dma_start3A_196 : memref<!tpu.dma_semaphore, #tpu.memory_space<semaphore_mem>>) {add = true}
      %add3A_197 = arith.constant 2 : i32
      %add3A_198 = arith.addi %add3A_137, %add3A_197 : i32
      %dma_wait3A_199 = arith.constant 2 : i32
      %dma_wait3A_200 = arith.constant 2 : i32
      %dma_wait3A_201 = arith.constant 0 : i32
      %dma_wait3A_202 = arith.constant 0 : i32
      %dma_wait3A_203 = tpu.memref_slice %arg9[%dma_wait3A_199, %dma_wait3A_201, %dma_wait3A_202] : memref<8x128x40xf32, #tpu.memory_space<vmem>> -> memref<1x128x40xf32, #tpu.memory_space<vmem>>
      %dma_wait3A_204 = tpu.memref_squeeze %dma_wait3A_203 : memref<1x128x40xf32, #tpu.memory_space<vmem>> -> memref<128x40xf32, #tpu.memory_space<vmem>>
      %dma_wait3A_205 = arith.constant 0 : i32
      %dma_wait3A_206 = tpu.memref_slice %arg7[%add3A_198, %dma_wait3A_205] : memref<80x128xi32, #tpu.memory_space<vmem>> -> memref<1x128xi32, #tpu.memory_space<vmem>>
      %dma_wait3A_207 = tpu.memref_squeeze %dma_wait3A_206 : memref<1x128xi32, #tpu.memory_space<vmem>> -> memref<128xi32, #tpu.memory_space<vmem>>
      %dma_wait3A_208 = arith.constant 0 : i32
      %dma_wait3A_209 = arith.constant 0 : i32
      %dma_wait3A_210 = tpu.memref_slice %arg2[%dma_wait3A_208, %dma_wait3A_209] : memref<10112x40xf32, #tpu.memory_space<hbm>> -> memref<10112x40xf32, #tpu.memory_space<hbm>>
      %dma_wait3A_211 = tpu.memref_slice %arg11[%dma_wait3A_200] : memref<8x!tpu.dma_semaphore, #tpu.memory_space<semaphore_mem>> -> memref<1x!tpu.dma_semaphore, #tpu.memory_space<semaphore_mem>>
      %dma_wait3A_212 = tpu.memref_squeeze %dma_wait3A_211 : memref<1x!tpu.dma_semaphore, #tpu.memory_space<semaphore_mem>> -> memref<!tpu.dma_semaphore, #tpu.memory_space<semaphore_mem>>
      tpu.wait_indirect_dma semaphore(%dma_wait3A_212 : memref<!tpu.dma_semaphore, #tpu.memory_space<semaphore_mem>>) src(%dma_wait3A_210 : memref<10112x40xf32, #tpu.memory_space<hbm>>) dst(%dma_wait3A_204 : memref<128x40xf32, #tpu.memory_space<vmem>>)
      %dma_start3A_213 = arith.constant 2 : i32
      %dma_start3A_214 = arith.constant 2 : i32
      %dma_start3A_215 = arith.constant 0 : i32
      %dma_start3A_216 = arith.constant 0 : i32
      %dma_start3A_217 = tpu.memref_slice %arg9[%dma_start3A_213, %dma_start3A_215, %dma_start3A_216] : memref<8x128x40xf32, #tpu.memory_space<vmem>> -> memref<1x128x40xf32, #tpu.memory_space<vmem>>
      %dma_start3A_218 = tpu.memref_squeeze %dma_start3A_217 : memref<1x128x40xf32, #tpu.memory_space<vmem>> -> memref<128x40xf32, #tpu.memory_space<vmem>>
      %dma_start3A_219 = arith.constant 0 : i32
      %dma_start3A_220 = tpu.memref_slice %arg8[%add3A_198, %dma_start3A_219] : memref<80x128xi32, #tpu.memory_space<vmem>> -> memref<1x128xi32, #tpu.memory_space<vmem>>
      %dma_start3A_221 = tpu.memref_squeeze %dma_start3A_220 : memref<1x128xi32, #tpu.memory_space<vmem>> -> memref<128xi32, #tpu.memory_space<vmem>>
      %dma_start3A_222 = arith.constant 0 : i32
      %dma_start3A_223 = arith.constant 0 : i32
      %dma_start3A_224 = tpu.memref_slice %arg10[%dma_start3A_222, %dma_start3A_223] : memref<10112x40xf32, #tpu.memory_space<vmem_shared>> -> memref<10112x40xf32, #tpu.memory_space<vmem_shared>>
      %dma_start3A_225 = tpu.memref_slice %arg12[%dma_start3A_214] : memref<8x!tpu.dma_semaphore, #tpu.memory_space<semaphore_mem>> -> memref<1x!tpu.dma_semaphore, #tpu.memory_space<semaphore_mem>>
      %dma_start3A_226 = tpu.memref_squeeze %dma_start3A_225 : memref<1x!tpu.dma_semaphore, #tpu.memory_space<semaphore_mem>> -> memref<!tpu.dma_semaphore, #tpu.memory_space<semaphore_mem>>
      tpu.enqueue_indirect_dma source(%dma_start3A_218 : memref<128x40xf32, #tpu.memory_space<vmem>>) target(%dma_start3A_224 : memref<10112x40xf32, #tpu.memory_space<vmem_shared>>) offsets(%dma_start3A_221 : memref<128xi32, #tpu.memory_space<vmem>>) semaphore(%dma_start3A_226 : memref<!tpu.dma_semaphore, #tpu.memory_space<semaphore_mem>>) {add = true}
      %add3A_227 = arith.constant 3 : i32
      %add3A_228 = arith.addi %add3A_137, %add3A_227 : i32
      %dma_wait3A_229 = arith.constant 3 : i32
      %dma_wait3A_230 = arith.constant 3 : i32
      %dma_wait3A_231 = arith.constant 0 : i32
      %dma_wait3A_232 = arith.constant 0 : i32
      %dma_wait3A_233 = tpu.memref_slice %arg9[%dma_wait3A_229, %dma_wait3A_231, %dma_wait3A_232] : memref<8x128x40xf32, #tpu.memory_space<vmem>> -> memref<1x128x40xf32, #tpu.memory_space<vmem>>
      %dma_wait3A_234 = tpu.memref_squeeze %dma_wait3A_233 : memref<1x128x40xf32, #tpu.memory_space<vmem>> -> memref<128x40xf32, #tpu.memory_space<vmem>>
      %dma_wait3A_235 = arith.constant 0 : i32
      %dma_wait3A_236 = tpu.memref_slice %arg7[%add3A_228, %dma_wait3A_235] : memref<80x128xi32, #tpu.memory_space<vmem>> -> memref<1x128xi32, #tpu.memory_space<vmem>>
      %dma_wait3A_237 = tpu.memref_squeeze %dma_wait3A_236 : memref<1x128xi32, #tpu.memory_space<vmem>> -> memref<128xi32, #tpu.memory_space<vmem>>
      %dma_wait3A_238 = arith.constant 0 : i32
      %dma_wait3A_239 = arith.constant 0 : i32
      %dma_wait3A_240 = tpu.memref_slice %arg2[%dma_wait3A_238, %dma_wait3A_239] : memref<10112x40xf32, #tpu.memory_space<hbm>> -> memref<10112x40xf32, #tpu.memory_space<hbm>>
      %dma_wait3A_241 = tpu.memref_slice %arg11[%dma_wait3A_230] : memref<8x!tpu.dma_semaphore, #tpu.memory_space<semaphore_mem>> -> memref<1x!tpu.dma_semaphore, #tpu.memory_space<semaphore_mem>>
      %dma_wait3A_242 = tpu.memref_squeeze %dma_wait3A_241 : memref<1x!tpu.dma_semaphore, #tpu.memory_space<semaphore_mem>> -> memref<!tpu.dma_semaphore, #tpu.memory_space<semaphore_mem>>
      tpu.wait_indirect_dma semaphore(%dma_wait3A_242 : memref<!tpu.dma_semaphore, #tpu.memory_space<semaphore_mem>>) src(%dma_wait3A_240 : memref<10112x40xf32, #tpu.memory_space<hbm>>) dst(%dma_wait3A_234 : memref<128x40xf32, #tpu.memory_space<vmem>>)
      %dma_start3A_243 = arith.constant 3 : i32
      %dma_start3A_244 = arith.constant 3 : i32
      %dma_start3A_245 = arith.constant 0 : i32
      %dma_start3A_246 = arith.constant 0 : i32
      %dma_start3A_247 = tpu.memref_slice %arg9[%dma_start3A_243, %dma_start3A_245, %dma_start3A_246] : memref<8x128x40xf32, #tpu.memory_space<vmem>> -> memref<1x128x40xf32, #tpu.memory_space<vmem>>
      %dma_start3A_248 = tpu.memref_squeeze %dma_start3A_247 : memref<1x128x40xf32, #tpu.memory_space<vmem>> -> memref<128x40xf32, #tpu.memory_space<vmem>>
      %dma_start3A_249 = arith.constant 0 : i32
      %dma_start3A_250 = tpu.memref_slice %arg8[%add3A_228, %dma_start3A_249] : memref<80x128xi32, #tpu.memory_space<vmem>> -> memref<1x128xi32, #tpu.memory_space<vmem>>
      %dma_start3A_251 = tpu.memref_squeeze %dma_start3A_250 : memref<1x128xi32, #tpu.memory_space<vmem>> -> memref<128xi32, #tpu.memory_space<vmem>>
      %dma_start3A_252 = arith.constant 0 : i32
      %dma_start3A_253 = arith.constant 0 : i32
      %dma_start3A_254 = tpu.memref_slice %arg10[%dma_start3A_252, %dma_start3A_253] : memref<10112x40xf32, #tpu.memory_space<vmem_shared>> -> memref<10112x40xf32, #tpu.memory_space<vmem_shared>>
      %dma_start3A_255 = tpu.memref_slice %arg12[%dma_start3A_244] : memref<8x!tpu.dma_semaphore, #tpu.memory_space<semaphore_mem>> -> memref<1x!tpu.dma_semaphore, #tpu.memory_space<semaphore_mem>>
      %dma_start3A_256 = tpu.memref_squeeze %dma_start3A_255 : memref<1x!tpu.dma_semaphore, #tpu.memory_space<semaphore_mem>> -> memref<!tpu.dma_semaphore, #tpu.memory_space<semaphore_mem>>
      tpu.enqueue_indirect_dma source(%dma_start3A_248 : memref<128x40xf32, #tpu.memory_space<vmem>>) target(%dma_start3A_254 : memref<10112x40xf32, #tpu.memory_space<vmem_shared>>) offsets(%dma_start3A_251 : memref<128xi32, #tpu.memory_space<vmem>>) semaphore(%dma_start3A_256 : memref<!tpu.dma_semaphore, #tpu.memory_space<semaphore_mem>>) {add = true}
      %add3A_257 = arith.constant 4 : i32
      %add3A_258 = arith.addi %add3A_137, %add3A_257 : i32
      %dma_wait3A_259 = arith.constant 4 : i32
      %dma_wait3A_260 = arith.constant 4 : i32
      %dma_wait3A_261 = arith.constant 0 : i32
      %dma_wait3A_262 = arith.constant 0 : i32
      %dma_wait3A_263 = tpu.memref_slice %arg9[%dma_wait3A_259, %dma_wait3A_261, %dma_wait3A_262] : memref<8x128x40xf32, #tpu.memory_space<vmem>> -> memref<1x128x40xf32, #tpu.memory_space<vmem>>
      %dma_wait3A_264 = tpu.memref_squeeze %dma_wait3A_263 : memref<1x128x40xf32, #tpu.memory_space<vmem>> -> memref<128x40xf32, #tpu.memory_space<vmem>>
      %dma_wait3A_265 = arith.constant 0 : i32
      %dma_wait3A_266 = tpu.memref_slice %arg7[%add3A_258, %dma_wait3A_265] : memref<80x128xi32, #tpu.memory_space<vmem>> -> memref<1x128xi32, #tpu.memory_space<vmem>>
      %dma_wait3A_267 = tpu.memref_squeeze %dma_wait3A_266 : memref<1x128xi32, #tpu.memory_space<vmem>> -> memref<128xi32, #tpu.memory_space<vmem>>
      %dma_wait3A_268 = arith.constant 0 : i32
      %dma_wait3A_269 = arith.constant 0 : i32
      %dma_wait3A_270 = tpu.memref_slice %arg2[%dma_wait3A_268, %dma_wait3A_269] : memref<10112x40xf32, #tpu.memory_space<hbm>> -> memref<10112x40xf32, #tpu.memory_space<hbm>>
      %dma_wait3A_271 = tpu.memref_slice %arg11[%dma_wait3A_260] : memref<8x!tpu.dma_semaphore, #tpu.memory_space<semaphore_mem>> -> memref<1x!tpu.dma_semaphore, #tpu.memory_space<semaphore_mem>>
      %dma_wait3A_272 = tpu.memref_squeeze %dma_wait3A_271 : memref<1x!tpu.dma_semaphore, #tpu.memory_space<semaphore_mem>> -> memref<!tpu.dma_semaphore, #tpu.memory_space<semaphore_mem>>
      tpu.wait_indirect_dma semaphore(%dma_wait3A_272 : memref<!tpu.dma_semaphore, #tpu.memory_space<semaphore_mem>>) src(%dma_wait3A_270 : memref<10112x40xf32, #tpu.memory_space<hbm>>) dst(%dma_wait3A_264 : memref<128x40xf32, #tpu.memory_space<vmem>>)
      %dma_start3A_273 = arith.constant 4 : i32
      %dma_start3A_274 = arith.constant 4 : i32
      %dma_start3A_275 = arith.constant 0 : i32
      %dma_start3A_276 = arith.constant 0 : i32
      %dma_start3A_277 = tpu.memref_slice %arg9[%dma_start3A_273, %dma_start3A_275, %dma_start3A_276] : memref<8x128x40xf32, #tpu.memory_space<vmem>> -> memref<1x128x40xf32, #tpu.memory_space<vmem>>
      %dma_start3A_278 = tpu.memref_squeeze %dma_start3A_277 : memref<1x128x40xf32, #tpu.memory_space<vmem>> -> memref<128x40xf32, #tpu.memory_space<vmem>>
      %dma_start3A_279 = arith.constant 0 : i32
      %dma_start3A_280 = tpu.memref_slice %arg8[%add3A_258, %dma_start3A_279] : memref<80x128xi32, #tpu.memory_space<vmem>> -> memref<1x128xi32, #tpu.memory_space<vmem>>
      %dma_start3A_281 = tpu.memref_squeeze %dma_start3A_280 : memref<1x128xi32, #tpu.memory_space<vmem>> -> memref<128xi32, #tpu.memory_space<vmem>>
      %dma_start3A_282 = arith.constant 0 : i32
      %dma_start3A_283 = arith.constant 0 : i32
      %dma_start3A_284 = tpu.memref_slice %arg10[%dma_start3A_282, %dma_start3A_283] : memref<10112x40xf32, #tpu.memory_space<vmem_shared>> -> memref<10112x40xf32, #tpu.memory_space<vmem_shared>>
      %dma_start3A_285 = tpu.memref_slice %arg12[%dma_start3A_274] : memref<8x!tpu.dma_semaphore, #tpu.memory_space<semaphore_mem>> -> memref<1x!tpu.dma_semaphore, #tpu.memory_space<semaphore_mem>>
      %dma_start3A_286 = tpu.memref_squeeze %dma_start3A_285 : memref<1x!tpu.dma_semaphore, #tpu.memory_space<semaphore_mem>> -> memref<!tpu.dma_semaphore, #tpu.memory_space<semaphore_mem>>
      tpu.enqueue_indirect_dma source(%dma_start3A_278 : memref<128x40xf32, #tpu.memory_space<vmem>>) target(%dma_start3A_284 : memref<10112x40xf32, #tpu.memory_space<vmem_shared>>) offsets(%dma_start3A_281 : memref<128xi32, #tpu.memory_space<vmem>>) semaphore(%dma_start3A_286 : memref<!tpu.dma_semaphore, #tpu.memory_space<semaphore_mem>>) {add = true}
      %add3A_287 = arith.constant 5 : i32
      %add3A_288 = arith.addi %add3A_137, %add3A_287 : i32
      %dma_wait3A_289 = arith.constant 5 : i32
      %dma_wait3A_290 = arith.constant 5 : i32
      %dma_wait3A_291 = arith.constant 0 : i32
      %dma_wait3A_292 = arith.constant 0 : i32
      %dma_wait3A_293 = tpu.memref_slice %arg9[%dma_wait3A_289, %dma_wait3A_291, %dma_wait3A_292] : memref<8x128x40xf32, #tpu.memory_space<vmem>> -> memref<1x128x40xf32, #tpu.memory_space<vmem>>
      %dma_wait3A_294 = tpu.memref_squeeze %dma_wait3A_293 : memref<1x128x40xf32, #tpu.memory_space<vmem>> -> memref<128x40xf32, #tpu.memory_space<vmem>>
      %dma_wait3A_295 = arith.constant 0 : i32
      %dma_wait3A_296 = tpu.memref_slice %arg7[%add3A_288, %dma_wait3A_295] : memref<80x128xi32, #tpu.memory_space<vmem>> -> memref<1x128xi32, #tpu.memory_space<vmem>>
      %dma_wait3A_297 = tpu.memref_squeeze %dma_wait3A_296 : memref<1x128xi32, #tpu.memory_space<vmem>> -> memref<128xi32, #tpu.memory_space<vmem>>
      %dma_wait3A_298 = arith.constant 0 : i32
      %dma_wait3A_299 = arith.constant 0 : i32
      %dma_wait3A_300 = tpu.memref_slice %arg2[%dma_wait3A_298, %dma_wait3A_299] : memref<10112x40xf32, #tpu.memory_space<hbm>> -> memref<10112x40xf32, #tpu.memory_space<hbm>>
      %dma_wait3A_301 = tpu.memref_slice %arg11[%dma_wait3A_290] : memref<8x!tpu.dma_semaphore, #tpu.memory_space<semaphore_mem>> -> memref<1x!tpu.dma_semaphore, #tpu.memory_space<semaphore_mem>>
      %dma_wait3A_302 = tpu.memref_squeeze %dma_wait3A_301 : memref<1x!tpu.dma_semaphore, #tpu.memory_space<semaphore_mem>> -> memref<!tpu.dma_semaphore, #tpu.memory_space<semaphore_mem>>
      tpu.wait_indirect_dma semaphore(%dma_wait3A_302 : memref<!tpu.dma_semaphore, #tpu.memory_space<semaphore_mem>>) src(%dma_wait3A_300 : memref<10112x40xf32, #tpu.memory_space<hbm>>) dst(%dma_wait3A_294 : memref<128x40xf32, #tpu.memory_space<vmem>>)
      %dma_start3A_303 = arith.constant 5 : i32
      %dma_start3A_304 = arith.constant 5 : i32
      %dma_start3A_305 = arith.constant 0 : i32
      %dma_start3A_306 = arith.constant 0 : i32
      %dma_start3A_307 = tpu.memref_slice %arg9[%dma_start3A_303, %dma_start3A_305, %dma_start3A_306] : memref<8x128x40xf32, #tpu.memory_space<vmem>> -> memref<1x128x40xf32, #tpu.memory_space<vmem>>
      %dma_start3A_308 = tpu.memref_squeeze %dma_start3A_307 : memref<1x128x40xf32, #tpu.memory_space<vmem>> -> memref<128x40xf32, #tpu.memory_space<vmem>>
      %dma_start3A_309 = arith.constant 0 : i32
      %dma_start3A_310 = tpu.memref_slice %arg8[%add3A_288, %dma_start3A_309] : memref<80x128xi32, #tpu.memory_space<vmem>> -> memref<1x128xi32, #tpu.memory_space<vmem>>
      %dma_start3A_311 = tpu.memref_squeeze %dma_start3A_310 : memref<1x128xi32, #tpu.memory_space<vmem>> -> memref<128xi32, #tpu.memory_space<vmem>>
      %dma_start3A_312 = arith.constant 0 : i32
      %dma_start3A_313 = arith.constant 0 : i32
      %dma_start3A_314 = tpu.memref_slice %arg10[%dma_start3A_312, %dma_start3A_313] : memref<10112x40xf32, #tpu.memory_space<vmem_shared>> -> memref<10112x40xf32, #tpu.memory_space<vmem_shared>>
      %dma_start3A_315 = tpu.memref_slice %arg12[%dma_start3A_304] : memref<8x!tpu.dma_semaphore, #tpu.memory_space<semaphore_mem>> -> memref<1x!tpu.dma_semaphore, #tpu.memory_space<semaphore_mem>>
      %dma_start3A_316 = tpu.memref_squeeze %dma_start3A_315 : memref<1x!tpu.dma_semaphore, #tpu.memory_space<semaphore_mem>> -> memref<!tpu.dma_semaphore, #tpu.memory_space<semaphore_mem>>
      tpu.enqueue_indirect_dma source(%dma_start3A_308 : memref<128x40xf32, #tpu.memory_space<vmem>>) target(%dma_start3A_314 : memref<10112x40xf32, #tpu.memory_space<vmem_shared>>) offsets(%dma_start3A_311 : memref<128xi32, #tpu.memory_space<vmem>>) semaphore(%dma_start3A_316 : memref<!tpu.dma_semaphore, #tpu.memory_space<semaphore_mem>>) {add = true}
      %add3A_317 = arith.constant 6 : i32
      %add3A_318 = arith.addi %add3A_137, %add3A_317 : i32
      %dma_wait3A_319 = arith.constant 6 : i32
      %dma_wait3A_320 = arith.constant 6 : i32
      %dma_wait3A_321 = arith.constant 0 : i32
      %dma_wait3A_322 = arith.constant 0 : i32
      %dma_wait3A_323 = tpu.memref_slice %arg9[%dma_wait3A_319, %dma_wait3A_321, %dma_wait3A_322] : memref<8x128x40xf32, #tpu.memory_space<vmem>> -> memref<1x128x40xf32, #tpu.memory_space<vmem>>
      %dma_wait3A_324 = tpu.memref_squeeze %dma_wait3A_323 : memref<1x128x40xf32, #tpu.memory_space<vmem>> -> memref<128x40xf32, #tpu.memory_space<vmem>>
      %dma_wait3A_325 = arith.constant 0 : i32
      %dma_wait3A_326 = tpu.memref_slice %arg7[%add3A_318, %dma_wait3A_325] : memref<80x128xi32, #tpu.memory_space<vmem>> -> memref<1x128xi32, #tpu.memory_space<vmem>>
      %dma_wait3A_327 = tpu.memref_squeeze %dma_wait3A_326 : memref<1x128xi32, #tpu.memory_space<vmem>> -> memref<128xi32, #tpu.memory_space<vmem>>
      %dma_wait3A_328 = arith.constant 0 : i32
      %dma_wait3A_329 = arith.constant 0 : i32
      %dma_wait3A_330 = tpu.memref_slice %arg2[%dma_wait3A_328, %dma_wait3A_329] : memref<10112x40xf32, #tpu.memory_space<hbm>> -> memref<10112x40xf32, #tpu.memory_space<hbm>>
      %dma_wait3A_331 = tpu.memref_slice %arg11[%dma_wait3A_320] : memref<8x!tpu.dma_semaphore, #tpu.memory_space<semaphore_mem>> -> memref<1x!tpu.dma_semaphore, #tpu.memory_space<semaphore_mem>>
      %dma_wait3A_332 = tpu.memref_squeeze %dma_wait3A_331 : memref<1x!tpu.dma_semaphore, #tpu.memory_space<semaphore_mem>> -> memref<!tpu.dma_semaphore, #tpu.memory_space<semaphore_mem>>
      tpu.wait_indirect_dma semaphore(%dma_wait3A_332 : memref<!tpu.dma_semaphore, #tpu.memory_space<semaphore_mem>>) src(%dma_wait3A_330 : memref<10112x40xf32, #tpu.memory_space<hbm>>) dst(%dma_wait3A_324 : memref<128x40xf32, #tpu.memory_space<vmem>>)
      %dma_start3A_333 = arith.constant 6 : i32
      %dma_start3A_334 = arith.constant 6 : i32
      %dma_start3A_335 = arith.constant 0 : i32
      %dma_start3A_336 = arith.constant 0 : i32
      %dma_start3A_337 = tpu.memref_slice %arg9[%dma_start3A_333, %dma_start3A_335, %dma_start3A_336] : memref<8x128x40xf32, #tpu.memory_space<vmem>> -> memref<1x128x40xf32, #tpu.memory_space<vmem>>
      %dma_start3A_338 = tpu.memref_squeeze %dma_start3A_337 : memref<1x128x40xf32, #tpu.memory_space<vmem>> -> memref<128x40xf32, #tpu.memory_space<vmem>>
      %dma_start3A_339 = arith.constant 0 : i32
      %dma_start3A_340 = tpu.memref_slice %arg8[%add3A_318, %dma_start3A_339] : memref<80x128xi32, #tpu.memory_space<vmem>> -> memref<1x128xi32, #tpu.memory_space<vmem>>
      %dma_start3A_341 = tpu.memref_squeeze %dma_start3A_340 : memref<1x128xi32, #tpu.memory_space<vmem>> -> memref<128xi32, #tpu.memory_space<vmem>>
      %dma_start3A_342 = arith.constant 0 : i32
      %dma_start3A_343 = arith.constant 0 : i32
      %dma_start3A_344 = tpu.memref_slice %arg10[%dma_start3A_342, %dma_start3A_343] : memref<10112x40xf32, #tpu.memory_space<vmem_shared>> -> memref<10112x40xf32, #tpu.memory_space<vmem_shared>>
      %dma_start3A_345 = tpu.memref_slice %arg12[%dma_start3A_334] : memref<8x!tpu.dma_semaphore, #tpu.memory_space<semaphore_mem>> -> memref<1x!tpu.dma_semaphore, #tpu.memory_space<semaphore_mem>>
      %dma_start3A_346 = tpu.memref_squeeze %dma_start3A_345 : memref<1x!tpu.dma_semaphore, #tpu.memory_space<semaphore_mem>> -> memref<!tpu.dma_semaphore, #tpu.memory_space<semaphore_mem>>
      tpu.enqueue_indirect_dma source(%dma_start3A_338 : memref<128x40xf32, #tpu.memory_space<vmem>>) target(%dma_start3A_344 : memref<10112x40xf32, #tpu.memory_space<vmem_shared>>) offsets(%dma_start3A_341 : memref<128xi32, #tpu.memory_space<vmem>>) semaphore(%dma_start3A_346 : memref<!tpu.dma_semaphore, #tpu.memory_space<semaphore_mem>>) {add = true}
      %add3A_347 = arith.constant 7 : i32
      %add3A_348 = arith.addi %add3A_137, %add3A_347 : i32
      %dma_wait3A_349 = arith.constant 7 : i32
      %dma_wait3A_350 = arith.constant 7 : i32
      %dma_wait3A_351 = arith.constant 0 : i32
      %dma_wait3A_352 = arith.constant 0 : i32
      %dma_wait3A_353 = tpu.memref_slice %arg9[%dma_wait3A_349, %dma_wait3A_351, %dma_wait3A_352] : memref<8x128x40xf32, #tpu.memory_space<vmem>> -> memref<1x128x40xf32, #tpu.memory_space<vmem>>
      %dma_wait3A_354 = tpu.memref_squeeze %dma_wait3A_353 : memref<1x128x40xf32, #tpu.memory_space<vmem>> -> memref<128x40xf32, #tpu.memory_space<vmem>>
      %dma_wait3A_355 = arith.constant 0 : i32
      %dma_wait3A_356 = tpu.memref_slice %arg7[%add3A_348, %dma_wait3A_355] : memref<80x128xi32, #tpu.memory_space<vmem>> -> memref<1x128xi32, #tpu.memory_space<vmem>>
      %dma_wait3A_357 = tpu.memref_squeeze %dma_wait3A_356 : memref<1x128xi32, #tpu.memory_space<vmem>> -> memref<128xi32, #tpu.memory_space<vmem>>
      %dma_wait3A_358 = arith.constant 0 : i32
      %dma_wait3A_359 = arith.constant 0 : i32
      %dma_wait3A_360 = tpu.memref_slice %arg2[%dma_wait3A_358, %dma_wait3A_359] : memref<10112x40xf32, #tpu.memory_space<hbm>> -> memref<10112x40xf32, #tpu.memory_space<hbm>>
      %dma_wait3A_361 = tpu.memref_slice %arg11[%dma_wait3A_350] : memref<8x!tpu.dma_semaphore, #tpu.memory_space<semaphore_mem>> -> memref<1x!tpu.dma_semaphore, #tpu.memory_space<semaphore_mem>>
      %dma_wait3A_362 = tpu.memref_squeeze %dma_wait3A_361 : memref<1x!tpu.dma_semaphore, #tpu.memory_space<semaphore_mem>> -> memref<!tpu.dma_semaphore, #tpu.memory_space<semaphore_mem>>
      tpu.wait_indirect_dma semaphore(%dma_wait3A_362 : memref<!tpu.dma_semaphore, #tpu.memory_space<semaphore_mem>>) src(%dma_wait3A_360 : memref<10112x40xf32, #tpu.memory_space<hbm>>) dst(%dma_wait3A_354 : memref<128x40xf32, #tpu.memory_space<vmem>>)
      %dma_start3A_363 = arith.constant 7 : i32
      %dma_start3A_364 = arith.constant 7 : i32
      %dma_start3A_365 = arith.constant 0 : i32
      %dma_start3A_366 = arith.constant 0 : i32
      %dma_start3A_367 = tpu.memref_slice %arg9[%dma_start3A_363, %dma_start3A_365, %dma_start3A_366] : memref<8x128x40xf32, #tpu.memory_space<vmem>> -> memref<1x128x40xf32, #tpu.memory_space<vmem>>
      %dma_start3A_368 = tpu.memref_squeeze %dma_start3A_367 : memref<1x128x40xf32, #tpu.memory_space<vmem>> -> memref<128x40xf32, #tpu.memory_space<vmem>>
      %dma_start3A_369 = arith.constant 0 : i32
      %dma_start3A_370 = tpu.memref_slice %arg8[%add3A_348, %dma_start3A_369] : memref<80x128xi32, #tpu.memory_space<vmem>> -> memref<1x128xi32, #tpu.memory_space<vmem>>
      %dma_start3A_371 = tpu.memref_squeeze %dma_start3A_370 : memref<1x128xi32, #tpu.memory_space<vmem>> -> memref<128xi32, #tpu.memory_space<vmem>>
      %dma_start3A_372 = arith.constant 0 : i32
      %dma_start3A_373 = arith.constant 0 : i32
      %dma_start3A_374 = tpu.memref_slice %arg10[%dma_start3A_372, %dma_start3A_373] : memref<10112x40xf32, #tpu.memory_space<vmem_shared>> -> memref<10112x40xf32, #tpu.memory_space<vmem_shared>>
      %dma_start3A_375 = tpu.memref_slice %arg12[%dma_start3A_364] : memref<8x!tpu.dma_semaphore, #tpu.memory_space<semaphore_mem>> -> memref<1x!tpu.dma_semaphore, #tpu.memory_space<semaphore_mem>>
      %dma_start3A_376 = tpu.memref_squeeze %dma_start3A_375 : memref<1x!tpu.dma_semaphore, #tpu.memory_space<semaphore_mem>> -> memref<!tpu.dma_semaphore, #tpu.memory_space<semaphore_mem>>
      tpu.enqueue_indirect_dma source(%dma_start3A_368 : memref<128x40xf32, #tpu.memory_space<vmem>>) target(%dma_start3A_374 : memref<10112x40xf32, #tpu.memory_space<vmem_shared>>) offsets(%dma_start3A_371 : memref<128xi32, #tpu.memory_space<vmem>>) semaphore(%dma_start3A_376 : memref<!tpu.dma_semaphore, #tpu.memory_space<semaphore_mem>>) {add = true}
      %add3A_377 = arith.constant 0 : i32
      %add3A_378 = arith.addi %add3A_137, %add3A_377 : i32
      %dma_wait3A_379 = arith.constant 0 : i32
      %dma_wait3A_380 = arith.constant 0 : i32
      %dma_wait3A_381 = arith.constant 0 : i32
      %dma_wait3A_382 = arith.constant 0 : i32
      %dma_wait3A_383 = tpu.memref_slice %arg9[%dma_wait3A_379, %dma_wait3A_381, %dma_wait3A_382] : memref<8x128x40xf32, #tpu.memory_space<vmem>> -> memref<1x128x40xf32, #tpu.memory_space<vmem>>
      %dma_wait3A_384 = tpu.memref_squeeze %dma_wait3A_383 : memref<1x128x40xf32, #tpu.memory_space<vmem>> -> memref<128x40xf32, #tpu.memory_space<vmem>>
      %dma_wait3A_385 = arith.constant 0 : i32
      %dma_wait3A_386 = tpu.memref_slice %arg8[%add3A_378, %dma_wait3A_385] : memref<80x128xi32, #tpu.memory_space<vmem>> -> memref<1x128xi32, #tpu.memory_space<vmem>>
      %dma_wait3A_387 = tpu.memref_squeeze %dma_wait3A_386 : memref<1x128xi32, #tpu.memory_space<vmem>> -> memref<128xi32, #tpu.memory_space<vmem>>
      %dma_wait3A_388 = arith.constant 0 : i32
      %dma_wait3A_389 = arith.constant 0 : i32
      %dma_wait3A_390 = tpu.memref_slice %arg10[%dma_wait3A_388, %dma_wait3A_389] : memref<10112x40xf32, #tpu.memory_space<vmem_shared>> -> memref<10112x40xf32, #tpu.memory_space<vmem_shared>>
      %dma_wait3A_391 = tpu.memref_slice %arg12[%dma_wait3A_380] : memref<8x!tpu.dma_semaphore, #tpu.memory_space<semaphore_mem>> -> memref<1x!tpu.dma_semaphore, #tpu.memory_space<semaphore_mem>>
      %dma_wait3A_392 = tpu.memref_squeeze %dma_wait3A_391 : memref<1x!tpu.dma_semaphore, #tpu.memory_space<semaphore_mem>> -> memref<!tpu.dma_semaphore, #tpu.memory_space<semaphore_mem>>
      tpu.wait_indirect_dma semaphore(%dma_wait3A_392 : memref<!tpu.dma_semaphore, #tpu.memory_space<semaphore_mem>>) src(%dma_wait3A_384 : memref<128x40xf32, #tpu.memory_space<vmem>>) dst(%dma_wait3A_390 : memref<10112x40xf32, #tpu.memory_space<vmem_shared>>)
      %add3A_393 = arith.constant 8 : i32
      %add3A_394 = arith.addi %add3A_378, %add3A_393 : i32
      %lt3A = arith.constant 80 : i32
      %lt3A_395 = arith.cmpi slt, %add3A_394, %lt3A : i32
      %convert_element_type3A = arith.extui %lt3A_395 : i1 to i32
      %cond3A = arith.constant 0 : i32
      %cond3A_396 = arith.cmpi ne, %convert_element_type3A, %cond3A : i32
      scf.if %cond3A_396 {
        %add3A_558 = arith.constant 8 : i32
        %add3A_559 = arith.addi %add3A_378, %add3A_558 : i32
        %dma_start3A_560 = arith.constant 0 : i32
        %dma_start3A_561 = arith.constant 0 : i32
        %dma_start3A_562 = arith.constant 0 : i32
        %dma_start3A_563 = arith.constant 0 : i32
        %dma_start3A_564 = tpu.memref_slice %arg9[%dma_start3A_560, %dma_start3A_562, %dma_start3A_563] : memref<8x128x40xf32, #tpu.memory_space<vmem>> -> memref<1x128x40xf32, #tpu.memory_space<vmem>>
        %dma_start3A_565 = tpu.memref_squeeze %dma_start3A_564 : memref<1x128x40xf32, #tpu.memory_space<vmem>> -> memref<128x40xf32, #tpu.memory_space<vmem>>
        %dma_start3A_566 = arith.constant 0 : i32
        %dma_start3A_567 = tpu.memref_slice %arg7[%add3A_559, %dma_start3A_566] : memref<80x128xi32, #tpu.memory_space<vmem>> -> memref<1x128xi32, #tpu.memory_space<vmem>>
        %dma_start3A_568 = tpu.memref_squeeze %dma_start3A_567 : memref<1x128xi32, #tpu.memory_space<vmem>> -> memref<128xi32, #tpu.memory_space<vmem>>
        %dma_start3A_569 = arith.constant 0 : i32
        %dma_start3A_570 = arith.constant 0 : i32
        %dma_start3A_571 = tpu.memref_slice %arg2[%dma_start3A_569, %dma_start3A_570] : memref<10112x40xf32, #tpu.memory_space<hbm>> -> memref<10112x40xf32, #tpu.memory_space<hbm>>
        %dma_start3A_572 = tpu.memref_slice %arg11[%dma_start3A_561] : memref<8x!tpu.dma_semaphore, #tpu.memory_space<semaphore_mem>> -> memref<1x!tpu.dma_semaphore, #tpu.memory_space<semaphore_mem>>
        %dma_start3A_573 = tpu.memref_squeeze %dma_start3A_572 : memref<1x!tpu.dma_semaphore, #tpu.memory_space<semaphore_mem>> -> memref<!tpu.dma_semaphore, #tpu.memory_space<semaphore_mem>>
        tpu.enqueue_indirect_dma source(%dma_start3A_571 : memref<10112x40xf32, #tpu.memory_space<hbm>>) target(%dma_start3A_565 : memref<128x40xf32, #tpu.memory_space<vmem>>) offsets(%dma_start3A_568 : memref<128xi32, #tpu.memory_space<vmem>>) semaphore(%dma_start3A_573 : memref<!tpu.dma_semaphore, #tpu.memory_space<semaphore_mem>>)
      } else {
      }
      %add3A_397 = arith.constant 1 : i32
      %add3A_398 = arith.addi %add3A_137, %add3A_397 : i32
      %dma_wait3A_399 = arith.constant 1 : i32
      %dma_wait3A_400 = arith.constant 1 : i32
      %dma_wait3A_401 = arith.constant 0 : i32
      %dma_wait3A_402 = arith.constant 0 : i32
      %dma_wait3A_403 = tpu.memref_slice %arg9[%dma_wait3A_399, %dma_wait3A_401, %dma_wait3A_402] : memref<8x128x40xf32, #tpu.memory_space<vmem>> -> memref<1x128x40xf32, #tpu.memory_space<vmem>>
      %dma_wait3A_404 = tpu.memref_squeeze %dma_wait3A_403 : memref<1x128x40xf32, #tpu.memory_space<vmem>> -> memref<128x40xf32, #tpu.memory_space<vmem>>
      %dma_wait3A_405 = arith.constant 0 : i32
      %dma_wait3A_406 = tpu.memref_slice %arg8[%add3A_398, %dma_wait3A_405] : memref<80x128xi32, #tpu.memory_space<vmem>> -> memref<1x128xi32, #tpu.memory_space<vmem>>
      %dma_wait3A_407 = tpu.memref_squeeze %dma_wait3A_406 : memref<1x128xi32, #tpu.memory_space<vmem>> -> memref<128xi32, #tpu.memory_space<vmem>>
      %dma_wait3A_408 = arith.constant 0 : i32
      %dma_wait3A_409 = arith.constant 0 : i32
      %dma_wait3A_410 = tpu.memref_slice %arg10[%dma_wait3A_408, %dma_wait3A_409] : memref<10112x40xf32, #tpu.memory_space<vmem_shared>> -> memref<10112x40xf32, #tpu.memory_space<vmem_shared>>
      %dma_wait3A_411 = tpu.memref_slice %arg12[%dma_wait3A_400] : memref<8x!tpu.dma_semaphore, #tpu.memory_space<semaphore_mem>> -> memref<1x!tpu.dma_semaphore, #tpu.memory_space<semaphore_mem>>
      %dma_wait3A_412 = tpu.memref_squeeze %dma_wait3A_411 : memref<1x!tpu.dma_semaphore, #tpu.memory_space<semaphore_mem>> -> memref<!tpu.dma_semaphore, #tpu.memory_space<semaphore_mem>>
      tpu.wait_indirect_dma semaphore(%dma_wait3A_412 : memref<!tpu.dma_semaphore, #tpu.memory_space<semaphore_mem>>) src(%dma_wait3A_404 : memref<128x40xf32, #tpu.memory_space<vmem>>) dst(%dma_wait3A_410 : memref<10112x40xf32, #tpu.memory_space<vmem_shared>>)
      %add3A_413 = arith.constant 8 : i32
      %add3A_414 = arith.addi %add3A_398, %add3A_413 : i32
      %lt3A_415 = arith.constant 80 : i32
      %lt3A_416 = arith.cmpi slt, %add3A_414, %lt3A_415 : i32
      %convert_element_type3A_417 = arith.extui %lt3A_416 : i1 to i32
      %cond3A_418 = arith.constant 0 : i32
      %cond3A_419 = arith.cmpi ne, %convert_element_type3A_417, %cond3A_418 : i32
      scf.if %cond3A_419 {
        %add3A_558 = arith.constant 8 : i32
        %add3A_559 = arith.addi %add3A_398, %add3A_558 : i32
        %dma_start3A_560 = arith.constant 1 : i32
        %dma_start3A_561 = arith.constant 1 : i32
        %dma_start3A_562 = arith.constant 0 : i32
        %dma_start3A_563 = arith.constant 0 : i32
        %dma_start3A_564 = tpu.memref_slice %arg9[%dma_start3A_560, %dma_start3A_562, %dma_start3A_563] : memref<8x128x40xf32, #tpu.memory_space<vmem>> -> memref<1x128x40xf32, #tpu.memory_space<vmem>>
        %dma_start3A_565 = tpu.memref_squeeze %dma_start3A_564 : memref<1x128x40xf32, #tpu.memory_space<vmem>> -> memref<128x40xf32, #tpu.memory_space<vmem>>
        %dma_start3A_566 = arith.constant 0 : i32
        %dma_start3A_567 = tpu.memref_slice %arg7[%add3A_559, %dma_start3A_566] : memref<80x128xi32, #tpu.memory_space<vmem>> -> memref<1x128xi32, #tpu.memory_space<vmem>>
        %dma_start3A_568 = tpu.memref_squeeze %dma_start3A_567 : memref<1x128xi32, #tpu.memory_space<vmem>> -> memref<128xi32, #tpu.memory_space<vmem>>
        %dma_start3A_569 = arith.constant 0 : i32
        %dma_start3A_570 = arith.constant 0 : i32
        %dma_start3A_571 = tpu.memref_slice %arg2[%dma_start3A_569, %dma_start3A_570] : memref<10112x40xf32, #tpu.memory_space<hbm>> -> memref<10112x40xf32, #tpu.memory_space<hbm>>
        %dma_start3A_572 = tpu.memref_slice %arg11[%dma_start3A_561] : memref<8x!tpu.dma_semaphore, #tpu.memory_space<semaphore_mem>> -> memref<1x!tpu.dma_semaphore, #tpu.memory_space<semaphore_mem>>
        %dma_start3A_573 = tpu.memref_squeeze %dma_start3A_572 : memref<1x!tpu.dma_semaphore, #tpu.memory_space<semaphore_mem>> -> memref<!tpu.dma_semaphore, #tpu.memory_space<semaphore_mem>>
        tpu.enqueue_indirect_dma source(%dma_start3A_571 : memref<10112x40xf32, #tpu.memory_space<hbm>>) target(%dma_start3A_565 : memref<128x40xf32, #tpu.memory_space<vmem>>) offsets(%dma_start3A_568 : memref<128xi32, #tpu.memory_space<vmem>>) semaphore(%dma_start3A_573 : memref<!tpu.dma_semaphore, #tpu.memory_space<semaphore_mem>>)
      } else {
      }
      %add3A_420 = arith.constant 2 : i32
      %add3A_421 = arith.addi %add3A_137, %add3A_420 : i32
      %dma_wait3A_422 = arith.constant 2 : i32
      %dma_wait3A_423 = arith.constant 2 : i32
      %dma_wait3A_424 = arith.constant 0 : i32
      %dma_wait3A_425 = arith.constant 0 : i32
      %dma_wait3A_426 = tpu.memref_slice %arg9[%dma_wait3A_422, %dma_wait3A_424, %dma_wait3A_425] : memref<8x128x40xf32, #tpu.memory_space<vmem>> -> memref<1x128x40xf32, #tpu.memory_space<vmem>>
      %dma_wait3A_427 = tpu.memref_squeeze %dma_wait3A_426 : memref<1x128x40xf32, #tpu.memory_space<vmem>> -> memref<128x40xf32, #tpu.memory_space<vmem>>
      %dma_wait3A_428 = arith.constant 0 : i32
      %dma_wait3A_429 = tpu.memref_slice %arg8[%add3A_421, %dma_wait3A_428] : memref<80x128xi32, #tpu.memory_space<vmem>> -> memref<1x128xi32, #tpu.memory_space<vmem>>
      %dma_wait3A_430 = tpu.memref_squeeze %dma_wait3A_429 : memref<1x128xi32, #tpu.memory_space<vmem>> -> memref<128xi32, #tpu.memory_space<vmem>>
      %dma_wait3A_431 = arith.constant 0 : i32
      %dma_wait3A_432 = arith.constant 0 : i32
      %dma_wait3A_433 = tpu.memref_slice %arg10[%dma_wait3A_431, %dma_wait3A_432] : memref<10112x40xf32, #tpu.memory_space<vmem_shared>> -> memref<10112x40xf32, #tpu.memory_space<vmem_shared>>
      %dma_wait3A_434 = tpu.memref_slice %arg12[%dma_wait3A_423] : memref<8x!tpu.dma_semaphore, #tpu.memory_space<semaphore_mem>> -> memref<1x!tpu.dma_semaphore, #tpu.memory_space<semaphore_mem>>
      %dma_wait3A_435 = tpu.memref_squeeze %dma_wait3A_434 : memref<1x!tpu.dma_semaphore, #tpu.memory_space<semaphore_mem>> -> memref<!tpu.dma_semaphore, #tpu.memory_space<semaphore_mem>>
      tpu.wait_indirect_dma semaphore(%dma_wait3A_435 : memref<!tpu.dma_semaphore, #tpu.memory_space<semaphore_mem>>) src(%dma_wait3A_427 : memref<128x40xf32, #tpu.memory_space<vmem>>) dst(%dma_wait3A_433 : memref<10112x40xf32, #tpu.memory_space<vmem_shared>>)
      %add3A_436 = arith.constant 8 : i32
      %add3A_437 = arith.addi %add3A_421, %add3A_436 : i32
      %lt3A_438 = arith.constant 80 : i32
      %lt3A_439 = arith.cmpi slt, %add3A_437, %lt3A_438 : i32
      %convert_element_type3A_440 = arith.extui %lt3A_439 : i1 to i32
      %cond3A_441 = arith.constant 0 : i32
      %cond3A_442 = arith.cmpi ne, %convert_element_type3A_440, %cond3A_441 : i32
      scf.if %cond3A_442 {
        %add3A_558 = arith.constant 8 : i32
        %add3A_559 = arith.addi %add3A_421, %add3A_558 : i32
        %dma_start3A_560 = arith.constant 2 : i32
        %dma_start3A_561 = arith.constant 2 : i32
        %dma_start3A_562 = arith.constant 0 : i32
        %dma_start3A_563 = arith.constant 0 : i32
        %dma_start3A_564 = tpu.memref_slice %arg9[%dma_start3A_560, %dma_start3A_562, %dma_start3A_563] : memref<8x128x40xf32, #tpu.memory_space<vmem>> -> memref<1x128x40xf32, #tpu.memory_space<vmem>>
        %dma_start3A_565 = tpu.memref_squeeze %dma_start3A_564 : memref<1x128x40xf32, #tpu.memory_space<vmem>> -> memref<128x40xf32, #tpu.memory_space<vmem>>
        %dma_start3A_566 = arith.constant 0 : i32
        %dma_start3A_567 = tpu.memref_slice %arg7[%add3A_559, %dma_start3A_566] : memref<80x128xi32, #tpu.memory_space<vmem>> -> memref<1x128xi32, #tpu.memory_space<vmem>>
        %dma_start3A_568 = tpu.memref_squeeze %dma_start3A_567 : memref<1x128xi32, #tpu.memory_space<vmem>> -> memref<128xi32, #tpu.memory_space<vmem>>
        %dma_start3A_569 = arith.constant 0 : i32
        %dma_start3A_570 = arith.constant 0 : i32
        %dma_start3A_571 = tpu.memref_slice %arg2[%dma_start3A_569, %dma_start3A_570] : memref<10112x40xf32, #tpu.memory_space<hbm>> -> memref<10112x40xf32, #tpu.memory_space<hbm>>
        %dma_start3A_572 = tpu.memref_slice %arg11[%dma_start3A_561] : memref<8x!tpu.dma_semaphore, #tpu.memory_space<semaphore_mem>> -> memref<1x!tpu.dma_semaphore, #tpu.memory_space<semaphore_mem>>
        %dma_start3A_573 = tpu.memref_squeeze %dma_start3A_572 : memref<1x!tpu.dma_semaphore, #tpu.memory_space<semaphore_mem>> -> memref<!tpu.dma_semaphore, #tpu.memory_space<semaphore_mem>>
        tpu.enqueue_indirect_dma source(%dma_start3A_571 : memref<10112x40xf32, #tpu.memory_space<hbm>>) target(%dma_start3A_565 : memref<128x40xf32, #tpu.memory_space<vmem>>) offsets(%dma_start3A_568 : memref<128xi32, #tpu.memory_space<vmem>>) semaphore(%dma_start3A_573 : memref<!tpu.dma_semaphore, #tpu.memory_space<semaphore_mem>>)
      } else {
      }
      %add3A_443 = arith.constant 3 : i32
      %add3A_444 = arith.addi %add3A_137, %add3A_443 : i32
      %dma_wait3A_445 = arith.constant 3 : i32
      %dma_wait3A_446 = arith.constant 3 : i32
      %dma_wait3A_447 = arith.constant 0 : i32
      %dma_wait3A_448 = arith.constant 0 : i32
      %dma_wait3A_449 = tpu.memref_slice %arg9[%dma_wait3A_445, %dma_wait3A_447, %dma_wait3A_448] : memref<8x128x40xf32, #tpu.memory_space<vmem>> -> memref<1x128x40xf32, #tpu.memory_space<vmem>>
      %dma_wait3A_450 = tpu.memref_squeeze %dma_wait3A_449 : memref<1x128x40xf32, #tpu.memory_space<vmem>> -> memref<128x40xf32, #tpu.memory_space<vmem>>
      %dma_wait3A_451 = arith.constant 0 : i32
      %dma_wait3A_452 = tpu.memref_slice %arg8[%add3A_444, %dma_wait3A_451] : memref<80x128xi32, #tpu.memory_space<vmem>> -> memref<1x128xi32, #tpu.memory_space<vmem>>
      %dma_wait3A_453 = tpu.memref_squeeze %dma_wait3A_452 : memref<1x128xi32, #tpu.memory_space<vmem>> -> memref<128xi32, #tpu.memory_space<vmem>>
      %dma_wait3A_454 = arith.constant 0 : i32
      %dma_wait3A_455 = arith.constant 0 : i32
      %dma_wait3A_456 = tpu.memref_slice %arg10[%dma_wait3A_454, %dma_wait3A_455] : memref<10112x40xf32, #tpu.memory_space<vmem_shared>> -> memref<10112x40xf32, #tpu.memory_space<vmem_shared>>
      %dma_wait3A_457 = tpu.memref_slice %arg12[%dma_wait3A_446] : memref<8x!tpu.dma_semaphore, #tpu.memory_space<semaphore_mem>> -> memref<1x!tpu.dma_semaphore, #tpu.memory_space<semaphore_mem>>
      %dma_wait3A_458 = tpu.memref_squeeze %dma_wait3A_457 : memref<1x!tpu.dma_semaphore, #tpu.memory_space<semaphore_mem>> -> memref<!tpu.dma_semaphore, #tpu.memory_space<semaphore_mem>>
      tpu.wait_indirect_dma semaphore(%dma_wait3A_458 : memref<!tpu.dma_semaphore, #tpu.memory_space<semaphore_mem>>) src(%dma_wait3A_450 : memref<128x40xf32, #tpu.memory_space<vmem>>) dst(%dma_wait3A_456 : memref<10112x40xf32, #tpu.memory_space<vmem_shared>>)
      %add3A_459 = arith.constant 8 : i32
      %add3A_460 = arith.addi %add3A_444, %add3A_459 : i32
      %lt3A_461 = arith.constant 80 : i32
      %lt3A_462 = arith.cmpi slt, %add3A_460, %lt3A_461 : i32
      %convert_element_type3A_463 = arith.extui %lt3A_462 : i1 to i32
      %cond3A_464 = arith.constant 0 : i32
      %cond3A_465 = arith.cmpi ne, %convert_element_type3A_463, %cond3A_464 : i32
      scf.if %cond3A_465 {
        %add3A_558 = arith.constant 8 : i32
        %add3A_559 = arith.addi %add3A_444, %add3A_558 : i32
        %dma_start3A_560 = arith.constant 3 : i32
        %dma_start3A_561 = arith.constant 3 : i32
        %dma_start3A_562 = arith.constant 0 : i32
        %dma_start3A_563 = arith.constant 0 : i32
        %dma_start3A_564 = tpu.memref_slice %arg9[%dma_start3A_560, %dma_start3A_562, %dma_start3A_563] : memref<8x128x40xf32, #tpu.memory_space<vmem>> -> memref<1x128x40xf32, #tpu.memory_space<vmem>>
        %dma_start3A_565 = tpu.memref_squeeze %dma_start3A_564 : memref<1x128x40xf32, #tpu.memory_space<vmem>> -> memref<128x40xf32, #tpu.memory_space<vmem>>
        %dma_start3A_566 = arith.constant 0 : i32
        %dma_start3A_567 = tpu.memref_slice %arg7[%add3A_559, %dma_start3A_566] : memref<80x128xi32, #tpu.memory_space<vmem>> -> memref<1x128xi32, #tpu.memory_space<vmem>>
        %dma_start3A_568 = tpu.memref_squeeze %dma_start3A_567 : memref<1x128xi32, #tpu.memory_space<vmem>> -> memref<128xi32, #tpu.memory_space<vmem>>
        %dma_start3A_569 = arith.constant 0 : i32
        %dma_start3A_570 = arith.constant 0 : i32
        %dma_start3A_571 = tpu.memref_slice %arg2[%dma_start3A_569, %dma_start3A_570] : memref<10112x40xf32, #tpu.memory_space<hbm>> -> memref<10112x40xf32, #tpu.memory_space<hbm>>
        %dma_start3A_572 = tpu.memref_slice %arg11[%dma_start3A_561] : memref<8x!tpu.dma_semaphore, #tpu.memory_space<semaphore_mem>> -> memref<1x!tpu.dma_semaphore, #tpu.memory_space<semaphore_mem>>
        %dma_start3A_573 = tpu.memref_squeeze %dma_start3A_572 : memref<1x!tpu.dma_semaphore, #tpu.memory_space<semaphore_mem>> -> memref<!tpu.dma_semaphore, #tpu.memory_space<semaphore_mem>>
        tpu.enqueue_indirect_dma source(%dma_start3A_571 : memref<10112x40xf32, #tpu.memory_space<hbm>>) target(%dma_start3A_565 : memref<128x40xf32, #tpu.memory_space<vmem>>) offsets(%dma_start3A_568 : memref<128xi32, #tpu.memory_space<vmem>>) semaphore(%dma_start3A_573 : memref<!tpu.dma_semaphore, #tpu.memory_space<semaphore_mem>>)
      } else {
      }
      %add3A_466 = arith.constant 4 : i32
      %add3A_467 = arith.addi %add3A_137, %add3A_466 : i32
      %dma_wait3A_468 = arith.constant 4 : i32
      %dma_wait3A_469 = arith.constant 4 : i32
      %dma_wait3A_470 = arith.constant 0 : i32
      %dma_wait3A_471 = arith.constant 0 : i32
      %dma_wait3A_472 = tpu.memref_slice %arg9[%dma_wait3A_468, %dma_wait3A_470, %dma_wait3A_471] : memref<8x128x40xf32, #tpu.memory_space<vmem>> -> memref<1x128x40xf32, #tpu.memory_space<vmem>>
      %dma_wait3A_473 = tpu.memref_squeeze %dma_wait3A_472 : memref<1x128x40xf32, #tpu.memory_space<vmem>> -> memref<128x40xf32, #tpu.memory_space<vmem>>
      %dma_wait3A_474 = arith.constant 0 : i32
      %dma_wait3A_475 = tpu.memref_slice %arg8[%add3A_467, %dma_wait3A_474] : memref<80x128xi32, #tpu.memory_space<vmem>> -> memref<1x128xi32, #tpu.memory_space<vmem>>
      %dma_wait3A_476 = tpu.memref_squeeze %dma_wait3A_475 : memref<1x128xi32, #tpu.memory_space<vmem>> -> memref<128xi32, #tpu.memory_space<vmem>>
      %dma_wait3A_477 = arith.constant 0 : i32
      %dma_wait3A_478 = arith.constant 0 : i32
      %dma_wait3A_479 = tpu.memref_slice %arg10[%dma_wait3A_477, %dma_wait3A_478] : memref<10112x40xf32, #tpu.memory_space<vmem_shared>> -> memref<10112x40xf32, #tpu.memory_space<vmem_shared>>
      %dma_wait3A_480 = tpu.memref_slice %arg12[%dma_wait3A_469] : memref<8x!tpu.dma_semaphore, #tpu.memory_space<semaphore_mem>> -> memref<1x!tpu.dma_semaphore, #tpu.memory_space<semaphore_mem>>
      %dma_wait3A_481 = tpu.memref_squeeze %dma_wait3A_480 : memref<1x!tpu.dma_semaphore, #tpu.memory_space<semaphore_mem>> -> memref<!tpu.dma_semaphore, #tpu.memory_space<semaphore_mem>>
      tpu.wait_indirect_dma semaphore(%dma_wait3A_481 : memref<!tpu.dma_semaphore, #tpu.memory_space<semaphore_mem>>) src(%dma_wait3A_473 : memref<128x40xf32, #tpu.memory_space<vmem>>) dst(%dma_wait3A_479 : memref<10112x40xf32, #tpu.memory_space<vmem_shared>>)
      %add3A_482 = arith.constant 8 : i32
      %add3A_483 = arith.addi %add3A_467, %add3A_482 : i32
      %lt3A_484 = arith.constant 80 : i32
      %lt3A_485 = arith.cmpi slt, %add3A_483, %lt3A_484 : i32
      %convert_element_type3A_486 = arith.extui %lt3A_485 : i1 to i32
      %cond3A_487 = arith.constant 0 : i32
      %cond3A_488 = arith.cmpi ne, %convert_element_type3A_486, %cond3A_487 : i32
      scf.if %cond3A_488 {
        %add3A_558 = arith.constant 8 : i32
        %add3A_559 = arith.addi %add3A_467, %add3A_558 : i32
        %dma_start3A_560 = arith.constant 4 : i32
        %dma_start3A_561 = arith.constant 4 : i32
        %dma_start3A_562 = arith.constant 0 : i32
        %dma_start3A_563 = arith.constant 0 : i32
        %dma_start3A_564 = tpu.memref_slice %arg9[%dma_start3A_560, %dma_start3A_562, %dma_start3A_563] : memref<8x128x40xf32, #tpu.memory_space<vmem>> -> memref<1x128x40xf32, #tpu.memory_space<vmem>>
        %dma_start3A_565 = tpu.memref_squeeze %dma_start3A_564 : memref<1x128x40xf32, #tpu.memory_space<vmem>> -> memref<128x40xf32, #tpu.memory_space<vmem>>
        %dma_start3A_566 = arith.constant 0 : i32
        %dma_start3A_567 = tpu.memref_slice %arg7[%add3A_559, %dma_start3A_566] : memref<80x128xi32, #tpu.memory_space<vmem>> -> memref<1x128xi32, #tpu.memory_space<vmem>>
        %dma_start3A_568 = tpu.memref_squeeze %dma_start3A_567 : memref<1x128xi32, #tpu.memory_space<vmem>> -> memref<128xi32, #tpu.memory_space<vmem>>
        %dma_start3A_569 = arith.constant 0 : i32
        %dma_start3A_570 = arith.constant 0 : i32
        %dma_start3A_571 = tpu.memref_slice %arg2[%dma_start3A_569, %dma_start3A_570] : memref<10112x40xf32, #tpu.memory_space<hbm>> -> memref<10112x40xf32, #tpu.memory_space<hbm>>
        %dma_start3A_572 = tpu.memref_slice %arg11[%dma_start3A_561] : memref<8x!tpu.dma_semaphore, #tpu.memory_space<semaphore_mem>> -> memref<1x!tpu.dma_semaphore, #tpu.memory_space<semaphore_mem>>
        %dma_start3A_573 = tpu.memref_squeeze %dma_start3A_572 : memref<1x!tpu.dma_semaphore, #tpu.memory_space<semaphore_mem>> -> memref<!tpu.dma_semaphore, #tpu.memory_space<semaphore_mem>>
        tpu.enqueue_indirect_dma source(%dma_start3A_571 : memref<10112x40xf32, #tpu.memory_space<hbm>>) target(%dma_start3A_565 : memref<128x40xf32, #tpu.memory_space<vmem>>) offsets(%dma_start3A_568 : memref<128xi32, #tpu.memory_space<vmem>>) semaphore(%dma_start3A_573 : memref<!tpu.dma_semaphore, #tpu.memory_space<semaphore_mem>>)
      } else {
      }
      %add3A_489 = arith.constant 5 : i32
      %add3A_490 = arith.addi %add3A_137, %add3A_489 : i32
      %dma_wait3A_491 = arith.constant 5 : i32
      %dma_wait3A_492 = arith.constant 5 : i32
      %dma_wait3A_493 = arith.constant 0 : i32
      %dma_wait3A_494 = arith.constant 0 : i32
      %dma_wait3A_495 = tpu.memref_slice %arg9[%dma_wait3A_491, %dma_wait3A_493, %dma_wait3A_494] : memref<8x128x40xf32, #tpu.memory_space<vmem>> -> memref<1x128x40xf32, #tpu.memory_space<vmem>>
      %dma_wait3A_496 = tpu.memref_squeeze %dma_wait3A_495 : memref<1x128x40xf32, #tpu.memory_space<vmem>> -> memref<128x40xf32, #tpu.memory_space<vmem>>
      %dma_wait3A_497 = arith.constant 0 : i32
      %dma_wait3A_498 = tpu.memref_slice %arg8[%add3A_490, %dma_wait3A_497] : memref<80x128xi32, #tpu.memory_space<vmem>> -> memref<1x128xi32, #tpu.memory_space<vmem>>
      %dma_wait3A_499 = tpu.memref_squeeze %dma_wait3A_498 : memref<1x128xi32, #tpu.memory_space<vmem>> -> memref<128xi32, #tpu.memory_space<vmem>>
      %dma_wait3A_500 = arith.constant 0 : i32
      %dma_wait3A_501 = arith.constant 0 : i32
      %dma_wait3A_502 = tpu.memref_slice %arg10[%dma_wait3A_500, %dma_wait3A_501] : memref<10112x40xf32, #tpu.memory_space<vmem_shared>> -> memref<10112x40xf32, #tpu.memory_space<vmem_shared>>
      %dma_wait3A_503 = tpu.memref_slice %arg12[%dma_wait3A_492] : memref<8x!tpu.dma_semaphore, #tpu.memory_space<semaphore_mem>> -> memref<1x!tpu.dma_semaphore, #tpu.memory_space<semaphore_mem>>
      %dma_wait3A_504 = tpu.memref_squeeze %dma_wait3A_503 : memref<1x!tpu.dma_semaphore, #tpu.memory_space<semaphore_mem>> -> memref<!tpu.dma_semaphore, #tpu.memory_space<semaphore_mem>>
      tpu.wait_indirect_dma semaphore(%dma_wait3A_504 : memref<!tpu.dma_semaphore, #tpu.memory_space<semaphore_mem>>) src(%dma_wait3A_496 : memref<128x40xf32, #tpu.memory_space<vmem>>) dst(%dma_wait3A_502 : memref<10112x40xf32, #tpu.memory_space<vmem_shared>>)
      %add3A_505 = arith.constant 8 : i32
      %add3A_506 = arith.addi %add3A_490, %add3A_505 : i32
      %lt3A_507 = arith.constant 80 : i32
      %lt3A_508 = arith.cmpi slt, %add3A_506, %lt3A_507 : i32
      %convert_element_type3A_509 = arith.extui %lt3A_508 : i1 to i32
      %cond3A_510 = arith.constant 0 : i32
      %cond3A_511 = arith.cmpi ne, %convert_element_type3A_509, %cond3A_510 : i32
      scf.if %cond3A_511 {
        %add3A_558 = arith.constant 8 : i32
        %add3A_559 = arith.addi %add3A_490, %add3A_558 : i32
        %dma_start3A_560 = arith.constant 5 : i32
        %dma_start3A_561 = arith.constant 5 : i32
        %dma_start3A_562 = arith.constant 0 : i32
        %dma_start3A_563 = arith.constant 0 : i32
        %dma_start3A_564 = tpu.memref_slice %arg9[%dma_start3A_560, %dma_start3A_562, %dma_start3A_563] : memref<8x128x40xf32, #tpu.memory_space<vmem>> -> memref<1x128x40xf32, #tpu.memory_space<vmem>>
        %dma_start3A_565 = tpu.memref_squeeze %dma_start3A_564 : memref<1x128x40xf32, #tpu.memory_space<vmem>> -> memref<128x40xf32, #tpu.memory_space<vmem>>
        %dma_start3A_566 = arith.constant 0 : i32
        %dma_start3A_567 = tpu.memref_slice %arg7[%add3A_559, %dma_start3A_566] : memref<80x128xi32, #tpu.memory_space<vmem>> -> memref<1x128xi32, #tpu.memory_space<vmem>>
        %dma_start3A_568 = tpu.memref_squeeze %dma_start3A_567 : memref<1x128xi32, #tpu.memory_space<vmem>> -> memref<128xi32, #tpu.memory_space<vmem>>
        %dma_start3A_569 = arith.constant 0 : i32
        %dma_start3A_570 = arith.constant 0 : i32
        %dma_start3A_571 = tpu.memref_slice %arg2[%dma_start3A_569, %dma_start3A_570] : memref<10112x40xf32, #tpu.memory_space<hbm>> -> memref<10112x40xf32, #tpu.memory_space<hbm>>
        %dma_start3A_572 = tpu.memref_slice %arg11[%dma_start3A_561] : memref<8x!tpu.dma_semaphore, #tpu.memory_space<semaphore_mem>> -> memref<1x!tpu.dma_semaphore, #tpu.memory_space<semaphore_mem>>
        %dma_start3A_573 = tpu.memref_squeeze %dma_start3A_572 : memref<1x!tpu.dma_semaphore, #tpu.memory_space<semaphore_mem>> -> memref<!tpu.dma_semaphore, #tpu.memory_space<semaphore_mem>>
        tpu.enqueue_indirect_dma source(%dma_start3A_571 : memref<10112x40xf32, #tpu.memory_space<hbm>>) target(%dma_start3A_565 : memref<128x40xf32, #tpu.memory_space<vmem>>) offsets(%dma_start3A_568 : memref<128xi32, #tpu.memory_space<vmem>>) semaphore(%dma_start3A_573 : memref<!tpu.dma_semaphore, #tpu.memory_space<semaphore_mem>>)
      } else {
      }
      %add3A_512 = arith.constant 6 : i32
      %add3A_513 = arith.addi %add3A_137, %add3A_512 : i32
      %dma_wait3A_514 = arith.constant 6 : i32
      %dma_wait3A_515 = arith.constant 6 : i32
      %dma_wait3A_516 = arith.constant 0 : i32
      %dma_wait3A_517 = arith.constant 0 : i32
      %dma_wait3A_518 = tpu.memref_slice %arg9[%dma_wait3A_514, %dma_wait3A_516, %dma_wait3A_517] : memref<8x128x40xf32, #tpu.memory_space<vmem>> -> memref<1x128x40xf32, #tpu.memory_space<vmem>>
      %dma_wait3A_519 = tpu.memref_squeeze %dma_wait3A_518 : memref<1x128x40xf32, #tpu.memory_space<vmem>> -> memref<128x40xf32, #tpu.memory_space<vmem>>
      %dma_wait3A_520 = arith.constant 0 : i32
      %dma_wait3A_521 = tpu.memref_slice %arg8[%add3A_513, %dma_wait3A_520] : memref<80x128xi32, #tpu.memory_space<vmem>> -> memref<1x128xi32, #tpu.memory_space<vmem>>
      %dma_wait3A_522 = tpu.memref_squeeze %dma_wait3A_521 : memref<1x128xi32, #tpu.memory_space<vmem>> -> memref<128xi32, #tpu.memory_space<vmem>>
      %dma_wait3A_523 = arith.constant 0 : i32
      %dma_wait3A_524 = arith.constant 0 : i32
      %dma_wait3A_525 = tpu.memref_slice %arg10[%dma_wait3A_523, %dma_wait3A_524] : memref<10112x40xf32, #tpu.memory_space<vmem_shared>> -> memref<10112x40xf32, #tpu.memory_space<vmem_shared>>
      %dma_wait3A_526 = tpu.memref_slice %arg12[%dma_wait3A_515] : memref<8x!tpu.dma_semaphore, #tpu.memory_space<semaphore_mem>> -> memref<1x!tpu.dma_semaphore, #tpu.memory_space<semaphore_mem>>
      %dma_wait3A_527 = tpu.memref_squeeze %dma_wait3A_526 : memref<1x!tpu.dma_semaphore, #tpu.memory_space<semaphore_mem>> -> memref<!tpu.dma_semaphore, #tpu.memory_space<semaphore_mem>>
      tpu.wait_indirect_dma semaphore(%dma_wait3A_527 : memref<!tpu.dma_semaphore, #tpu.memory_space<semaphore_mem>>) src(%dma_wait3A_519 : memref<128x40xf32, #tpu.memory_space<vmem>>) dst(%dma_wait3A_525 : memref<10112x40xf32, #tpu.memory_space<vmem_shared>>)
      %add3A_528 = arith.constant 8 : i32
      %add3A_529 = arith.addi %add3A_513, %add3A_528 : i32
      %lt3A_530 = arith.constant 80 : i32
      %lt3A_531 = arith.cmpi slt, %add3A_529, %lt3A_530 : i32
      %convert_element_type3A_532 = arith.extui %lt3A_531 : i1 to i32
      %cond3A_533 = arith.constant 0 : i32
      %cond3A_534 = arith.cmpi ne, %convert_element_type3A_532, %cond3A_533 : i32
      scf.if %cond3A_534 {
        %add3A_558 = arith.constant 8 : i32
        %add3A_559 = arith.addi %add3A_513, %add3A_558 : i32
        %dma_start3A_560 = arith.constant 6 : i32
        %dma_start3A_561 = arith.constant 6 : i32
        %dma_start3A_562 = arith.constant 0 : i32
        %dma_start3A_563 = arith.constant 0 : i32
        %dma_start3A_564 = tpu.memref_slice %arg9[%dma_start3A_560, %dma_start3A_562, %dma_start3A_563] : memref<8x128x40xf32, #tpu.memory_space<vmem>> -> memref<1x128x40xf32, #tpu.memory_space<vmem>>
        %dma_start3A_565 = tpu.memref_squeeze %dma_start3A_564 : memref<1x128x40xf32, #tpu.memory_space<vmem>> -> memref<128x40xf32, #tpu.memory_space<vmem>>
        %dma_start3A_566 = arith.constant 0 : i32
        %dma_start3A_567 = tpu.memref_slice %arg7[%add3A_559, %dma_start3A_566] : memref<80x128xi32, #tpu.memory_space<vmem>> -> memref<1x128xi32, #tpu.memory_space<vmem>>
        %dma_start3A_568 = tpu.memref_squeeze %dma_start3A_567 : memref<1x128xi32, #tpu.memory_space<vmem>> -> memref<128xi32, #tpu.memory_space<vmem>>
        %dma_start3A_569 = arith.constant 0 : i32
        %dma_start3A_570 = arith.constant 0 : i32
        %dma_start3A_571 = tpu.memref_slice %arg2[%dma_start3A_569, %dma_start3A_570] : memref<10112x40xf32, #tpu.memory_space<hbm>> -> memref<10112x40xf32, #tpu.memory_space<hbm>>
        %dma_start3A_572 = tpu.memref_slice %arg11[%dma_start3A_561] : memref<8x!tpu.dma_semaphore, #tpu.memory_space<semaphore_mem>> -> memref<1x!tpu.dma_semaphore, #tpu.memory_space<semaphore_mem>>
        %dma_start3A_573 = tpu.memref_squeeze %dma_start3A_572 : memref<1x!tpu.dma_semaphore, #tpu.memory_space<semaphore_mem>> -> memref<!tpu.dma_semaphore, #tpu.memory_space<semaphore_mem>>
        tpu.enqueue_indirect_dma source(%dma_start3A_571 : memref<10112x40xf32, #tpu.memory_space<hbm>>) target(%dma_start3A_565 : memref<128x40xf32, #tpu.memory_space<vmem>>) offsets(%dma_start3A_568 : memref<128xi32, #tpu.memory_space<vmem>>) semaphore(%dma_start3A_573 : memref<!tpu.dma_semaphore, #tpu.memory_space<semaphore_mem>>)
      } else {
      }
      %add3A_535 = arith.constant 7 : i32
      %add3A_536 = arith.addi %add3A_137, %add3A_535 : i32
      %dma_wait3A_537 = arith.constant 7 : i32
      %dma_wait3A_538 = arith.constant 7 : i32
      %dma_wait3A_539 = arith.constant 0 : i32
      %dma_wait3A_540 = arith.constant 0 : i32
      %dma_wait3A_541 = tpu.memref_slice %arg9[%dma_wait3A_537, %dma_wait3A_539, %dma_wait3A_540] : memref<8x128x40xf32, #tpu.memory_space<vmem>> -> memref<1x128x40xf32, #tpu.memory_space<vmem>>
      %dma_wait3A_542 = tpu.memref_squeeze %dma_wait3A_541 : memref<1x128x40xf32, #tpu.memory_space<vmem>> -> memref<128x40xf32, #tpu.memory_space<vmem>>
      %dma_wait3A_543 = arith.constant 0 : i32
      %dma_wait3A_544 = tpu.memref_slice %arg8[%add3A_536, %dma_wait3A_543] : memref<80x128xi32, #tpu.memory_space<vmem>> -> memref<1x128xi32, #tpu.memory_space<vmem>>
      %dma_wait3A_545 = tpu.memref_squeeze %dma_wait3A_544 : memref<1x128xi32, #tpu.memory_space<vmem>> -> memref<128xi32, #tpu.memory_space<vmem>>
      %dma_wait3A_546 = arith.constant 0 : i32
      %dma_wait3A_547 = arith.constant 0 : i32
      %dma_wait3A_548 = tpu.memref_slice %arg10[%dma_wait3A_546, %dma_wait3A_547] : memref<10112x40xf32, #tpu.memory_space<vmem_shared>> -> memref<10112x40xf32, #tpu.memory_space<vmem_shared>>
      %dma_wait3A_549 = tpu.memref_slice %arg12[%dma_wait3A_538] : memref<8x!tpu.dma_semaphore, #tpu.memory_space<semaphore_mem>> -> memref<1x!tpu.dma_semaphore, #tpu.memory_space<semaphore_mem>>
      %dma_wait3A_550 = tpu.memref_squeeze %dma_wait3A_549 : memref<1x!tpu.dma_semaphore, #tpu.memory_space<semaphore_mem>> -> memref<!tpu.dma_semaphore, #tpu.memory_space<semaphore_mem>>
      tpu.wait_indirect_dma semaphore(%dma_wait3A_550 : memref<!tpu.dma_semaphore, #tpu.memory_space<semaphore_mem>>) src(%dma_wait3A_542 : memref<128x40xf32, #tpu.memory_space<vmem>>) dst(%dma_wait3A_548 : memref<10112x40xf32, #tpu.memory_space<vmem_shared>>)
      %add3A_551 = arith.constant 8 : i32
      %add3A_552 = arith.addi %add3A_536, %add3A_551 : i32
      %lt3A_553 = arith.constant 80 : i32
      %lt3A_554 = arith.cmpi slt, %add3A_552, %lt3A_553 : i32
      %convert_element_type3A_555 = arith.extui %lt3A_554 : i1 to i32
      %cond3A_556 = arith.constant 0 : i32
      %cond3A_557 = arith.cmpi ne, %convert_element_type3A_555, %cond3A_556 : i32
      scf.if %cond3A_557 {
        %add3A_558 = arith.constant 8 : i32
        %add3A_559 = arith.addi %add3A_536, %add3A_558 : i32
        %dma_start3A_560 = arith.constant 7 : i32
        %dma_start3A_561 = arith.constant 7 : i32
        %dma_start3A_562 = arith.constant 0 : i32
        %dma_start3A_563 = arith.constant 0 : i32
        %dma_start3A_564 = tpu.memref_slice %arg9[%dma_start3A_560, %dma_start3A_562, %dma_start3A_563] : memref<8x128x40xf32, #tpu.memory_space<vmem>> -> memref<1x128x40xf32, #tpu.memory_space<vmem>>
        %dma_start3A_565 = tpu.memref_squeeze %dma_start3A_564 : memref<1x128x40xf32, #tpu.memory_space<vmem>> -> memref<128x40xf32, #tpu.memory_space<vmem>>
        %dma_start3A_566 = arith.constant 0 : i32
        %dma_start3A_567 = tpu.memref_slice %arg7[%add3A_559, %dma_start3A_566] : memref<80x128xi32, #tpu.memory_space<vmem>> -> memref<1x128xi32, #tpu.memory_space<vmem>>
        %dma_start3A_568 = tpu.memref_squeeze %dma_start3A_567 : memref<1x128xi32, #tpu.memory_space<vmem>> -> memref<128xi32, #tpu.memory_space<vmem>>
        %dma_start3A_569 = arith.constant 0 : i32
        %dma_start3A_570 = arith.constant 0 : i32
        %dma_start3A_571 = tpu.memref_slice %arg2[%dma_start3A_569, %dma_start3A_570] : memref<10112x40xf32, #tpu.memory_space<hbm>> -> memref<10112x40xf32, #tpu.memory_space<hbm>>
        %dma_start3A_572 = tpu.memref_slice %arg11[%dma_start3A_561] : memref<8x!tpu.dma_semaphore, #tpu.memory_space<semaphore_mem>> -> memref<1x!tpu.dma_semaphore, #tpu.memory_space<semaphore_mem>>
        %dma_start3A_573 = tpu.memref_squeeze %dma_start3A_572 : memref<1x!tpu.dma_semaphore, #tpu.memory_space<semaphore_mem>> -> memref<!tpu.dma_semaphore, #tpu.memory_space<semaphore_mem>>
        tpu.enqueue_indirect_dma source(%dma_start3A_571 : memref<10112x40xf32, #tpu.memory_space<hbm>>) target(%dma_start3A_565 : memref<128x40xf32, #tpu.memory_space<vmem>>) offsets(%dma_start3A_568 : memref<128xi32, #tpu.memory_space<vmem>>) semaphore(%dma_start3A_573 : memref<!tpu.dma_semaphore, #tpu.memory_space<semaphore_mem>>)
      } else {
      }
    }
    %scan3A_127 = arith.constant 10 : i32
    %barrier3A_128 = arith.constant 0 : index
    tpu.barrier barrier_id(%barrier3A_128)
    %mul3A_129 = arith.constant 632 : i32
    %mul3A_130 = arith.muli %arg1, %mul3A_129 : i32
    %mul3A_131 = arith.constant 632 : i32
    %mul3A_132 = arith.muli %arg1, %mul3A_131 : i32
    "tpu.region"() ({
      %run_scoped3A = tpu.sem_alloc : memref<!tpu.dma_semaphore, #tpu.memory_space<semaphore_mem>>
      %dma_start3A_133 = arith.constant 0 : i32
      %dma_start3A_134 = tpu.memref_slice %arg6[%arg0, %mul3A_132, %dma_start3A_133] : memref<2x10112x40xf32, #tpu.memory_space<hbm>> -> memref<1x632x40xf32, #tpu.memory_space<hbm>>
      %dma_start3A_135 = tpu.memref_squeeze %dma_start3A_134 : memref<1x632x40xf32, #tpu.memory_space<hbm>> -> memref<632x40xf32, #tpu.memory_space<hbm>>
      %dma_start3A_136 = arith.constant 0 : i32
      %dma_start3A_137 = tpu.memref_slice %arg10[%mul3A_130, %dma_start3A_136] : memref<10112x40xf32, #tpu.memory_space<vmem_shared>> -> memref<632x40xf32, #tpu.memory_space<vmem_shared>>
      tpu.enqueue_dma source(%dma_start3A_137 : memref<632x40xf32, #tpu.memory_space<vmem_shared>>) target(%dma_start3A_135 : memref<632x40xf32, #tpu.memory_space<hbm>>) target_semaphore(%run_scoped3A : memref<!tpu.dma_semaphore, #tpu.memory_space<semaphore_mem>>)
      %dma_wait3A = arith.constant 0 : i32
      %dma_wait3A_138 = tpu.memref_slice %arg6[%arg0, %mul3A_132, %dma_wait3A] : memref<2x10112x40xf32, #tpu.memory_space<hbm>> -> memref<1x632x40xf32, #tpu.memory_space<hbm>>
      %dma_wait3A_139 = tpu.memref_squeeze %dma_wait3A_138 : memref<1x632x40xf32, #tpu.memory_space<hbm>> -> memref<632x40xf32, #tpu.memory_space<hbm>>
      %dma_wait3A_140 = arith.constant 0 : i32
      %dma_wait3A_141 = tpu.memref_slice %arg10[%mul3A_130, %dma_wait3A_140] : memref<10112x40xf32, #tpu.memory_space<vmem_shared>> -> memref<632x40xf32, #tpu.memory_space<vmem_shared>>
      tpu.wait_dma2 semaphore(%run_scoped3A : memref<!tpu.dma_semaphore, #tpu.memory_space<semaphore_mem>>) src(%dma_wait3A_141 : memref<632x40xf32, #tpu.memory_space<vmem_shared>>) dst(%dma_wait3A_139 : memref<632x40xf32, #tpu.memory_space<hbm>>)
      tpu.yield
    }) : () -> ()
    return
  }
}

#map = affine_map<(d0, d1) -> (0, 0, 0)>
module attributes {stable_mosaic.version = 14 : i64} {
  func.func @_deg_kernel(%arg0: i32, %arg1: i32, %arg2: memref<32x80x128xi32, #tpu.memory_space<hbm>>, %arg3: memref<32x80x128xi32, #tpu.memory_space<hbm>>, %arg4: memref<32x2x10112xf32, #tpu.memory_space<hbm>>, %arg5: memref<80x128xi32, #tpu.memory_space<vmem>>, %arg6: memref<80x128xi32, #tpu.memory_space<vmem>>, %arg7: memref<10112xf32, #tpu.memory_space<vmem>>, %arg8: memref<10112xf32, #tpu.memory_space<vmem>>) attributes {dimension_semantics = [#tpu.dimension_semantics<core_parallel>, #tpu.dimension_semantics<subcore_parallel>], iteration_bounds = array<i64: 2, 16>, scalar_prefetch = 0 : i64, scratch_operands = 4 : i64, tpu.core_type = #tpu.core_type<sc_vector_subcore>, window_params = [{transform_indices = #map}, {transform_indices = #map}, {transform_indices = #map}]} {
    %mul3A = arith.constant 16 : i32
    %mul3A_0 = arith.muli %arg0, %mul3A : i32
    %add3A = arith.addi %mul3A_0, %arg1 : i32
    "tpu.region"() ({
      %run_scoped3A_14 = tpu.sem_alloc : memref<!tpu.dma_semaphore, #tpu.memory_space<semaphore_mem>>
      %dma_start3A = arith.constant 0 : i32
      %dma_start3A_15 = arith.constant 0 : i32
      %dma_start3A_16 = tpu.memref_slice %arg2[%add3A, %dma_start3A, %dma_start3A_15] : memref<32x80x128xi32, #tpu.memory_space<hbm>> -> memref<1x80x128xi32, #tpu.memory_space<hbm>>
      %dma_start3A_17 = tpu.memref_squeeze %dma_start3A_16 : memref<1x80x128xi32, #tpu.memory_space<hbm>> -> memref<80x128xi32, #tpu.memory_space<hbm>>
      %dma_start3A_18 = arith.constant 0 : i32
      %dma_start3A_19 = arith.constant 0 : i32
      %dma_start3A_20 = tpu.memref_slice %arg2[%add3A, %dma_start3A_18, %dma_start3A_19] : memref<32x80x128xi32, #tpu.memory_space<hbm>> -> memref<1x80x128xi32, #tpu.memory_space<hbm>>
      %dma_start3A_21 = tpu.memref_squeeze %dma_start3A_20 : memref<1x80x128xi32, #tpu.memory_space<hbm>> -> memref<80x128xi32, #tpu.memory_space<hbm>>
      tpu.enqueue_dma source(%dma_start3A_21 : memref<80x128xi32, #tpu.memory_space<hbm>>) target(%arg5 : memref<80x128xi32, #tpu.memory_space<vmem>>) target_semaphore(%run_scoped3A_14 : memref<!tpu.dma_semaphore, #tpu.memory_space<semaphore_mem>>)
      %dma_wait3A = arith.constant 0 : i32
      %dma_wait3A_22 = arith.constant 0 : i32
      %dma_wait3A_23 = tpu.memref_slice %arg2[%add3A, %dma_wait3A, %dma_wait3A_22] : memref<32x80x128xi32, #tpu.memory_space<hbm>> -> memref<1x80x128xi32, #tpu.memory_space<hbm>>
      %dma_wait3A_24 = tpu.memref_squeeze %dma_wait3A_23 : memref<1x80x128xi32, #tpu.memory_space<hbm>> -> memref<80x128xi32, #tpu.memory_space<hbm>>
      %dma_wait3A_25 = arith.constant 0 : i32
      %dma_wait3A_26 = arith.constant 0 : i32
      %dma_wait3A_27 = tpu.memref_slice %arg2[%add3A, %dma_wait3A_25, %dma_wait3A_26] : memref<32x80x128xi32, #tpu.memory_space<hbm>> -> memref<1x80x128xi32, #tpu.memory_space<hbm>>
      %dma_wait3A_28 = tpu.memref_squeeze %dma_wait3A_27 : memref<1x80x128xi32, #tpu.memory_space<hbm>> -> memref<80x128xi32, #tpu.memory_space<hbm>>
      tpu.wait_dma2 semaphore(%run_scoped3A_14 : memref<!tpu.dma_semaphore, #tpu.memory_space<semaphore_mem>>) src(%dma_wait3A_28 : memref<80x128xi32, #tpu.memory_space<hbm>>) dst(%arg5 : memref<80x128xi32, #tpu.memory_space<vmem>>)
      tpu.yield
    }) : () -> ()
    "tpu.region"() ({
      %run_scoped3A_14 = tpu.sem_alloc : memref<!tpu.dma_semaphore, #tpu.memory_space<semaphore_mem>>
      %dma_start3A = arith.constant 0 : i32
      %dma_start3A_15 = arith.constant 0 : i32
      %dma_start3A_16 = tpu.memref_slice %arg3[%add3A, %dma_start3A, %dma_start3A_15] : memref<32x80x128xi32, #tpu.memory_space<hbm>> -> memref<1x80x128xi32, #tpu.memory_space<hbm>>
      %dma_start3A_17 = tpu.memref_squeeze %dma_start3A_16 : memref<1x80x128xi32, #tpu.memory_space<hbm>> -> memref<80x128xi32, #tpu.memory_space<hbm>>
      %dma_start3A_18 = arith.constant 0 : i32
      %dma_start3A_19 = arith.constant 0 : i32
      %dma_start3A_20 = tpu.memref_slice %arg3[%add3A, %dma_start3A_18, %dma_start3A_19] : memref<32x80x128xi32, #tpu.memory_space<hbm>> -> memref<1x80x128xi32, #tpu.memory_space<hbm>>
      %dma_start3A_21 = tpu.memref_squeeze %dma_start3A_20 : memref<1x80x128xi32, #tpu.memory_space<hbm>> -> memref<80x128xi32, #tpu.memory_space<hbm>>
      tpu.enqueue_dma source(%dma_start3A_21 : memref<80x128xi32, #tpu.memory_space<hbm>>) target(%arg6 : memref<80x128xi32, #tpu.memory_space<vmem>>) target_semaphore(%run_scoped3A_14 : memref<!tpu.dma_semaphore, #tpu.memory_space<semaphore_mem>>)
      %dma_wait3A = arith.constant 0 : i32
      %dma_wait3A_22 = arith.constant 0 : i32
      %dma_wait3A_23 = tpu.memref_slice %arg3[%add3A, %dma_wait3A, %dma_wait3A_22] : memref<32x80x128xi32, #tpu.memory_space<hbm>> -> memref<1x80x128xi32, #tpu.memory_space<hbm>>
      %dma_wait3A_24 = tpu.memref_squeeze %dma_wait3A_23 : memref<1x80x128xi32, #tpu.memory_space<hbm>> -> memref<80x128xi32, #tpu.memory_space<hbm>>
      %dma_wait3A_25 = arith.constant 0 : i32
      %dma_wait3A_26 = arith.constant 0 : i32
      %dma_wait3A_27 = tpu.memref_slice %arg3[%add3A, %dma_wait3A_25, %dma_wait3A_26] : memref<32x80x128xi32, #tpu.memory_space<hbm>> -> memref<1x80x128xi32, #tpu.memory_space<hbm>>
      %dma_wait3A_28 = tpu.memref_squeeze %dma_wait3A_27 : memref<1x80x128xi32, #tpu.memory_space<hbm>> -> memref<80x128xi32, #tpu.memory_space<hbm>>
      tpu.wait_dma2 semaphore(%run_scoped3A_14 : memref<!tpu.dma_semaphore, #tpu.memory_space<semaphore_mem>>) src(%dma_wait3A_28 : memref<80x128xi32, #tpu.memory_space<hbm>>) dst(%arg6 : memref<80x128xi32, #tpu.memory_space<vmem>>)
      tpu.yield
    }) : () -> ()
    %broadcast_in_dim3A = arith.constant 0.000000e+00 : f32
    %broadcast_in_dim3A_1 = vector.broadcast %broadcast_in_dim3A : f32 to vector<16xf32>
    %scan3A = arith.constant 0 : i32
    %scan3A_2 = arith.constant 632 : i32
    %scan3A_3 = arith.addi %scan3A, %scan3A_2 : i32
    %scan3A_4 = arith.constant 1 : i32
    scf.for %scan3A_14 = %scan3A to %scan3A_3 step %scan3A_4  : i32 {
      %mul3A_15 = arith.constant 1 : i32
      %mul3A_16 = arith.muli %scan3A_14, %mul3A_15 : i32
      %add3A_17 = arith.constant 0 : i32
      %add3A_18 = arith.addi %add3A_17, %mul3A_16 : i32
      %mul3A_19 = arith.constant 16 : i32
      %mul3A_20 = arith.muli %add3A_18, %mul3A_19 : i32
      %swap3A = arith.index_cast %mul3A_20 : i32 to index
      %swap3A_21 = tpu.vector_load %arg7[%swap3A] {strides = array<i32>} : memref<10112xf32, #tpu.memory_space<vmem>>, vector<16xf32>,
      tpu.vector_store %arg7[%swap3A], %broadcast_in_dim3A_1 {strides = array<i32>} : memref<10112xf32, #tpu.memory_space<vmem>>, vector<16xf32>,
      %mul3A_22 = arith.constant 16 : i32
      %mul3A_23 = arith.muli %add3A_18, %mul3A_22 : i32
      %swap3A_24 = arith.index_cast %mul3A_23 : i32 to index
      %swap3A_25 = tpu.vector_load %arg8[%swap3A_24] {strides = array<i32>} : memref<10112xf32, #tpu.memory_space<vmem>>, vector<16xf32>,
      tpu.vector_store %arg8[%swap3A_24], %broadcast_in_dim3A_1 {strides = array<i32>} : memref<10112xf32, #tpu.memory_space<vmem>>, vector<16xf32>,
    }
    %scan3A_5 = arith.constant 632 : i32
    %broadcast_in_dim3A_6 = arith.constant 1.000000e+00 : f32
    %broadcast_in_dim3A_7 = vector.broadcast %broadcast_in_dim3A_6 : f32 to vector<16xf32>
    %scan3A_8 = arith.constant 0 : i32
    %scan3A_9 = arith.constant 80 : i32
    %scan3A_10 = arith.addi %scan3A_8, %scan3A_9 : i32
    %scan3A_11 = arith.constant 1 : i32
    scf.for %scan3A_14 = %scan3A_8 to %scan3A_10 step %scan3A_11  : i32 {
      %mul3A_15 = arith.constant 1 : i32
      %mul3A_16 = arith.muli %scan3A_14, %mul3A_15 : i32
      %add3A_17 = arith.constant 0 : i32
      %add3A_18 = arith.addi %add3A_17, %mul3A_16 : i32
      %get3A = arith.index_cast %add3A_18 : i32 to index
      %get3A_19 = arith.constant 0 : index
      %get3A_20 = tpu.vector_load %arg5[%get3A, %get3A_19] {strides = array<i32>} : memref<80x128xi32, #tpu.memory_space<vmem>>, vector<16xi32>,
      tpu.vector_store_idx %arg7[%get3A_20], %broadcast_in_dim3A_7 {add = true} : memref<10112xf32, #tpu.memory_space<vmem>>[vector<16xi32>], vector<16xf32>,
      %get3A_21 = arith.index_cast %add3A_18 : i32 to index
      %get3A_22 = arith.constant 0 : index
      %get3A_23 = tpu.vector_load %arg6[%get3A_21, %get3A_22] {strides = array<i32>} : memref<80x128xi32, #tpu.memory_space<vmem>>, vector<16xi32>,
      tpu.vector_store_idx %arg8[%get3A_23], %broadcast_in_dim3A_7 {add = true} : memref<10112xf32, #tpu.memory_space<vmem>>[vector<16xi32>], vector<16xf32>,
      %get3A_24 = arith.index_cast %add3A_18 : i32 to index
      %get3A_25 = arith.constant 16 : index
      %get3A_26 = tpu.vector_load %arg5[%get3A_24, %get3A_25] {strides = array<i32>} : memref<80x128xi32, #tpu.memory_space<vmem>>, vector<16xi32>,
      tpu.vector_store_idx %arg7[%get3A_26], %broadcast_in_dim3A_7 {add = true} : memref<10112xf32, #tpu.memory_space<vmem>>[vector<16xi32>], vector<16xf32>,
      %get3A_27 = arith.index_cast %add3A_18 : i32 to index
      %get3A_28 = arith.constant 16 : index
      %get3A_29 = tpu.vector_load %arg6[%get3A_27, %get3A_28] {strides = array<i32>} : memref<80x128xi32, #tpu.memory_space<vmem>>, vector<16xi32>,
      tpu.vector_store_idx %arg8[%get3A_29], %broadcast_in_dim3A_7 {add = true} : memref<10112xf32, #tpu.memory_space<vmem>>[vector<16xi32>], vector<16xf32>,
      %get3A_30 = arith.index_cast %add3A_18 : i32 to index
      %get3A_31 = arith.constant 32 : index
      %get3A_32 = tpu.vector_load %arg5[%get3A_30, %get3A_31] {strides = array<i32>} : memref<80x128xi32, #tpu.memory_space<vmem>>, vector<16xi32>,
      tpu.vector_store_idx %arg7[%get3A_32], %broadcast_in_dim3A_7 {add = true} : memref<10112xf32, #tpu.memory_space<vmem>>[vector<16xi32>], vector<16xf32>,
      %get3A_33 = arith.index_cast %add3A_18 : i32 to index
      %get3A_34 = arith.constant 32 : index
      %get3A_35 = tpu.vector_load %arg6[%get3A_33, %get3A_34] {strides = array<i32>} : memref<80x128xi32, #tpu.memory_space<vmem>>, vector<16xi32>,
      tpu.vector_store_idx %arg8[%get3A_35], %broadcast_in_dim3A_7 {add = true} : memref<10112xf32, #tpu.memory_space<vmem>>[vector<16xi32>], vector<16xf32>,
      %get3A_36 = arith.index_cast %add3A_18 : i32 to index
      %get3A_37 = arith.constant 48 : index
      %get3A_38 = tpu.vector_load %arg5[%get3A_36, %get3A_37] {strides = array<i32>} : memref<80x128xi32, #tpu.memory_space<vmem>>, vector<16xi32>,
      tpu.vector_store_idx %arg7[%get3A_38], %broadcast_in_dim3A_7 {add = true} : memref<10112xf32, #tpu.memory_space<vmem>>[vector<16xi32>], vector<16xf32>,
      %get3A_39 = arith.index_cast %add3A_18 : i32 to index
      %get3A_40 = arith.constant 48 : index
      %get3A_41 = tpu.vector_load %arg6[%get3A_39, %get3A_40] {strides = array<i32>} : memref<80x128xi32, #tpu.memory_space<vmem>>, vector<16xi32>,
      tpu.vector_store_idx %arg8[%get3A_41], %broadcast_in_dim3A_7 {add = true} : memref<10112xf32, #tpu.memory_space<vmem>>[vector<16xi32>], vector<16xf32>,
      %get3A_42 = arith.index_cast %add3A_18 : i32 to index
      %get3A_43 = arith.constant 64 : index
      %get3A_44 = tpu.vector_load %arg5[%get3A_42, %get3A_43] {strides = array<i32>} : memref<80x128xi32, #tpu.memory_space<vmem>>, vector<16xi32>,
      tpu.vector_store_idx %arg7[%get3A_44], %broadcast_in_dim3A_7 {add = true} : memref<10112xf32, #tpu.memory_space<vmem>>[vector<16xi32>], vector<16xf32>,
      %get3A_45 = arith.index_cast %add3A_18 : i32 to index
      %get3A_46 = arith.constant 64 : index
      %get3A_47 = tpu.vector_load %arg6[%get3A_45, %get3A_46] {strides = array<i32>} : memref<80x128xi32, #tpu.memory_space<vmem>>, vector<16xi32>,
      tpu.vector_store_idx %arg8[%get3A_47], %broadcast_in_dim3A_7 {add = true} : memref<10112xf32, #tpu.memory_space<vmem>>[vector<16xi32>], vector<16xf32>,
      %get3A_48 = arith.index_cast %add3A_18 : i32 to index
      %get3A_49 = arith.constant 80 : index
      %get3A_50 = tpu.vector_load %arg5[%get3A_48, %get3A_49] {strides = array<i32>} : memref<80x128xi32, #tpu.memory_space<vmem>>, vector<16xi32>,
      tpu.vector_store_idx %arg7[%get3A_50], %broadcast_in_dim3A_7 {add = true} : memref<10112xf32, #tpu.memory_space<vmem>>[vector<16xi32>], vector<16xf32>,
      %get3A_51 = arith.index_cast %add3A_18 : i32 to index
      %get3A_52 = arith.constant 80 : index
      %get3A_53 = tpu.vector_load %arg6[%get3A_51, %get3A_52] {strides = array<i32>} : memref<80x128xi32, #tpu.memory_space<vmem>>, vector<16xi32>,
      tpu.vector_store_idx %arg8[%get3A_53], %broadcast_in_dim3A_7 {add = true} : memref<10112xf32, #tpu.memory_space<vmem>>[vector<16xi32>], vector<16xf32>,
      %get3A_54 = arith.index_cast %add3A_18 : i32 to index
      %get3A_55 = arith.constant 96 : index
      %get3A_56 = tpu.vector_load %arg5[%get3A_54, %get3A_55] {strides = array<i32>} : memref<80x128xi32, #tpu.memory_space<vmem>>, vector<16xi32>,
      tpu.vector_store_idx %arg7[%get3A_56], %broadcast_in_dim3A_7 {add = true} : memref<10112xf32, #tpu.memory_space<vmem>>[vector<16xi32>], vector<16xf32>,
      %get3A_57 = arith.index_cast %add3A_18 : i32 to index
      %get3A_58 = arith.constant 96 : index
      %get3A_59 = tpu.vector_load %arg6[%get3A_57, %get3A_58] {strides = array<i32>} : memref<80x128xi32, #tpu.memory_space<vmem>>, vector<16xi32>,
      tpu.vector_store_idx %arg8[%get3A_59], %broadcast_in_dim3A_7 {add = true} : memref<10112xf32, #tpu.memory_space<vmem>>[vector<16xi32>], vector<16xf32>,
      %get3A_60 = arith.index_cast %add3A_18 : i32 to index
      %get3A_61 = arith.constant 112 : index
      %get3A_62 = tpu.vector_load %arg5[%get3A_60, %get3A_61] {strides = array<i32>} : memref<80x128xi32, #tpu.memory_space<vmem>>, vector<16xi32>,
      tpu.vector_store_idx %arg7[%get3A_62], %broadcast_in_dim3A_7 {add = true} : memref<10112xf32, #tpu.memory_space<vmem>>[vector<16xi32>], vector<16xf32>,
      %get3A_63 = arith.index_cast %add3A_18 : i32 to index
      %get3A_64 = arith.constant 112 : index
      %get3A_65 = tpu.vector_load %arg6[%get3A_63, %get3A_64] {strides = array<i32>} : memref<80x128xi32, #tpu.memory_space<vmem>>, vector<16xi32>,
      tpu.vector_store_idx %arg8[%get3A_65], %broadcast_in_dim3A_7 {add = true} : memref<10112xf32, #tpu.memory_space<vmem>>[vector<16xi32>], vector<16xf32>,
    }
    %scan3A_12 = arith.constant 80 : i32
    %run_scoped3A = arith.constant 0 : i32
    "tpu.region"() ({
      %run_scoped3A_14 = tpu.sem_alloc : memref<!tpu.dma_semaphore, #tpu.memory_space<semaphore_mem>>
      %dma_start3A = arith.constant 0 : i32
      %dma_start3A_15 = tpu.memref_slice %arg4[%add3A, %run_scoped3A, %dma_start3A] : memref<32x2x10112xf32, #tpu.memory_space<hbm>> -> memref<1x1x10112xf32, #tpu.memory_space<hbm>>
      %dma_start3A_16 = tpu.memref_squeeze %dma_start3A_15 : memref<1x1x10112xf32, #tpu.memory_space<hbm>> -> memref<10112xf32, #tpu.memory_space<hbm>>
      %dma_start3A_17 = arith.constant 0 : i32
      %dma_start3A_18 = tpu.memref_slice %arg4[%add3A, %run_scoped3A, %dma_start3A_17] : memref<32x2x10112xf32, #tpu.memory_space<hbm>> -> memref<1x1x10112xf32, #tpu.memory_space<hbm>>
      %dma_start3A_19 = tpu.memref_squeeze %dma_start3A_18 : memref<1x1x10112xf32, #tpu.memory_space<hbm>> -> memref<10112xf32, #tpu.memory_space<hbm>>
      tpu.enqueue_dma source(%arg7 : memref<10112xf32, #tpu.memory_space<vmem>>) target(%dma_start3A_19 : memref<10112xf32, #tpu.memory_space<hbm>>) target_semaphore(%run_scoped3A_14 : memref<!tpu.dma_semaphore, #tpu.memory_space<semaphore_mem>>)
      %dma_wait3A = arith.constant 0 : i32
      %dma_wait3A_20 = tpu.memref_slice %arg4[%add3A, %run_scoped3A, %dma_wait3A] : memref<32x2x10112xf32, #tpu.memory_space<hbm>> -> memref<1x1x10112xf32, #tpu.memory_space<hbm>>
      %dma_wait3A_21 = tpu.memref_squeeze %dma_wait3A_20 : memref<1x1x10112xf32, #tpu.memory_space<hbm>> -> memref<10112xf32, #tpu.memory_space<hbm>>
      %dma_wait3A_22 = arith.constant 0 : i32
      %dma_wait3A_23 = tpu.memref_slice %arg4[%add3A, %run_scoped3A, %dma_wait3A_22] : memref<32x2x10112xf32, #tpu.memory_space<hbm>> -> memref<1x1x10112xf32, #tpu.memory_space<hbm>>
      %dma_wait3A_24 = tpu.memref_squeeze %dma_wait3A_23 : memref<1x1x10112xf32, #tpu.memory_space<hbm>> -> memref<10112xf32, #tpu.memory_space<hbm>>
      tpu.wait_dma2 semaphore(%run_scoped3A_14 : memref<!tpu.dma_semaphore, #tpu.memory_space<semaphore_mem>>) src(%arg7 : memref<10112xf32, #tpu.memory_space<vmem>>) dst(%dma_wait3A_24 : memref<10112xf32, #tpu.memory_space<hbm>>)
      tpu.yield
    }) : () -> ()
    %run_scoped3A_13 = arith.constant 1 : i32
    "tpu.region"() ({
      %run_scoped3A_14 = tpu.sem_alloc : memref<!tpu.dma_semaphore, #tpu.memory_space<semaphore_mem>>
      %dma_start3A = arith.constant 0 : i32
      %dma_start3A_15 = tpu.memref_slice %arg4[%add3A, %run_scoped3A_13, %dma_start3A] : memref<32x2x10112xf32, #tpu.memory_space<hbm>> -> memref<1x1x10112xf32, #tpu.memory_space<hbm>>
      %dma_start3A_16 = tpu.memref_squeeze %dma_start3A_15 : memref<1x1x10112xf32, #tpu.memory_space<hbm>> -> memref<10112xf32, #tpu.memory_space<hbm>>
      %dma_start3A_17 = arith.constant 0 : i32
      %dma_start3A_18 = tpu.memref_slice %arg4[%add3A, %run_scoped3A_13, %dma_start3A_17] : memref<32x2x10112xf32, #tpu.memory_space<hbm>> -> memref<1x1x10112xf32, #tpu.memory_space<hbm>>
      %dma_start3A_19 = tpu.memref_squeeze %dma_start3A_18 : memref<1x1x10112xf32, #tpu.memory_space<hbm>> -> memref<10112xf32, #tpu.memory_space<hbm>>
      tpu.enqueue_dma source(%arg8 : memref<10112xf32, #tpu.memory_space<vmem>>) target(%dma_start3A_19 : memref<10112xf32, #tpu.memory_space<hbm>>) target_semaphore(%run_scoped3A_14 : memref<!tpu.dma_semaphore, #tpu.memory_space<semaphore_mem>>)
      %dma_wait3A = arith.constant 0 : i32
      %dma_wait3A_20 = tpu.memref_slice %arg4[%add3A, %run_scoped3A_13, %dma_wait3A] : memref<32x2x10112xf32, #tpu.memory_space<hbm>> -> memref<1x1x10112xf32, #tpu.memory_space<hbm>>
      %dma_wait3A_21 = tpu.memref_squeeze %dma_wait3A_20 : memref<1x1x10112xf32, #tpu.memory_space<hbm>> -> memref<10112xf32, #tpu.memory_space<hbm>>
      %dma_wait3A_22 = arith.constant 0 : i32
      %dma_wait3A_23 = tpu.memref_slice %arg4[%add3A, %run_scoped3A_13, %dma_wait3A_22] : memref<32x2x10112xf32, #tpu.memory_space<hbm>> -> memref<1x1x10112xf32, #tpu.memory_space<hbm>>
      %dma_wait3A_24 = tpu.memref_squeeze %dma_wait3A_23 : memref<1x1x10112xf32, #tpu.memory_space<hbm>> -> memref<10112xf32, #tpu.memory_space<hbm>>
      tpu.wait_dma2 semaphore(%run_scoped3A_14 : memref<!tpu.dma_semaphore, #tpu.memory_space<semaphore_mem>>) src(%arg8 : memref<10112xf32, #tpu.memory_space<vmem>>) dst(%dma_wait3A_24 : memref<10112xf32, #tpu.memory_space<hbm>>)
      tpu.yield
    }) : () -> ()
    return
  }
}

#map = affine_map<(d0, d1) -> (0, 0)>
#map1 = affine_map<(d0, d1) -> (0, 0, 0)>
module attributes {stable_mosaic.version = 14 : i64} {
  func.func @_spmv_kernel(%arg0: i32, %arg1: i32, %arg2: memref<10112x40xf32, #tpu.memory_space<hbm>>, %arg3: memref<32x80x128xi32, #tpu.memory_space<hbm>>, %arg4: memref<32x80x128xi32, #tpu.memory_space<hbm>>, %arg5: memref<10112x40xf32, #tpu.memory_space<hbm>>, %arg6: memref<2x10112x40xf32, #tpu.memory_space<hbm>>, %arg7: memref<80x128xi32, #tpu.memory_space<vmem>>, %arg8: memref<80x128xi32, #tpu.memory_space<vmem>>, %arg9: memref<8x128x40xf32, #tpu.memory_space<vmem>>, %arg10: memref<10112x40xf32, #tpu.memory_space<vmem_shared>>, %arg11: memref<8x!tpu.dma_semaphore, #tpu.memory_space<semaphore_mem>>, %arg12: memref<8x!tpu.dma_semaphore, #tpu.memory_space<semaphore_mem>>) attributes {dimension_semantics = [#tpu.dimension_semantics<core_parallel>, #tpu.dimension_semantics<subcore_parallel>], iteration_bounds = array<i64: 2, 16>, scalar_prefetch = 0 : i64, scratch_operands = 6 : i64, tpu.core_type = #tpu.core_type<sc_vector_subcore>, window_params = [{transform_indices = #map}, {transform_indices = #map1}, {transform_indices = #map1}, {transform_indices = #map}, {transform_indices = #map1}]} {
    %mul3A = arith.constant 16 : i32
    %mul3A_0 = arith.muli %arg0, %mul3A : i32
    %add3A = arith.addi %mul3A_0, %arg1 : i32
    "tpu.region"() ({
      %run_scoped3A = tpu.sem_alloc : memref<!tpu.dma_semaphore, #tpu.memory_space<semaphore_mem>>
      %dma_start3A_133 = arith.constant 0 : i32
      %dma_start3A_134 = arith.constant 0 : i32
      %dma_start3A_135 = tpu.memref_slice %arg3[%add3A, %dma_start3A_133, %dma_start3A_134] : memref<32x80x128xi32, #tpu.memory_space<hbm>> -> memref<1x80x128xi32, #tpu.memory_space<hbm>>
      %dma_start3A_136 = tpu.memref_squeeze %dma_start3A_135 : memref<1x80x128xi32, #tpu.memory_space<hbm>> -> memref<80x128xi32, #tpu.memory_space<hbm>>
      %dma_start3A_137 = arith.constant 0 : i32
      %dma_start3A_138 = arith.constant 0 : i32
      %dma_start3A_139 = tpu.memref_slice %arg3[%add3A, %dma_start3A_137, %dma_start3A_138] : memref<32x80x128xi32, #tpu.memory_space<hbm>> -> memref<1x80x128xi32, #tpu.memory_space<hbm>>
      %dma_start3A_140 = tpu.memref_squeeze %dma_start3A_139 : memref<1x80x128xi32, #tpu.memory_space<hbm>> -> memref<80x128xi32, #tpu.memory_space<hbm>>
      tpu.enqueue_dma source(%dma_start3A_140 : memref<80x128xi32, #tpu.memory_space<hbm>>) target(%arg7 : memref<80x128xi32, #tpu.memory_space<vmem>>) target_semaphore(%run_scoped3A : memref<!tpu.dma_semaphore, #tpu.memory_space<semaphore_mem>>)
      %dma_wait3A = arith.constant 0 : i32
      %dma_wait3A_141 = arith.constant 0 : i32
      %dma_wait3A_142 = tpu.memref_slice %arg3[%add3A, %dma_wait3A, %dma_wait3A_141] : memref<32x80x128xi32, #tpu.memory_space<hbm>> -> memref<1x80x128xi32, #tpu.memory_space<hbm>>
      %dma_wait3A_143 = tpu.memref_squeeze %dma_wait3A_142 : memref<1x80x128xi32, #tpu.memory_space<hbm>> -> memref<80x128xi32, #tpu.memory_space<hbm>>
      %dma_wait3A_144 = arith.constant 0 : i32
      %dma_wait3A_145 = arith.constant 0 : i32
      %dma_wait3A_146 = tpu.memref_slice %arg3[%add3A, %dma_wait3A_144, %dma_wait3A_145] : memref<32x80x128xi32, #tpu.memory_space<hbm>> -> memref<1x80x128xi32, #tpu.memory_space<hbm>>
      %dma_wait3A_147 = tpu.memref_squeeze %dma_wait3A_146 : memref<1x80x128xi32, #tpu.memory_space<hbm>> -> memref<80x128xi32, #tpu.memory_space<hbm>>
      tpu.wait_dma2 semaphore(%run_scoped3A : memref<!tpu.dma_semaphore, #tpu.memory_space<semaphore_mem>>) src(%dma_wait3A_147 : memref<80x128xi32, #tpu.memory_space<hbm>>) dst(%arg7 : memref<80x128xi32, #tpu.memory_space<vmem>>)
      tpu.yield
    }) : () -> ()
    "tpu.region"() ({
      %run_scoped3A = tpu.sem_alloc : memref<!tpu.dma_semaphore, #tpu.memory_space<semaphore_mem>>
      %dma_start3A_133 = arith.constant 0 : i32
      %dma_start3A_134 = arith.constant 0 : i32
      %dma_start3A_135 = tpu.memref_slice %arg4[%add3A, %dma_start3A_133, %dma_start3A_134] : memref<32x80x128xi32, #tpu.memory_space<hbm>> -> memref<1x80x128xi32, #tpu.memory_space<hbm>>
      %dma_start3A_136 = tpu.memref_squeeze %dma_start3A_135 : memref<1x80x128xi32, #tpu.memory_space<hbm>> -> memref<80x128xi32, #tpu.memory_space<hbm>>
      %dma_start3A_137 = arith.constant 0 : i32
      %dma_start3A_138 = arith.constant 0 : i32
      %dma_start3A_139 = tpu.memref_slice %arg4[%add3A, %dma_start3A_137, %dma_start3A_138] : memref<32x80x128xi32, #tpu.memory_space<hbm>> -> memref<1x80x128xi32, #tpu.memory_space<hbm>>
      %dma_start3A_140 = tpu.memref_squeeze %dma_start3A_139 : memref<1x80x128xi32, #tpu.memory_space<hbm>> -> memref<80x128xi32, #tpu.memory_space<hbm>>
      tpu.enqueue_dma source(%dma_start3A_140 : memref<80x128xi32, #tpu.memory_space<hbm>>) target(%arg8 : memref<80x128xi32, #tpu.memory_space<vmem>>) target_semaphore(%run_scoped3A : memref<!tpu.dma_semaphore, #tpu.memory_space<semaphore_mem>>)
      %dma_wait3A = arith.constant 0 : i32
      %dma_wait3A_141 = arith.constant 0 : i32
      %dma_wait3A_142 = tpu.memref_slice %arg4[%add3A, %dma_wait3A, %dma_wait3A_141] : memref<32x80x128xi32, #tpu.memory_space<hbm>> -> memref<1x80x128xi32, #tpu.memory_space<hbm>>
      %dma_wait3A_143 = tpu.memref_squeeze %dma_wait3A_142 : memref<1x80x128xi32, #tpu.memory_space<hbm>> -> memref<80x128xi32, #tpu.memory_space<hbm>>
      %dma_wait3A_144 = arith.constant 0 : i32
      %dma_wait3A_145 = arith.constant 0 : i32
      %dma_wait3A_146 = tpu.memref_slice %arg4[%add3A, %dma_wait3A_144, %dma_wait3A_145] : memref<32x80x128xi32, #tpu.memory_space<hbm>> -> memref<1x80x128xi32, #tpu.memory_space<hbm>>
      %dma_wait3A_147 = tpu.memref_squeeze %dma_wait3A_146 : memref<1x80x128xi32, #tpu.memory_space<hbm>> -> memref<80x128xi32, #tpu.memory_space<hbm>>
      tpu.wait_dma2 semaphore(%run_scoped3A : memref<!tpu.dma_semaphore, #tpu.memory_space<semaphore_mem>>) src(%dma_wait3A_147 : memref<80x128xi32, #tpu.memory_space<hbm>>) dst(%arg8 : memref<80x128xi32, #tpu.memory_space<vmem>>)
      tpu.yield
    }) : () -> ()
    %mul3A_1 = arith.constant 632 : i32
    %mul3A_2 = arith.muli %arg1, %mul3A_1 : i32
    %mul3A_3 = arith.constant 632 : i32
    %mul3A_4 = arith.muli %arg1, %mul3A_3 : i32
    "tpu.region"() ({
      %run_scoped3A = tpu.sem_alloc : memref<!tpu.dma_semaphore, #tpu.memory_space<semaphore_mem>>
      %dma_start3A_133 = arith.constant 0 : i32
      %dma_start3A_134 = tpu.memref_slice %arg10[%mul3A_4, %dma_start3A_133] : memref<10112x40xf32, #tpu.memory_space<vmem_shared>> -> memref<632x40xf32, #tpu.memory_space<vmem_shared>>
      %dma_start3A_135 = arith.constant 0 : i32
      %dma_start3A_136 = tpu.memref_slice %arg5[%mul3A_2, %dma_start3A_135] : memref<10112x40xf32, #tpu.memory_space<hbm>> -> memref<632x40xf32, #tpu.memory_space<hbm>>
      tpu.enqueue_dma source(%dma_start3A_136 : memref<632x40xf32, #tpu.memory_space<hbm>>) target(%dma_start3A_134 : memref<632x40xf32, #tpu.memory_space<vmem_shared>>) target_semaphore(%run_scoped3A : memref<!tpu.dma_semaphore, #tpu.memory_space<semaphore_mem>>)
      %dma_wait3A = arith.constant 0 : i32
      %dma_wait3A_137 = tpu.memref_slice %arg10[%mul3A_4, %dma_wait3A] : memref<10112x40xf32, #tpu.memory_space<vmem_shared>> -> memref<632x40xf32, #tpu.memory_space<vmem_shared>>
      %dma_wait3A_138 = arith.constant 0 : i32
      %dma_wait3A_139 = tpu.memref_slice %arg5[%mul3A_2, %dma_wait3A_138] : memref<10112x40xf32, #tpu.memory_space<hbm>> -> memref<632x40xf32, #tpu.memory_space<hbm>>
      tpu.wait_dma2 semaphore(%run_scoped3A : memref<!tpu.dma_semaphore, #tpu.memory_space<semaphore_mem>>) src(%dma_wait3A_139 : memref<632x40xf32, #tpu.memory_space<hbm>>) dst(%dma_wait3A_137 : memref<632x40xf32, #tpu.memory_space<vmem_shared>>)
      tpu.yield
    }) : () -> ()
    %barrier3A = arith.constant 0 : index
    tpu.barrier barrier_id(%barrier3A)
    %dma_start3A = arith.constant 0 : i32
    %dma_start3A_5 = arith.constant 0 : i32
    %dma_start3A_6 = arith.constant 0 : i32
    %dma_start3A_7 = arith.constant 0 : i32
    %dma_start3A_8 = arith.constant 0 : i32
    %dma_start3A_9 = tpu.memref_slice %arg9[%dma_start3A_5, %dma_start3A_7, %dma_start3A_8] : memref<8x128x40xf32, #tpu.memory_space<vmem>> -> memref<1x128x40xf32, #tpu.memory_space<vmem>>
    %dma_start3A_10 = tpu.memref_squeeze %dma_start3A_9 : memref<1x128x40xf32, #tpu.memory_space<vmem>> -> memref<128x40xf32, #tpu.memory_space<vmem>>
    %dma_start3A_11 = arith.constant 0 : i32
    %dma_start3A_12 = tpu.memref_slice %arg7[%dma_start3A, %dma_start3A_11] : memref<80x128xi32, #tpu.memory_space<vmem>> -> memref<1x128xi32, #tpu.memory_space<vmem>>
    %dma_start3A_13 = tpu.memref_squeeze %dma_start3A_12 : memref<1x128xi32, #tpu.memory_space<vmem>> -> memref<128xi32, #tpu.memory_space<vmem>>
    %dma_start3A_14 = arith.constant 0 : i32
    %dma_start3A_15 = arith.constant 0 : i32
    %dma_start3A_16 = tpu.memref_slice %arg2[%dma_start3A_14, %dma_start3A_15] : memref<10112x40xf32, #tpu.memory_space<hbm>> -> memref<10112x40xf32, #tpu.memory_space<hbm>>
    %dma_start3A_17 = tpu.memref_slice %arg11[%dma_start3A_6] : memref<8x!tpu.dma_semaphore, #tpu.memory_space<semaphore_mem>> -> memref<1x!tpu.dma_semaphore, #tpu.memory_space<semaphore_mem>>
    %dma_start3A_18 = tpu.memref_squeeze %dma_start3A_17 : memref<1x!tpu.dma_semaphore, #tpu.memory_space<semaphore_mem>> -> memref<!tpu.dma_semaphore, #tpu.memory_space<semaphore_mem>>
    tpu.enqueue_indirect_dma source(%dma_start3A_16 : memref<10112x40xf32, #tpu.memory_space<hbm>>) target(%dma_start3A_10 : memref<128x40xf32, #tpu.memory_space<vmem>>) offsets(%dma_start3A_13 : memref<128xi32, #tpu.memory_space<vmem>>) semaphore(%dma_start3A_18 : memref<!tpu.dma_semaphore, #tpu.memory_space<semaphore_mem>>)
    %dma_start3A_19 = arith.constant 1 : i32
    %dma_start3A_20 = arith.constant 1 : i32
    %dma_start3A_21 = arith.constant 1 : i32
    %dma_start3A_22 = arith.constant 0 : i32
    %dma_start3A_23 = arith.constant 0 : i32
    %dma_start3A_24 = tpu.memref_slice %arg9[%dma_start3A_20, %dma_start3A_22, %dma_start3A_23] : memref<8x128x40xf32, #tpu.memory_space<vmem>> -> memref<1x128x40xf32, #tpu.memory_space<vmem>>
    %dma_start3A_25 = tpu.memref_squeeze %dma_start3A_24 : memref<1x128x40xf32, #tpu.memory_space<vmem>> -> memref<128x40xf32, #tpu.memory_space<vmem>>
    %dma_start3A_26 = arith.constant 0 : i32
    %dma_start3A_27 = tpu.memref_slice %arg7[%dma_start3A_19, %dma_start3A_26] : memref<80x128xi32, #tpu.memory_space<vmem>> -> memref<1x128xi32, #tpu.memory_space<vmem>>
    %dma_start3A_28 = tpu.memref_squeeze %dma_start3A_27 : memref<1x128xi32, #tpu.memory_space<vmem>> -> memref<128xi32, #tpu.memory_space<vmem>>
    %dma_start3A_29 = arith.constant 0 : i32
    %dma_start3A_30 = arith.constant 0 : i32
    %dma_start3A_31 = tpu.memref_slice %arg2[%dma_start3A_29, %dma_start3A_30] : memref<10112x40xf32, #tpu.memory_space<hbm>> -> memref<10112x40xf32, #tpu.memory_space<hbm>>
    %dma_start3A_32 = tpu.memref_slice %arg11[%dma_start3A_21] : memref<8x!tpu.dma_semaphore, #tpu.memory_space<semaphore_mem>> -> memref<1x!tpu.dma_semaphore, #tpu.memory_space<semaphore_mem>>
    %dma_start3A_33 = tpu.memref_squeeze %dma_start3A_32 : memref<1x!tpu.dma_semaphore, #tpu.memory_space<semaphore_mem>> -> memref<!tpu.dma_semaphore, #tpu.memory_space<semaphore_mem>>
    tpu.enqueue_indirect_dma source(%dma_start3A_31 : memref<10112x40xf32, #tpu.memory_space<hbm>>) target(%dma_start3A_25 : memref<128x40xf32, #tpu.memory_space<vmem>>) offsets(%dma_start3A_28 : memref<128xi32, #tpu.memory_space<vmem>>) semaphore(%dma_start3A_33 : memref<!tpu.dma_semaphore, #tpu.memory_space<semaphore_mem>>)
    %dma_start3A_34 = arith.constant 2 : i32
    %dma_start3A_35 = arith.constant 2 : i32
    %dma_start3A_36 = arith.constant 2 : i32
    %dma_start3A_37 = arith.constant 0 : i32
    %dma_start3A_38 = arith.constant 0 : i32
    %dma_start3A_39 = tpu.memref_slice %arg9[%dma_start3A_35, %dma_start3A_37, %dma_start3A_38] : memref<8x128x40xf32, #tpu.memory_space<vmem>> -> memref<1x128x40xf32, #tpu.memory_space<vmem>>
    %dma_start3A_40 = tpu.memref_squeeze %dma_start3A_39 : memref<1x128x40xf32, #tpu.memory_space<vmem>> -> memref<128x40xf32, #tpu.memory_space<vmem>>
    %dma_start3A_41 = arith.constant 0 : i32
    %dma_start3A_42 = tpu.memref_slice %arg7[%dma_start3A_34, %dma_start3A_41] : memref<80x128xi32, #tpu.memory_space<vmem>> -> memref<1x128xi32, #tpu.memory_space<vmem>>
    %dma_start3A_43 = tpu.memref_squeeze %dma_start3A_42 : memref<1x128xi32, #tpu.memory_space<vmem>> -> memref<128xi32, #tpu.memory_space<vmem>>
    %dma_start3A_44 = arith.constant 0 : i32
    %dma_start3A_45 = arith.constant 0 : i32
    %dma_start3A_46 = tpu.memref_slice %arg2[%dma_start3A_44, %dma_start3A_45] : memref<10112x40xf32, #tpu.memory_space<hbm>> -> memref<10112x40xf32, #tpu.memory_space<hbm>>
    %dma_start3A_47 = tpu.memref_slice %arg11[%dma_start3A_36] : memref<8x!tpu.dma_semaphore, #tpu.memory_space<semaphore_mem>> -> memref<1x!tpu.dma_semaphore, #tpu.memory_space<semaphore_mem>>
    %dma_start3A_48 = tpu.memref_squeeze %dma_start3A_47 : memref<1x!tpu.dma_semaphore, #tpu.memory_space<semaphore_mem>> -> memref<!tpu.dma_semaphore, #tpu.memory_space<semaphore_mem>>
    tpu.enqueue_indirect_dma source(%dma_start3A_46 : memref<10112x40xf32, #tpu.memory_space<hbm>>) target(%dma_start3A_40 : memref<128x40xf32, #tpu.memory_space<vmem>>) offsets(%dma_start3A_43 : memref<128xi32, #tpu.memory_space<vmem>>) semaphore(%dma_start3A_48 : memref<!tpu.dma_semaphore, #tpu.memory_space<semaphore_mem>>)
    %dma_start3A_49 = arith.constant 3 : i32
    %dma_start3A_50 = arith.constant 3 : i32
    %dma_start3A_51 = arith.constant 3 : i32
    %dma_start3A_52 = arith.constant 0 : i32
    %dma_start3A_53 = arith.constant 0 : i32
    %dma_start3A_54 = tpu.memref_slice %arg9[%dma_start3A_50, %dma_start3A_52, %dma_start3A_53] : memref<8x128x40xf32, #tpu.memory_space<vmem>> -> memref<1x128x40xf32, #tpu.memory_space<vmem>>
    %dma_start3A_55 = tpu.memref_squeeze %dma_start3A_54 : memref<1x128x40xf32, #tpu.memory_space<vmem>> -> memref<128x40xf32, #tpu.memory_space<vmem>>
    %dma_start3A_56 = arith.constant 0 : i32
    %dma_start3A_57 = tpu.memref_slice %arg7[%dma_start3A_49, %dma_start3A_56] : memref<80x128xi32, #tpu.memory_space<vmem>> -> memref<1x128xi32, #tpu.memory_space<vmem>>
    %dma_start3A_58 = tpu.memref_squeeze %dma_start3A_57 : memref<1x128xi32, #tpu.memory_space<vmem>> -> memref<128xi32, #tpu.memory_space<vmem>>
    %dma_start3A_59 = arith.constant 0 : i32
    %dma_start3A_60 = arith.constant 0 : i32
    %dma_start3A_61 = tpu.memref_slice %arg2[%dma_start3A_59, %dma_start3A_60] : memref<10112x40xf32, #tpu.memory_space<hbm>> -> memref<10112x40xf32, #tpu.memory_space<hbm>>
    %dma_start3A_62 = tpu.memref_slice %arg11[%dma_start3A_51] : memref<8x!tpu.dma_semaphore, #tpu.memory_space<semaphore_mem>> -> memref<1x!tpu.dma_semaphore, #tpu.memory_space<semaphore_mem>>
    %dma_start3A_63 = tpu.memref_squeeze %dma_start3A_62 : memref<1x!tpu.dma_semaphore, #tpu.memory_space<semaphore_mem>> -> memref<!tpu.dma_semaphore, #tpu.memory_space<semaphore_mem>>
    tpu.enqueue_indirect_dma source(%dma_start3A_61 : memref<10112x40xf32, #tpu.memory_space<hbm>>) target(%dma_start3A_55 : memref<128x40xf32, #tpu.memory_space<vmem>>) offsets(%dma_start3A_58 : memref<128xi32, #tpu.memory_space<vmem>>) semaphore(%dma_start3A_63 : memref<!tpu.dma_semaphore, #tpu.memory_space<semaphore_mem>>)
    %dma_start3A_64 = arith.constant 4 : i32
    %dma_start3A_65 = arith.constant 4 : i32
    %dma_start3A_66 = arith.constant 4 : i32
    %dma_start3A_67 = arith.constant 0 : i32
    %dma_start3A_68 = arith.constant 0 : i32
    %dma_start3A_69 = tpu.memref_slice %arg9[%dma_start3A_65, %dma_start3A_67, %dma_start3A_68] : memref<8x128x40xf32, #tpu.memory_space<vmem>> -> memref<1x128x40xf32, #tpu.memory_space<vmem>>
    %dma_start3A_70 = tpu.memref_squeeze %dma_start3A_69 : memref<1x128x40xf32, #tpu.memory_space<vmem>> -> memref<128x40xf32, #tpu.memory_space<vmem>>
    %dma_start3A_71 = arith.constant 0 : i32
    %dma_start3A_72 = tpu.memref_slice %arg7[%dma_start3A_64, %dma_start3A_71] : memref<80x128xi32, #tpu.memory_space<vmem>> -> memref<1x128xi32, #tpu.memory_space<vmem>>
    %dma_start3A_73 = tpu.memref_squeeze %dma_start3A_72 : memref<1x128xi32, #tpu.memory_space<vmem>> -> memref<128xi32, #tpu.memory_space<vmem>>
    %dma_start3A_74 = arith.constant 0 : i32
    %dma_start3A_75 = arith.constant 0 : i32
    %dma_start3A_76 = tpu.memref_slice %arg2[%dma_start3A_74, %dma_start3A_75] : memref<10112x40xf32, #tpu.memory_space<hbm>> -> memref<10112x40xf32, #tpu.memory_space<hbm>>
    %dma_start3A_77 = tpu.memref_slice %arg11[%dma_start3A_66] : memref<8x!tpu.dma_semaphore, #tpu.memory_space<semaphore_mem>> -> memref<1x!tpu.dma_semaphore, #tpu.memory_space<semaphore_mem>>
    %dma_start3A_78 = tpu.memref_squeeze %dma_start3A_77 : memref<1x!tpu.dma_semaphore, #tpu.memory_space<semaphore_mem>> -> memref<!tpu.dma_semaphore, #tpu.memory_space<semaphore_mem>>
    tpu.enqueue_indirect_dma source(%dma_start3A_76 : memref<10112x40xf32, #tpu.memory_space<hbm>>) target(%dma_start3A_70 : memref<128x40xf32, #tpu.memory_space<vmem>>) offsets(%dma_start3A_73 : memref<128xi32, #tpu.memory_space<vmem>>) semaphore(%dma_start3A_78 : memref<!tpu.dma_semaphore, #tpu.memory_space<semaphore_mem>>)
    %dma_start3A_79 = arith.constant 5 : i32
    %dma_start3A_80 = arith.constant 5 : i32
    %dma_start3A_81 = arith.constant 5 : i32
    %dma_start3A_82 = arith.constant 0 : i32
    %dma_start3A_83 = arith.constant 0 : i32
    %dma_start3A_84 = tpu.memref_slice %arg9[%dma_start3A_80, %dma_start3A_82, %dma_start3A_83] : memref<8x128x40xf32, #tpu.memory_space<vmem>> -> memref<1x128x40xf32, #tpu.memory_space<vmem>>
    %dma_start3A_85 = tpu.memref_squeeze %dma_start3A_84 : memref<1x128x40xf32, #tpu.memory_space<vmem>> -> memref<128x40xf32, #tpu.memory_space<vmem>>
    %dma_start3A_86 = arith.constant 0 : i32
    %dma_start3A_87 = tpu.memref_slice %arg7[%dma_start3A_79, %dma_start3A_86] : memref<80x128xi32, #tpu.memory_space<vmem>> -> memref<1x128xi32, #tpu.memory_space<vmem>>
    %dma_start3A_88 = tpu.memref_squeeze %dma_start3A_87 : memref<1x128xi32, #tpu.memory_space<vmem>> -> memref<128xi32, #tpu.memory_space<vmem>>
    %dma_start3A_89 = arith.constant 0 : i32
    %dma_start3A_90 = arith.constant 0 : i32
    %dma_start3A_91 = tpu.memref_slice %arg2[%dma_start3A_89, %dma_start3A_90] : memref<10112x40xf32, #tpu.memory_space<hbm>> -> memref<10112x40xf32, #tpu.memory_space<hbm>>
    %dma_start3A_92 = tpu.memref_slice %arg11[%dma_start3A_81] : memref<8x!tpu.dma_semaphore, #tpu.memory_space<semaphore_mem>> -> memref<1x!tpu.dma_semaphore, #tpu.memory_space<semaphore_mem>>
    %dma_start3A_93 = tpu.memref_squeeze %dma_start3A_92 : memref<1x!tpu.dma_semaphore, #tpu.memory_space<semaphore_mem>> -> memref<!tpu.dma_semaphore, #tpu.memory_space<semaphore_mem>>
    tpu.enqueue_indirect_dma source(%dma_start3A_91 : memref<10112x40xf32, #tpu.memory_space<hbm>>) target(%dma_start3A_85 : memref<128x40xf32, #tpu.memory_space<vmem>>) offsets(%dma_start3A_88 : memref<128xi32, #tpu.memory_space<vmem>>) semaphore(%dma_start3A_93 : memref<!tpu.dma_semaphore, #tpu.memory_space<semaphore_mem>>)
    %dma_start3A_94 = arith.constant 6 : i32
    %dma_start3A_95 = arith.constant 6 : i32
    %dma_start3A_96 = arith.constant 6 : i32
    %dma_start3A_97 = arith.constant 0 : i32
    %dma_start3A_98 = arith.constant 0 : i32
    %dma_start3A_99 = tpu.memref_slice %arg9[%dma_start3A_95, %dma_start3A_97, %dma_start3A_98] : memref<8x128x40xf32, #tpu.memory_space<vmem>> -> memref<1x128x40xf32, #tpu.memory_space<vmem>>
    %dma_start3A_100 = tpu.memref_squeeze %dma_start3A_99 : memref<1x128x40xf32, #tpu.memory_space<vmem>> -> memref<128x40xf32, #tpu.memory_space<vmem>>
    %dma_start3A_101 = arith.constant 0 : i32
    %dma_start3A_102 = tpu.memref_slice %arg7[%dma_start3A_94, %dma_start3A_101] : memref<80x128xi32, #tpu.memory_space<vmem>> -> memref<1x128xi32, #tpu.memory_space<vmem>>
    %dma_start3A_103 = tpu.memref_squeeze %dma_start3A_102 : memref<1x128xi32, #tpu.memory_space<vmem>> -> memref<128xi32, #tpu.memory_space<vmem>>
    %dma_start3A_104 = arith.constant 0 : i32
    %dma_start3A_105 = arith.constant 0 : i32
    %dma_start3A_106 = tpu.memref_slice %arg2[%dma_start3A_104, %dma_start3A_105] : memref<10112x40xf32, #tpu.memory_space<hbm>> -> memref<10112x40xf32, #tpu.memory_space<hbm>>
    %dma_start3A_107 = tpu.memref_slice %arg11[%dma_start3A_96] : memref<8x!tpu.dma_semaphore, #tpu.memory_space<semaphore_mem>> -> memref<1x!tpu.dma_semaphore, #tpu.memory_space<semaphore_mem>>
    %dma_start3A_108 = tpu.memref_squeeze %dma_start3A_107 : memref<1x!tpu.dma_semaphore, #tpu.memory_space<semaphore_mem>> -> memref<!tpu.dma_semaphore, #tpu.memory_space<semaphore_mem>>
    tpu.enqueue_indirect_dma source(%dma_start3A_106 : memref<10112x40xf32, #tpu.memory_space<hbm>>) target(%dma_start3A_100 : memref<128x40xf32, #tpu.memory_space<vmem>>) offsets(%dma_start3A_103 : memref<128xi32, #tpu.memory_space<vmem>>) semaphore(%dma_start3A_108 : memref<!tpu.dma_semaphore, #tpu.memory_space<semaphore_mem>>)
    %dma_start3A_109 = arith.constant 7 : i32
    %dma_start3A_110 = arith.constant 7 : i32
    %dma_start3A_111 = arith.constant 7 : i32
    %dma_start3A_112 = arith.constant 0 : i32
    %dma_start3A_113 = arith.constant 0 : i32
    %dma_start3A_114 = tpu.memref_slice %arg9[%dma_start3A_110, %dma_start3A_112, %dma_start3A_113] : memref<8x128x40xf32, #tpu.memory_space<vmem>> -> memref<1x128x40xf32, #tpu.memory_space<vmem>>
    %dma_start3A_115 = tpu.memref_squeeze %dma_start3A_114 : memref<1x128x40xf32, #tpu.memory_space<vmem>> -> memref<128x40xf32, #tpu.memory_space<vmem>>
    %dma_start3A_116 = arith.constant 0 : i32
    %dma_start3A_117 = tpu.memref_slice %arg7[%dma_start3A_109, %dma_start3A_116] : memref<80x128xi32, #tpu.memory_space<vmem>> -> memref<1x128xi32, #tpu.memory_space<vmem>>
    %dma_start3A_118 = tpu.memref_squeeze %dma_start3A_117 : memref<1x128xi32, #tpu.memory_space<vmem>> -> memref<128xi32, #tpu.memory_space<vmem>>
    %dma_start3A_119 = arith.constant 0 : i32
    %dma_start3A_120 = arith.constant 0 : i32
    %dma_start3A_121 = tpu.memref_slice %arg2[%dma_start3A_119, %dma_start3A_120] : memref<10112x40xf32, #tpu.memory_space<hbm>> -> memref<10112x40xf32, #tpu.memory_space<hbm>>
    %dma_start3A_122 = tpu.memref_slice %arg11[%dma_start3A_111] : memref<8x!tpu.dma_semaphore, #tpu.memory_space<semaphore_mem>> -> memref<1x!tpu.dma_semaphore, #tpu.memory_space<semaphore_mem>>
    %dma_start3A_123 = tpu.memref_squeeze %dma_start3A_122 : memref<1x!tpu.dma_semaphore, #tpu.memory_space<semaphore_mem>> -> memref<!tpu.dma_semaphore, #tpu.memory_space<semaphore_mem>>
    tpu.enqueue_indirect_dma source(%dma_start3A_121 : memref<10112x40xf32, #tpu.memory_space<hbm>>) target(%dma_start3A_115 : memref<128x40xf32, #tpu.memory_space<vmem>>) offsets(%dma_start3A_118 : memref<128xi32, #tpu.memory_space<vmem>>) semaphore(%dma_start3A_123 : memref<!tpu.dma_semaphore, #tpu.memory_space<semaphore_mem>>)
    %scan3A = arith.constant 0 : i32
    %scan3A_124 = arith.constant 10 : i32
    %scan3A_125 = arith.addi %scan3A, %scan3A_124 : i32
    %scan3A_126 = arith.constant 1 : i32
    scf.for %scan3A_133 = %scan3A to %scan3A_125 step %scan3A_126  : i32 {
      %mul3A_134 = arith.constant 8 : i32
      %mul3A_135 = arith.muli %scan3A_133, %mul3A_134 : i32
      %add3A_136 = arith.constant 0 : i32
      %add3A_137 = arith.addi %add3A_136, %mul3A_135 : i32
      %add3A_138 = arith.constant 0 : i32
      %add3A_139 = arith.addi %add3A_137, %add3A_138 : i32
      %dma_wait3A = arith.constant 0 : i32
      %dma_wait3A_140 = arith.constant 0 : i32
      %dma_wait3A_141 = arith.constant 0 : i32
      %dma_wait3A_142 = arith.constant 0 : i32
      %dma_wait3A_143 = tpu.memref_slice %arg9[%dma_wait3A, %dma_wait3A_141, %dma_wait3A_142] : memref<8x128x40xf32, #tpu.memory_space<vmem>> -> memref<1x128x40xf32, #tpu.memory_space<vmem>>
      %dma_wait3A_144 = tpu.memref_squeeze %dma_wait3A_143 : memref<1x128x40xf32, #tpu.memory_space<vmem>> -> memref<128x40xf32, #tpu.memory_space<vmem>>
      %dma_wait3A_145 = arith.constant 0 : i32
      %dma_wait3A_146 = tpu.memref_slice %arg7[%add3A_139, %dma_wait3A_145] : memref<80x128xi32, #tpu.memory_space<vmem>> -> memref<1x128xi32, #tpu.memory_space<vmem>>
      %dma_wait3A_147 = tpu.memref_squeeze %dma_wait3A_146 : memref<1x128xi32, #tpu.memory_space<vmem>> -> memref<128xi32, #tpu.memory_space<vmem>>
      %dma_wait3A_148 = arith.constant 0 : i32
      %dma_wait3A_149 = arith.constant 0 : i32
      %dma_wait3A_150 = tpu.memref_slice %arg2[%dma_wait3A_148, %dma_wait3A_149] : memref<10112x40xf32, #tpu.memory_space<hbm>> -> memref<10112x40xf32, #tpu.memory_space<hbm>>
      %dma_wait3A_151 = tpu.memref_slice %arg11[%dma_wait3A_140] : memref<8x!tpu.dma_semaphore, #tpu.memory_space<semaphore_mem>> -> memref<1x!tpu.dma_semaphore, #tpu.memory_space<semaphore_mem>>
      %dma_wait3A_152 = tpu.memref_squeeze %dma_wait3A_151 : memref<1x!tpu.dma_semaphore, #tpu.memory_space<semaphore_mem>> -> memref<!tpu.dma_semaphore, #tpu.memory_space<semaphore_mem>>
      tpu.wait_indirect_dma semaphore(%dma_wait3A_152 : memref<!tpu.dma_semaphore, #tpu.memory_space<semaphore_mem>>) src(%dma_wait3A_150 : memref<10112x40xf32, #tpu.memory_space<hbm>>) dst(%dma_wait3A_144 : memref<128x40xf32, #tpu.memory_space<vmem>>)
      %dma_start3A_153 = arith.constant 0 : i32
      %dma_start3A_154 = arith.constant 0 : i32
      %dma_start3A_155 = arith.constant 0 : i32
      %dma_start3A_156 = arith.constant 0 : i32
      %dma_start3A_157 = tpu.memref_slice %arg9[%dma_start3A_153, %dma_start3A_155, %dma_start3A_156] : memref<8x128x40xf32, #tpu.memory_space<vmem>> -> memref<1x128x40xf32, #tpu.memory_space<vmem>>
      %dma_start3A_158 = tpu.memref_squeeze %dma_start3A_157 : memref<1x128x40xf32, #tpu.memory_space<vmem>> -> memref<128x40xf32, #tpu.memory_space<vmem>>
      %dma_start3A_159 = arith.constant 0 : i32
      %dma_start3A_160 = tpu.memref_slice %arg8[%add3A_139, %dma_start3A_159] : memref<80x128xi32, #tpu.memory_space<vmem>> -> memref<1x128xi32, #tpu.memory_space<vmem>>
      %dma_start3A_161 = tpu.memref_squeeze %dma_start3A_160 : memref<1x128xi32, #tpu.memory_space<vmem>> -> memref<128xi32, #tpu.memory_space<vmem>>
      %dma_start3A_162 = arith.constant 0 : i32
      %dma_start3A_163 = arith.constant 0 : i32
      %dma_start3A_164 = tpu.memref_slice %arg10[%dma_start3A_162, %dma_start3A_163] : memref<10112x40xf32, #tpu.memory_space<vmem_shared>> -> memref<10112x40xf32, #tpu.memory_space<vmem_shared>>
      %dma_start3A_165 = tpu.memref_slice %arg12[%dma_start3A_154] : memref<8x!tpu.dma_semaphore, #tpu.memory_space<semaphore_mem>> -> memref<1x!tpu.dma_semaphore, #tpu.memory_space<semaphore_mem>>
      %dma_start3A_166 = tpu.memref_squeeze %dma_start3A_165 : memref<1x!tpu.dma_semaphore, #tpu.memory_space<semaphore_mem>> -> memref<!tpu.dma_semaphore, #tpu.memory_space<semaphore_mem>>
      tpu.enqueue_indirect_dma source(%dma_start3A_158 : memref<128x40xf32, #tpu.memory_space<vmem>>) target(%dma_start3A_164 : memref<10112x40xf32, #tpu.memory_space<vmem_shared>>) offsets(%dma_start3A_161 : memref<128xi32, #tpu.memory_space<vmem>>) semaphore(%dma_start3A_166 : memref<!tpu.dma_semaphore, #tpu.memory_space<semaphore_mem>>) {add = true}
      %add3A_167 = arith.constant 1 : i32
      %add3A_168 = arith.addi %add3A_137, %add3A_167 : i32
      %dma_wait3A_169 = arith.constant 1 : i32
      %dma_wait3A_170 = arith.constant 1 : i32
      %dma_wait3A_171 = arith.constant 0 : i32
      %dma_wait3A_172 = arith.constant 0 : i32
      %dma_wait3A_173 = tpu.memref_slice %arg9[%dma_wait3A_169, %dma_wait3A_171, %dma_wait3A_172] : memref<8x128x40xf32, #tpu.memory_space<vmem>> -> memref<1x128x40xf32, #tpu.memory_space<vmem>>
      %dma_wait3A_174 = tpu.memref_squeeze %dma_wait3A_173 : memref<1x128x40xf32, #tpu.memory_space<vmem>> -> memref<128x40xf32, #tpu.memory_space<vmem>>
      %dma_wait3A_175 = arith.constant 0 : i32
      %dma_wait3A_176 = tpu.memref_slice %arg7[%add3A_168, %dma_wait3A_175] : memref<80x128xi32, #tpu.memory_space<vmem>> -> memref<1x128xi32, #tpu.memory_space<vmem>>
      %dma_wait3A_177 = tpu.memref_squeeze %dma_wait3A_176 : memref<1x128xi32, #tpu.memory_space<vmem>> -> memref<128xi32, #tpu.memory_space<vmem>>
      %dma_wait3A_178 = arith.constant 0 : i32
      %dma_wait3A_179 = arith.constant 0 : i32
      %dma_wait3A_180 = tpu.memref_slice %arg2[%dma_wait3A_178, %dma_wait3A_179] : memref<10112x40xf32, #tpu.memory_space<hbm>> -> memref<10112x40xf32, #tpu.memory_space<hbm>>
      %dma_wait3A_181 = tpu.memref_slice %arg11[%dma_wait3A_170] : memref<8x!tpu.dma_semaphore, #tpu.memory_space<semaphore_mem>> -> memref<1x!tpu.dma_semaphore, #tpu.memory_space<semaphore_mem>>
      %dma_wait3A_182 = tpu.memref_squeeze %dma_wait3A_181 : memref<1x!tpu.dma_semaphore, #tpu.memory_space<semaphore_mem>> -> memref<!tpu.dma_semaphore, #tpu.memory_space<semaphore_mem>>
      tpu.wait_indirect_dma semaphore(%dma_wait3A_182 : memref<!tpu.dma_semaphore, #tpu.memory_space<semaphore_mem>>) src(%dma_wait3A_180 : memref<10112x40xf32, #tpu.memory_space<hbm>>) dst(%dma_wait3A_174 : memref<128x40xf32, #tpu.memory_space<vmem>>)
      %dma_start3A_183 = arith.constant 1 : i32
      %dma_start3A_184 = arith.constant 1 : i32
      %dma_start3A_185 = arith.constant 0 : i32
      %dma_start3A_186 = arith.constant 0 : i32
      %dma_start3A_187 = tpu.memref_slice %arg9[%dma_start3A_183, %dma_start3A_185, %dma_start3A_186] : memref<8x128x40xf32, #tpu.memory_space<vmem>> -> memref<1x128x40xf32, #tpu.memory_space<vmem>>
      %dma_start3A_188 = tpu.memref_squeeze %dma_start3A_187 : memref<1x128x40xf32, #tpu.memory_space<vmem>> -> memref<128x40xf32, #tpu.memory_space<vmem>>
      %dma_start3A_189 = arith.constant 0 : i32
      %dma_start3A_190 = tpu.memref_slice %arg8[%add3A_168, %dma_start3A_189] : memref<80x128xi32, #tpu.memory_space<vmem>> -> memref<1x128xi32, #tpu.memory_space<vmem>>
      %dma_start3A_191 = tpu.memref_squeeze %dma_start3A_190 : memref<1x128xi32, #tpu.memory_space<vmem>> -> memref<128xi32, #tpu.memory_space<vmem>>
      %dma_start3A_192 = arith.constant 0 : i32
      %dma_start3A_193 = arith.constant 0 : i32
      %dma_start3A_194 = tpu.memref_slice %arg10[%dma_start3A_192, %dma_start3A_193] : memref<10112x40xf32, #tpu.memory_space<vmem_shared>> -> memref<10112x40xf32, #tpu.memory_space<vmem_shared>>
      %dma_start3A_195 = tpu.memref_slice %arg12[%dma_start3A_184] : memref<8x!tpu.dma_semaphore, #tpu.memory_space<semaphore_mem>> -> memref<1x!tpu.dma_semaphore, #tpu.memory_space<semaphore_mem>>
      %dma_start3A_196 = tpu.memref_squeeze %dma_start3A_195 : memref<1x!tpu.dma_semaphore, #tpu.memory_space<semaphore_mem>> -> memref<!tpu.dma_semaphore, #tpu.memory_space<semaphore_mem>>
      tpu.enqueue_indirect_dma source(%dma_start3A_188 : memref<128x40xf32, #tpu.memory_space<vmem>>) target(%dma_start3A_194 : memref<10112x40xf32, #tpu.memory_space<vmem_shared>>) offsets(%dma_start3A_191 : memref<128xi32, #tpu.memory_space<vmem>>) semaphore(%dma_start3A_196 : memref<!tpu.dma_semaphore, #tpu.memory_space<semaphore_mem>>) {add = true}
      %add3A_197 = arith.constant 2 : i32
      %add3A_198 = arith.addi %add3A_137, %add3A_197 : i32
      %dma_wait3A_199 = arith.constant 2 : i32
      %dma_wait3A_200 = arith.constant 2 : i32
      %dma_wait3A_201 = arith.constant 0 : i32
      %dma_wait3A_202 = arith.constant 0 : i32
      %dma_wait3A_203 = tpu.memref_slice %arg9[%dma_wait3A_199, %dma_wait3A_201, %dma_wait3A_202] : memref<8x128x40xf32, #tpu.memory_space<vmem>> -> memref<1x128x40xf32, #tpu.memory_space<vmem>>
      %dma_wait3A_204 = tpu.memref_squeeze %dma_wait3A_203 : memref<1x128x40xf32, #tpu.memory_space<vmem>> -> memref<128x40xf32, #tpu.memory_space<vmem>>
      %dma_wait3A_205 = arith.constant 0 : i32
      %dma_wait3A_206 = tpu.memref_slice %arg7[%add3A_198, %dma_wait3A_205] : memref<80x128xi32, #tpu.memory_space<vmem>> -> memref<1x128xi32, #tpu.memory_space<vmem>>
      %dma_wait3A_207 = tpu.memref_squeeze %dma_wait3A_206 : memref<1x128xi32, #tpu.memory_space<vmem>> -> memref<128xi32, #tpu.memory_space<vmem>>
      %dma_wait3A_208 = arith.constant 0 : i32
      %dma_wait3A_209 = arith.constant 0 : i32
      %dma_wait3A_210 = tpu.memref_slice %arg2[%dma_wait3A_208, %dma_wait3A_209] : memref<10112x40xf32, #tpu.memory_space<hbm>> -> memref<10112x40xf32, #tpu.memory_space<hbm>>
      %dma_wait3A_211 = tpu.memref_slice %arg11[%dma_wait3A_200] : memref<8x!tpu.dma_semaphore, #tpu.memory_space<semaphore_mem>> -> memref<1x!tpu.dma_semaphore, #tpu.memory_space<semaphore_mem>>
      %dma_wait3A_212 = tpu.memref_squeeze %dma_wait3A_211 : memref<1x!tpu.dma_semaphore, #tpu.memory_space<semaphore_mem>> -> memref<!tpu.dma_semaphore, #tpu.memory_space<semaphore_mem>>
      tpu.wait_indirect_dma semaphore(%dma_wait3A_212 : memref<!tpu.dma_semaphore, #tpu.memory_space<semaphore_mem>>) src(%dma_wait3A_210 : memref<10112x40xf32, #tpu.memory_space<hbm>>) dst(%dma_wait3A_204 : memref<128x40xf32, #tpu.memory_space<vmem>>)
      %dma_start3A_213 = arith.constant 2 : i32
      %dma_start3A_214 = arith.constant 2 : i32
      %dma_start3A_215 = arith.constant 0 : i32
      %dma_start3A_216 = arith.constant 0 : i32
      %dma_start3A_217 = tpu.memref_slice %arg9[%dma_start3A_213, %dma_start3A_215, %dma_start3A_216] : memref<8x128x40xf32, #tpu.memory_space<vmem>> -> memref<1x128x40xf32, #tpu.memory_space<vmem>>
      %dma_start3A_218 = tpu.memref_squeeze %dma_start3A_217 : memref<1x128x40xf32, #tpu.memory_space<vmem>> -> memref<128x40xf32, #tpu.memory_space<vmem>>
      %dma_start3A_219 = arith.constant 0 : i32
      %dma_start3A_220 = tpu.memref_slice %arg8[%add3A_198, %dma_start3A_219] : memref<80x128xi32, #tpu.memory_space<vmem>> -> memref<1x128xi32, #tpu.memory_space<vmem>>
      %dma_start3A_221 = tpu.memref_squeeze %dma_start3A_220 : memref<1x128xi32, #tpu.memory_space<vmem>> -> memref<128xi32, #tpu.memory_space<vmem>>
      %dma_start3A_222 = arith.constant 0 : i32
      %dma_start3A_223 = arith.constant 0 : i32
      %dma_start3A_224 = tpu.memref_slice %arg10[%dma_start3A_222, %dma_start3A_223] : memref<10112x40xf32, #tpu.memory_space<vmem_shared>> -> memref<10112x40xf32, #tpu.memory_space<vmem_shared>>
      %dma_start3A_225 = tpu.memref_slice %arg12[%dma_start3A_214] : memref<8x!tpu.dma_semaphore, #tpu.memory_space<semaphore_mem>> -> memref<1x!tpu.dma_semaphore, #tpu.memory_space<semaphore_mem>>
      %dma_start3A_226 = tpu.memref_squeeze %dma_start3A_225 : memref<1x!tpu.dma_semaphore, #tpu.memory_space<semaphore_mem>> -> memref<!tpu.dma_semaphore, #tpu.memory_space<semaphore_mem>>
      tpu.enqueue_indirect_dma source(%dma_start3A_218 : memref<128x40xf32, #tpu.memory_space<vmem>>) target(%dma_start3A_224 : memref<10112x40xf32, #tpu.memory_space<vmem_shared>>) offsets(%dma_start3A_221 : memref<128xi32, #tpu.memory_space<vmem>>) semaphore(%dma_start3A_226 : memref<!tpu.dma_semaphore, #tpu.memory_space<semaphore_mem>>) {add = true}
      %add3A_227 = arith.constant 3 : i32
      %add3A_228 = arith.addi %add3A_137, %add3A_227 : i32
      %dma_wait3A_229 = arith.constant 3 : i32
      %dma_wait3A_230 = arith.constant 3 : i32
      %dma_wait3A_231 = arith.constant 0 : i32
      %dma_wait3A_232 = arith.constant 0 : i32
      %dma_wait3A_233 = tpu.memref_slice %arg9[%dma_wait3A_229, %dma_wait3A_231, %dma_wait3A_232] : memref<8x128x40xf32, #tpu.memory_space<vmem>> -> memref<1x128x40xf32, #tpu.memory_space<vmem>>
      %dma_wait3A_234 = tpu.memref_squeeze %dma_wait3A_233 : memref<1x128x40xf32, #tpu.memory_space<vmem>> -> memref<128x40xf32, #tpu.memory_space<vmem>>
      %dma_wait3A_235 = arith.constant 0 : i32
      %dma_wait3A_236 = tpu.memref_slice %arg7[%add3A_228, %dma_wait3A_235] : memref<80x128xi32, #tpu.memory_space<vmem>> -> memref<1x128xi32, #tpu.memory_space<vmem>>
      %dma_wait3A_237 = tpu.memref_squeeze %dma_wait3A_236 : memref<1x128xi32, #tpu.memory_space<vmem>> -> memref<128xi32, #tpu.memory_space<vmem>>
      %dma_wait3A_238 = arith.constant 0 : i32
      %dma_wait3A_239 = arith.constant 0 : i32
      %dma_wait3A_240 = tpu.memref_slice %arg2[%dma_wait3A_238, %dma_wait3A_239] : memref<10112x40xf32, #tpu.memory_space<hbm>> -> memref<10112x40xf32, #tpu.memory_space<hbm>>
      %dma_wait3A_241 = tpu.memref_slice %arg11[%dma_wait3A_230] : memref<8x!tpu.dma_semaphore, #tpu.memory_space<semaphore_mem>> -> memref<1x!tpu.dma_semaphore, #tpu.memory_space<semaphore_mem>>
      %dma_wait3A_242 = tpu.memref_squeeze %dma_wait3A_241 : memref<1x!tpu.dma_semaphore, #tpu.memory_space<semaphore_mem>> -> memref<!tpu.dma_semaphore, #tpu.memory_space<semaphore_mem>>
      tpu.wait_indirect_dma semaphore(%dma_wait3A_242 : memref<!tpu.dma_semaphore, #tpu.memory_space<semaphore_mem>>) src(%dma_wait3A_240 : memref<10112x40xf32, #tpu.memory_space<hbm>>) dst(%dma_wait3A_234 : memref<128x40xf32, #tpu.memory_space<vmem>>)
      %dma_start3A_243 = arith.constant 3 : i32
      %dma_start3A_244 = arith.constant 3 : i32
      %dma_start3A_245 = arith.constant 0 : i32
      %dma_start3A_246 = arith.constant 0 : i32
      %dma_start3A_247 = tpu.memref_slice %arg9[%dma_start3A_243, %dma_start3A_245, %dma_start3A_246] : memref<8x128x40xf32, #tpu.memory_space<vmem>> -> memref<1x128x40xf32, #tpu.memory_space<vmem>>
      %dma_start3A_248 = tpu.memref_squeeze %dma_start3A_247 : memref<1x128x40xf32, #tpu.memory_space<vmem>> -> memref<128x40xf32, #tpu.memory_space<vmem>>
      %dma_start3A_249 = arith.constant 0 : i32
      %dma_start3A_250 = tpu.memref_slice %arg8[%add3A_228, %dma_start3A_249] : memref<80x128xi32, #tpu.memory_space<vmem>> -> memref<1x128xi32, #tpu.memory_space<vmem>>
      %dma_start3A_251 = tpu.memref_squeeze %dma_start3A_250 : memref<1x128xi32, #tpu.memory_space<vmem>> -> memref<128xi32, #tpu.memory_space<vmem>>
      %dma_start3A_252 = arith.constant 0 : i32
      %dma_start3A_253 = arith.constant 0 : i32
      %dma_start3A_254 = tpu.memref_slice %arg10[%dma_start3A_252, %dma_start3A_253] : memref<10112x40xf32, #tpu.memory_space<vmem_shared>> -> memref<10112x40xf32, #tpu.memory_space<vmem_shared>>
      %dma_start3A_255 = tpu.memref_slice %arg12[%dma_start3A_244] : memref<8x!tpu.dma_semaphore, #tpu.memory_space<semaphore_mem>> -> memref<1x!tpu.dma_semaphore, #tpu.memory_space<semaphore_mem>>
      %dma_start3A_256 = tpu.memref_squeeze %dma_start3A_255 : memref<1x!tpu.dma_semaphore, #tpu.memory_space<semaphore_mem>> -> memref<!tpu.dma_semaphore, #tpu.memory_space<semaphore_mem>>
      tpu.enqueue_indirect_dma source(%dma_start3A_248 : memref<128x40xf32, #tpu.memory_space<vmem>>) target(%dma_start3A_254 : memref<10112x40xf32, #tpu.memory_space<vmem_shared>>) offsets(%dma_start3A_251 : memref<128xi32, #tpu.memory_space<vmem>>) semaphore(%dma_start3A_256 : memref<!tpu.dma_semaphore, #tpu.memory_space<semaphore_mem>>) {add = true}
      %add3A_257 = arith.constant 4 : i32
      %add3A_258 = arith.addi %add3A_137, %add3A_257 : i32
      %dma_wait3A_259 = arith.constant 4 : i32
      %dma_wait3A_260 = arith.constant 4 : i32
      %dma_wait3A_261 = arith.constant 0 : i32
      %dma_wait3A_262 = arith.constant 0 : i32
      %dma_wait3A_263 = tpu.memref_slice %arg9[%dma_wait3A_259, %dma_wait3A_261, %dma_wait3A_262] : memref<8x128x40xf32, #tpu.memory_space<vmem>> -> memref<1x128x40xf32, #tpu.memory_space<vmem>>
      %dma_wait3A_264 = tpu.memref_squeeze %dma_wait3A_263 : memref<1x128x40xf32, #tpu.memory_space<vmem>> -> memref<128x40xf32, #tpu.memory_space<vmem>>
      %dma_wait3A_265 = arith.constant 0 : i32
      %dma_wait3A_266 = tpu.memref_slice %arg7[%add3A_258, %dma_wait3A_265] : memref<80x128xi32, #tpu.memory_space<vmem>> -> memref<1x128xi32, #tpu.memory_space<vmem>>
      %dma_wait3A_267 = tpu.memref_squeeze %dma_wait3A_266 : memref<1x128xi32, #tpu.memory_space<vmem>> -> memref<128xi32, #tpu.memory_space<vmem>>
      %dma_wait3A_268 = arith.constant 0 : i32
      %dma_wait3A_269 = arith.constant 0 : i32
      %dma_wait3A_270 = tpu.memref_slice %arg2[%dma_wait3A_268, %dma_wait3A_269] : memref<10112x40xf32, #tpu.memory_space<hbm>> -> memref<10112x40xf32, #tpu.memory_space<hbm>>
      %dma_wait3A_271 = tpu.memref_slice %arg11[%dma_wait3A_260] : memref<8x!tpu.dma_semaphore, #tpu.memory_space<semaphore_mem>> -> memref<1x!tpu.dma_semaphore, #tpu.memory_space<semaphore_mem>>
      %dma_wait3A_272 = tpu.memref_squeeze %dma_wait3A_271 : memref<1x!tpu.dma_semaphore, #tpu.memory_space<semaphore_mem>> -> memref<!tpu.dma_semaphore, #tpu.memory_space<semaphore_mem>>
      tpu.wait_indirect_dma semaphore(%dma_wait3A_272 : memref<!tpu.dma_semaphore, #tpu.memory_space<semaphore_mem>>) src(%dma_wait3A_270 : memref<10112x40xf32, #tpu.memory_space<hbm>>) dst(%dma_wait3A_264 : memref<128x40xf32, #tpu.memory_space<vmem>>)
      %dma_start3A_273 = arith.constant 4 : i32
      %dma_start3A_274 = arith.constant 4 : i32
      %dma_start3A_275 = arith.constant 0 : i32
      %dma_start3A_276 = arith.constant 0 : i32
      %dma_start3A_277 = tpu.memref_slice %arg9[%dma_start3A_273, %dma_start3A_275, %dma_start3A_276] : memref<8x128x40xf32, #tpu.memory_space<vmem>> -> memref<1x128x40xf32, #tpu.memory_space<vmem>>
      %dma_start3A_278 = tpu.memref_squeeze %dma_start3A_277 : memref<1x128x40xf32, #tpu.memory_space<vmem>> -> memref<128x40xf32, #tpu.memory_space<vmem>>
      %dma_start3A_279 = arith.constant 0 : i32
      %dma_start3A_280 = tpu.memref_slice %arg8[%add3A_258, %dma_start3A_279] : memref<80x128xi32, #tpu.memory_space<vmem>> -> memref<1x128xi32, #tpu.memory_space<vmem>>
      %dma_start3A_281 = tpu.memref_squeeze %dma_start3A_280 : memref<1x128xi32, #tpu.memory_space<vmem>> -> memref<128xi32, #tpu.memory_space<vmem>>
      %dma_start3A_282 = arith.constant 0 : i32
      %dma_start3A_283 = arith.constant 0 : i32
      %dma_start3A_284 = tpu.memref_slice %arg10[%dma_start3A_282, %dma_start3A_283] : memref<10112x40xf32, #tpu.memory_space<vmem_shared>> -> memref<10112x40xf32, #tpu.memory_space<vmem_shared>>
      %dma_start3A_285 = tpu.memref_slice %arg12[%dma_start3A_274] : memref<8x!tpu.dma_semaphore, #tpu.memory_space<semaphore_mem>> -> memref<1x!tpu.dma_semaphore, #tpu.memory_space<semaphore_mem>>
      %dma_start3A_286 = tpu.memref_squeeze %dma_start3A_285 : memref<1x!tpu.dma_semaphore, #tpu.memory_space<semaphore_mem>> -> memref<!tpu.dma_semaphore, #tpu.memory_space<semaphore_mem>>
      tpu.enqueue_indirect_dma source(%dma_start3A_278 : memref<128x40xf32, #tpu.memory_space<vmem>>) target(%dma_start3A_284 : memref<10112x40xf32, #tpu.memory_space<vmem_shared>>) offsets(%dma_start3A_281 : memref<128xi32, #tpu.memory_space<vmem>>) semaphore(%dma_start3A_286 : memref<!tpu.dma_semaphore, #tpu.memory_space<semaphore_mem>>) {add = true}
      %add3A_287 = arith.constant 5 : i32
      %add3A_288 = arith.addi %add3A_137, %add3A_287 : i32
      %dma_wait3A_289 = arith.constant 5 : i32
      %dma_wait3A_290 = arith.constant 5 : i32
      %dma_wait3A_291 = arith.constant 0 : i32
      %dma_wait3A_292 = arith.constant 0 : i32
      %dma_wait3A_293 = tpu.memref_slice %arg9[%dma_wait3A_289, %dma_wait3A_291, %dma_wait3A_292] : memref<8x128x40xf32, #tpu.memory_space<vmem>> -> memref<1x128x40xf32, #tpu.memory_space<vmem>>
      %dma_wait3A_294 = tpu.memref_squeeze %dma_wait3A_293 : memref<1x128x40xf32, #tpu.memory_space<vmem>> -> memref<128x40xf32, #tpu.memory_space<vmem>>
      %dma_wait3A_295 = arith.constant 0 : i32
      %dma_wait3A_296 = tpu.memref_slice %arg7[%add3A_288, %dma_wait3A_295] : memref<80x128xi32, #tpu.memory_space<vmem>> -> memref<1x128xi32, #tpu.memory_space<vmem>>
      %dma_wait3A_297 = tpu.memref_squeeze %dma_wait3A_296 : memref<1x128xi32, #tpu.memory_space<vmem>> -> memref<128xi32, #tpu.memory_space<vmem>>
      %dma_wait3A_298 = arith.constant 0 : i32
      %dma_wait3A_299 = arith.constant 0 : i32
      %dma_wait3A_300 = tpu.memref_slice %arg2[%dma_wait3A_298, %dma_wait3A_299] : memref<10112x40xf32, #tpu.memory_space<hbm>> -> memref<10112x40xf32, #tpu.memory_space<hbm>>
      %dma_wait3A_301 = tpu.memref_slice %arg11[%dma_wait3A_290] : memref<8x!tpu.dma_semaphore, #tpu.memory_space<semaphore_mem>> -> memref<1x!tpu.dma_semaphore, #tpu.memory_space<semaphore_mem>>
      %dma_wait3A_302 = tpu.memref_squeeze %dma_wait3A_301 : memref<1x!tpu.dma_semaphore, #tpu.memory_space<semaphore_mem>> -> memref<!tpu.dma_semaphore, #tpu.memory_space<semaphore_mem>>
      tpu.wait_indirect_dma semaphore(%dma_wait3A_302 : memref<!tpu.dma_semaphore, #tpu.memory_space<semaphore_mem>>) src(%dma_wait3A_300 : memref<10112x40xf32, #tpu.memory_space<hbm>>) dst(%dma_wait3A_294 : memref<128x40xf32, #tpu.memory_space<vmem>>)
      %dma_start3A_303 = arith.constant 5 : i32
      %dma_start3A_304 = arith.constant 5 : i32
      %dma_start3A_305 = arith.constant 0 : i32
      %dma_start3A_306 = arith.constant 0 : i32
      %dma_start3A_307 = tpu.memref_slice %arg9[%dma_start3A_303, %dma_start3A_305, %dma_start3A_306] : memref<8x128x40xf32, #tpu.memory_space<vmem>> -> memref<1x128x40xf32, #tpu.memory_space<vmem>>
      %dma_start3A_308 = tpu.memref_squeeze %dma_start3A_307 : memref<1x128x40xf32, #tpu.memory_space<vmem>> -> memref<128x40xf32, #tpu.memory_space<vmem>>
      %dma_start3A_309 = arith.constant 0 : i32
      %dma_start3A_310 = tpu.memref_slice %arg8[%add3A_288, %dma_start3A_309] : memref<80x128xi32, #tpu.memory_space<vmem>> -> memref<1x128xi32, #tpu.memory_space<vmem>>
      %dma_start3A_311 = tpu.memref_squeeze %dma_start3A_310 : memref<1x128xi32, #tpu.memory_space<vmem>> -> memref<128xi32, #tpu.memory_space<vmem>>
      %dma_start3A_312 = arith.constant 0 : i32
      %dma_start3A_313 = arith.constant 0 : i32
      %dma_start3A_314 = tpu.memref_slice %arg10[%dma_start3A_312, %dma_start3A_313] : memref<10112x40xf32, #tpu.memory_space<vmem_shared>> -> memref<10112x40xf32, #tpu.memory_space<vmem_shared>>
      %dma_start3A_315 = tpu.memref_slice %arg12[%dma_start3A_304] : memref<8x!tpu.dma_semaphore, #tpu.memory_space<semaphore_mem>> -> memref<1x!tpu.dma_semaphore, #tpu.memory_space<semaphore_mem>>
      %dma_start3A_316 = tpu.memref_squeeze %dma_start3A_315 : memref<1x!tpu.dma_semaphore, #tpu.memory_space<semaphore_mem>> -> memref<!tpu.dma_semaphore, #tpu.memory_space<semaphore_mem>>
      tpu.enqueue_indirect_dma source(%dma_start3A_308 : memref<128x40xf32, #tpu.memory_space<vmem>>) target(%dma_start3A_314 : memref<10112x40xf32, #tpu.memory_space<vmem_shared>>) offsets(%dma_start3A_311 : memref<128xi32, #tpu.memory_space<vmem>>) semaphore(%dma_start3A_316 : memref<!tpu.dma_semaphore, #tpu.memory_space<semaphore_mem>>) {add = true}
      %add3A_317 = arith.constant 6 : i32
      %add3A_318 = arith.addi %add3A_137, %add3A_317 : i32
      %dma_wait3A_319 = arith.constant 6 : i32
      %dma_wait3A_320 = arith.constant 6 : i32
      %dma_wait3A_321 = arith.constant 0 : i32
      %dma_wait3A_322 = arith.constant 0 : i32
      %dma_wait3A_323 = tpu.memref_slice %arg9[%dma_wait3A_319, %dma_wait3A_321, %dma_wait3A_322] : memref<8x128x40xf32, #tpu.memory_space<vmem>> -> memref<1x128x40xf32, #tpu.memory_space<vmem>>
      %dma_wait3A_324 = tpu.memref_squeeze %dma_wait3A_323 : memref<1x128x40xf32, #tpu.memory_space<vmem>> -> memref<128x40xf32, #tpu.memory_space<vmem>>
      %dma_wait3A_325 = arith.constant 0 : i32
      %dma_wait3A_326 = tpu.memref_slice %arg7[%add3A_318, %dma_wait3A_325] : memref<80x128xi32, #tpu.memory_space<vmem>> -> memref<1x128xi32, #tpu.memory_space<vmem>>
      %dma_wait3A_327 = tpu.memref_squeeze %dma_wait3A_326 : memref<1x128xi32, #tpu.memory_space<vmem>> -> memref<128xi32, #tpu.memory_space<vmem>>
      %dma_wait3A_328 = arith.constant 0 : i32
      %dma_wait3A_329 = arith.constant 0 : i32
      %dma_wait3A_330 = tpu.memref_slice %arg2[%dma_wait3A_328, %dma_wait3A_329] : memref<10112x40xf32, #tpu.memory_space<hbm>> -> memref<10112x40xf32, #tpu.memory_space<hbm>>
      %dma_wait3A_331 = tpu.memref_slice %arg11[%dma_wait3A_320] : memref<8x!tpu.dma_semaphore, #tpu.memory_space<semaphore_mem>> -> memref<1x!tpu.dma_semaphore, #tpu.memory_space<semaphore_mem>>
      %dma_wait3A_332 = tpu.memref_squeeze %dma_wait3A_331 : memref<1x!tpu.dma_semaphore, #tpu.memory_space<semaphore_mem>> -> memref<!tpu.dma_semaphore, #tpu.memory_space<semaphore_mem>>
      tpu.wait_indirect_dma semaphore(%dma_wait3A_332 : memref<!tpu.dma_semaphore, #tpu.memory_space<semaphore_mem>>) src(%dma_wait3A_330 : memref<10112x40xf32, #tpu.memory_space<hbm>>) dst(%dma_wait3A_324 : memref<128x40xf32, #tpu.memory_space<vmem>>)
      %dma_start3A_333 = arith.constant 6 : i32
      %dma_start3A_334 = arith.constant 6 : i32
      %dma_start3A_335 = arith.constant 0 : i32
      %dma_start3A_336 = arith.constant 0 : i32
      %dma_start3A_337 = tpu.memref_slice %arg9[%dma_start3A_333, %dma_start3A_335, %dma_start3A_336] : memref<8x128x40xf32, #tpu.memory_space<vmem>> -> memref<1x128x40xf32, #tpu.memory_space<vmem>>
      %dma_start3A_338 = tpu.memref_squeeze %dma_start3A_337 : memref<1x128x40xf32, #tpu.memory_space<vmem>> -> memref<128x40xf32, #tpu.memory_space<vmem>>
      %dma_start3A_339 = arith.constant 0 : i32
      %dma_start3A_340 = tpu.memref_slice %arg8[%add3A_318, %dma_start3A_339] : memref<80x128xi32, #tpu.memory_space<vmem>> -> memref<1x128xi32, #tpu.memory_space<vmem>>
      %dma_start3A_341 = tpu.memref_squeeze %dma_start3A_340 : memref<1x128xi32, #tpu.memory_space<vmem>> -> memref<128xi32, #tpu.memory_space<vmem>>
      %dma_start3A_342 = arith.constant 0 : i32
      %dma_start3A_343 = arith.constant 0 : i32
      %dma_start3A_344 = tpu.memref_slice %arg10[%dma_start3A_342, %dma_start3A_343] : memref<10112x40xf32, #tpu.memory_space<vmem_shared>> -> memref<10112x40xf32, #tpu.memory_space<vmem_shared>>
      %dma_start3A_345 = tpu.memref_slice %arg12[%dma_start3A_334] : memref<8x!tpu.dma_semaphore, #tpu.memory_space<semaphore_mem>> -> memref<1x!tpu.dma_semaphore, #tpu.memory_space<semaphore_mem>>
      %dma_start3A_346 = tpu.memref_squeeze %dma_start3A_345 : memref<1x!tpu.dma_semaphore, #tpu.memory_space<semaphore_mem>> -> memref<!tpu.dma_semaphore, #tpu.memory_space<semaphore_mem>>
      tpu.enqueue_indirect_dma source(%dma_start3A_338 : memref<128x40xf32, #tpu.memory_space<vmem>>) target(%dma_start3A_344 : memref<10112x40xf32, #tpu.memory_space<vmem_shared>>) offsets(%dma_start3A_341 : memref<128xi32, #tpu.memory_space<vmem>>) semaphore(%dma_start3A_346 : memref<!tpu.dma_semaphore, #tpu.memory_space<semaphore_mem>>) {add = true}
      %add3A_347 = arith.constant 7 : i32
      %add3A_348 = arith.addi %add3A_137, %add3A_347 : i32
      %dma_wait3A_349 = arith.constant 7 : i32
      %dma_wait3A_350 = arith.constant 7 : i32
      %dma_wait3A_351 = arith.constant 0 : i32
      %dma_wait3A_352 = arith.constant 0 : i32
      %dma_wait3A_353 = tpu.memref_slice %arg9[%dma_wait3A_349, %dma_wait3A_351, %dma_wait3A_352] : memref<8x128x40xf32, #tpu.memory_space<vmem>> -> memref<1x128x40xf32, #tpu.memory_space<vmem>>
      %dma_wait3A_354 = tpu.memref_squeeze %dma_wait3A_353 : memref<1x128x40xf32, #tpu.memory_space<vmem>> -> memref<128x40xf32, #tpu.memory_space<vmem>>
      %dma_wait3A_355 = arith.constant 0 : i32
      %dma_wait3A_356 = tpu.memref_slice %arg7[%add3A_348, %dma_wait3A_355] : memref<80x128xi32, #tpu.memory_space<vmem>> -> memref<1x128xi32, #tpu.memory_space<vmem>>
      %dma_wait3A_357 = tpu.memref_squeeze %dma_wait3A_356 : memref<1x128xi32, #tpu.memory_space<vmem>> -> memref<128xi32, #tpu.memory_space<vmem>>
      %dma_wait3A_358 = arith.constant 0 : i32
      %dma_wait3A_359 = arith.constant 0 : i32
      %dma_wait3A_360 = tpu.memref_slice %arg2[%dma_wait3A_358, %dma_wait3A_359] : memref<10112x40xf32, #tpu.memory_space<hbm>> -> memref<10112x40xf32, #tpu.memory_space<hbm>>
      %dma_wait3A_361 = tpu.memref_slice %arg11[%dma_wait3A_350] : memref<8x!tpu.dma_semaphore, #tpu.memory_space<semaphore_mem>> -> memref<1x!tpu.dma_semaphore, #tpu.memory_space<semaphore_mem>>
      %dma_wait3A_362 = tpu.memref_squeeze %dma_wait3A_361 : memref<1x!tpu.dma_semaphore, #tpu.memory_space<semaphore_mem>> -> memref<!tpu.dma_semaphore, #tpu.memory_space<semaphore_mem>>
      tpu.wait_indirect_dma semaphore(%dma_wait3A_362 : memref<!tpu.dma_semaphore, #tpu.memory_space<semaphore_mem>>) src(%dma_wait3A_360 : memref<10112x40xf32, #tpu.memory_space<hbm>>) dst(%dma_wait3A_354 : memref<128x40xf32, #tpu.memory_space<vmem>>)
      %dma_start3A_363 = arith.constant 7 : i32
      %dma_start3A_364 = arith.constant 7 : i32
      %dma_start3A_365 = arith.constant 0 : i32
      %dma_start3A_366 = arith.constant 0 : i32
      %dma_start3A_367 = tpu.memref_slice %arg9[%dma_start3A_363, %dma_start3A_365, %dma_start3A_366] : memref<8x128x40xf32, #tpu.memory_space<vmem>> -> memref<1x128x40xf32, #tpu.memory_space<vmem>>
      %dma_start3A_368 = tpu.memref_squeeze %dma_start3A_367 : memref<1x128x40xf32, #tpu.memory_space<vmem>> -> memref<128x40xf32, #tpu.memory_space<vmem>>
      %dma_start3A_369 = arith.constant 0 : i32
      %dma_start3A_370 = tpu.memref_slice %arg8[%add3A_348, %dma_start3A_369] : memref<80x128xi32, #tpu.memory_space<vmem>> -> memref<1x128xi32, #tpu.memory_space<vmem>>
      %dma_start3A_371 = tpu.memref_squeeze %dma_start3A_370 : memref<1x128xi32, #tpu.memory_space<vmem>> -> memref<128xi32, #tpu.memory_space<vmem>>
      %dma_start3A_372 = arith.constant 0 : i32
      %dma_start3A_373 = arith.constant 0 : i32
      %dma_start3A_374 = tpu.memref_slice %arg10[%dma_start3A_372, %dma_start3A_373] : memref<10112x40xf32, #tpu.memory_space<vmem_shared>> -> memref<10112x40xf32, #tpu.memory_space<vmem_shared>>
      %dma_start3A_375 = tpu.memref_slice %arg12[%dma_start3A_364] : memref<8x!tpu.dma_semaphore, #tpu.memory_space<semaphore_mem>> -> memref<1x!tpu.dma_semaphore, #tpu.memory_space<semaphore_mem>>
      %dma_start3A_376 = tpu.memref_squeeze %dma_start3A_375 : memref<1x!tpu.dma_semaphore, #tpu.memory_space<semaphore_mem>> -> memref<!tpu.dma_semaphore, #tpu.memory_space<semaphore_mem>>
      tpu.enqueue_indirect_dma source(%dma_start3A_368 : memref<128x40xf32, #tpu.memory_space<vmem>>) target(%dma_start3A_374 : memref<10112x40xf32, #tpu.memory_space<vmem_shared>>) offsets(%dma_start3A_371 : memref<128xi32, #tpu.memory_space<vmem>>) semaphore(%dma_start3A_376 : memref<!tpu.dma_semaphore, #tpu.memory_space<semaphore_mem>>) {add = true}
      %add3A_377 = arith.constant 0 : i32
      %add3A_378 = arith.addi %add3A_137, %add3A_377 : i32
      %dma_wait3A_379 = arith.constant 0 : i32
      %dma_wait3A_380 = arith.constant 0 : i32
      %dma_wait3A_381 = arith.constant 0 : i32
      %dma_wait3A_382 = arith.constant 0 : i32
      %dma_wait3A_383 = tpu.memref_slice %arg9[%dma_wait3A_379, %dma_wait3A_381, %dma_wait3A_382] : memref<8x128x40xf32, #tpu.memory_space<vmem>> -> memref<1x128x40xf32, #tpu.memory_space<vmem>>
      %dma_wait3A_384 = tpu.memref_squeeze %dma_wait3A_383 : memref<1x128x40xf32, #tpu.memory_space<vmem>> -> memref<128x40xf32, #tpu.memory_space<vmem>>
      %dma_wait3A_385 = arith.constant 0 : i32
      %dma_wait3A_386 = tpu.memref_slice %arg8[%add3A_378, %dma_wait3A_385] : memref<80x128xi32, #tpu.memory_space<vmem>> -> memref<1x128xi32, #tpu.memory_space<vmem>>
      %dma_wait3A_387 = tpu.memref_squeeze %dma_wait3A_386 : memref<1x128xi32, #tpu.memory_space<vmem>> -> memref<128xi32, #tpu.memory_space<vmem>>
      %dma_wait3A_388 = arith.constant 0 : i32
      %dma_wait3A_389 = arith.constant 0 : i32
      %dma_wait3A_390 = tpu.memref_slice %arg10[%dma_wait3A_388, %dma_wait3A_389] : memref<10112x40xf32, #tpu.memory_space<vmem_shared>> -> memref<10112x40xf32, #tpu.memory_space<vmem_shared>>
      %dma_wait3A_391 = tpu.memref_slice %arg12[%dma_wait3A_380] : memref<8x!tpu.dma_semaphore, #tpu.memory_space<semaphore_mem>> -> memref<1x!tpu.dma_semaphore, #tpu.memory_space<semaphore_mem>>
      %dma_wait3A_392 = tpu.memref_squeeze %dma_wait3A_391 : memref<1x!tpu.dma_semaphore, #tpu.memory_space<semaphore_mem>> -> memref<!tpu.dma_semaphore, #tpu.memory_space<semaphore_mem>>
      tpu.wait_indirect_dma semaphore(%dma_wait3A_392 : memref<!tpu.dma_semaphore, #tpu.memory_space<semaphore_mem>>) src(%dma_wait3A_384 : memref<128x40xf32, #tpu.memory_space<vmem>>) dst(%dma_wait3A_390 : memref<10112x40xf32, #tpu.memory_space<vmem_shared>>)
      %add3A_393 = arith.constant 8 : i32
      %add3A_394 = arith.addi %add3A_378, %add3A_393 : i32
      %lt3A = arith.constant 80 : i32
      %lt3A_395 = arith.cmpi slt, %add3A_394, %lt3A : i32
      %convert_element_type3A = arith.extui %lt3A_395 : i1 to i32
      %cond3A = arith.constant 0 : i32
      %cond3A_396 = arith.cmpi ne, %convert_element_type3A, %cond3A : i32
      scf.if %cond3A_396 {
        %add3A_558 = arith.constant 8 : i32
        %add3A_559 = arith.addi %add3A_378, %add3A_558 : i32
        %dma_start3A_560 = arith.constant 0 : i32
        %dma_start3A_561 = arith.constant 0 : i32
        %dma_start3A_562 = arith.constant 0 : i32
        %dma_start3A_563 = arith.constant 0 : i32
        %dma_start3A_564 = tpu.memref_slice %arg9[%dma_start3A_560, %dma_start3A_562, %dma_start3A_563] : memref<8x128x40xf32, #tpu.memory_space<vmem>> -> memref<1x128x40xf32, #tpu.memory_space<vmem>>
        %dma_start3A_565 = tpu.memref_squeeze %dma_start3A_564 : memref<1x128x40xf32, #tpu.memory_space<vmem>> -> memref<128x40xf32, #tpu.memory_space<vmem>>
        %dma_start3A_566 = arith.constant 0 : i32
        %dma_start3A_567 = tpu.memref_slice %arg7[%add3A_559, %dma_start3A_566] : memref<80x128xi32, #tpu.memory_space<vmem>> -> memref<1x128xi32, #tpu.memory_space<vmem>>
        %dma_start3A_568 = tpu.memref_squeeze %dma_start3A_567 : memref<1x128xi32, #tpu.memory_space<vmem>> -> memref<128xi32, #tpu.memory_space<vmem>>
        %dma_start3A_569 = arith.constant 0 : i32
        %dma_start3A_570 = arith.constant 0 : i32
        %dma_start3A_571 = tpu.memref_slice %arg2[%dma_start3A_569, %dma_start3A_570] : memref<10112x40xf32, #tpu.memory_space<hbm>> -> memref<10112x40xf32, #tpu.memory_space<hbm>>
        %dma_start3A_572 = tpu.memref_slice %arg11[%dma_start3A_561] : memref<8x!tpu.dma_semaphore, #tpu.memory_space<semaphore_mem>> -> memref<1x!tpu.dma_semaphore, #tpu.memory_space<semaphore_mem>>
        %dma_start3A_573 = tpu.memref_squeeze %dma_start3A_572 : memref<1x!tpu.dma_semaphore, #tpu.memory_space<semaphore_mem>> -> memref<!tpu.dma_semaphore, #tpu.memory_space<semaphore_mem>>
        tpu.enqueue_indirect_dma source(%dma_start3A_571 : memref<10112x40xf32, #tpu.memory_space<hbm>>) target(%dma_start3A_565 : memref<128x40xf32, #tpu.memory_space<vmem>>) offsets(%dma_start3A_568 : memref<128xi32, #tpu.memory_space<vmem>>) semaphore(%dma_start3A_573 : memref<!tpu.dma_semaphore, #tpu.memory_space<semaphore_mem>>)
      } else {
      }
      %add3A_397 = arith.constant 1 : i32
      %add3A_398 = arith.addi %add3A_137, %add3A_397 : i32
      %dma_wait3A_399 = arith.constant 1 : i32
      %dma_wait3A_400 = arith.constant 1 : i32
      %dma_wait3A_401 = arith.constant 0 : i32
      %dma_wait3A_402 = arith.constant 0 : i32
      %dma_wait3A_403 = tpu.memref_slice %arg9[%dma_wait3A_399, %dma_wait3A_401, %dma_wait3A_402] : memref<8x128x40xf32, #tpu.memory_space<vmem>> -> memref<1x128x40xf32, #tpu.memory_space<vmem>>
      %dma_wait3A_404 = tpu.memref_squeeze %dma_wait3A_403 : memref<1x128x40xf32, #tpu.memory_space<vmem>> -> memref<128x40xf32, #tpu.memory_space<vmem>>
      %dma_wait3A_405 = arith.constant 0 : i32
      %dma_wait3A_406 = tpu.memref_slice %arg8[%add3A_398, %dma_wait3A_405] : memref<80x128xi32, #tpu.memory_space<vmem>> -> memref<1x128xi32, #tpu.memory_space<vmem>>
      %dma_wait3A_407 = tpu.memref_squeeze %dma_wait3A_406 : memref<1x128xi32, #tpu.memory_space<vmem>> -> memref<128xi32, #tpu.memory_space<vmem>>
      %dma_wait3A_408 = arith.constant 0 : i32
      %dma_wait3A_409 = arith.constant 0 : i32
      %dma_wait3A_410 = tpu.memref_slice %arg10[%dma_wait3A_408, %dma_wait3A_409] : memref<10112x40xf32, #tpu.memory_space<vmem_shared>> -> memref<10112x40xf32, #tpu.memory_space<vmem_shared>>
      %dma_wait3A_411 = tpu.memref_slice %arg12[%dma_wait3A_400] : memref<8x!tpu.dma_semaphore, #tpu.memory_space<semaphore_mem>> -> memref<1x!tpu.dma_semaphore, #tpu.memory_space<semaphore_mem>>
      %dma_wait3A_412 = tpu.memref_squeeze %dma_wait3A_411 : memref<1x!tpu.dma_semaphore, #tpu.memory_space<semaphore_mem>> -> memref<!tpu.dma_semaphore, #tpu.memory_space<semaphore_mem>>
      tpu.wait_indirect_dma semaphore(%dma_wait3A_412 : memref<!tpu.dma_semaphore, #tpu.memory_space<semaphore_mem>>) src(%dma_wait3A_404 : memref<128x40xf32, #tpu.memory_space<vmem>>) dst(%dma_wait3A_410 : memref<10112x40xf32, #tpu.memory_space<vmem_shared>>)
      %add3A_413 = arith.constant 8 : i32
      %add3A_414 = arith.addi %add3A_398, %add3A_413 : i32
      %lt3A_415 = arith.constant 80 : i32
      %lt3A_416 = arith.cmpi slt, %add3A_414, %lt3A_415 : i32
      %convert_element_type3A_417 = arith.extui %lt3A_416 : i1 to i32
      %cond3A_418 = arith.constant 0 : i32
      %cond3A_419 = arith.cmpi ne, %convert_element_type3A_417, %cond3A_418 : i32
      scf.if %cond3A_419 {
        %add3A_558 = arith.constant 8 : i32
        %add3A_559 = arith.addi %add3A_398, %add3A_558 : i32
        %dma_start3A_560 = arith.constant 1 : i32
        %dma_start3A_561 = arith.constant 1 : i32
        %dma_start3A_562 = arith.constant 0 : i32
        %dma_start3A_563 = arith.constant 0 : i32
        %dma_start3A_564 = tpu.memref_slice %arg9[%dma_start3A_560, %dma_start3A_562, %dma_start3A_563] : memref<8x128x40xf32, #tpu.memory_space<vmem>> -> memref<1x128x40xf32, #tpu.memory_space<vmem>>
        %dma_start3A_565 = tpu.memref_squeeze %dma_start3A_564 : memref<1x128x40xf32, #tpu.memory_space<vmem>> -> memref<128x40xf32, #tpu.memory_space<vmem>>
        %dma_start3A_566 = arith.constant 0 : i32
        %dma_start3A_567 = tpu.memref_slice %arg7[%add3A_559, %dma_start3A_566] : memref<80x128xi32, #tpu.memory_space<vmem>> -> memref<1x128xi32, #tpu.memory_space<vmem>>
        %dma_start3A_568 = tpu.memref_squeeze %dma_start3A_567 : memref<1x128xi32, #tpu.memory_space<vmem>> -> memref<128xi32, #tpu.memory_space<vmem>>
        %dma_start3A_569 = arith.constant 0 : i32
        %dma_start3A_570 = arith.constant 0 : i32
        %dma_start3A_571 = tpu.memref_slice %arg2[%dma_start3A_569, %dma_start3A_570] : memref<10112x40xf32, #tpu.memory_space<hbm>> -> memref<10112x40xf32, #tpu.memory_space<hbm>>
        %dma_start3A_572 = tpu.memref_slice %arg11[%dma_start3A_561] : memref<8x!tpu.dma_semaphore, #tpu.memory_space<semaphore_mem>> -> memref<1x!tpu.dma_semaphore, #tpu.memory_space<semaphore_mem>>
        %dma_start3A_573 = tpu.memref_squeeze %dma_start3A_572 : memref<1x!tpu.dma_semaphore, #tpu.memory_space<semaphore_mem>> -> memref<!tpu.dma_semaphore, #tpu.memory_space<semaphore_mem>>
        tpu.enqueue_indirect_dma source(%dma_start3A_571 : memref<10112x40xf32, #tpu.memory_space<hbm>>) target(%dma_start3A_565 : memref<128x40xf32, #tpu.memory_space<vmem>>) offsets(%dma_start3A_568 : memref<128xi32, #tpu.memory_space<vmem>>) semaphore(%dma_start3A_573 : memref<!tpu.dma_semaphore, #tpu.memory_space<semaphore_mem>>)
      } else {
      }
      %add3A_420 = arith.constant 2 : i32
      %add3A_421 = arith.addi %add3A_137, %add3A_420 : i32
      %dma_wait3A_422 = arith.constant 2 : i32
      %dma_wait3A_423 = arith.constant 2 : i32
      %dma_wait3A_424 = arith.constant 0 : i32
      %dma_wait3A_425 = arith.constant 0 : i32
      %dma_wait3A_426 = tpu.memref_slice %arg9[%dma_wait3A_422, %dma_wait3A_424, %dma_wait3A_425] : memref<8x128x40xf32, #tpu.memory_space<vmem>> -> memref<1x128x40xf32, #tpu.memory_space<vmem>>
      %dma_wait3A_427 = tpu.memref_squeeze %dma_wait3A_426 : memref<1x128x40xf32, #tpu.memory_space<vmem>> -> memref<128x40xf32, #tpu.memory_space<vmem>>
      %dma_wait3A_428 = arith.constant 0 : i32
      %dma_wait3A_429 = tpu.memref_slice %arg8[%add3A_421, %dma_wait3A_428] : memref<80x128xi32, #tpu.memory_space<vmem>> -> memref<1x128xi32, #tpu.memory_space<vmem>>
      %dma_wait3A_430 = tpu.memref_squeeze %dma_wait3A_429 : memref<1x128xi32, #tpu.memory_space<vmem>> -> memref<128xi32, #tpu.memory_space<vmem>>
      %dma_wait3A_431 = arith.constant 0 : i32
      %dma_wait3A_432 = arith.constant 0 : i32
      %dma_wait3A_433 = tpu.memref_slice %arg10[%dma_wait3A_431, %dma_wait3A_432] : memref<10112x40xf32, #tpu.memory_space<vmem_shared>> -> memref<10112x40xf32, #tpu.memory_space<vmem_shared>>
      %dma_wait3A_434 = tpu.memref_slice %arg12[%dma_wait3A_423] : memref<8x!tpu.dma_semaphore, #tpu.memory_space<semaphore_mem>> -> memref<1x!tpu.dma_semaphore, #tpu.memory_space<semaphore_mem>>
      %dma_wait3A_435 = tpu.memref_squeeze %dma_wait3A_434 : memref<1x!tpu.dma_semaphore, #tpu.memory_space<semaphore_mem>> -> memref<!tpu.dma_semaphore, #tpu.memory_space<semaphore_mem>>
      tpu.wait_indirect_dma semaphore(%dma_wait3A_435 : memref<!tpu.dma_semaphore, #tpu.memory_space<semaphore_mem>>) src(%dma_wait3A_427 : memref<128x40xf32, #tpu.memory_space<vmem>>) dst(%dma_wait3A_433 : memref<10112x40xf32, #tpu.memory_space<vmem_shared>>)
      %add3A_436 = arith.constant 8 : i32
      %add3A_437 = arith.addi %add3A_421, %add3A_436 : i32
      %lt3A_438 = arith.constant 80 : i32
      %lt3A_439 = arith.cmpi slt, %add3A_437, %lt3A_438 : i32
      %convert_element_type3A_440 = arith.extui %lt3A_439 : i1 to i32
      %cond3A_441 = arith.constant 0 : i32
      %cond3A_442 = arith.cmpi ne, %convert_element_type3A_440, %cond3A_441 : i32
      scf.if %cond3A_442 {
        %add3A_558 = arith.constant 8 : i32
        %add3A_559 = arith.addi %add3A_421, %add3A_558 : i32
        %dma_start3A_560 = arith.constant 2 : i32
        %dma_start3A_561 = arith.constant 2 : i32
        %dma_start3A_562 = arith.constant 0 : i32
        %dma_start3A_563 = arith.constant 0 : i32
        %dma_start3A_564 = tpu.memref_slice %arg9[%dma_start3A_560, %dma_start3A_562, %dma_start3A_563] : memref<8x128x40xf32, #tpu.memory_space<vmem>> -> memref<1x128x40xf32, #tpu.memory_space<vmem>>
        %dma_start3A_565 = tpu.memref_squeeze %dma_start3A_564 : memref<1x128x40xf32, #tpu.memory_space<vmem>> -> memref<128x40xf32, #tpu.memory_space<vmem>>
        %dma_start3A_566 = arith.constant 0 : i32
        %dma_start3A_567 = tpu.memref_slice %arg7[%add3A_559, %dma_start3A_566] : memref<80x128xi32, #tpu.memory_space<vmem>> -> memref<1x128xi32, #tpu.memory_space<vmem>>
        %dma_start3A_568 = tpu.memref_squeeze %dma_start3A_567 : memref<1x128xi32, #tpu.memory_space<vmem>> -> memref<128xi32, #tpu.memory_space<vmem>>
        %dma_start3A_569 = arith.constant 0 : i32
        %dma_start3A_570 = arith.constant 0 : i32
        %dma_start3A_571 = tpu.memref_slice %arg2[%dma_start3A_569, %dma_start3A_570] : memref<10112x40xf32, #tpu.memory_space<hbm>> -> memref<10112x40xf32, #tpu.memory_space<hbm>>
        %dma_start3A_572 = tpu.memref_slice %arg11[%dma_start3A_561] : memref<8x!tpu.dma_semaphore, #tpu.memory_space<semaphore_mem>> -> memref<1x!tpu.dma_semaphore, #tpu.memory_space<semaphore_mem>>
        %dma_start3A_573 = tpu.memref_squeeze %dma_start3A_572 : memref<1x!tpu.dma_semaphore, #tpu.memory_space<semaphore_mem>> -> memref<!tpu.dma_semaphore, #tpu.memory_space<semaphore_mem>>
        tpu.enqueue_indirect_dma source(%dma_start3A_571 : memref<10112x40xf32, #tpu.memory_space<hbm>>) target(%dma_start3A_565 : memref<128x40xf32, #tpu.memory_space<vmem>>) offsets(%dma_start3A_568 : memref<128xi32, #tpu.memory_space<vmem>>) semaphore(%dma_start3A_573 : memref<!tpu.dma_semaphore, #tpu.memory_space<semaphore_mem>>)
      } else {
      }
      %add3A_443 = arith.constant 3 : i32
      %add3A_444 = arith.addi %add3A_137, %add3A_443 : i32
      %dma_wait3A_445 = arith.constant 3 : i32
      %dma_wait3A_446 = arith.constant 3 : i32
      %dma_wait3A_447 = arith.constant 0 : i32
      %dma_wait3A_448 = arith.constant 0 : i32
      %dma_wait3A_449 = tpu.memref_slice %arg9[%dma_wait3A_445, %dma_wait3A_447, %dma_wait3A_448] : memref<8x128x40xf32, #tpu.memory_space<vmem>> -> memref<1x128x40xf32, #tpu.memory_space<vmem>>
      %dma_wait3A_450 = tpu.memref_squeeze %dma_wait3A_449 : memref<1x128x40xf32, #tpu.memory_space<vmem>> -> memref<128x40xf32, #tpu.memory_space<vmem>>
      %dma_wait3A_451 = arith.constant 0 : i32
      %dma_wait3A_452 = tpu.memref_slice %arg8[%add3A_444, %dma_wait3A_451] : memref<80x128xi32, #tpu.memory_space<vmem>> -> memref<1x128xi32, #tpu.memory_space<vmem>>
      %dma_wait3A_453 = tpu.memref_squeeze %dma_wait3A_452 : memref<1x128xi32, #tpu.memory_space<vmem>> -> memref<128xi32, #tpu.memory_space<vmem>>
      %dma_wait3A_454 = arith.constant 0 : i32
      %dma_wait3A_455 = arith.constant 0 : i32
      %dma_wait3A_456 = tpu.memref_slice %arg10[%dma_wait3A_454, %dma_wait3A_455] : memref<10112x40xf32, #tpu.memory_space<vmem_shared>> -> memref<10112x40xf32, #tpu.memory_space<vmem_shared>>
      %dma_wait3A_457 = tpu.memref_slice %arg12[%dma_wait3A_446] : memref<8x!tpu.dma_semaphore, #tpu.memory_space<semaphore_mem>> -> memref<1x!tpu.dma_semaphore, #tpu.memory_space<semaphore_mem>>
      %dma_wait3A_458 = tpu.memref_squeeze %dma_wait3A_457 : memref<1x!tpu.dma_semaphore, #tpu.memory_space<semaphore_mem>> -> memref<!tpu.dma_semaphore, #tpu.memory_space<semaphore_mem>>
      tpu.wait_indirect_dma semaphore(%dma_wait3A_458 : memref<!tpu.dma_semaphore, #tpu.memory_space<semaphore_mem>>) src(%dma_wait3A_450 : memref<128x40xf32, #tpu.memory_space<vmem>>) dst(%dma_wait3A_456 : memref<10112x40xf32, #tpu.memory_space<vmem_shared>>)
      %add3A_459 = arith.constant 8 : i32
      %add3A_460 = arith.addi %add3A_444, %add3A_459 : i32
      %lt3A_461 = arith.constant 80 : i32
      %lt3A_462 = arith.cmpi slt, %add3A_460, %lt3A_461 : i32
      %convert_element_type3A_463 = arith.extui %lt3A_462 : i1 to i32
      %cond3A_464 = arith.constant 0 : i32
      %cond3A_465 = arith.cmpi ne, %convert_element_type3A_463, %cond3A_464 : i32
      scf.if %cond3A_465 {
        %add3A_558 = arith.constant 8 : i32
        %add3A_559 = arith.addi %add3A_444, %add3A_558 : i32
        %dma_start3A_560 = arith.constant 3 : i32
        %dma_start3A_561 = arith.constant 3 : i32
        %dma_start3A_562 = arith.constant 0 : i32
        %dma_start3A_563 = arith.constant 0 : i32
        %dma_start3A_564 = tpu.memref_slice %arg9[%dma_start3A_560, %dma_start3A_562, %dma_start3A_563] : memref<8x128x40xf32, #tpu.memory_space<vmem>> -> memref<1x128x40xf32, #tpu.memory_space<vmem>>
        %dma_start3A_565 = tpu.memref_squeeze %dma_start3A_564 : memref<1x128x40xf32, #tpu.memory_space<vmem>> -> memref<128x40xf32, #tpu.memory_space<vmem>>
        %dma_start3A_566 = arith.constant 0 : i32
        %dma_start3A_567 = tpu.memref_slice %arg7[%add3A_559, %dma_start3A_566] : memref<80x128xi32, #tpu.memory_space<vmem>> -> memref<1x128xi32, #tpu.memory_space<vmem>>
        %dma_start3A_568 = tpu.memref_squeeze %dma_start3A_567 : memref<1x128xi32, #tpu.memory_space<vmem>> -> memref<128xi32, #tpu.memory_space<vmem>>
        %dma_start3A_569 = arith.constant 0 : i32
        %dma_start3A_570 = arith.constant 0 : i32
        %dma_start3A_571 = tpu.memref_slice %arg2[%dma_start3A_569, %dma_start3A_570] : memref<10112x40xf32, #tpu.memory_space<hbm>> -> memref<10112x40xf32, #tpu.memory_space<hbm>>
        %dma_start3A_572 = tpu.memref_slice %arg11[%dma_start3A_561] : memref<8x!tpu.dma_semaphore, #tpu.memory_space<semaphore_mem>> -> memref<1x!tpu.dma_semaphore, #tpu.memory_space<semaphore_mem>>
        %dma_start3A_573 = tpu.memref_squeeze %dma_start3A_572 : memref<1x!tpu.dma_semaphore, #tpu.memory_space<semaphore_mem>> -> memref<!tpu.dma_semaphore, #tpu.memory_space<semaphore_mem>>
        tpu.enqueue_indirect_dma source(%dma_start3A_571 : memref<10112x40xf32, #tpu.memory_space<hbm>>) target(%dma_start3A_565 : memref<128x40xf32, #tpu.memory_space<vmem>>) offsets(%dma_start3A_568 : memref<128xi32, #tpu.memory_space<vmem>>) semaphore(%dma_start3A_573 : memref<!tpu.dma_semaphore, #tpu.memory_space<semaphore_mem>>)
      } else {
      }
      %add3A_466 = arith.constant 4 : i32
      %add3A_467 = arith.addi %add3A_137, %add3A_466 : i32
      %dma_wait3A_468 = arith.constant 4 : i32
      %dma_wait3A_469 = arith.constant 4 : i32
      %dma_wait3A_470 = arith.constant 0 : i32
      %dma_wait3A_471 = arith.constant 0 : i32
      %dma_wait3A_472 = tpu.memref_slice %arg9[%dma_wait3A_468, %dma_wait3A_470, %dma_wait3A_471] : memref<8x128x40xf32, #tpu.memory_space<vmem>> -> memref<1x128x40xf32, #tpu.memory_space<vmem>>
      %dma_wait3A_473 = tpu.memref_squeeze %dma_wait3A_472 : memref<1x128x40xf32, #tpu.memory_space<vmem>> -> memref<128x40xf32, #tpu.memory_space<vmem>>
      %dma_wait3A_474 = arith.constant 0 : i32
      %dma_wait3A_475 = tpu.memref_slice %arg8[%add3A_467, %dma_wait3A_474] : memref<80x128xi32, #tpu.memory_space<vmem>> -> memref<1x128xi32, #tpu.memory_space<vmem>>
      %dma_wait3A_476 = tpu.memref_squeeze %dma_wait3A_475 : memref<1x128xi32, #tpu.memory_space<vmem>> -> memref<128xi32, #tpu.memory_space<vmem>>
      %dma_wait3A_477 = arith.constant 0 : i32
      %dma_wait3A_478 = arith.constant 0 : i32
      %dma_wait3A_479 = tpu.memref_slice %arg10[%dma_wait3A_477, %dma_wait3A_478] : memref<10112x40xf32, #tpu.memory_space<vmem_shared>> -> memref<10112x40xf32, #tpu.memory_space<vmem_shared>>
      %dma_wait3A_480 = tpu.memref_slice %arg12[%dma_wait3A_469] : memref<8x!tpu.dma_semaphore, #tpu.memory_space<semaphore_mem>> -> memref<1x!tpu.dma_semaphore, #tpu.memory_space<semaphore_mem>>
      %dma_wait3A_481 = tpu.memref_squeeze %dma_wait3A_480 : memref<1x!tpu.dma_semaphore, #tpu.memory_space<semaphore_mem>> -> memref<!tpu.dma_semaphore, #tpu.memory_space<semaphore_mem>>
      tpu.wait_indirect_dma semaphore(%dma_wait3A_481 : memref<!tpu.dma_semaphore, #tpu.memory_space<semaphore_mem>>) src(%dma_wait3A_473 : memref<128x40xf32, #tpu.memory_space<vmem>>) dst(%dma_wait3A_479 : memref<10112x40xf32, #tpu.memory_space<vmem_shared>>)
      %add3A_482 = arith.constant 8 : i32
      %add3A_483 = arith.addi %add3A_467, %add3A_482 : i32
      %lt3A_484 = arith.constant 80 : i32
      %lt3A_485 = arith.cmpi slt, %add3A_483, %lt3A_484 : i32
      %convert_element_type3A_486 = arith.extui %lt3A_485 : i1 to i32
      %cond3A_487 = arith.constant 0 : i32
      %cond3A_488 = arith.cmpi ne, %convert_element_type3A_486, %cond3A_487 : i32
      scf.if %cond3A_488 {
        %add3A_558 = arith.constant 8 : i32
        %add3A_559 = arith.addi %add3A_467, %add3A_558 : i32
        %dma_start3A_560 = arith.constant 4 : i32
        %dma_start3A_561 = arith.constant 4 : i32
        %dma_start3A_562 = arith.constant 0 : i32
        %dma_start3A_563 = arith.constant 0 : i32
        %dma_start3A_564 = tpu.memref_slice %arg9[%dma_start3A_560, %dma_start3A_562, %dma_start3A_563] : memref<8x128x40xf32, #tpu.memory_space<vmem>> -> memref<1x128x40xf32, #tpu.memory_space<vmem>>
        %dma_start3A_565 = tpu.memref_squeeze %dma_start3A_564 : memref<1x128x40xf32, #tpu.memory_space<vmem>> -> memref<128x40xf32, #tpu.memory_space<vmem>>
        %dma_start3A_566 = arith.constant 0 : i32
        %dma_start3A_567 = tpu.memref_slice %arg7[%add3A_559, %dma_start3A_566] : memref<80x128xi32, #tpu.memory_space<vmem>> -> memref<1x128xi32, #tpu.memory_space<vmem>>
        %dma_start3A_568 = tpu.memref_squeeze %dma_start3A_567 : memref<1x128xi32, #tpu.memory_space<vmem>> -> memref<128xi32, #tpu.memory_space<vmem>>
        %dma_start3A_569 = arith.constant 0 : i32
        %dma_start3A_570 = arith.constant 0 : i32
        %dma_start3A_571 = tpu.memref_slice %arg2[%dma_start3A_569, %dma_start3A_570] : memref<10112x40xf32, #tpu.memory_space<hbm>> -> memref<10112x40xf32, #tpu.memory_space<hbm>>
        %dma_start3A_572 = tpu.memref_slice %arg11[%dma_start3A_561] : memref<8x!tpu.dma_semaphore, #tpu.memory_space<semaphore_mem>> -> memref<1x!tpu.dma_semaphore, #tpu.memory_space<semaphore_mem>>
        %dma_start3A_573 = tpu.memref_squeeze %dma_start3A_572 : memref<1x!tpu.dma_semaphore, #tpu.memory_space<semaphore_mem>> -> memref<!tpu.dma_semaphore, #tpu.memory_space<semaphore_mem>>
        tpu.enqueue_indirect_dma source(%dma_start3A_571 : memref<10112x40xf32, #tpu.memory_space<hbm>>) target(%dma_start3A_565 : memref<128x40xf32, #tpu.memory_space<vmem>>) offsets(%dma_start3A_568 : memref<128xi32, #tpu.memory_space<vmem>>) semaphore(%dma_start3A_573 : memref<!tpu.dma_semaphore, #tpu.memory_space<semaphore_mem>>)
      } else {
      }
      %add3A_489 = arith.constant 5 : i32
      %add3A_490 = arith.addi %add3A_137, %add3A_489 : i32
      %dma_wait3A_491 = arith.constant 5 : i32
      %dma_wait3A_492 = arith.constant 5 : i32
      %dma_wait3A_493 = arith.constant 0 : i32
      %dma_wait3A_494 = arith.constant 0 : i32
      %dma_wait3A_495 = tpu.memref_slice %arg9[%dma_wait3A_491, %dma_wait3A_493, %dma_wait3A_494] : memref<8x128x40xf32, #tpu.memory_space<vmem>> -> memref<1x128x40xf32, #tpu.memory_space<vmem>>
      %dma_wait3A_496 = tpu.memref_squeeze %dma_wait3A_495 : memref<1x128x40xf32, #tpu.memory_space<vmem>> -> memref<128x40xf32, #tpu.memory_space<vmem>>
      %dma_wait3A_497 = arith.constant 0 : i32
      %dma_wait3A_498 = tpu.memref_slice %arg8[%add3A_490, %dma_wait3A_497] : memref<80x128xi32, #tpu.memory_space<vmem>> -> memref<1x128xi32, #tpu.memory_space<vmem>>
      %dma_wait3A_499 = tpu.memref_squeeze %dma_wait3A_498 : memref<1x128xi32, #tpu.memory_space<vmem>> -> memref<128xi32, #tpu.memory_space<vmem>>
      %dma_wait3A_500 = arith.constant 0 : i32
      %dma_wait3A_501 = arith.constant 0 : i32
      %dma_wait3A_502 = tpu.memref_slice %arg10[%dma_wait3A_500, %dma_wait3A_501] : memref<10112x40xf32, #tpu.memory_space<vmem_shared>> -> memref<10112x40xf32, #tpu.memory_space<vmem_shared>>
      %dma_wait3A_503 = tpu.memref_slice %arg12[%dma_wait3A_492] : memref<8x!tpu.dma_semaphore, #tpu.memory_space<semaphore_mem>> -> memref<1x!tpu.dma_semaphore, #tpu.memory_space<semaphore_mem>>
      %dma_wait3A_504 = tpu.memref_squeeze %dma_wait3A_503 : memref<1x!tpu.dma_semaphore, #tpu.memory_space<semaphore_mem>> -> memref<!tpu.dma_semaphore, #tpu.memory_space<semaphore_mem>>
      tpu.wait_indirect_dma semaphore(%dma_wait3A_504 : memref<!tpu.dma_semaphore, #tpu.memory_space<semaphore_mem>>) src(%dma_wait3A_496 : memref<128x40xf32, #tpu.memory_space<vmem>>) dst(%dma_wait3A_502 : memref<10112x40xf32, #tpu.memory_space<vmem_shared>>)
      %add3A_505 = arith.constant 8 : i32
      %add3A_506 = arith.addi %add3A_490, %add3A_505 : i32
      %lt3A_507 = arith.constant 80 : i32
      %lt3A_508 = arith.cmpi slt, %add3A_506, %lt3A_507 : i32
      %convert_element_type3A_509 = arith.extui %lt3A_508 : i1 to i32
      %cond3A_510 = arith.constant 0 : i32
      %cond3A_511 = arith.cmpi ne, %convert_element_type3A_509, %cond3A_510 : i32
      scf.if %cond3A_511 {
        %add3A_558 = arith.constant 8 : i32
        %add3A_559 = arith.addi %add3A_490, %add3A_558 : i32
        %dma_start3A_560 = arith.constant 5 : i32
        %dma_start3A_561 = arith.constant 5 : i32
        %dma_start3A_562 = arith.constant 0 : i32
        %dma_start3A_563 = arith.constant 0 : i32
        %dma_start3A_564 = tpu.memref_slice %arg9[%dma_start3A_560, %dma_start3A_562, %dma_start3A_563] : memref<8x128x40xf32, #tpu.memory_space<vmem>> -> memref<1x128x40xf32, #tpu.memory_space<vmem>>
        %dma_start3A_565 = tpu.memref_squeeze %dma_start3A_564 : memref<1x128x40xf32, #tpu.memory_space<vmem>> -> memref<128x40xf32, #tpu.memory_space<vmem>>
        %dma_start3A_566 = arith.constant 0 : i32
        %dma_start3A_567 = tpu.memref_slice %arg7[%add3A_559, %dma_start3A_566] : memref<80x128xi32, #tpu.memory_space<vmem>> -> memref<1x128xi32, #tpu.memory_space<vmem>>
        %dma_start3A_568 = tpu.memref_squeeze %dma_start3A_567 : memref<1x128xi32, #tpu.memory_space<vmem>> -> memref<128xi32, #tpu.memory_space<vmem>>
        %dma_start3A_569 = arith.constant 0 : i32
        %dma_start3A_570 = arith.constant 0 : i32
        %dma_start3A_571 = tpu.memref_slice %arg2[%dma_start3A_569, %dma_start3A_570] : memref<10112x40xf32, #tpu.memory_space<hbm>> -> memref<10112x40xf32, #tpu.memory_space<hbm>>
        %dma_start3A_572 = tpu.memref_slice %arg11[%dma_start3A_561] : memref<8x!tpu.dma_semaphore, #tpu.memory_space<semaphore_mem>> -> memref<1x!tpu.dma_semaphore, #tpu.memory_space<semaphore_mem>>
        %dma_start3A_573 = tpu.memref_squeeze %dma_start3A_572 : memref<1x!tpu.dma_semaphore, #tpu.memory_space<semaphore_mem>> -> memref<!tpu.dma_semaphore, #tpu.memory_space<semaphore_mem>>
        tpu.enqueue_indirect_dma source(%dma_start3A_571 : memref<10112x40xf32, #tpu.memory_space<hbm>>) target(%dma_start3A_565 : memref<128x40xf32, #tpu.memory_space<vmem>>) offsets(%dma_start3A_568 : memref<128xi32, #tpu.memory_space<vmem>>) semaphore(%dma_start3A_573 : memref<!tpu.dma_semaphore, #tpu.memory_space<semaphore_mem>>)
      } else {
      }
      %add3A_512 = arith.constant 6 : i32
      %add3A_513 = arith.addi %add3A_137, %add3A_512 : i32
      %dma_wait3A_514 = arith.constant 6 : i32
      %dma_wait3A_515 = arith.constant 6 : i32
      %dma_wait3A_516 = arith.constant 0 : i32
      %dma_wait3A_517 = arith.constant 0 : i32
      %dma_wait3A_518 = tpu.memref_slice %arg9[%dma_wait3A_514, %dma_wait3A_516, %dma_wait3A_517] : memref<8x128x40xf32, #tpu.memory_space<vmem>> -> memref<1x128x40xf32, #tpu.memory_space<vmem>>
      %dma_wait3A_519 = tpu.memref_squeeze %dma_wait3A_518 : memref<1x128x40xf32, #tpu.memory_space<vmem>> -> memref<128x40xf32, #tpu.memory_space<vmem>>
      %dma_wait3A_520 = arith.constant 0 : i32
      %dma_wait3A_521 = tpu.memref_slice %arg8[%add3A_513, %dma_wait3A_520] : memref<80x128xi32, #tpu.memory_space<vmem>> -> memref<1x128xi32, #tpu.memory_space<vmem>>
      %dma_wait3A_522 = tpu.memref_squeeze %dma_wait3A_521 : memref<1x128xi32, #tpu.memory_space<vmem>> -> memref<128xi32, #tpu.memory_space<vmem>>
      %dma_wait3A_523 = arith.constant 0 : i32
      %dma_wait3A_524 = arith.constant 0 : i32
      %dma_wait3A_525 = tpu.memref_slice %arg10[%dma_wait3A_523, %dma_wait3A_524] : memref<10112x40xf32, #tpu.memory_space<vmem_shared>> -> memref<10112x40xf32, #tpu.memory_space<vmem_shared>>
      %dma_wait3A_526 = tpu.memref_slice %arg12[%dma_wait3A_515] : memref<8x!tpu.dma_semaphore, #tpu.memory_space<semaphore_mem>> -> memref<1x!tpu.dma_semaphore, #tpu.memory_space<semaphore_mem>>
      %dma_wait3A_527 = tpu.memref_squeeze %dma_wait3A_526 : memref<1x!tpu.dma_semaphore, #tpu.memory_space<semaphore_mem>> -> memref<!tpu.dma_semaphore, #tpu.memory_space<semaphore_mem>>
      tpu.wait_indirect_dma semaphore(%dma_wait3A_527 : memref<!tpu.dma_semaphore, #tpu.memory_space<semaphore_mem>>) src(%dma_wait3A_519 : memref<128x40xf32, #tpu.memory_space<vmem>>) dst(%dma_wait3A_525 : memref<10112x40xf32, #tpu.memory_space<vmem_shared>>)
      %add3A_528 = arith.constant 8 : i32
      %add3A_529 = arith.addi %add3A_513, %add3A_528 : i32
      %lt3A_530 = arith.constant 80 : i32
      %lt3A_531 = arith.cmpi slt, %add3A_529, %lt3A_530 : i32
      %convert_element_type3A_532 = arith.extui %lt3A_531 : i1 to i32
      %cond3A_533 = arith.constant 0 : i32
      %cond3A_534 = arith.cmpi ne, %convert_element_type3A_532, %cond3A_533 : i32
      scf.if %cond3A_534 {
        %add3A_558 = arith.constant 8 : i32
        %add3A_559 = arith.addi %add3A_513, %add3A_558 : i32
        %dma_start3A_560 = arith.constant 6 : i32
        %dma_start3A_561 = arith.constant 6 : i32
        %dma_start3A_562 = arith.constant 0 : i32
        %dma_start3A_563 = arith.constant 0 : i32
        %dma_start3A_564 = tpu.memref_slice %arg9[%dma_start3A_560, %dma_start3A_562, %dma_start3A_563] : memref<8x128x40xf32, #tpu.memory_space<vmem>> -> memref<1x128x40xf32, #tpu.memory_space<vmem>>
        %dma_start3A_565 = tpu.memref_squeeze %dma_start3A_564 : memref<1x128x40xf32, #tpu.memory_space<vmem>> -> memref<128x40xf32, #tpu.memory_space<vmem>>
        %dma_start3A_566 = arith.constant 0 : i32
        %dma_start3A_567 = tpu.memref_slice %arg7[%add3A_559, %dma_start3A_566] : memref<80x128xi32, #tpu.memory_space<vmem>> -> memref<1x128xi32, #tpu.memory_space<vmem>>
        %dma_start3A_568 = tpu.memref_squeeze %dma_start3A_567 : memref<1x128xi32, #tpu.memory_space<vmem>> -> memref<128xi32, #tpu.memory_space<vmem>>
        %dma_start3A_569 = arith.constant 0 : i32
        %dma_start3A_570 = arith.constant 0 : i32
        %dma_start3A_571 = tpu.memref_slice %arg2[%dma_start3A_569, %dma_start3A_570] : memref<10112x40xf32, #tpu.memory_space<hbm>> -> memref<10112x40xf32, #tpu.memory_space<hbm>>
        %dma_start3A_572 = tpu.memref_slice %arg11[%dma_start3A_561] : memref<8x!tpu.dma_semaphore, #tpu.memory_space<semaphore_mem>> -> memref<1x!tpu.dma_semaphore, #tpu.memory_space<semaphore_mem>>
        %dma_start3A_573 = tpu.memref_squeeze %dma_start3A_572 : memref<1x!tpu.dma_semaphore, #tpu.memory_space<semaphore_mem>> -> memref<!tpu.dma_semaphore, #tpu.memory_space<semaphore_mem>>
        tpu.enqueue_indirect_dma source(%dma_start3A_571 : memref<10112x40xf32, #tpu.memory_space<hbm>>) target(%dma_start3A_565 : memref<128x40xf32, #tpu.memory_space<vmem>>) offsets(%dma_start3A_568 : memref<128xi32, #tpu.memory_space<vmem>>) semaphore(%dma_start3A_573 : memref<!tpu.dma_semaphore, #tpu.memory_space<semaphore_mem>>)
      } else {
      }
      %add3A_535 = arith.constant 7 : i32
      %add3A_536 = arith.addi %add3A_137, %add3A_535 : i32
      %dma_wait3A_537 = arith.constant 7 : i32
      %dma_wait3A_538 = arith.constant 7 : i32
      %dma_wait3A_539 = arith.constant 0 : i32
      %dma_wait3A_540 = arith.constant 0 : i32
      %dma_wait3A_541 = tpu.memref_slice %arg9[%dma_wait3A_537, %dma_wait3A_539, %dma_wait3A_540] : memref<8x128x40xf32, #tpu.memory_space<vmem>> -> memref<1x128x40xf32, #tpu.memory_space<vmem>>
      %dma_wait3A_542 = tpu.memref_squeeze %dma_wait3A_541 : memref<1x128x40xf32, #tpu.memory_space<vmem>> -> memref<128x40xf32, #tpu.memory_space<vmem>>
      %dma_wait3A_543 = arith.constant 0 : i32
      %dma_wait3A_544 = tpu.memref_slice %arg8[%add3A_536, %dma_wait3A_543] : memref<80x128xi32, #tpu.memory_space<vmem>> -> memref<1x128xi32, #tpu.memory_space<vmem>>
      %dma_wait3A_545 = tpu.memref_squeeze %dma_wait3A_544 : memref<1x128xi32, #tpu.memory_space<vmem>> -> memref<128xi32, #tpu.memory_space<vmem>>
      %dma_wait3A_546 = arith.constant 0 : i32
      %dma_wait3A_547 = arith.constant 0 : i32
      %dma_wait3A_548 = tpu.memref_slice %arg10[%dma_wait3A_546, %dma_wait3A_547] : memref<10112x40xf32, #tpu.memory_space<vmem_shared>> -> memref<10112x40xf32, #tpu.memory_space<vmem_shared>>
      %dma_wait3A_549 = tpu.memref_slice %arg12[%dma_wait3A_538] : memref<8x!tpu.dma_semaphore, #tpu.memory_space<semaphore_mem>> -> memref<1x!tpu.dma_semaphore, #tpu.memory_space<semaphore_mem>>
      %dma_wait3A_550 = tpu.memref_squeeze %dma_wait3A_549 : memref<1x!tpu.dma_semaphore, #tpu.memory_space<semaphore_mem>> -> memref<!tpu.dma_semaphore, #tpu.memory_space<semaphore_mem>>
      tpu.wait_indirect_dma semaphore(%dma_wait3A_550 : memref<!tpu.dma_semaphore, #tpu.memory_space<semaphore_mem>>) src(%dma_wait3A_542 : memref<128x40xf32, #tpu.memory_space<vmem>>) dst(%dma_wait3A_548 : memref<10112x40xf32, #tpu.memory_space<vmem_shared>>)
      %add3A_551 = arith.constant 8 : i32
      %add3A_552 = arith.addi %add3A_536, %add3A_551 : i32
      %lt3A_553 = arith.constant 80 : i32
      %lt3A_554 = arith.cmpi slt, %add3A_552, %lt3A_553 : i32
      %convert_element_type3A_555 = arith.extui %lt3A_554 : i1 to i32
      %cond3A_556 = arith.constant 0 : i32
      %cond3A_557 = arith.cmpi ne, %convert_element_type3A_555, %cond3A_556 : i32
      scf.if %cond3A_557 {
        %add3A_558 = arith.constant 8 : i32
        %add3A_559 = arith.addi %add3A_536, %add3A_558 : i32
        %dma_start3A_560 = arith.constant 7 : i32
        %dma_start3A_561 = arith.constant 7 : i32
        %dma_start3A_562 = arith.constant 0 : i32
        %dma_start3A_563 = arith.constant 0 : i32
        %dma_start3A_564 = tpu.memref_slice %arg9[%dma_start3A_560, %dma_start3A_562, %dma_start3A_563] : memref<8x128x40xf32, #tpu.memory_space<vmem>> -> memref<1x128x40xf32, #tpu.memory_space<vmem>>
        %dma_start3A_565 = tpu.memref_squeeze %dma_start3A_564 : memref<1x128x40xf32, #tpu.memory_space<vmem>> -> memref<128x40xf32, #tpu.memory_space<vmem>>
        %dma_start3A_566 = arith.constant 0 : i32
        %dma_start3A_567 = tpu.memref_slice %arg7[%add3A_559, %dma_start3A_566] : memref<80x128xi32, #tpu.memory_space<vmem>> -> memref<1x128xi32, #tpu.memory_space<vmem>>
        %dma_start3A_568 = tpu.memref_squeeze %dma_start3A_567 : memref<1x128xi32, #tpu.memory_space<vmem>> -> memref<128xi32, #tpu.memory_space<vmem>>
        %dma_start3A_569 = arith.constant 0 : i32
        %dma_start3A_570 = arith.constant 0 : i32
        %dma_start3A_571 = tpu.memref_slice %arg2[%dma_start3A_569, %dma_start3A_570] : memref<10112x40xf32, #tpu.memory_space<hbm>> -> memref<10112x40xf32, #tpu.memory_space<hbm>>
        %dma_start3A_572 = tpu.memref_slice %arg11[%dma_start3A_561] : memref<8x!tpu.dma_semaphore, #tpu.memory_space<semaphore_mem>> -> memref<1x!tpu.dma_semaphore, #tpu.memory_space<semaphore_mem>>
        %dma_start3A_573 = tpu.memref_squeeze %dma_start3A_572 : memref<1x!tpu.dma_semaphore, #tpu.memory_space<semaphore_mem>> -> memref<!tpu.dma_semaphore, #tpu.memory_space<semaphore_mem>>
        tpu.enqueue_indirect_dma source(%dma_start3A_571 : memref<10112x40xf32, #tpu.memory_space<hbm>>) target(%dma_start3A_565 : memref<128x40xf32, #tpu.memory_space<vmem>>) offsets(%dma_start3A_568 : memref<128xi32, #tpu.memory_space<vmem>>) semaphore(%dma_start3A_573 : memref<!tpu.dma_semaphore, #tpu.memory_space<semaphore_mem>>)
      } else {
      }
    }
    %scan3A_127 = arith.constant 10 : i32
    %barrier3A_128 = arith.constant 0 : index
    tpu.barrier barrier_id(%barrier3A_128)
    %mul3A_129 = arith.constant 632 : i32
    %mul3A_130 = arith.muli %arg1, %mul3A_129 : i32
    %mul3A_131 = arith.constant 632 : i32
    %mul3A_132 = arith.muli %arg1, %mul3A_131 : i32
    "tpu.region"() ({
      %run_scoped3A = tpu.sem_alloc : memref<!tpu.dma_semaphore, #tpu.memory_space<semaphore_mem>>
      %dma_start3A_133 = arith.constant 0 : i32
      %dma_start3A_134 = tpu.memref_slice %arg6[%arg0, %mul3A_132, %dma_start3A_133] : memref<2x10112x40xf32, #tpu.memory_space<hbm>> -> memref<1x632x40xf32, #tpu.memory_space<hbm>>
      %dma_start3A_135 = tpu.memref_squeeze %dma_start3A_134 : memref<1x632x40xf32, #tpu.memory_space<hbm>> -> memref<632x40xf32, #tpu.memory_space<hbm>>
      %dma_start3A_136 = arith.constant 0 : i32
      %dma_start3A_137 = tpu.memref_slice %arg10[%mul3A_130, %dma_start3A_136] : memref<10112x40xf32, #tpu.memory_space<vmem_shared>> -> memref<632x40xf32, #tpu.memory_space<vmem_shared>>
      tpu.enqueue_dma source(%dma_start3A_137 : memref<632x40xf32, #tpu.memory_space<vmem_shared>>) target(%dma_start3A_135 : memref<632x40xf32, #tpu.memory_space<hbm>>) target_semaphore(%run_scoped3A : memref<!tpu.dma_semaphore, #tpu.memory_space<semaphore_mem>>)
      %dma_wait3A = arith.constant 0 : i32
      %dma_wait3A_138 = tpu.memref_slice %arg6[%arg0, %mul3A_132, %dma_wait3A] : memref<2x10112x40xf32, #tpu.memory_space<hbm>> -> memref<1x632x40xf32, #tpu.memory_space<hbm>>
      %dma_wait3A_139 = tpu.memref_squeeze %dma_wait3A_138 : memref<1x632x40xf32, #tpu.memory_space<hbm>> -> memref<632x40xf32, #tpu.memory_space<hbm>>
      %dma_wait3A_140 = arith.constant 0 : i32
      %dma_wait3A_141 = tpu.memref_slice %arg10[%mul3A_130, %dma_wait3A_140] : memref<10112x40xf32, #tpu.memory_space<vmem_shared>> -> memref<632x40xf32, #tpu.memory_space<vmem_shared>>
      tpu.wait_dma2 semaphore(%run_scoped3A : memref<!tpu.dma_semaphore, #tpu.memory_space<semaphore_mem>>) src(%dma_wait3A_141 : memref<632x40xf32, #tpu.memory_space<vmem_shared>>) dst(%dma_wait3A_139 : memref<632x40xf32, #tpu.memory_space<hbm>>)
      tpu.yield
    }) : () -> ()
    return
  }
}

#map = affine_map<(d0, d1) -> (0, 0)>
#map1 = affine_map<(d0, d1) -> (0, 0, 0)>
module attributes {stable_mosaic.version = 14 : i64} {
  func.func @_spmv_kernel(%arg0: i32, %arg1: i32, %arg2: memref<10112x40xf32, #tpu.memory_space<hbm>>, %arg3: memref<32x80x128xi32, #tpu.memory_space<hbm>>, %arg4: memref<32x80x128xi32, #tpu.memory_space<hbm>>, %arg5: memref<10112x40xf32, #tpu.memory_space<hbm>>, %arg6: memref<2x10112x40xf32, #tpu.memory_space<hbm>>, %arg7: memref<80x128xi32, #tpu.memory_space<vmem>>, %arg8: memref<80x128xi32, #tpu.memory_space<vmem>>, %arg9: memref<8x128x40xf32, #tpu.memory_space<vmem>>, %arg10: memref<10112x40xf32, #tpu.memory_space<vmem_shared>>, %arg11: memref<8x!tpu.dma_semaphore, #tpu.memory_space<semaphore_mem>>, %arg12: memref<8x!tpu.dma_semaphore, #tpu.memory_space<semaphore_mem>>) attributes {dimension_semantics = [#tpu.dimension_semantics<core_parallel>, #tpu.dimension_semantics<subcore_parallel>], iteration_bounds = array<i64: 2, 16>, scalar_prefetch = 0 : i64, scratch_operands = 6 : i64, tpu.core_type = #tpu.core_type<sc_vector_subcore>, window_params = [{transform_indices = #map}, {transform_indices = #map1}, {transform_indices = #map1}, {transform_indices = #map}, {transform_indices = #map1}]} {
    %mul3A = arith.constant 16 : i32
    %mul3A_0 = arith.muli %arg0, %mul3A : i32
    %add3A = arith.addi %mul3A_0, %arg1 : i32
    "tpu.region"() ({
      %run_scoped3A = tpu.sem_alloc : memref<!tpu.dma_semaphore, #tpu.memory_space<semaphore_mem>>
      %dma_start3A_133 = arith.constant 0 : i32
      %dma_start3A_134 = arith.constant 0 : i32
      %dma_start3A_135 = tpu.memref_slice %arg3[%add3A, %dma_start3A_133, %dma_start3A_134] : memref<32x80x128xi32, #tpu.memory_space<hbm>> -> memref<1x80x128xi32, #tpu.memory_space<hbm>>
      %dma_start3A_136 = tpu.memref_squeeze %dma_start3A_135 : memref<1x80x128xi32, #tpu.memory_space<hbm>> -> memref<80x128xi32, #tpu.memory_space<hbm>>
      %dma_start3A_137 = arith.constant 0 : i32
      %dma_start3A_138 = arith.constant 0 : i32
      %dma_start3A_139 = tpu.memref_slice %arg3[%add3A, %dma_start3A_137, %dma_start3A_138] : memref<32x80x128xi32, #tpu.memory_space<hbm>> -> memref<1x80x128xi32, #tpu.memory_space<hbm>>
      %dma_start3A_140 = tpu.memref_squeeze %dma_start3A_139 : memref<1x80x128xi32, #tpu.memory_space<hbm>> -> memref<80x128xi32, #tpu.memory_space<hbm>>
      tpu.enqueue_dma source(%dma_start3A_140 : memref<80x128xi32, #tpu.memory_space<hbm>>) target(%arg7 : memref<80x128xi32, #tpu.memory_space<vmem>>) target_semaphore(%run_scoped3A : memref<!tpu.dma_semaphore, #tpu.memory_space<semaphore_mem>>)
      %dma_wait3A = arith.constant 0 : i32
      %dma_wait3A_141 = arith.constant 0 : i32
      %dma_wait3A_142 = tpu.memref_slice %arg3[%add3A, %dma_wait3A, %dma_wait3A_141] : memref<32x80x128xi32, #tpu.memory_space<hbm>> -> memref<1x80x128xi32, #tpu.memory_space<hbm>>
      %dma_wait3A_143 = tpu.memref_squeeze %dma_wait3A_142 : memref<1x80x128xi32, #tpu.memory_space<hbm>> -> memref<80x128xi32, #tpu.memory_space<hbm>>
      %dma_wait3A_144 = arith.constant 0 : i32
      %dma_wait3A_145 = arith.constant 0 : i32
      %dma_wait3A_146 = tpu.memref_slice %arg3[%add3A, %dma_wait3A_144, %dma_wait3A_145] : memref<32x80x128xi32, #tpu.memory_space<hbm>> -> memref<1x80x128xi32, #tpu.memory_space<hbm>>
      %dma_wait3A_147 = tpu.memref_squeeze %dma_wait3A_146 : memref<1x80x128xi32, #tpu.memory_space<hbm>> -> memref<80x128xi32, #tpu.memory_space<hbm>>
      tpu.wait_dma2 semaphore(%run_scoped3A : memref<!tpu.dma_semaphore, #tpu.memory_space<semaphore_mem>>) src(%dma_wait3A_147 : memref<80x128xi32, #tpu.memory_space<hbm>>) dst(%arg7 : memref<80x128xi32, #tpu.memory_space<vmem>>)
      tpu.yield
    }) : () -> ()
    "tpu.region"() ({
      %run_scoped3A = tpu.sem_alloc : memref<!tpu.dma_semaphore, #tpu.memory_space<semaphore_mem>>
      %dma_start3A_133 = arith.constant 0 : i32
      %dma_start3A_134 = arith.constant 0 : i32
      %dma_start3A_135 = tpu.memref_slice %arg4[%add3A, %dma_start3A_133, %dma_start3A_134] : memref<32x80x128xi32, #tpu.memory_space<hbm>> -> memref<1x80x128xi32, #tpu.memory_space<hbm>>
      %dma_start3A_136 = tpu.memref_squeeze %dma_start3A_135 : memref<1x80x128xi32, #tpu.memory_space<hbm>> -> memref<80x128xi32, #tpu.memory_space<hbm>>
      %dma_start3A_137 = arith.constant 0 : i32
      %dma_start3A_138 = arith.constant 0 : i32
      %dma_start3A_139 = tpu.memref_slice %arg4[%add3A, %dma_start3A_137, %dma_start3A_138] : memref<32x80x128xi32, #tpu.memory_space<hbm>> -> memref<1x80x128xi32, #tpu.memory_space<hbm>>
      %dma_start3A_140 = tpu.memref_squeeze %dma_start3A_139 : memref<1x80x128xi32, #tpu.memory_space<hbm>> -> memref<80x128xi32, #tpu.memory_space<hbm>>
      tpu.enqueue_dma source(%dma_start3A_140 : memref<80x128xi32, #tpu.memory_space<hbm>>) target(%arg8 : memref<80x128xi32, #tpu.memory_space<vmem>>) target_semaphore(%run_scoped3A : memref<!tpu.dma_semaphore, #tpu.memory_space<semaphore_mem>>)
      %dma_wait3A = arith.constant 0 : i32
      %dma_wait3A_141 = arith.constant 0 : i32
      %dma_wait3A_142 = tpu.memref_slice %arg4[%add3A, %dma_wait3A, %dma_wait3A_141] : memref<32x80x128xi32, #tpu.memory_space<hbm>> -> memref<1x80x128xi32, #tpu.memory_space<hbm>>
      %dma_wait3A_143 = tpu.memref_squeeze %dma_wait3A_142 : memref<1x80x128xi32, #tpu.memory_space<hbm>> -> memref<80x128xi32, #tpu.memory_space<hbm>>
      %dma_wait3A_144 = arith.constant 0 : i32
      %dma_wait3A_145 = arith.constant 0 : i32
      %dma_wait3A_146 = tpu.memref_slice %arg4[%add3A, %dma_wait3A_144, %dma_wait3A_145] : memref<32x80x128xi32, #tpu.memory_space<hbm>> -> memref<1x80x128xi32, #tpu.memory_space<hbm>>
      %dma_wait3A_147 = tpu.memref_squeeze %dma_wait3A_146 : memref<1x80x128xi32, #tpu.memory_space<hbm>> -> memref<80x128xi32, #tpu.memory_space<hbm>>
      tpu.wait_dma2 semaphore(%run_scoped3A : memref<!tpu.dma_semaphore, #tpu.memory_space<semaphore_mem>>) src(%dma_wait3A_147 : memref<80x128xi32, #tpu.memory_space<hbm>>) dst(%arg8 : memref<80x128xi32, #tpu.memory_space<vmem>>)
      tpu.yield
    }) : () -> ()
    %mul3A_1 = arith.constant 632 : i32
    %mul3A_2 = arith.muli %arg1, %mul3A_1 : i32
    %mul3A_3 = arith.constant 632 : i32
    %mul3A_4 = arith.muli %arg1, %mul3A_3 : i32
    "tpu.region"() ({
      %run_scoped3A = tpu.sem_alloc : memref<!tpu.dma_semaphore, #tpu.memory_space<semaphore_mem>>
      %dma_start3A_133 = arith.constant 0 : i32
      %dma_start3A_134 = tpu.memref_slice %arg10[%mul3A_4, %dma_start3A_133] : memref<10112x40xf32, #tpu.memory_space<vmem_shared>> -> memref<632x40xf32, #tpu.memory_space<vmem_shared>>
      %dma_start3A_135 = arith.constant 0 : i32
      %dma_start3A_136 = tpu.memref_slice %arg5[%mul3A_2, %dma_start3A_135] : memref<10112x40xf32, #tpu.memory_space<hbm>> -> memref<632x40xf32, #tpu.memory_space<hbm>>
      tpu.enqueue_dma source(%dma_start3A_136 : memref<632x40xf32, #tpu.memory_space<hbm>>) target(%dma_start3A_134 : memref<632x40xf32, #tpu.memory_space<vmem_shared>>) target_semaphore(%run_scoped3A : memref<!tpu.dma_semaphore, #tpu.memory_space<semaphore_mem>>)
      %dma_wait3A = arith.constant 0 : i32
      %dma_wait3A_137 = tpu.memref_slice %arg10[%mul3A_4, %dma_wait3A] : memref<10112x40xf32, #tpu.memory_space<vmem_shared>> -> memref<632x40xf32, #tpu.memory_space<vmem_shared>>
      %dma_wait3A_138 = arith.constant 0 : i32
      %dma_wait3A_139 = tpu.memref_slice %arg5[%mul3A_2, %dma_wait3A_138] : memref<10112x40xf32, #tpu.memory_space<hbm>> -> memref<632x40xf32, #tpu.memory_space<hbm>>
      tpu.wait_dma2 semaphore(%run_scoped3A : memref<!tpu.dma_semaphore, #tpu.memory_space<semaphore_mem>>) src(%dma_wait3A_139 : memref<632x40xf32, #tpu.memory_space<hbm>>) dst(%dma_wait3A_137 : memref<632x40xf32, #tpu.memory_space<vmem_shared>>)
      tpu.yield
    }) : () -> ()
    %barrier3A = arith.constant 0 : index
    tpu.barrier barrier_id(%barrier3A)
    %dma_start3A = arith.constant 0 : i32
    %dma_start3A_5 = arith.constant 0 : i32
    %dma_start3A_6 = arith.constant 0 : i32
    %dma_start3A_7 = arith.constant 0 : i32
    %dma_start3A_8 = arith.constant 0 : i32
    %dma_start3A_9 = tpu.memref_slice %arg9[%dma_start3A_5, %dma_start3A_7, %dma_start3A_8] : memref<8x128x40xf32, #tpu.memory_space<vmem>> -> memref<1x128x40xf32, #tpu.memory_space<vmem>>
    %dma_start3A_10 = tpu.memref_squeeze %dma_start3A_9 : memref<1x128x40xf32, #tpu.memory_space<vmem>> -> memref<128x40xf32, #tpu.memory_space<vmem>>
    %dma_start3A_11 = arith.constant 0 : i32
    %dma_start3A_12 = tpu.memref_slice %arg7[%dma_start3A, %dma_start3A_11] : memref<80x128xi32, #tpu.memory_space<vmem>> -> memref<1x128xi32, #tpu.memory_space<vmem>>
    %dma_start3A_13 = tpu.memref_squeeze %dma_start3A_12 : memref<1x128xi32, #tpu.memory_space<vmem>> -> memref<128xi32, #tpu.memory_space<vmem>>
    %dma_start3A_14 = arith.constant 0 : i32
    %dma_start3A_15 = arith.constant 0 : i32
    %dma_start3A_16 = tpu.memref_slice %arg2[%dma_start3A_14, %dma_start3A_15] : memref<10112x40xf32, #tpu.memory_space<hbm>> -> memref<10112x40xf32, #tpu.memory_space<hbm>>
    %dma_start3A_17 = tpu.memref_slice %arg11[%dma_start3A_6] : memref<8x!tpu.dma_semaphore, #tpu.memory_space<semaphore_mem>> -> memref<1x!tpu.dma_semaphore, #tpu.memory_space<semaphore_mem>>
    %dma_start3A_18 = tpu.memref_squeeze %dma_start3A_17 : memref<1x!tpu.dma_semaphore, #tpu.memory_space<semaphore_mem>> -> memref<!tpu.dma_semaphore, #tpu.memory_space<semaphore_mem>>
    tpu.enqueue_indirect_dma source(%dma_start3A_16 : memref<10112x40xf32, #tpu.memory_space<hbm>>) target(%dma_start3A_10 : memref<128x40xf32, #tpu.memory_space<vmem>>) offsets(%dma_start3A_13 : memref<128xi32, #tpu.memory_space<vmem>>) semaphore(%dma_start3A_18 : memref<!tpu.dma_semaphore, #tpu.memory_space<semaphore_mem>>)
    %dma_start3A_19 = arith.constant 1 : i32
    %dma_start3A_20 = arith.constant 1 : i32
    %dma_start3A_21 = arith.constant 1 : i32
    %dma_start3A_22 = arith.constant 0 : i32
    %dma_start3A_23 = arith.constant 0 : i32
    %dma_start3A_24 = tpu.memref_slice %arg9[%dma_start3A_20, %dma_start3A_22, %dma_start3A_23] : memref<8x128x40xf32, #tpu.memory_space<vmem>> -> memref<1x128x40xf32, #tpu.memory_space<vmem>>
    %dma_start3A_25 = tpu.memref_squeeze %dma_start3A_24 : memref<1x128x40xf32, #tpu.memory_space<vmem>> -> memref<128x40xf32, #tpu.memory_space<vmem>>
    %dma_start3A_26 = arith.constant 0 : i32
    %dma_start3A_27 = tpu.memref_slice %arg7[%dma_start3A_19, %dma_start3A_26] : memref<80x128xi32, #tpu.memory_space<vmem>> -> memref<1x128xi32, #tpu.memory_space<vmem>>
    %dma_start3A_28 = tpu.memref_squeeze %dma_start3A_27 : memref<1x128xi32, #tpu.memory_space<vmem>> -> memref<128xi32, #tpu.memory_space<vmem>>
    %dma_start3A_29 = arith.constant 0 : i32
    %dma_start3A_30 = arith.constant 0 : i32
    %dma_start3A_31 = tpu.memref_slice %arg2[%dma_start3A_29, %dma_start3A_30] : memref<10112x40xf32, #tpu.memory_space<hbm>> -> memref<10112x40xf32, #tpu.memory_space<hbm>>
    %dma_start3A_32 = tpu.memref_slice %arg11[%dma_start3A_21] : memref<8x!tpu.dma_semaphore, #tpu.memory_space<semaphore_mem>> -> memref<1x!tpu.dma_semaphore, #tpu.memory_space<semaphore_mem>>
    %dma_start3A_33 = tpu.memref_squeeze %dma_start3A_32 : memref<1x!tpu.dma_semaphore, #tpu.memory_space<semaphore_mem>> -> memref<!tpu.dma_semaphore, #tpu.memory_space<semaphore_mem>>
    tpu.enqueue_indirect_dma source(%dma_start3A_31 : memref<10112x40xf32, #tpu.memory_space<hbm>>) target(%dma_start3A_25 : memref<128x40xf32, #tpu.memory_space<vmem>>) offsets(%dma_start3A_28 : memref<128xi32, #tpu.memory_space<vmem>>) semaphore(%dma_start3A_33 : memref<!tpu.dma_semaphore, #tpu.memory_space<semaphore_mem>>)
    %dma_start3A_34 = arith.constant 2 : i32
    %dma_start3A_35 = arith.constant 2 : i32
    %dma_start3A_36 = arith.constant 2 : i32
    %dma_start3A_37 = arith.constant 0 : i32
    %dma_start3A_38 = arith.constant 0 : i32
    %dma_start3A_39 = tpu.memref_slice %arg9[%dma_start3A_35, %dma_start3A_37, %dma_start3A_38] : memref<8x128x40xf32, #tpu.memory_space<vmem>> -> memref<1x128x40xf32, #tpu.memory_space<vmem>>
    %dma_start3A_40 = tpu.memref_squeeze %dma_start3A_39 : memref<1x128x40xf32, #tpu.memory_space<vmem>> -> memref<128x40xf32, #tpu.memory_space<vmem>>
    %dma_start3A_41 = arith.constant 0 : i32
    %dma_start3A_42 = tpu.memref_slice %arg7[%dma_start3A_34, %dma_start3A_41] : memref<80x128xi32, #tpu.memory_space<vmem>> -> memref<1x128xi32, #tpu.memory_space<vmem>>
    %dma_start3A_43 = tpu.memref_squeeze %dma_start3A_42 : memref<1x128xi32, #tpu.memory_space<vmem>> -> memref<128xi32, #tpu.memory_space<vmem>>
    %dma_start3A_44 = arith.constant 0 : i32
    %dma_start3A_45 = arith.constant 0 : i32
    %dma_start3A_46 = tpu.memref_slice %arg2[%dma_start3A_44, %dma_start3A_45] : memref<10112x40xf32, #tpu.memory_space<hbm>> -> memref<10112x40xf32, #tpu.memory_space<hbm>>
    %dma_start3A_47 = tpu.memref_slice %arg11[%dma_start3A_36] : memref<8x!tpu.dma_semaphore, #tpu.memory_space<semaphore_mem>> -> memref<1x!tpu.dma_semaphore, #tpu.memory_space<semaphore_mem>>
    %dma_start3A_48 = tpu.memref_squeeze %dma_start3A_47 : memref<1x!tpu.dma_semaphore, #tpu.memory_space<semaphore_mem>> -> memref<!tpu.dma_semaphore, #tpu.memory_space<semaphore_mem>>
    tpu.enqueue_indirect_dma source(%dma_start3A_46 : memref<10112x40xf32, #tpu.memory_space<hbm>>) target(%dma_start3A_40 : memref<128x40xf32, #tpu.memory_space<vmem>>) offsets(%dma_start3A_43 : memref<128xi32, #tpu.memory_space<vmem>>) semaphore(%dma_start3A_48 : memref<!tpu.dma_semaphore, #tpu.memory_space<semaphore_mem>>)
    %dma_start3A_49 = arith.constant 3 : i32
    %dma_start3A_50 = arith.constant 3 : i32
    %dma_start3A_51 = arith.constant 3 : i32
    %dma_start3A_52 = arith.constant 0 : i32
    %dma_start3A_53 = arith.constant 0 : i32
    %dma_start3A_54 = tpu.memref_slice %arg9[%dma_start3A_50, %dma_start3A_52, %dma_start3A_53] : memref<8x128x40xf32, #tpu.memory_space<vmem>> -> memref<1x128x40xf32, #tpu.memory_space<vmem>>
    %dma_start3A_55 = tpu.memref_squeeze %dma_start3A_54 : memref<1x128x40xf32, #tpu.memory_space<vmem>> -> memref<128x40xf32, #tpu.memory_space<vmem>>
    %dma_start3A_56 = arith.constant 0 : i32
    %dma_start3A_57 = tpu.memref_slice %arg7[%dma_start3A_49, %dma_start3A_56] : memref<80x128xi32, #tpu.memory_space<vmem>> -> memref<1x128xi32, #tpu.memory_space<vmem>>
    %dma_start3A_58 = tpu.memref_squeeze %dma_start3A_57 : memref<1x128xi32, #tpu.memory_space<vmem>> -> memref<128xi32, #tpu.memory_space<vmem>>
    %dma_start3A_59 = arith.constant 0 : i32
    %dma_start3A_60 = arith.constant 0 : i32
    %dma_start3A_61 = tpu.memref_slice %arg2[%dma_start3A_59, %dma_start3A_60] : memref<10112x40xf32, #tpu.memory_space<hbm>> -> memref<10112x40xf32, #tpu.memory_space<hbm>>
    %dma_start3A_62 = tpu.memref_slice %arg11[%dma_start3A_51] : memref<8x!tpu.dma_semaphore, #tpu.memory_space<semaphore_mem>> -> memref<1x!tpu.dma_semaphore, #tpu.memory_space<semaphore_mem>>
    %dma_start3A_63 = tpu.memref_squeeze %dma_start3A_62 : memref<1x!tpu.dma_semaphore, #tpu.memory_space<semaphore_mem>> -> memref<!tpu.dma_semaphore, #tpu.memory_space<semaphore_mem>>
    tpu.enqueue_indirect_dma source(%dma_start3A_61 : memref<10112x40xf32, #tpu.memory_space<hbm>>) target(%dma_start3A_55 : memref<128x40xf32, #tpu.memory_space<vmem>>) offsets(%dma_start3A_58 : memref<128xi32, #tpu.memory_space<vmem>>) semaphore(%dma_start3A_63 : memref<!tpu.dma_semaphore, #tpu.memory_space<semaphore_mem>>)
    %dma_start3A_64 = arith.constant 4 : i32
    %dma_start3A_65 = arith.constant 4 : i32
    %dma_start3A_66 = arith.constant 4 : i32
    %dma_start3A_67 = arith.constant 0 : i32
    %dma_start3A_68 = arith.constant 0 : i32
    %dma_start3A_69 = tpu.memref_slice %arg9[%dma_start3A_65, %dma_start3A_67, %dma_start3A_68] : memref<8x128x40xf32, #tpu.memory_space<vmem>> -> memref<1x128x40xf32, #tpu.memory_space<vmem>>
    %dma_start3A_70 = tpu.memref_squeeze %dma_start3A_69 : memref<1x128x40xf32, #tpu.memory_space<vmem>> -> memref<128x40xf32, #tpu.memory_space<vmem>>
    %dma_start3A_71 = arith.constant 0 : i32
    %dma_start3A_72 = tpu.memref_slice %arg7[%dma_start3A_64, %dma_start3A_71] : memref<80x128xi32, #tpu.memory_space<vmem>> -> memref<1x128xi32, #tpu.memory_space<vmem>>
    %dma_start3A_73 = tpu.memref_squeeze %dma_start3A_72 : memref<1x128xi32, #tpu.memory_space<vmem>> -> memref<128xi32, #tpu.memory_space<vmem>>
    %dma_start3A_74 = arith.constant 0 : i32
    %dma_start3A_75 = arith.constant 0 : i32
    %dma_start3A_76 = tpu.memref_slice %arg2[%dma_start3A_74, %dma_start3A_75] : memref<10112x40xf32, #tpu.memory_space<hbm>> -> memref<10112x40xf32, #tpu.memory_space<hbm>>
    %dma_start3A_77 = tpu.memref_slice %arg11[%dma_start3A_66] : memref<8x!tpu.dma_semaphore, #tpu.memory_space<semaphore_mem>> -> memref<1x!tpu.dma_semaphore, #tpu.memory_space<semaphore_mem>>
    %dma_start3A_78 = tpu.memref_squeeze %dma_start3A_77 : memref<1x!tpu.dma_semaphore, #tpu.memory_space<semaphore_mem>> -> memref<!tpu.dma_semaphore, #tpu.memory_space<semaphore_mem>>
    tpu.enqueue_indirect_dma source(%dma_start3A_76 : memref<10112x40xf32, #tpu.memory_space<hbm>>) target(%dma_start3A_70 : memref<128x40xf32, #tpu.memory_space<vmem>>) offsets(%dma_start3A_73 : memref<128xi32, #tpu.memory_space<vmem>>) semaphore(%dma_start3A_78 : memref<!tpu.dma_semaphore, #tpu.memory_space<semaphore_mem>>)
    %dma_start3A_79 = arith.constant 5 : i32
    %dma_start3A_80 = arith.constant 5 : i32
    %dma_start3A_81 = arith.constant 5 : i32
    %dma_start3A_82 = arith.constant 0 : i32
    %dma_start3A_83 = arith.constant 0 : i32
    %dma_start3A_84 = tpu.memref_slice %arg9[%dma_start3A_80, %dma_start3A_82, %dma_start3A_83] : memref<8x128x40xf32, #tpu.memory_space<vmem>> -> memref<1x128x40xf32, #tpu.memory_space<vmem>>
    %dma_start3A_85 = tpu.memref_squeeze %dma_start3A_84 : memref<1x128x40xf32, #tpu.memory_space<vmem>> -> memref<128x40xf32, #tpu.memory_space<vmem>>
    %dma_start3A_86 = arith.constant 0 : i32
    %dma_start3A_87 = tpu.memref_slice %arg7[%dma_start3A_79, %dma_start3A_86] : memref<80x128xi32, #tpu.memory_space<vmem>> -> memref<1x128xi32, #tpu.memory_space<vmem>>
    %dma_start3A_88 = tpu.memref_squeeze %dma_start3A_87 : memref<1x128xi32, #tpu.memory_space<vmem>> -> memref<128xi32, #tpu.memory_space<vmem>>
    %dma_start3A_89 = arith.constant 0 : i32
    %dma_start3A_90 = arith.constant 0 : i32
    %dma_start3A_91 = tpu.memref_slice %arg2[%dma_start3A_89, %dma_start3A_90] : memref<10112x40xf32, #tpu.memory_space<hbm>> -> memref<10112x40xf32, #tpu.memory_space<hbm>>
    %dma_start3A_92 = tpu.memref_slice %arg11[%dma_start3A_81] : memref<8x!tpu.dma_semaphore, #tpu.memory_space<semaphore_mem>> -> memref<1x!tpu.dma_semaphore, #tpu.memory_space<semaphore_mem>>
    %dma_start3A_93 = tpu.memref_squeeze %dma_start3A_92 : memref<1x!tpu.dma_semaphore, #tpu.memory_space<semaphore_mem>> -> memref<!tpu.dma_semaphore, #tpu.memory_space<semaphore_mem>>
    tpu.enqueue_indirect_dma source(%dma_start3A_91 : memref<10112x40xf32, #tpu.memory_space<hbm>>) target(%dma_start3A_85 : memref<128x40xf32, #tpu.memory_space<vmem>>) offsets(%dma_start3A_88 : memref<128xi32, #tpu.memory_space<vmem>>) semaphore(%dma_start3A_93 : memref<!tpu.dma_semaphore, #tpu.memory_space<semaphore_mem>>)
    %dma_start3A_94 = arith.constant 6 : i32
    %dma_start3A_95 = arith.constant 6 : i32
    %dma_start3A_96 = arith.constant 6 : i32
    %dma_start3A_97 = arith.constant 0 : i32
    %dma_start3A_98 = arith.constant 0 : i32
    %dma_start3A_99 = tpu.memref_slice %arg9[%dma_start3A_95, %dma_start3A_97, %dma_start3A_98] : memref<8x128x40xf32, #tpu.memory_space<vmem>> -> memref<1x128x40xf32, #tpu.memory_space<vmem>>
    %dma_start3A_100 = tpu.memref_squeeze %dma_start3A_99 : memref<1x128x40xf32, #tpu.memory_space<vmem>> -> memref<128x40xf32, #tpu.memory_space<vmem>>
    %dma_start3A_101 = arith.constant 0 : i32
    %dma_start3A_102 = tpu.memref_slice %arg7[%dma_start3A_94, %dma_start3A_101] : memref<80x128xi32, #tpu.memory_space<vmem>> -> memref<1x128xi32, #tpu.memory_space<vmem>>
    %dma_start3A_103 = tpu.memref_squeeze %dma_start3A_102 : memref<1x128xi32, #tpu.memory_space<vmem>> -> memref<128xi32, #tpu.memory_space<vmem>>
    %dma_start3A_104 = arith.constant 0 : i32
    %dma_start3A_105 = arith.constant 0 : i32
    %dma_start3A_106 = tpu.memref_slice %arg2[%dma_start3A_104, %dma_start3A_105] : memref<10112x40xf32, #tpu.memory_space<hbm>> -> memref<10112x40xf32, #tpu.memory_space<hbm>>
    %dma_start3A_107 = tpu.memref_slice %arg11[%dma_start3A_96] : memref<8x!tpu.dma_semaphore, #tpu.memory_space<semaphore_mem>> -> memref<1x!tpu.dma_semaphore, #tpu.memory_space<semaphore_mem>>
    %dma_start3A_108 = tpu.memref_squeeze %dma_start3A_107 : memref<1x!tpu.dma_semaphore, #tpu.memory_space<semaphore_mem>> -> memref<!tpu.dma_semaphore, #tpu.memory_space<semaphore_mem>>
    tpu.enqueue_indirect_dma source(%dma_start3A_106 : memref<10112x40xf32, #tpu.memory_space<hbm>>) target(%dma_start3A_100 : memref<128x40xf32, #tpu.memory_space<vmem>>) offsets(%dma_start3A_103 : memref<128xi32, #tpu.memory_space<vmem>>) semaphore(%dma_start3A_108 : memref<!tpu.dma_semaphore, #tpu.memory_space<semaphore_mem>>)
    %dma_start3A_109 = arith.constant 7 : i32
    %dma_start3A_110 = arith.constant 7 : i32
    %dma_start3A_111 = arith.constant 7 : i32
    %dma_start3A_112 = arith.constant 0 : i32
    %dma_start3A_113 = arith.constant 0 : i32
    %dma_start3A_114 = tpu.memref_slice %arg9[%dma_start3A_110, %dma_start3A_112, %dma_start3A_113] : memref<8x128x40xf32, #tpu.memory_space<vmem>> -> memref<1x128x40xf32, #tpu.memory_space<vmem>>
    %dma_start3A_115 = tpu.memref_squeeze %dma_start3A_114 : memref<1x128x40xf32, #tpu.memory_space<vmem>> -> memref<128x40xf32, #tpu.memory_space<vmem>>
    %dma_start3A_116 = arith.constant 0 : i32
    %dma_start3A_117 = tpu.memref_slice %arg7[%dma_start3A_109, %dma_start3A_116] : memref<80x128xi32, #tpu.memory_space<vmem>> -> memref<1x128xi32, #tpu.memory_space<vmem>>
    %dma_start3A_118 = tpu.memref_squeeze %dma_start3A_117 : memref<1x128xi32, #tpu.memory_space<vmem>> -> memref<128xi32, #tpu.memory_space<vmem>>
    %dma_start3A_119 = arith.constant 0 : i32
    %dma_start3A_120 = arith.constant 0 : i32
    %dma_start3A_121 = tpu.memref_slice %arg2[%dma_start3A_119, %dma_start3A_120] : memref<10112x40xf32, #tpu.memory_space<hbm>> -> memref<10112x40xf32, #tpu.memory_space<hbm>>
    %dma_start3A_122 = tpu.memref_slice %arg11[%dma_start3A_111] : memref<8x!tpu.dma_semaphore, #tpu.memory_space<semaphore_mem>> -> memref<1x!tpu.dma_semaphore, #tpu.memory_space<semaphore_mem>>
    %dma_start3A_123 = tpu.memref_squeeze %dma_start3A_122 : memref<1x!tpu.dma_semaphore, #tpu.memory_space<semaphore_mem>> -> memref<!tpu.dma_semaphore, #tpu.memory_space<semaphore_mem>>
    tpu.enqueue_indirect_dma source(%dma_start3A_121 : memref<10112x40xf32, #tpu.memory_space<hbm>>) target(%dma_start3A_115 : memref<128x40xf32, #tpu.memory_space<vmem>>) offsets(%dma_start3A_118 : memref<128xi32, #tpu.memory_space<vmem>>) semaphore(%dma_start3A_123 : memref<!tpu.dma_semaphore, #tpu.memory_space<semaphore_mem>>)
    %scan3A = arith.constant 0 : i32
    %scan3A_124 = arith.constant 10 : i32
    %scan3A_125 = arith.addi %scan3A, %scan3A_124 : i32
    %scan3A_126 = arith.constant 1 : i32
    scf.for %scan3A_133 = %scan3A to %scan3A_125 step %scan3A_126  : i32 {
      %mul3A_134 = arith.constant 8 : i32
      %mul3A_135 = arith.muli %scan3A_133, %mul3A_134 : i32
      %add3A_136 = arith.constant 0 : i32
      %add3A_137 = arith.addi %add3A_136, %mul3A_135 : i32
      %add3A_138 = arith.constant 0 : i32
      %add3A_139 = arith.addi %add3A_137, %add3A_138 : i32
      %dma_wait3A = arith.constant 0 : i32
      %dma_wait3A_140 = arith.constant 0 : i32
      %dma_wait3A_141 = arith.constant 0 : i32
      %dma_wait3A_142 = arith.constant 0 : i32
      %dma_wait3A_143 = tpu.memref_slice %arg9[%dma_wait3A, %dma_wait3A_141, %dma_wait3A_142] : memref<8x128x40xf32, #tpu.memory_space<vmem>> -> memref<1x128x40xf32, #tpu.memory_space<vmem>>
      %dma_wait3A_144 = tpu.memref_squeeze %dma_wait3A_143 : memref<1x128x40xf32, #tpu.memory_space<vmem>> -> memref<128x40xf32, #tpu.memory_space<vmem>>
      %dma_wait3A_145 = arith.constant 0 : i32
      %dma_wait3A_146 = tpu.memref_slice %arg7[%add3A_139, %dma_wait3A_145] : memref<80x128xi32, #tpu.memory_space<vmem>> -> memref<1x128xi32, #tpu.memory_space<vmem>>
      %dma_wait3A_147 = tpu.memref_squeeze %dma_wait3A_146 : memref<1x128xi32, #tpu.memory_space<vmem>> -> memref<128xi32, #tpu.memory_space<vmem>>
      %dma_wait3A_148 = arith.constant 0 : i32
      %dma_wait3A_149 = arith.constant 0 : i32
      %dma_wait3A_150 = tpu.memref_slice %arg2[%dma_wait3A_148, %dma_wait3A_149] : memref<10112x40xf32, #tpu.memory_space<hbm>> -> memref<10112x40xf32, #tpu.memory_space<hbm>>
      %dma_wait3A_151 = tpu.memref_slice %arg11[%dma_wait3A_140] : memref<8x!tpu.dma_semaphore, #tpu.memory_space<semaphore_mem>> -> memref<1x!tpu.dma_semaphore, #tpu.memory_space<semaphore_mem>>
      %dma_wait3A_152 = tpu.memref_squeeze %dma_wait3A_151 : memref<1x!tpu.dma_semaphore, #tpu.memory_space<semaphore_mem>> -> memref<!tpu.dma_semaphore, #tpu.memory_space<semaphore_mem>>
      tpu.wait_indirect_dma semaphore(%dma_wait3A_152 : memref<!tpu.dma_semaphore, #tpu.memory_space<semaphore_mem>>) src(%dma_wait3A_150 : memref<10112x40xf32, #tpu.memory_space<hbm>>) dst(%dma_wait3A_144 : memref<128x40xf32, #tpu.memory_space<vmem>>)
      %dma_start3A_153 = arith.constant 0 : i32
      %dma_start3A_154 = arith.constant 0 : i32
      %dma_start3A_155 = arith.constant 0 : i32
      %dma_start3A_156 = arith.constant 0 : i32
      %dma_start3A_157 = tpu.memref_slice %arg9[%dma_start3A_153, %dma_start3A_155, %dma_start3A_156] : memref<8x128x40xf32, #tpu.memory_space<vmem>> -> memref<1x128x40xf32, #tpu.memory_space<vmem>>
      %dma_start3A_158 = tpu.memref_squeeze %dma_start3A_157 : memref<1x128x40xf32, #tpu.memory_space<vmem>> -> memref<128x40xf32, #tpu.memory_space<vmem>>
      %dma_start3A_159 = arith.constant 0 : i32
      %dma_start3A_160 = tpu.memref_slice %arg8[%add3A_139, %dma_start3A_159] : memref<80x128xi32, #tpu.memory_space<vmem>> -> memref<1x128xi32, #tpu.memory_space<vmem>>
      %dma_start3A_161 = tpu.memref_squeeze %dma_start3A_160 : memref<1x128xi32, #tpu.memory_space<vmem>> -> memref<128xi32, #tpu.memory_space<vmem>>
      %dma_start3A_162 = arith.constant 0 : i32
      %dma_start3A_163 = arith.constant 0 : i32
      %dma_start3A_164 = tpu.memref_slice %arg10[%dma_start3A_162, %dma_start3A_163] : memref<10112x40xf32, #tpu.memory_space<vmem_shared>> -> memref<10112x40xf32, #tpu.memory_space<vmem_shared>>
      %dma_start3A_165 = tpu.memref_slice %arg12[%dma_start3A_154] : memref<8x!tpu.dma_semaphore, #tpu.memory_space<semaphore_mem>> -> memref<1x!tpu.dma_semaphore, #tpu.memory_space<semaphore_mem>>
      %dma_start3A_166 = tpu.memref_squeeze %dma_start3A_165 : memref<1x!tpu.dma_semaphore, #tpu.memory_space<semaphore_mem>> -> memref<!tpu.dma_semaphore, #tpu.memory_space<semaphore_mem>>
      tpu.enqueue_indirect_dma source(%dma_start3A_158 : memref<128x40xf32, #tpu.memory_space<vmem>>) target(%dma_start3A_164 : memref<10112x40xf32, #tpu.memory_space<vmem_shared>>) offsets(%dma_start3A_161 : memref<128xi32, #tpu.memory_space<vmem>>) semaphore(%dma_start3A_166 : memref<!tpu.dma_semaphore, #tpu.memory_space<semaphore_mem>>) {add = true}
      %add3A_167 = arith.constant 1 : i32
      %add3A_168 = arith.addi %add3A_137, %add3A_167 : i32
      %dma_wait3A_169 = arith.constant 1 : i32
      %dma_wait3A_170 = arith.constant 1 : i32
      %dma_wait3A_171 = arith.constant 0 : i32
      %dma_wait3A_172 = arith.constant 0 : i32
      %dma_wait3A_173 = tpu.memref_slice %arg9[%dma_wait3A_169, %dma_wait3A_171, %dma_wait3A_172] : memref<8x128x40xf32, #tpu.memory_space<vmem>> -> memref<1x128x40xf32, #tpu.memory_space<vmem>>
      %dma_wait3A_174 = tpu.memref_squeeze %dma_wait3A_173 : memref<1x128x40xf32, #tpu.memory_space<vmem>> -> memref<128x40xf32, #tpu.memory_space<vmem>>
      %dma_wait3A_175 = arith.constant 0 : i32
      %dma_wait3A_176 = tpu.memref_slice %arg7[%add3A_168, %dma_wait3A_175] : memref<80x128xi32, #tpu.memory_space<vmem>> -> memref<1x128xi32, #tpu.memory_space<vmem>>
      %dma_wait3A_177 = tpu.memref_squeeze %dma_wait3A_176 : memref<1x128xi32, #tpu.memory_space<vmem>> -> memref<128xi32, #tpu.memory_space<vmem>>
      %dma_wait3A_178 = arith.constant 0 : i32
      %dma_wait3A_179 = arith.constant 0 : i32
      %dma_wait3A_180 = tpu.memref_slice %arg2[%dma_wait3A_178, %dma_wait3A_179] : memref<10112x40xf32, #tpu.memory_space<hbm>> -> memref<10112x40xf32, #tpu.memory_space<hbm>>
      %dma_wait3A_181 = tpu.memref_slice %arg11[%dma_wait3A_170] : memref<8x!tpu.dma_semaphore, #tpu.memory_space<semaphore_mem>> -> memref<1x!tpu.dma_semaphore, #tpu.memory_space<semaphore_mem>>
      %dma_wait3A_182 = tpu.memref_squeeze %dma_wait3A_181 : memref<1x!tpu.dma_semaphore, #tpu.memory_space<semaphore_mem>> -> memref<!tpu.dma_semaphore, #tpu.memory_space<semaphore_mem>>
      tpu.wait_indirect_dma semaphore(%dma_wait3A_182 : memref<!tpu.dma_semaphore, #tpu.memory_space<semaphore_mem>>) src(%dma_wait3A_180 : memref<10112x40xf32, #tpu.memory_space<hbm>>) dst(%dma_wait3A_174 : memref<128x40xf32, #tpu.memory_space<vmem>>)
      %dma_start3A_183 = arith.constant 1 : i32
      %dma_start3A_184 = arith.constant 1 : i32
      %dma_start3A_185 = arith.constant 0 : i32
      %dma_start3A_186 = arith.constant 0 : i32
      %dma_start3A_187 = tpu.memref_slice %arg9[%dma_start3A_183, %dma_start3A_185, %dma_start3A_186] : memref<8x128x40xf32, #tpu.memory_space<vmem>> -> memref<1x128x40xf32, #tpu.memory_space<vmem>>
      %dma_start3A_188 = tpu.memref_squeeze %dma_start3A_187 : memref<1x128x40xf32, #tpu.memory_space<vmem>> -> memref<128x40xf32, #tpu.memory_space<vmem>>
      %dma_start3A_189 = arith.constant 0 : i32
      %dma_start3A_190 = tpu.memref_slice %arg8[%add3A_168, %dma_start3A_189] : memref<80x128xi32, #tpu.memory_space<vmem>> -> memref<1x128xi32, #tpu.memory_space<vmem>>
      %dma_start3A_191 = tpu.memref_squeeze %dma_start3A_190 : memref<1x128xi32, #tpu.memory_space<vmem>> -> memref<128xi32, #tpu.memory_space<vmem>>
      %dma_start3A_192 = arith.constant 0 : i32
      %dma_start3A_193 = arith.constant 0 : i32
      %dma_start3A_194 = tpu.memref_slice %arg10[%dma_start3A_192, %dma_start3A_193] : memref<10112x40xf32, #tpu.memory_space<vmem_shared>> -> memref<10112x40xf32, #tpu.memory_space<vmem_shared>>
      %dma_start3A_195 = tpu.memref_slice %arg12[%dma_start3A_184] : memref<8x!tpu.dma_semaphore, #tpu.memory_space<semaphore_mem>> -> memref<1x!tpu.dma_semaphore, #tpu.memory_space<semaphore_mem>>
      %dma_start3A_196 = tpu.memref_squeeze %dma_start3A_195 : memref<1x!tpu.dma_semaphore, #tpu.memory_space<semaphore_mem>> -> memref<!tpu.dma_semaphore, #tpu.memory_space<semaphore_mem>>
      tpu.enqueue_indirect_dma source(%dma_start3A_188 : memref<128x40xf32, #tpu.memory_space<vmem>>) target(%dma_start3A_194 : memref<10112x40xf32, #tpu.memory_space<vmem_shared>>) offsets(%dma_start3A_191 : memref<128xi32, #tpu.memory_space<vmem>>) semaphore(%dma_start3A_196 : memref<!tpu.dma_semaphore, #tpu.memory_space<semaphore_mem>>) {add = true}
      %add3A_197 = arith.constant 2 : i32
      %add3A_198 = arith.addi %add3A_137, %add3A_197 : i32
      %dma_wait3A_199 = arith.constant 2 : i32
      %dma_wait3A_200 = arith.constant 2 : i32
      %dma_wait3A_201 = arith.constant 0 : i32
      %dma_wait3A_202 = arith.constant 0 : i32
      %dma_wait3A_203 = tpu.memref_slice %arg9[%dma_wait3A_199, %dma_wait3A_201, %dma_wait3A_202] : memref<8x128x40xf32, #tpu.memory_space<vmem>> -> memref<1x128x40xf32, #tpu.memory_space<vmem>>
      %dma_wait3A_204 = tpu.memref_squeeze %dma_wait3A_203 : memref<1x128x40xf32, #tpu.memory_space<vmem>> -> memref<128x40xf32, #tpu.memory_space<vmem>>
      %dma_wait3A_205 = arith.constant 0 : i32
      %dma_wait3A_206 = tpu.memref_slice %arg7[%add3A_198, %dma_wait3A_205] : memref<80x128xi32, #tpu.memory_space<vmem>> -> memref<1x128xi32, #tpu.memory_space<vmem>>
      %dma_wait3A_207 = tpu.memref_squeeze %dma_wait3A_206 : memref<1x128xi32, #tpu.memory_space<vmem>> -> memref<128xi32, #tpu.memory_space<vmem>>
      %dma_wait3A_208 = arith.constant 0 : i32
      %dma_wait3A_209 = arith.constant 0 : i32
      %dma_wait3A_210 = tpu.memref_slice %arg2[%dma_wait3A_208, %dma_wait3A_209] : memref<10112x40xf32, #tpu.memory_space<hbm>> -> memref<10112x40xf32, #tpu.memory_space<hbm>>
      %dma_wait3A_211 = tpu.memref_slice %arg11[%dma_wait3A_200] : memref<8x!tpu.dma_semaphore, #tpu.memory_space<semaphore_mem>> -> memref<1x!tpu.dma_semaphore, #tpu.memory_space<semaphore_mem>>
      %dma_wait3A_212 = tpu.memref_squeeze %dma_wait3A_211 : memref<1x!tpu.dma_semaphore, #tpu.memory_space<semaphore_mem>> -> memref<!tpu.dma_semaphore, #tpu.memory_space<semaphore_mem>>
      tpu.wait_indirect_dma semaphore(%dma_wait3A_212 : memref<!tpu.dma_semaphore, #tpu.memory_space<semaphore_mem>>) src(%dma_wait3A_210 : memref<10112x40xf32, #tpu.memory_space<hbm>>) dst(%dma_wait3A_204 : memref<128x40xf32, #tpu.memory_space<vmem>>)
      %dma_start3A_213 = arith.constant 2 : i32
      %dma_start3A_214 = arith.constant 2 : i32
      %dma_start3A_215 = arith.constant 0 : i32
      %dma_start3A_216 = arith.constant 0 : i32
      %dma_start3A_217 = tpu.memref_slice %arg9[%dma_start3A_213, %dma_start3A_215, %dma_start3A_216] : memref<8x128x40xf32, #tpu.memory_space<vmem>> -> memref<1x128x40xf32, #tpu.memory_space<vmem>>
      %dma_start3A_218 = tpu.memref_squeeze %dma_start3A_217 : memref<1x128x40xf32, #tpu.memory_space<vmem>> -> memref<128x40xf32, #tpu.memory_space<vmem>>
      %dma_start3A_219 = arith.constant 0 : i32
      %dma_start3A_220 = tpu.memref_slice %arg8[%add3A_198, %dma_start3A_219] : memref<80x128xi32, #tpu.memory_space<vmem>> -> memref<1x128xi32, #tpu.memory_space<vmem>>
      %dma_start3A_221 = tpu.memref_squeeze %dma_start3A_220 : memref<1x128xi32, #tpu.memory_space<vmem>> -> memref<128xi32, #tpu.memory_space<vmem>>
      %dma_start3A_222 = arith.constant 0 : i32
      %dma_start3A_223 = arith.constant 0 : i32
      %dma_start3A_224 = tpu.memref_slice %arg10[%dma_start3A_222, %dma_start3A_223] : memref<10112x40xf32, #tpu.memory_space<vmem_shared>> -> memref<10112x40xf32, #tpu.memory_space<vmem_shared>>
      %dma_start3A_225 = tpu.memref_slice %arg12[%dma_start3A_214] : memref<8x!tpu.dma_semaphore, #tpu.memory_space<semaphore_mem>> -> memref<1x!tpu.dma_semaphore, #tpu.memory_space<semaphore_mem>>
      %dma_start3A_226 = tpu.memref_squeeze %dma_start3A_225 : memref<1x!tpu.dma_semaphore, #tpu.memory_space<semaphore_mem>> -> memref<!tpu.dma_semaphore, #tpu.memory_space<semaphore_mem>>
      tpu.enqueue_indirect_dma source(%dma_start3A_218 : memref<128x40xf32, #tpu.memory_space<vmem>>) target(%dma_start3A_224 : memref<10112x40xf32, #tpu.memory_space<vmem_shared>>) offsets(%dma_start3A_221 : memref<128xi32, #tpu.memory_space<vmem>>) semaphore(%dma_start3A_226 : memref<!tpu.dma_semaphore, #tpu.memory_space<semaphore_mem>>) {add = true}
      %add3A_227 = arith.constant 3 : i32
      %add3A_228 = arith.addi %add3A_137, %add3A_227 : i32
      %dma_wait3A_229 = arith.constant 3 : i32
      %dma_wait3A_230 = arith.constant 3 : i32
      %dma_wait3A_231 = arith.constant 0 : i32
      %dma_wait3A_232 = arith.constant 0 : i32
      %dma_wait3A_233 = tpu.memref_slice %arg9[%dma_wait3A_229, %dma_wait3A_231, %dma_wait3A_232] : memref<8x128x40xf32, #tpu.memory_space<vmem>> -> memref<1x128x40xf32, #tpu.memory_space<vmem>>
      %dma_wait3A_234 = tpu.memref_squeeze %dma_wait3A_233 : memref<1x128x40xf32, #tpu.memory_space<vmem>> -> memref<128x40xf32, #tpu.memory_space<vmem>>
      %dma_wait3A_235 = arith.constant 0 : i32
      %dma_wait3A_236 = tpu.memref_slice %arg7[%add3A_228, %dma_wait3A_235] : memref<80x128xi32, #tpu.memory_space<vmem>> -> memref<1x128xi32, #tpu.memory_space<vmem>>
      %dma_wait3A_237 = tpu.memref_squeeze %dma_wait3A_236 : memref<1x128xi32, #tpu.memory_space<vmem>> -> memref<128xi32, #tpu.memory_space<vmem>>
      %dma_wait3A_238 = arith.constant 0 : i32
      %dma_wait3A_239 = arith.constant 0 : i32
      %dma_wait3A_240 = tpu.memref_slice %arg2[%dma_wait3A_238, %dma_wait3A_239] : memref<10112x40xf32, #tpu.memory_space<hbm>> -> memref<10112x40xf32, #tpu.memory_space<hbm>>
      %dma_wait3A_241 = tpu.memref_slice %arg11[%dma_wait3A_230] : memref<8x!tpu.dma_semaphore, #tpu.memory_space<semaphore_mem>> -> memref<1x!tpu.dma_semaphore, #tpu.memory_space<semaphore_mem>>
      %dma_wait3A_242 = tpu.memref_squeeze %dma_wait3A_241 : memref<1x!tpu.dma_semaphore, #tpu.memory_space<semaphore_mem>> -> memref<!tpu.dma_semaphore, #tpu.memory_space<semaphore_mem>>
      tpu.wait_indirect_dma semaphore(%dma_wait3A_242 : memref<!tpu.dma_semaphore, #tpu.memory_space<semaphore_mem>>) src(%dma_wait3A_240 : memref<10112x40xf32, #tpu.memory_space<hbm>>) dst(%dma_wait3A_234 : memref<128x40xf32, #tpu.memory_space<vmem>>)
      %dma_start3A_243 = arith.constant 3 : i32
      %dma_start3A_244 = arith.constant 3 : i32
      %dma_start3A_245 = arith.constant 0 : i32
      %dma_start3A_246 = arith.constant 0 : i32
      %dma_start3A_247 = tpu.memref_slice %arg9[%dma_start3A_243, %dma_start3A_245, %dma_start3A_246] : memref<8x128x40xf32, #tpu.memory_space<vmem>> -> memref<1x128x40xf32, #tpu.memory_space<vmem>>
      %dma_start3A_248 = tpu.memref_squeeze %dma_start3A_247 : memref<1x128x40xf32, #tpu.memory_space<vmem>> -> memref<128x40xf32, #tpu.memory_space<vmem>>
      %dma_start3A_249 = arith.constant 0 : i32
      %dma_start3A_250 = tpu.memref_slice %arg8[%add3A_228, %dma_start3A_249] : memref<80x128xi32, #tpu.memory_space<vmem>> -> memref<1x128xi32, #tpu.memory_space<vmem>>
      %dma_start3A_251 = tpu.memref_squeeze %dma_start3A_250 : memref<1x128xi32, #tpu.memory_space<vmem>> -> memref<128xi32, #tpu.memory_space<vmem>>
      %dma_start3A_252 = arith.constant 0 : i32
      %dma_start3A_253 = arith.constant 0 : i32
      %dma_start3A_254 = tpu.memref_slice %arg10[%dma_start3A_252, %dma_start3A_253] : memref<10112x40xf32, #tpu.memory_space<vmem_shared>> -> memref<10112x40xf32, #tpu.memory_space<vmem_shared>>
      %dma_start3A_255 = tpu.memref_slice %arg12[%dma_start3A_244] : memref<8x!tpu.dma_semaphore, #tpu.memory_space<semaphore_mem>> -> memref<1x!tpu.dma_semaphore, #tpu.memory_space<semaphore_mem>>
      %dma_start3A_256 = tpu.memref_squeeze %dma_start3A_255 : memref<1x!tpu.dma_semaphore, #tpu.memory_space<semaphore_mem>> -> memref<!tpu.dma_semaphore, #tpu.memory_space<semaphore_mem>>
      tpu.enqueue_indirect_dma source(%dma_start3A_248 : memref<128x40xf32, #tpu.memory_space<vmem>>) target(%dma_start3A_254 : memref<10112x40xf32, #tpu.memory_space<vmem_shared>>) offsets(%dma_start3A_251 : memref<128xi32, #tpu.memory_space<vmem>>) semaphore(%dma_start3A_256 : memref<!tpu.dma_semaphore, #tpu.memory_space<semaphore_mem>>) {add = true}
      %add3A_257 = arith.constant 4 : i32
      %add3A_258 = arith.addi %add3A_137, %add3A_257 : i32
      %dma_wait3A_259 = arith.constant 4 : i32
      %dma_wait3A_260 = arith.constant 4 : i32
      %dma_wait3A_261 = arith.constant 0 : i32
      %dma_wait3A_262 = arith.constant 0 : i32
      %dma_wait3A_263 = tpu.memref_slice %arg9[%dma_wait3A_259, %dma_wait3A_261, %dma_wait3A_262] : memref<8x128x40xf32, #tpu.memory_space<vmem>> -> memref<1x128x40xf32, #tpu.memory_space<vmem>>
      %dma_wait3A_264 = tpu.memref_squeeze %dma_wait3A_263 : memref<1x128x40xf32, #tpu.memory_space<vmem>> -> memref<128x40xf32, #tpu.memory_space<vmem>>
      %dma_wait3A_265 = arith.constant 0 : i32
      %dma_wait3A_266 = tpu.memref_slice %arg7[%add3A_258, %dma_wait3A_265] : memref<80x128xi32, #tpu.memory_space<vmem>> -> memref<1x128xi32, #tpu.memory_space<vmem>>
      %dma_wait3A_267 = tpu.memref_squeeze %dma_wait3A_266 : memref<1x128xi32, #tpu.memory_space<vmem>> -> memref<128xi32, #tpu.memory_space<vmem>>
      %dma_wait3A_268 = arith.constant 0 : i32
      %dma_wait3A_269 = arith.constant 0 : i32
      %dma_wait3A_270 = tpu.memref_slice %arg2[%dma_wait3A_268, %dma_wait3A_269] : memref<10112x40xf32, #tpu.memory_space<hbm>> -> memref<10112x40xf32, #tpu.memory_space<hbm>>
      %dma_wait3A_271 = tpu.memref_slice %arg11[%dma_wait3A_260] : memref<8x!tpu.dma_semaphore, #tpu.memory_space<semaphore_mem>> -> memref<1x!tpu.dma_semaphore, #tpu.memory_space<semaphore_mem>>
      %dma_wait3A_272 = tpu.memref_squeeze %dma_wait3A_271 : memref<1x!tpu.dma_semaphore, #tpu.memory_space<semaphore_mem>> -> memref<!tpu.dma_semaphore, #tpu.memory_space<semaphore_mem>>
      tpu.wait_indirect_dma semaphore(%dma_wait3A_272 : memref<!tpu.dma_semaphore, #tpu.memory_space<semaphore_mem>>) src(%dma_wait3A_270 : memref<10112x40xf32, #tpu.memory_space<hbm>>) dst(%dma_wait3A_264 : memref<128x40xf32, #tpu.memory_space<vmem>>)
      %dma_start3A_273 = arith.constant 4 : i32
      %dma_start3A_274 = arith.constant 4 : i32
      %dma_start3A_275 = arith.constant 0 : i32
      %dma_start3A_276 = arith.constant 0 : i32
      %dma_start3A_277 = tpu.memref_slice %arg9[%dma_start3A_273, %dma_start3A_275, %dma_start3A_276] : memref<8x128x40xf32, #tpu.memory_space<vmem>> -> memref<1x128x40xf32, #tpu.memory_space<vmem>>
      %dma_start3A_278 = tpu.memref_squeeze %dma_start3A_277 : memref<1x128x40xf32, #tpu.memory_space<vmem>> -> memref<128x40xf32, #tpu.memory_space<vmem>>
      %dma_start3A_279 = arith.constant 0 : i32
      %dma_start3A_280 = tpu.memref_slice %arg8[%add3A_258, %dma_start3A_279] : memref<80x128xi32, #tpu.memory_space<vmem>> -> memref<1x128xi32, #tpu.memory_space<vmem>>
      %dma_start3A_281 = tpu.memref_squeeze %dma_start3A_280 : memref<1x128xi32, #tpu.memory_space<vmem>> -> memref<128xi32, #tpu.memory_space<vmem>>
      %dma_start3A_282 = arith.constant 0 : i32
      %dma_start3A_283 = arith.constant 0 : i32
      %dma_start3A_284 = tpu.memref_slice %arg10[%dma_start3A_282, %dma_start3A_283] : memref<10112x40xf32, #tpu.memory_space<vmem_shared>> -> memref<10112x40xf32, #tpu.memory_space<vmem_shared>>
      %dma_start3A_285 = tpu.memref_slice %arg12[%dma_start3A_274] : memref<8x!tpu.dma_semaphore, #tpu.memory_space<semaphore_mem>> -> memref<1x!tpu.dma_semaphore, #tpu.memory_space<semaphore_mem>>
      %dma_start3A_286 = tpu.memref_squeeze %dma_start3A_285 : memref<1x!tpu.dma_semaphore, #tpu.memory_space<semaphore_mem>> -> memref<!tpu.dma_semaphore, #tpu.memory_space<semaphore_mem>>
      tpu.enqueue_indirect_dma source(%dma_start3A_278 : memref<128x40xf32, #tpu.memory_space<vmem>>) target(%dma_start3A_284 : memref<10112x40xf32, #tpu.memory_space<vmem_shared>>) offsets(%dma_start3A_281 : memref<128xi32, #tpu.memory_space<vmem>>) semaphore(%dma_start3A_286 : memref<!tpu.dma_semaphore, #tpu.memory_space<semaphore_mem>>) {add = true}
      %add3A_287 = arith.constant 5 : i32
      %add3A_288 = arith.addi %add3A_137, %add3A_287 : i32
      %dma_wait3A_289 = arith.constant 5 : i32
      %dma_wait3A_290 = arith.constant 5 : i32
      %dma_wait3A_291 = arith.constant 0 : i32
      %dma_wait3A_292 = arith.constant 0 : i32
      %dma_wait3A_293 = tpu.memref_slice %arg9[%dma_wait3A_289, %dma_wait3A_291, %dma_wait3A_292] : memref<8x128x40xf32, #tpu.memory_space<vmem>> -> memref<1x128x40xf32, #tpu.memory_space<vmem>>
      %dma_wait3A_294 = tpu.memref_squeeze %dma_wait3A_293 : memref<1x128x40xf32, #tpu.memory_space<vmem>> -> memref<128x40xf32, #tpu.memory_space<vmem>>
      %dma_wait3A_295 = arith.constant 0 : i32
      %dma_wait3A_296 = tpu.memref_slice %arg7[%add3A_288, %dma_wait3A_295] : memref<80x128xi32, #tpu.memory_space<vmem>> -> memref<1x128xi32, #tpu.memory_space<vmem>>
      %dma_wait3A_297 = tpu.memref_squeeze %dma_wait3A_296 : memref<1x128xi32, #tpu.memory_space<vmem>> -> memref<128xi32, #tpu.memory_space<vmem>>
      %dma_wait3A_298 = arith.constant 0 : i32
      %dma_wait3A_299 = arith.constant 0 : i32
      %dma_wait3A_300 = tpu.memref_slice %arg2[%dma_wait3A_298, %dma_wait3A_299] : memref<10112x40xf32, #tpu.memory_space<hbm>> -> memref<10112x40xf32, #tpu.memory_space<hbm>>
      %dma_wait3A_301 = tpu.memref_slice %arg11[%dma_wait3A_290] : memref<8x!tpu.dma_semaphore, #tpu.memory_space<semaphore_mem>> -> memref<1x!tpu.dma_semaphore, #tpu.memory_space<semaphore_mem>>
      %dma_wait3A_302 = tpu.memref_squeeze %dma_wait3A_301 : memref<1x!tpu.dma_semaphore, #tpu.memory_space<semaphore_mem>> -> memref<!tpu.dma_semaphore, #tpu.memory_space<semaphore_mem>>
      tpu.wait_indirect_dma semaphore(%dma_wait3A_302 : memref<!tpu.dma_semaphore, #tpu.memory_space<semaphore_mem>>) src(%dma_wait3A_300 : memref<10112x40xf32, #tpu.memory_space<hbm>>) dst(%dma_wait3A_294 : memref<128x40xf32, #tpu.memory_space<vmem>>)
      %dma_start3A_303 = arith.constant 5 : i32
      %dma_start3A_304 = arith.constant 5 : i32
      %dma_start3A_305 = arith.constant 0 : i32
      %dma_start3A_306 = arith.constant 0 : i32
      %dma_start3A_307 = tpu.memref_slice %arg9[%dma_start3A_303, %dma_start3A_305, %dma_start3A_306] : memref<8x128x40xf32, #tpu.memory_space<vmem>> -> memref<1x128x40xf32, #tpu.memory_space<vmem>>
      %dma_start3A_308 = tpu.memref_squeeze %dma_start3A_307 : memref<1x128x40xf32, #tpu.memory_space<vmem>> -> memref<128x40xf32, #tpu.memory_space<vmem>>
      %dma_start3A_309 = arith.constant 0 : i32
      %dma_start3A_310 = tpu.memref_slice %arg8[%add3A_288, %dma_start3A_309] : memref<80x128xi32, #tpu.memory_space<vmem>> -> memref<1x128xi32, #tpu.memory_space<vmem>>
      %dma_start3A_311 = tpu.memref_squeeze %dma_start3A_310 : memref<1x128xi32, #tpu.memory_space<vmem>> -> memref<128xi32, #tpu.memory_space<vmem>>
      %dma_start3A_312 = arith.constant 0 : i32
      %dma_start3A_313 = arith.constant 0 : i32
      %dma_start3A_314 = tpu.memref_slice %arg10[%dma_start3A_312, %dma_start3A_313] : memref<10112x40xf32, #tpu.memory_space<vmem_shared>> -> memref<10112x40xf32, #tpu.memory_space<vmem_shared>>
      %dma_start3A_315 = tpu.memref_slice %arg12[%dma_start3A_304] : memref<8x!tpu.dma_semaphore, #tpu.memory_space<semaphore_mem>> -> memref<1x!tpu.dma_semaphore, #tpu.memory_space<semaphore_mem>>
      %dma_start3A_316 = tpu.memref_squeeze %dma_start3A_315 : memref<1x!tpu.dma_semaphore, #tpu.memory_space<semaphore_mem>> -> memref<!tpu.dma_semaphore, #tpu.memory_space<semaphore_mem>>
      tpu.enqueue_indirect_dma source(%dma_start3A_308 : memref<128x40xf32, #tpu.memory_space<vmem>>) target(%dma_start3A_314 : memref<10112x40xf32, #tpu.memory_space<vmem_shared>>) offsets(%dma_start3A_311 : memref<128xi32, #tpu.memory_space<vmem>>) semaphore(%dma_start3A_316 : memref<!tpu.dma_semaphore, #tpu.memory_space<semaphore_mem>>) {add = true}
      %add3A_317 = arith.constant 6 : i32
      %add3A_318 = arith.addi %add3A_137, %add3A_317 : i32
      %dma_wait3A_319 = arith.constant 6 : i32
      %dma_wait3A_320 = arith.constant 6 : i32
      %dma_wait3A_321 = arith.constant 0 : i32
      %dma_wait3A_322 = arith.constant 0 : i32
      %dma_wait3A_323 = tpu.memref_slice %arg9[%dma_wait3A_319, %dma_wait3A_321, %dma_wait3A_322] : memref<8x128x40xf32, #tpu.memory_space<vmem>> -> memref<1x128x40xf32, #tpu.memory_space<vmem>>
      %dma_wait3A_324 = tpu.memref_squeeze %dma_wait3A_323 : memref<1x128x40xf32, #tpu.memory_space<vmem>> -> memref<128x40xf32, #tpu.memory_space<vmem>>
      %dma_wait3A_325 = arith.constant 0 : i32
      %dma_wait3A_326 = tpu.memref_slice %arg7[%add3A_318, %dma_wait3A_325] : memref<80x128xi32, #tpu.memory_space<vmem>> -> memref<1x128xi32, #tpu.memory_space<vmem>>
      %dma_wait3A_327 = tpu.memref_squeeze %dma_wait3A_326 : memref<1x128xi32, #tpu.memory_space<vmem>> -> memref<128xi32, #tpu.memory_space<vmem>>
      %dma_wait3A_328 = arith.constant 0 : i32
      %dma_wait3A_329 = arith.constant 0 : i32
      %dma_wait3A_330 = tpu.memref_slice %arg2[%dma_wait3A_328, %dma_wait3A_329] : memref<10112x40xf32, #tpu.memory_space<hbm>> -> memref<10112x40xf32, #tpu.memory_space<hbm>>
      %dma_wait3A_331 = tpu.memref_slice %arg11[%dma_wait3A_320] : memref<8x!tpu.dma_semaphore, #tpu.memory_space<semaphore_mem>> -> memref<1x!tpu.dma_semaphore, #tpu.memory_space<semaphore_mem>>
      %dma_wait3A_332 = tpu.memref_squeeze %dma_wait3A_331 : memref<1x!tpu.dma_semaphore, #tpu.memory_space<semaphore_mem>> -> memref<!tpu.dma_semaphore, #tpu.memory_space<semaphore_mem>>
      tpu.wait_indirect_dma semaphore(%dma_wait3A_332 : memref<!tpu.dma_semaphore, #tpu.memory_space<semaphore_mem>>) src(%dma_wait3A_330 : memref<10112x40xf32, #tpu.memory_space<hbm>>) dst(%dma_wait3A_324 : memref<128x40xf32, #tpu.memory_space<vmem>>)
      %dma_start3A_333 = arith.constant 6 : i32
      %dma_start3A_334 = arith.constant 6 : i32
      %dma_start3A_335 = arith.constant 0 : i32
      %dma_start3A_336 = arith.constant 0 : i32
      %dma_start3A_337 = tpu.memref_slice %arg9[%dma_start3A_333, %dma_start3A_335, %dma_start3A_336] : memref<8x128x40xf32, #tpu.memory_space<vmem>> -> memref<1x128x40xf32, #tpu.memory_space<vmem>>
      %dma_start3A_338 = tpu.memref_squeeze %dma_start3A_337 : memref<1x128x40xf32, #tpu.memory_space<vmem>> -> memref<128x40xf32, #tpu.memory_space<vmem>>
      %dma_start3A_339 = arith.constant 0 : i32
      %dma_start3A_340 = tpu.memref_slice %arg8[%add3A_318, %dma_start3A_339] : memref<80x128xi32, #tpu.memory_space<vmem>> -> memref<1x128xi32, #tpu.memory_space<vmem>>
      %dma_start3A_341 = tpu.memref_squeeze %dma_start3A_340 : memref<1x128xi32, #tpu.memory_space<vmem>> -> memref<128xi32, #tpu.memory_space<vmem>>
      %dma_start3A_342 = arith.constant 0 : i32
      %dma_start3A_343 = arith.constant 0 : i32
      %dma_start3A_344 = tpu.memref_slice %arg10[%dma_start3A_342, %dma_start3A_343] : memref<10112x40xf32, #tpu.memory_space<vmem_shared>> -> memref<10112x40xf32, #tpu.memory_space<vmem_shared>>
      %dma_start3A_345 = tpu.memref_slice %arg12[%dma_start3A_334] : memref<8x!tpu.dma_semaphore, #tpu.memory_space<semaphore_mem>> -> memref<1x!tpu.dma_semaphore, #tpu.memory_space<semaphore_mem>>
      %dma_start3A_346 = tpu.memref_squeeze %dma_start3A_345 : memref<1x!tpu.dma_semaphore, #tpu.memory_space<semaphore_mem>> -> memref<!tpu.dma_semaphore, #tpu.memory_space<semaphore_mem>>
      tpu.enqueue_indirect_dma source(%dma_start3A_338 : memref<128x40xf32, #tpu.memory_space<vmem>>) target(%dma_start3A_344 : memref<10112x40xf32, #tpu.memory_space<vmem_shared>>) offsets(%dma_start3A_341 : memref<128xi32, #tpu.memory_space<vmem>>) semaphore(%dma_start3A_346 : memref<!tpu.dma_semaphore, #tpu.memory_space<semaphore_mem>>) {add = true}
      %add3A_347 = arith.constant 7 : i32
      %add3A_348 = arith.addi %add3A_137, %add3A_347 : i32
      %dma_wait3A_349 = arith.constant 7 : i32
      %dma_wait3A_350 = arith.constant 7 : i32
      %dma_wait3A_351 = arith.constant 0 : i32
      %dma_wait3A_352 = arith.constant 0 : i32
      %dma_wait3A_353 = tpu.memref_slice %arg9[%dma_wait3A_349, %dma_wait3A_351, %dma_wait3A_352] : memref<8x128x40xf32, #tpu.memory_space<vmem>> -> memref<1x128x40xf32, #tpu.memory_space<vmem>>
      %dma_wait3A_354 = tpu.memref_squeeze %dma_wait3A_353 : memref<1x128x40xf32, #tpu.memory_space<vmem>> -> memref<128x40xf32, #tpu.memory_space<vmem>>
      %dma_wait3A_355 = arith.constant 0 : i32
      %dma_wait3A_356 = tpu.memref_slice %arg7[%add3A_348, %dma_wait3A_355] : memref<80x128xi32, #tpu.memory_space<vmem>> -> memref<1x128xi32, #tpu.memory_space<vmem>>
      %dma_wait3A_357 = tpu.memref_squeeze %dma_wait3A_356 : memref<1x128xi32, #tpu.memory_space<vmem>> -> memref<128xi32, #tpu.memory_space<vmem>>
      %dma_wait3A_358 = arith.constant 0 : i32
      %dma_wait3A_359 = arith.constant 0 : i32
      %dma_wait3A_360 = tpu.memref_slice %arg2[%dma_wait3A_358, %dma_wait3A_359] : memref<10112x40xf32, #tpu.memory_space<hbm>> -> memref<10112x40xf32, #tpu.memory_space<hbm>>
      %dma_wait3A_361 = tpu.memref_slice %arg11[%dma_wait3A_350] : memref<8x!tpu.dma_semaphore, #tpu.memory_space<semaphore_mem>> -> memref<1x!tpu.dma_semaphore, #tpu.memory_space<semaphore_mem>>
      %dma_wait3A_362 = tpu.memref_squeeze %dma_wait3A_361 : memref<1x!tpu.dma_semaphore, #tpu.memory_space<semaphore_mem>> -> memref<!tpu.dma_semaphore, #tpu.memory_space<semaphore_mem>>
      tpu.wait_indirect_dma semaphore(%dma_wait3A_362 : memref<!tpu.dma_semaphore, #tpu.memory_space<semaphore_mem>>) src(%dma_wait3A_360 : memref<10112x40xf32, #tpu.memory_space<hbm>>) dst(%dma_wait3A_354 : memref<128x40xf32, #tpu.memory_space<vmem>>)
      %dma_start3A_363 = arith.constant 7 : i32
      %dma_start3A_364 = arith.constant 7 : i32
      %dma_start3A_365 = arith.constant 0 : i32
      %dma_start3A_366 = arith.constant 0 : i32
      %dma_start3A_367 = tpu.memref_slice %arg9[%dma_start3A_363, %dma_start3A_365, %dma_start3A_366] : memref<8x128x40xf32, #tpu.memory_space<vmem>> -> memref<1x128x40xf32, #tpu.memory_space<vmem>>
      %dma_start3A_368 = tpu.memref_squeeze %dma_start3A_367 : memref<1x128x40xf32, #tpu.memory_space<vmem>> -> memref<128x40xf32, #tpu.memory_space<vmem>>
      %dma_start3A_369 = arith.constant 0 : i32
      %dma_start3A_370 = tpu.memref_slice %arg8[%add3A_348, %dma_start3A_369] : memref<80x128xi32, #tpu.memory_space<vmem>> -> memref<1x128xi32, #tpu.memory_space<vmem>>
      %dma_start3A_371 = tpu.memref_squeeze %dma_start3A_370 : memref<1x128xi32, #tpu.memory_space<vmem>> -> memref<128xi32, #tpu.memory_space<vmem>>
      %dma_start3A_372 = arith.constant 0 : i32
      %dma_start3A_373 = arith.constant 0 : i32
      %dma_start3A_374 = tpu.memref_slice %arg10[%dma_start3A_372, %dma_start3A_373] : memref<10112x40xf32, #tpu.memory_space<vmem_shared>> -> memref<10112x40xf32, #tpu.memory_space<vmem_shared>>
      %dma_start3A_375 = tpu.memref_slice %arg12[%dma_start3A_364] : memref<8x!tpu.dma_semaphore, #tpu.memory_space<semaphore_mem>> -> memref<1x!tpu.dma_semaphore, #tpu.memory_space<semaphore_mem>>
      %dma_start3A_376 = tpu.memref_squeeze %dma_start3A_375 : memref<1x!tpu.dma_semaphore, #tpu.memory_space<semaphore_mem>> -> memref<!tpu.dma_semaphore, #tpu.memory_space<semaphore_mem>>
      tpu.enqueue_indirect_dma source(%dma_start3A_368 : memref<128x40xf32, #tpu.memory_space<vmem>>) target(%dma_start3A_374 : memref<10112x40xf32, #tpu.memory_space<vmem_shared>>) offsets(%dma_start3A_371 : memref<128xi32, #tpu.memory_space<vmem>>) semaphore(%dma_start3A_376 : memref<!tpu.dma_semaphore, #tpu.memory_space<semaphore_mem>>) {add = true}
      %add3A_377 = arith.constant 0 : i32
      %add3A_378 = arith.addi %add3A_137, %add3A_377 : i32
      %dma_wait3A_379 = arith.constant 0 : i32
      %dma_wait3A_380 = arith.constant 0 : i32
      %dma_wait3A_381 = arith.constant 0 : i32
      %dma_wait3A_382 = arith.constant 0 : i32
      %dma_wait3A_383 = tpu.memref_slice %arg9[%dma_wait3A_379, %dma_wait3A_381, %dma_wait3A_382] : memref<8x128x40xf32, #tpu.memory_space<vmem>> -> memref<1x128x40xf32, #tpu.memory_space<vmem>>
      %dma_wait3A_384 = tpu.memref_squeeze %dma_wait3A_383 : memref<1x128x40xf32, #tpu.memory_space<vmem>> -> memref<128x40xf32, #tpu.memory_space<vmem>>
      %dma_wait3A_385 = arith.constant 0 : i32
      %dma_wait3A_386 = tpu.memref_slice %arg8[%add3A_378, %dma_wait3A_385] : memref<80x128xi32, #tpu.memory_space<vmem>> -> memref<1x128xi32, #tpu.memory_space<vmem>>
      %dma_wait3A_387 = tpu.memref_squeeze %dma_wait3A_386 : memref<1x128xi32, #tpu.memory_space<vmem>> -> memref<128xi32, #tpu.memory_space<vmem>>
      %dma_wait3A_388 = arith.constant 0 : i32
      %dma_wait3A_389 = arith.constant 0 : i32
      %dma_wait3A_390 = tpu.memref_slice %arg10[%dma_wait3A_388, %dma_wait3A_389] : memref<10112x40xf32, #tpu.memory_space<vmem_shared>> -> memref<10112x40xf32, #tpu.memory_space<vmem_shared>>
      %dma_wait3A_391 = tpu.memref_slice %arg12[%dma_wait3A_380] : memref<8x!tpu.dma_semaphore, #tpu.memory_space<semaphore_mem>> -> memref<1x!tpu.dma_semaphore, #tpu.memory_space<semaphore_mem>>
      %dma_wait3A_392 = tpu.memref_squeeze %dma_wait3A_391 : memref<1x!tpu.dma_semaphore, #tpu.memory_space<semaphore_mem>> -> memref<!tpu.dma_semaphore, #tpu.memory_space<semaphore_mem>>
      tpu.wait_indirect_dma semaphore(%dma_wait3A_392 : memref<!tpu.dma_semaphore, #tpu.memory_space<semaphore_mem>>) src(%dma_wait3A_384 : memref<128x40xf32, #tpu.memory_space<vmem>>) dst(%dma_wait3A_390 : memref<10112x40xf32, #tpu.memory_space<vmem_shared>>)
      %add3A_393 = arith.constant 8 : i32
      %add3A_394 = arith.addi %add3A_378, %add3A_393 : i32
      %lt3A = arith.constant 80 : i32
      %lt3A_395 = arith.cmpi slt, %add3A_394, %lt3A : i32
      %convert_element_type3A = arith.extui %lt3A_395 : i1 to i32
      %cond3A = arith.constant 0 : i32
      %cond3A_396 = arith.cmpi ne, %convert_element_type3A, %cond3A : i32
      scf.if %cond3A_396 {
        %add3A_558 = arith.constant 8 : i32
        %add3A_559 = arith.addi %add3A_378, %add3A_558 : i32
        %dma_start3A_560 = arith.constant 0 : i32
        %dma_start3A_561 = arith.constant 0 : i32
        %dma_start3A_562 = arith.constant 0 : i32
        %dma_start3A_563 = arith.constant 0 : i32
        %dma_start3A_564 = tpu.memref_slice %arg9[%dma_start3A_560, %dma_start3A_562, %dma_start3A_563] : memref<8x128x40xf32, #tpu.memory_space<vmem>> -> memref<1x128x40xf32, #tpu.memory_space<vmem>>
        %dma_start3A_565 = tpu.memref_squeeze %dma_start3A_564 : memref<1x128x40xf32, #tpu.memory_space<vmem>> -> memref<128x40xf32, #tpu.memory_space<vmem>>
        %dma_start3A_566 = arith.constant 0 : i32
        %dma_start3A_567 = tpu.memref_slice %arg7[%add3A_559, %dma_start3A_566] : memref<80x128xi32, #tpu.memory_space<vmem>> -> memref<1x128xi32, #tpu.memory_space<vmem>>
        %dma_start3A_568 = tpu.memref_squeeze %dma_start3A_567 : memref<1x128xi32, #tpu.memory_space<vmem>> -> memref<128xi32, #tpu.memory_space<vmem>>
        %dma_start3A_569 = arith.constant 0 : i32
        %dma_start3A_570 = arith.constant 0 : i32
        %dma_start3A_571 = tpu.memref_slice %arg2[%dma_start3A_569, %dma_start3A_570] : memref<10112x40xf32, #tpu.memory_space<hbm>> -> memref<10112x40xf32, #tpu.memory_space<hbm>>
        %dma_start3A_572 = tpu.memref_slice %arg11[%dma_start3A_561] : memref<8x!tpu.dma_semaphore, #tpu.memory_space<semaphore_mem>> -> memref<1x!tpu.dma_semaphore, #tpu.memory_space<semaphore_mem>>
        %dma_start3A_573 = tpu.memref_squeeze %dma_start3A_572 : memref<1x!tpu.dma_semaphore, #tpu.memory_space<semaphore_mem>> -> memref<!tpu.dma_semaphore, #tpu.memory_space<semaphore_mem>>
        tpu.enqueue_indirect_dma source(%dma_start3A_571 : memref<10112x40xf32, #tpu.memory_space<hbm>>) target(%dma_start3A_565 : memref<128x40xf32, #tpu.memory_space<vmem>>) offsets(%dma_start3A_568 : memref<128xi32, #tpu.memory_space<vmem>>) semaphore(%dma_start3A_573 : memref<!tpu.dma_semaphore, #tpu.memory_space<semaphore_mem>>)
      } else {
      }
      %add3A_397 = arith.constant 1 : i32
      %add3A_398 = arith.addi %add3A_137, %add3A_397 : i32
      %dma_wait3A_399 = arith.constant 1 : i32
      %dma_wait3A_400 = arith.constant 1 : i32
      %dma_wait3A_401 = arith.constant 0 : i32
      %dma_wait3A_402 = arith.constant 0 : i32
      %dma_wait3A_403 = tpu.memref_slice %arg9[%dma_wait3A_399, %dma_wait3A_401, %dma_wait3A_402] : memref<8x128x40xf32, #tpu.memory_space<vmem>> -> memref<1x128x40xf32, #tpu.memory_space<vmem>>
      %dma_wait3A_404 = tpu.memref_squeeze %dma_wait3A_403 : memref<1x128x40xf32, #tpu.memory_space<vmem>> -> memref<128x40xf32, #tpu.memory_space<vmem>>
      %dma_wait3A_405 = arith.constant 0 : i32
      %dma_wait3A_406 = tpu.memref_slice %arg8[%add3A_398, %dma_wait3A_405] : memref<80x128xi32, #tpu.memory_space<vmem>> -> memref<1x128xi32, #tpu.memory_space<vmem>>
      %dma_wait3A_407 = tpu.memref_squeeze %dma_wait3A_406 : memref<1x128xi32, #tpu.memory_space<vmem>> -> memref<128xi32, #tpu.memory_space<vmem>>
      %dma_wait3A_408 = arith.constant 0 : i32
      %dma_wait3A_409 = arith.constant 0 : i32
      %dma_wait3A_410 = tpu.memref_slice %arg10[%dma_wait3A_408, %dma_wait3A_409] : memref<10112x40xf32, #tpu.memory_space<vmem_shared>> -> memref<10112x40xf32, #tpu.memory_space<vmem_shared>>
      %dma_wait3A_411 = tpu.memref_slice %arg12[%dma_wait3A_400] : memref<8x!tpu.dma_semaphore, #tpu.memory_space<semaphore_mem>> -> memref<1x!tpu.dma_semaphore, #tpu.memory_space<semaphore_mem>>
      %dma_wait3A_412 = tpu.memref_squeeze %dma_wait3A_411 : memref<1x!tpu.dma_semaphore, #tpu.memory_space<semaphore_mem>> -> memref<!tpu.dma_semaphore, #tpu.memory_space<semaphore_mem>>
      tpu.wait_indirect_dma semaphore(%dma_wait3A_412 : memref<!tpu.dma_semaphore, #tpu.memory_space<semaphore_mem>>) src(%dma_wait3A_404 : memref<128x40xf32, #tpu.memory_space<vmem>>) dst(%dma_wait3A_410 : memref<10112x40xf32, #tpu.memory_space<vmem_shared>>)
      %add3A_413 = arith.constant 8 : i32
      %add3A_414 = arith.addi %add3A_398, %add3A_413 : i32
      %lt3A_415 = arith.constant 80 : i32
      %lt3A_416 = arith.cmpi slt, %add3A_414, %lt3A_415 : i32
      %convert_element_type3A_417 = arith.extui %lt3A_416 : i1 to i32
      %cond3A_418 = arith.constant 0 : i32
      %cond3A_419 = arith.cmpi ne, %convert_element_type3A_417, %cond3A_418 : i32
      scf.if %cond3A_419 {
        %add3A_558 = arith.constant 8 : i32
        %add3A_559 = arith.addi %add3A_398, %add3A_558 : i32
        %dma_start3A_560 = arith.constant 1 : i32
        %dma_start3A_561 = arith.constant 1 : i32
        %dma_start3A_562 = arith.constant 0 : i32
        %dma_start3A_563 = arith.constant 0 : i32
        %dma_start3A_564 = tpu.memref_slice %arg9[%dma_start3A_560, %dma_start3A_562, %dma_start3A_563] : memref<8x128x40xf32, #tpu.memory_space<vmem>> -> memref<1x128x40xf32, #tpu.memory_space<vmem>>
        %dma_start3A_565 = tpu.memref_squeeze %dma_start3A_564 : memref<1x128x40xf32, #tpu.memory_space<vmem>> -> memref<128x40xf32, #tpu.memory_space<vmem>>
        %dma_start3A_566 = arith.constant 0 : i32
        %dma_start3A_567 = tpu.memref_slice %arg7[%add3A_559, %dma_start3A_566] : memref<80x128xi32, #tpu.memory_space<vmem>> -> memref<1x128xi32, #tpu.memory_space<vmem>>
        %dma_start3A_568 = tpu.memref_squeeze %dma_start3A_567 : memref<1x128xi32, #tpu.memory_space<vmem>> -> memref<128xi32, #tpu.memory_space<vmem>>
        %dma_start3A_569 = arith.constant 0 : i32
        %dma_start3A_570 = arith.constant 0 : i32
        %dma_start3A_571 = tpu.memref_slice %arg2[%dma_start3A_569, %dma_start3A_570] : memref<10112x40xf32, #tpu.memory_space<hbm>> -> memref<10112x40xf32, #tpu.memory_space<hbm>>
        %dma_start3A_572 = tpu.memref_slice %arg11[%dma_start3A_561] : memref<8x!tpu.dma_semaphore, #tpu.memory_space<semaphore_mem>> -> memref<1x!tpu.dma_semaphore, #tpu.memory_space<semaphore_mem>>
        %dma_start3A_573 = tpu.memref_squeeze %dma_start3A_572 : memref<1x!tpu.dma_semaphore, #tpu.memory_space<semaphore_mem>> -> memref<!tpu.dma_semaphore, #tpu.memory_space<semaphore_mem>>
        tpu.enqueue_indirect_dma source(%dma_start3A_571 : memref<10112x40xf32, #tpu.memory_space<hbm>>) target(%dma_start3A_565 : memref<128x40xf32, #tpu.memory_space<vmem>>) offsets(%dma_start3A_568 : memref<128xi32, #tpu.memory_space<vmem>>) semaphore(%dma_start3A_573 : memref<!tpu.dma_semaphore, #tpu.memory_space<semaphore_mem>>)
      } else {
      }
      %add3A_420 = arith.constant 2 : i32
      %add3A_421 = arith.addi %add3A_137, %add3A_420 : i32
      %dma_wait3A_422 = arith.constant 2 : i32
      %dma_wait3A_423 = arith.constant 2 : i32
      %dma_wait3A_424 = arith.constant 0 : i32
      %dma_wait3A_425 = arith.constant 0 : i32
      %dma_wait3A_426 = tpu.memref_slice %arg9[%dma_wait3A_422, %dma_wait3A_424, %dma_wait3A_425] : memref<8x128x40xf32, #tpu.memory_space<vmem>> -> memref<1x128x40xf32, #tpu.memory_space<vmem>>
      %dma_wait3A_427 = tpu.memref_squeeze %dma_wait3A_426 : memref<1x128x40xf32, #tpu.memory_space<vmem>> -> memref<128x40xf32, #tpu.memory_space<vmem>>
      %dma_wait3A_428 = arith.constant 0 : i32
      %dma_wait3A_429 = tpu.memref_slice %arg8[%add3A_421, %dma_wait3A_428] : memref<80x128xi32, #tpu.memory_space<vmem>> -> memref<1x128xi32, #tpu.memory_space<vmem>>
      %dma_wait3A_430 = tpu.memref_squeeze %dma_wait3A_429 : memref<1x128xi32, #tpu.memory_space<vmem>> -> memref<128xi32, #tpu.memory_space<vmem>>
      %dma_wait3A_431 = arith.constant 0 : i32
      %dma_wait3A_432 = arith.constant 0 : i32
      %dma_wait3A_433 = tpu.memref_slice %arg10[%dma_wait3A_431, %dma_wait3A_432] : memref<10112x40xf32, #tpu.memory_space<vmem_shared>> -> memref<10112x40xf32, #tpu.memory_space<vmem_shared>>
      %dma_wait3A_434 = tpu.memref_slice %arg12[%dma_wait3A_423] : memref<8x!tpu.dma_semaphore, #tpu.memory_space<semaphore_mem>> -> memref<1x!tpu.dma_semaphore, #tpu.memory_space<semaphore_mem>>
      %dma_wait3A_435 = tpu.memref_squeeze %dma_wait3A_434 : memref<1x!tpu.dma_semaphore, #tpu.memory_space<semaphore_mem>> -> memref<!tpu.dma_semaphore, #tpu.memory_space<semaphore_mem>>
      tpu.wait_indirect_dma semaphore(%dma_wait3A_435 : memref<!tpu.dma_semaphore, #tpu.memory_space<semaphore_mem>>) src(%dma_wait3A_427 : memref<128x40xf32, #tpu.memory_space<vmem>>) dst(%dma_wait3A_433 : memref<10112x40xf32, #tpu.memory_space<vmem_shared>>)
      %add3A_436 = arith.constant 8 : i32
      %add3A_437 = arith.addi %add3A_421, %add3A_436 : i32
      %lt3A_438 = arith.constant 80 : i32
      %lt3A_439 = arith.cmpi slt, %add3A_437, %lt3A_438 : i32
      %convert_element_type3A_440 = arith.extui %lt3A_439 : i1 to i32
      %cond3A_441 = arith.constant 0 : i32
      %cond3A_442 = arith.cmpi ne, %convert_element_type3A_440, %cond3A_441 : i32
      scf.if %cond3A_442 {
        %add3A_558 = arith.constant 8 : i32
        %add3A_559 = arith.addi %add3A_421, %add3A_558 : i32
        %dma_start3A_560 = arith.constant 2 : i32
        %dma_start3A_561 = arith.constant 2 : i32
        %dma_start3A_562 = arith.constant 0 : i32
        %dma_start3A_563 = arith.constant 0 : i32
        %dma_start3A_564 = tpu.memref_slice %arg9[%dma_start3A_560, %dma_start3A_562, %dma_start3A_563] : memref<8x128x40xf32, #tpu.memory_space<vmem>> -> memref<1x128x40xf32, #tpu.memory_space<vmem>>
        %dma_start3A_565 = tpu.memref_squeeze %dma_start3A_564 : memref<1x128x40xf32, #tpu.memory_space<vmem>> -> memref<128x40xf32, #tpu.memory_space<vmem>>
        %dma_start3A_566 = arith.constant 0 : i32
        %dma_start3A_567 = tpu.memref_slice %arg7[%add3A_559, %dma_start3A_566] : memref<80x128xi32, #tpu.memory_space<vmem>> -> memref<1x128xi32, #tpu.memory_space<vmem>>
        %dma_start3A_568 = tpu.memref_squeeze %dma_start3A_567 : memref<1x128xi32, #tpu.memory_space<vmem>> -> memref<128xi32, #tpu.memory_space<vmem>>
        %dma_start3A_569 = arith.constant 0 : i32
        %dma_start3A_570 = arith.constant 0 : i32
        %dma_start3A_571 = tpu.memref_slice %arg2[%dma_start3A_569, %dma_start3A_570] : memref<10112x40xf32, #tpu.memory_space<hbm>> -> memref<10112x40xf32, #tpu.memory_space<hbm>>
        %dma_start3A_572 = tpu.memref_slice %arg11[%dma_start3A_561] : memref<8x!tpu.dma_semaphore, #tpu.memory_space<semaphore_mem>> -> memref<1x!tpu.dma_semaphore, #tpu.memory_space<semaphore_mem>>
        %dma_start3A_573 = tpu.memref_squeeze %dma_start3A_572 : memref<1x!tpu.dma_semaphore, #tpu.memory_space<semaphore_mem>> -> memref<!tpu.dma_semaphore, #tpu.memory_space<semaphore_mem>>
        tpu.enqueue_indirect_dma source(%dma_start3A_571 : memref<10112x40xf32, #tpu.memory_space<hbm>>) target(%dma_start3A_565 : memref<128x40xf32, #tpu.memory_space<vmem>>) offsets(%dma_start3A_568 : memref<128xi32, #tpu.memory_space<vmem>>) semaphore(%dma_start3A_573 : memref<!tpu.dma_semaphore, #tpu.memory_space<semaphore_mem>>)
      } else {
      }
      %add3A_443 = arith.constant 3 : i32
      %add3A_444 = arith.addi %add3A_137, %add3A_443 : i32
      %dma_wait3A_445 = arith.constant 3 : i32
      %dma_wait3A_446 = arith.constant 3 : i32
      %dma_wait3A_447 = arith.constant 0 : i32
      %dma_wait3A_448 = arith.constant 0 : i32
      %dma_wait3A_449 = tpu.memref_slice %arg9[%dma_wait3A_445, %dma_wait3A_447, %dma_wait3A_448] : memref<8x128x40xf32, #tpu.memory_space<vmem>> -> memref<1x128x40xf32, #tpu.memory_space<vmem>>
      %dma_wait3A_450 = tpu.memref_squeeze %dma_wait3A_449 : memref<1x128x40xf32, #tpu.memory_space<vmem>> -> memref<128x40xf32, #tpu.memory_space<vmem>>
      %dma_wait3A_451 = arith.constant 0 : i32
      %dma_wait3A_452 = tpu.memref_slice %arg8[%add3A_444, %dma_wait3A_451] : memref<80x128xi32, #tpu.memory_space<vmem>> -> memref<1x128xi32, #tpu.memory_space<vmem>>
      %dma_wait3A_453 = tpu.memref_squeeze %dma_wait3A_452 : memref<1x128xi32, #tpu.memory_space<vmem>> -> memref<128xi32, #tpu.memory_space<vmem>>
      %dma_wait3A_454 = arith.constant 0 : i32
      %dma_wait3A_455 = arith.constant 0 : i32
      %dma_wait3A_456 = tpu.memref_slice %arg10[%dma_wait3A_454, %dma_wait3A_455] : memref<10112x40xf32, #tpu.memory_space<vmem_shared>> -> memref<10112x40xf32, #tpu.memory_space<vmem_shared>>
      %dma_wait3A_457 = tpu.memref_slice %arg12[%dma_wait3A_446] : memref<8x!tpu.dma_semaphore, #tpu.memory_space<semaphore_mem>> -> memref<1x!tpu.dma_semaphore, #tpu.memory_space<semaphore_mem>>
      %dma_wait3A_458 = tpu.memref_squeeze %dma_wait3A_457 : memref<1x!tpu.dma_semaphore, #tpu.memory_space<semaphore_mem>> -> memref<!tpu.dma_semaphore, #tpu.memory_space<semaphore_mem>>
      tpu.wait_indirect_dma semaphore(%dma_wait3A_458 : memref<!tpu.dma_semaphore, #tpu.memory_space<semaphore_mem>>) src(%dma_wait3A_450 : memref<128x40xf32, #tpu.memory_space<vmem>>) dst(%dma_wait3A_456 : memref<10112x40xf32, #tpu.memory_space<vmem_shared>>)
      %add3A_459 = arith.constant 8 : i32
      %add3A_460 = arith.addi %add3A_444, %add3A_459 : i32
      %lt3A_461 = arith.constant 80 : i32
      %lt3A_462 = arith.cmpi slt, %add3A_460, %lt3A_461 : i32
      %convert_element_type3A_463 = arith.extui %lt3A_462 : i1 to i32
      %cond3A_464 = arith.constant 0 : i32
      %cond3A_465 = arith.cmpi ne, %convert_element_type3A_463, %cond3A_464 : i32
      scf.if %cond3A_465 {
        %add3A_558 = arith.constant 8 : i32
        %add3A_559 = arith.addi %add3A_444, %add3A_558 : i32
        %dma_start3A_560 = arith.constant 3 : i32
        %dma_start3A_561 = arith.constant 3 : i32
        %dma_start3A_562 = arith.constant 0 : i32
        %dma_start3A_563 = arith.constant 0 : i32
        %dma_start3A_564 = tpu.memref_slice %arg9[%dma_start3A_560, %dma_start3A_562, %dma_start3A_563] : memref<8x128x40xf32, #tpu.memory_space<vmem>> -> memref<1x128x40xf32, #tpu.memory_space<vmem>>
        %dma_start3A_565 = tpu.memref_squeeze %dma_start3A_564 : memref<1x128x40xf32, #tpu.memory_space<vmem>> -> memref<128x40xf32, #tpu.memory_space<vmem>>
        %dma_start3A_566 = arith.constant 0 : i32
        %dma_start3A_567 = tpu.memref_slice %arg7[%add3A_559, %dma_start3A_566] : memref<80x128xi32, #tpu.memory_space<vmem>> -> memref<1x128xi32, #tpu.memory_space<vmem>>
        %dma_start3A_568 = tpu.memref_squeeze %dma_start3A_567 : memref<1x128xi32, #tpu.memory_space<vmem>> -> memref<128xi32, #tpu.memory_space<vmem>>
        %dma_start3A_569 = arith.constant 0 : i32
        %dma_start3A_570 = arith.constant 0 : i32
        %dma_start3A_571 = tpu.memref_slice %arg2[%dma_start3A_569, %dma_start3A_570] : memref<10112x40xf32, #tpu.memory_space<hbm>> -> memref<10112x40xf32, #tpu.memory_space<hbm>>
        %dma_start3A_572 = tpu.memref_slice %arg11[%dma_start3A_561] : memref<8x!tpu.dma_semaphore, #tpu.memory_space<semaphore_mem>> -> memref<1x!tpu.dma_semaphore, #tpu.memory_space<semaphore_mem>>
        %dma_start3A_573 = tpu.memref_squeeze %dma_start3A_572 : memref<1x!tpu.dma_semaphore, #tpu.memory_space<semaphore_mem>> -> memref<!tpu.dma_semaphore, #tpu.memory_space<semaphore_mem>>
        tpu.enqueue_indirect_dma source(%dma_start3A_571 : memref<10112x40xf32, #tpu.memory_space<hbm>>) target(%dma_start3A_565 : memref<128x40xf32, #tpu.memory_space<vmem>>) offsets(%dma_start3A_568 : memref<128xi32, #tpu.memory_space<vmem>>) semaphore(%dma_start3A_573 : memref<!tpu.dma_semaphore, #tpu.memory_space<semaphore_mem>>)
      } else {
      }
      %add3A_466 = arith.constant 4 : i32
      %add3A_467 = arith.addi %add3A_137, %add3A_466 : i32
      %dma_wait3A_468 = arith.constant 4 : i32
      %dma_wait3A_469 = arith.constant 4 : i32
      %dma_wait3A_470 = arith.constant 0 : i32
      %dma_wait3A_471 = arith.constant 0 : i32
      %dma_wait3A_472 = tpu.memref_slice %arg9[%dma_wait3A_468, %dma_wait3A_470, %dma_wait3A_471] : memref<8x128x40xf32, #tpu.memory_space<vmem>> -> memref<1x128x40xf32, #tpu.memory_space<vmem>>
      %dma_wait3A_473 = tpu.memref_squeeze %dma_wait3A_472 : memref<1x128x40xf32, #tpu.memory_space<vmem>> -> memref<128x40xf32, #tpu.memory_space<vmem>>
      %dma_wait3A_474 = arith.constant 0 : i32
      %dma_wait3A_475 = tpu.memref_slice %arg8[%add3A_467, %dma_wait3A_474] : memref<80x128xi32, #tpu.memory_space<vmem>> -> memref<1x128xi32, #tpu.memory_space<vmem>>
      %dma_wait3A_476 = tpu.memref_squeeze %dma_wait3A_475 : memref<1x128xi32, #tpu.memory_space<vmem>> -> memref<128xi32, #tpu.memory_space<vmem>>
      %dma_wait3A_477 = arith.constant 0 : i32
      %dma_wait3A_478 = arith.constant 0 : i32
      %dma_wait3A_479 = tpu.memref_slice %arg10[%dma_wait3A_477, %dma_wait3A_478] : memref<10112x40xf32, #tpu.memory_space<vmem_shared>> -> memref<10112x40xf32, #tpu.memory_space<vmem_shared>>
      %dma_wait3A_480 = tpu.memref_slice %arg12[%dma_wait3A_469] : memref<8x!tpu.dma_semaphore, #tpu.memory_space<semaphore_mem>> -> memref<1x!tpu.dma_semaphore, #tpu.memory_space<semaphore_mem>>
      %dma_wait3A_481 = tpu.memref_squeeze %dma_wait3A_480 : memref<1x!tpu.dma_semaphore, #tpu.memory_space<semaphore_mem>> -> memref<!tpu.dma_semaphore, #tpu.memory_space<semaphore_mem>>
      tpu.wait_indirect_dma semaphore(%dma_wait3A_481 : memref<!tpu.dma_semaphore, #tpu.memory_space<semaphore_mem>>) src(%dma_wait3A_473 : memref<128x40xf32, #tpu.memory_space<vmem>>) dst(%dma_wait3A_479 : memref<10112x40xf32, #tpu.memory_space<vmem_shared>>)
      %add3A_482 = arith.constant 8 : i32
      %add3A_483 = arith.addi %add3A_467, %add3A_482 : i32
      %lt3A_484 = arith.constant 80 : i32
      %lt3A_485 = arith.cmpi slt, %add3A_483, %lt3A_484 : i32
      %convert_element_type3A_486 = arith.extui %lt3A_485 : i1 to i32
      %cond3A_487 = arith.constant 0 : i32
      %cond3A_488 = arith.cmpi ne, %convert_element_type3A_486, %cond3A_487 : i32
      scf.if %cond3A_488 {
        %add3A_558 = arith.constant 8 : i32
        %add3A_559 = arith.addi %add3A_467, %add3A_558 : i32
        %dma_start3A_560 = arith.constant 4 : i32
        %dma_start3A_561 = arith.constant 4 : i32
        %dma_start3A_562 = arith.constant 0 : i32
        %dma_start3A_563 = arith.constant 0 : i32
        %dma_start3A_564 = tpu.memref_slice %arg9[%dma_start3A_560, %dma_start3A_562, %dma_start3A_563] : memref<8x128x40xf32, #tpu.memory_space<vmem>> -> memref<1x128x40xf32, #tpu.memory_space<vmem>>
        %dma_start3A_565 = tpu.memref_squeeze %dma_start3A_564 : memref<1x128x40xf32, #tpu.memory_space<vmem>> -> memref<128x40xf32, #tpu.memory_space<vmem>>
        %dma_start3A_566 = arith.constant 0 : i32
        %dma_start3A_567 = tpu.memref_slice %arg7[%add3A_559, %dma_start3A_566] : memref<80x128xi32, #tpu.memory_space<vmem>> -> memref<1x128xi32, #tpu.memory_space<vmem>>
        %dma_start3A_568 = tpu.memref_squeeze %dma_start3A_567 : memref<1x128xi32, #tpu.memory_space<vmem>> -> memref<128xi32, #tpu.memory_space<vmem>>
        %dma_start3A_569 = arith.constant 0 : i32
        %dma_start3A_570 = arith.constant 0 : i32
        %dma_start3A_571 = tpu.memref_slice %arg2[%dma_start3A_569, %dma_start3A_570] : memref<10112x40xf32, #tpu.memory_space<hbm>> -> memref<10112x40xf32, #tpu.memory_space<hbm>>
        %dma_start3A_572 = tpu.memref_slice %arg11[%dma_start3A_561] : memref<8x!tpu.dma_semaphore, #tpu.memory_space<semaphore_mem>> -> memref<1x!tpu.dma_semaphore, #tpu.memory_space<semaphore_mem>>
        %dma_start3A_573 = tpu.memref_squeeze %dma_start3A_572 : memref<1x!tpu.dma_semaphore, #tpu.memory_space<semaphore_mem>> -> memref<!tpu.dma_semaphore, #tpu.memory_space<semaphore_mem>>
        tpu.enqueue_indirect_dma source(%dma_start3A_571 : memref<10112x40xf32, #tpu.memory_space<hbm>>) target(%dma_start3A_565 : memref<128x40xf32, #tpu.memory_space<vmem>>) offsets(%dma_start3A_568 : memref<128xi32, #tpu.memory_space<vmem>>) semaphore(%dma_start3A_573 : memref<!tpu.dma_semaphore, #tpu.memory_space<semaphore_mem>>)
      } else {
      }
      %add3A_489 = arith.constant 5 : i32
      %add3A_490 = arith.addi %add3A_137, %add3A_489 : i32
      %dma_wait3A_491 = arith.constant 5 : i32
      %dma_wait3A_492 = arith.constant 5 : i32
      %dma_wait3A_493 = arith.constant 0 : i32
      %dma_wait3A_494 = arith.constant 0 : i32
      %dma_wait3A_495 = tpu.memref_slice %arg9[%dma_wait3A_491, %dma_wait3A_493, %dma_wait3A_494] : memref<8x128x40xf32, #tpu.memory_space<vmem>> -> memref<1x128x40xf32, #tpu.memory_space<vmem>>
      %dma_wait3A_496 = tpu.memref_squeeze %dma_wait3A_495 : memref<1x128x40xf32, #tpu.memory_space<vmem>> -> memref<128x40xf32, #tpu.memory_space<vmem>>
      %dma_wait3A_497 = arith.constant 0 : i32
      %dma_wait3A_498 = tpu.memref_slice %arg8[%add3A_490, %dma_wait3A_497] : memref<80x128xi32, #tpu.memory_space<vmem>> -> memref<1x128xi32, #tpu.memory_space<vmem>>
      %dma_wait3A_499 = tpu.memref_squeeze %dma_wait3A_498 : memref<1x128xi32, #tpu.memory_space<vmem>> -> memref<128xi32, #tpu.memory_space<vmem>>
      %dma_wait3A_500 = arith.constant 0 : i32
      %dma_wait3A_501 = arith.constant 0 : i32
      %dma_wait3A_502 = tpu.memref_slice %arg10[%dma_wait3A_500, %dma_wait3A_501] : memref<10112x40xf32, #tpu.memory_space<vmem_shared>> -> memref<10112x40xf32, #tpu.memory_space<vmem_shared>>
      %dma_wait3A_503 = tpu.memref_slice %arg12[%dma_wait3A_492] : memref<8x!tpu.dma_semaphore, #tpu.memory_space<semaphore_mem>> -> memref<1x!tpu.dma_semaphore, #tpu.memory_space<semaphore_mem>>
      %dma_wait3A_504 = tpu.memref_squeeze %dma_wait3A_503 : memref<1x!tpu.dma_semaphore, #tpu.memory_space<semaphore_mem>> -> memref<!tpu.dma_semaphore, #tpu.memory_space<semaphore_mem>>
      tpu.wait_indirect_dma semaphore(%dma_wait3A_504 : memref<!tpu.dma_semaphore, #tpu.memory_space<semaphore_mem>>) src(%dma_wait3A_496 : memref<128x40xf32, #tpu.memory_space<vmem>>) dst(%dma_wait3A_502 : memref<10112x40xf32, #tpu.memory_space<vmem_shared>>)
      %add3A_505 = arith.constant 8 : i32
      %add3A_506 = arith.addi %add3A_490, %add3A_505 : i32
      %lt3A_507 = arith.constant 80 : i32
      %lt3A_508 = arith.cmpi slt, %add3A_506, %lt3A_507 : i32
      %convert_element_type3A_509 = arith.extui %lt3A_508 : i1 to i32
      %cond3A_510 = arith.constant 0 : i32
      %cond3A_511 = arith.cmpi ne, %convert_element_type3A_509, %cond3A_510 : i32
      scf.if %cond3A_511 {
        %add3A_558 = arith.constant 8 : i32
        %add3A_559 = arith.addi %add3A_490, %add3A_558 : i32
        %dma_start3A_560 = arith.constant 5 : i32
        %dma_start3A_561 = arith.constant 5 : i32
        %dma_start3A_562 = arith.constant 0 : i32
        %dma_start3A_563 = arith.constant 0 : i32
        %dma_start3A_564 = tpu.memref_slice %arg9[%dma_start3A_560, %dma_start3A_562, %dma_start3A_563] : memref<8x128x40xf32, #tpu.memory_space<vmem>> -> memref<1x128x40xf32, #tpu.memory_space<vmem>>
        %dma_start3A_565 = tpu.memref_squeeze %dma_start3A_564 : memref<1x128x40xf32, #tpu.memory_space<vmem>> -> memref<128x40xf32, #tpu.memory_space<vmem>>
        %dma_start3A_566 = arith.constant 0 : i32
        %dma_start3A_567 = tpu.memref_slice %arg7[%add3A_559, %dma_start3A_566] : memref<80x128xi32, #tpu.memory_space<vmem>> -> memref<1x128xi32, #tpu.memory_space<vmem>>
        %dma_start3A_568 = tpu.memref_squeeze %dma_start3A_567 : memref<1x128xi32, #tpu.memory_space<vmem>> -> memref<128xi32, #tpu.memory_space<vmem>>
        %dma_start3A_569 = arith.constant 0 : i32
        %dma_start3A_570 = arith.constant 0 : i32
        %dma_start3A_571 = tpu.memref_slice %arg2[%dma_start3A_569, %dma_start3A_570] : memref<10112x40xf32, #tpu.memory_space<hbm>> -> memref<10112x40xf32, #tpu.memory_space<hbm>>
        %dma_start3A_572 = tpu.memref_slice %arg11[%dma_start3A_561] : memref<8x!tpu.dma_semaphore, #tpu.memory_space<semaphore_mem>> -> memref<1x!tpu.dma_semaphore, #tpu.memory_space<semaphore_mem>>
        %dma_start3A_573 = tpu.memref_squeeze %dma_start3A_572 : memref<1x!tpu.dma_semaphore, #tpu.memory_space<semaphore_mem>> -> memref<!tpu.dma_semaphore, #tpu.memory_space<semaphore_mem>>
        tpu.enqueue_indirect_dma source(%dma_start3A_571 : memref<10112x40xf32, #tpu.memory_space<hbm>>) target(%dma_start3A_565 : memref<128x40xf32, #tpu.memory_space<vmem>>) offsets(%dma_start3A_568 : memref<128xi32, #tpu.memory_space<vmem>>) semaphore(%dma_start3A_573 : memref<!tpu.dma_semaphore, #tpu.memory_space<semaphore_mem>>)
      } else {
      }
      %add3A_512 = arith.constant 6 : i32
      %add3A_513 = arith.addi %add3A_137, %add3A_512 : i32
      %dma_wait3A_514 = arith.constant 6 : i32
      %dma_wait3A_515 = arith.constant 6 : i32
      %dma_wait3A_516 = arith.constant 0 : i32
      %dma_wait3A_517 = arith.constant 0 : i32
      %dma_wait3A_518 = tpu.memref_slice %arg9[%dma_wait3A_514, %dma_wait3A_516, %dma_wait3A_517] : memref<8x128x40xf32, #tpu.memory_space<vmem>> -> memref<1x128x40xf32, #tpu.memory_space<vmem>>
      %dma_wait3A_519 = tpu.memref_squeeze %dma_wait3A_518 : memref<1x128x40xf32, #tpu.memory_space<vmem>> -> memref<128x40xf32, #tpu.memory_space<vmem>>
      %dma_wait3A_520 = arith.constant 0 : i32
      %dma_wait3A_521 = tpu.memref_slice %arg8[%add3A_513, %dma_wait3A_520] : memref<80x128xi32, #tpu.memory_space<vmem>> -> memref<1x128xi32, #tpu.memory_space<vmem>>
      %dma_wait3A_522 = tpu.memref_squeeze %dma_wait3A_521 : memref<1x128xi32, #tpu.memory_space<vmem>> -> memref<128xi32, #tpu.memory_space<vmem>>
      %dma_wait3A_523 = arith.constant 0 : i32
      %dma_wait3A_524 = arith.constant 0 : i32
      %dma_wait3A_525 = tpu.memref_slice %arg10[%dma_wait3A_523, %dma_wait3A_524] : memref<10112x40xf32, #tpu.memory_space<vmem_shared>> -> memref<10112x40xf32, #tpu.memory_space<vmem_shared>>
      %dma_wait3A_526 = tpu.memref_slice %arg12[%dma_wait3A_515] : memref<8x!tpu.dma_semaphore, #tpu.memory_space<semaphore_mem>> -> memref<1x!tpu.dma_semaphore, #tpu.memory_space<semaphore_mem>>
      %dma_wait3A_527 = tpu.memref_squeeze %dma_wait3A_526 : memref<1x!tpu.dma_semaphore, #tpu.memory_space<semaphore_mem>> -> memref<!tpu.dma_semaphore, #tpu.memory_space<semaphore_mem>>
      tpu.wait_indirect_dma semaphore(%dma_wait3A_527 : memref<!tpu.dma_semaphore, #tpu.memory_space<semaphore_mem>>) src(%dma_wait3A_519 : memref<128x40xf32, #tpu.memory_space<vmem>>) dst(%dma_wait3A_525 : memref<10112x40xf32, #tpu.memory_space<vmem_shared>>)
      %add3A_528 = arith.constant 8 : i32
      %add3A_529 = arith.addi %add3A_513, %add3A_528 : i32
      %lt3A_530 = arith.constant 80 : i32
      %lt3A_531 = arith.cmpi slt, %add3A_529, %lt3A_530 : i32
      %convert_element_type3A_532 = arith.extui %lt3A_531 : i1 to i32
      %cond3A_533 = arith.constant 0 : i32
      %cond3A_534 = arith.cmpi ne, %convert_element_type3A_532, %cond3A_533 : i32
      scf.if %cond3A_534 {
        %add3A_558 = arith.constant 8 : i32
        %add3A_559 = arith.addi %add3A_513, %add3A_558 : i32
        %dma_start3A_560 = arith.constant 6 : i32
        %dma_start3A_561 = arith.constant 6 : i32
        %dma_start3A_562 = arith.constant 0 : i32
        %dma_start3A_563 = arith.constant 0 : i32
        %dma_start3A_564 = tpu.memref_slice %arg9[%dma_start3A_560, %dma_start3A_562, %dma_start3A_563] : memref<8x128x40xf32, #tpu.memory_space<vmem>> -> memref<1x128x40xf32, #tpu.memory_space<vmem>>
        %dma_start3A_565 = tpu.memref_squeeze %dma_start3A_564 : memref<1x128x40xf32, #tpu.memory_space<vmem>> -> memref<128x40xf32, #tpu.memory_space<vmem>>
        %dma_start3A_566 = arith.constant 0 : i32
        %dma_start3A_567 = tpu.memref_slice %arg7[%add3A_559, %dma_start3A_566] : memref<80x128xi32, #tpu.memory_space<vmem>> -> memref<1x128xi32, #tpu.memory_space<vmem>>
        %dma_start3A_568 = tpu.memref_squeeze %dma_start3A_567 : memref<1x128xi32, #tpu.memory_space<vmem>> -> memref<128xi32, #tpu.memory_space<vmem>>
        %dma_start3A_569 = arith.constant 0 : i32
        %dma_start3A_570 = arith.constant 0 : i32
        %dma_start3A_571 = tpu.memref_slice %arg2[%dma_start3A_569, %dma_start3A_570] : memref<10112x40xf32, #tpu.memory_space<hbm>> -> memref<10112x40xf32, #tpu.memory_space<hbm>>
        %dma_start3A_572 = tpu.memref_slice %arg11[%dma_start3A_561] : memref<8x!tpu.dma_semaphore, #tpu.memory_space<semaphore_mem>> -> memref<1x!tpu.dma_semaphore, #tpu.memory_space<semaphore_mem>>
        %dma_start3A_573 = tpu.memref_squeeze %dma_start3A_572 : memref<1x!tpu.dma_semaphore, #tpu.memory_space<semaphore_mem>> -> memref<!tpu.dma_semaphore, #tpu.memory_space<semaphore_mem>>
        tpu.enqueue_indirect_dma source(%dma_start3A_571 : memref<10112x40xf32, #tpu.memory_space<hbm>>) target(%dma_start3A_565 : memref<128x40xf32, #tpu.memory_space<vmem>>) offsets(%dma_start3A_568 : memref<128xi32, #tpu.memory_space<vmem>>) semaphore(%dma_start3A_573 : memref<!tpu.dma_semaphore, #tpu.memory_space<semaphore_mem>>)
      } else {
      }
      %add3A_535 = arith.constant 7 : i32
      %add3A_536 = arith.addi %add3A_137, %add3A_535 : i32
      %dma_wait3A_537 = arith.constant 7 : i32
      %dma_wait3A_538 = arith.constant 7 : i32
      %dma_wait3A_539 = arith.constant 0 : i32
      %dma_wait3A_540 = arith.constant 0 : i32
      %dma_wait3A_541 = tpu.memref_slice %arg9[%dma_wait3A_537, %dma_wait3A_539, %dma_wait3A_540] : memref<8x128x40xf32, #tpu.memory_space<vmem>> -> memref<1x128x40xf32, #tpu.memory_space<vmem>>
      %dma_wait3A_542 = tpu.memref_squeeze %dma_wait3A_541 : memref<1x128x40xf32, #tpu.memory_space<vmem>> -> memref<128x40xf32, #tpu.memory_space<vmem>>
      %dma_wait3A_543 = arith.constant 0 : i32
      %dma_wait3A_544 = tpu.memref_slice %arg8[%add3A_536, %dma_wait3A_543] : memref<80x128xi32, #tpu.memory_space<vmem>> -> memref<1x128xi32, #tpu.memory_space<vmem>>
      %dma_wait3A_545 = tpu.memref_squeeze %dma_wait3A_544 : memref<1x128xi32, #tpu.memory_space<vmem>> -> memref<128xi32, #tpu.memory_space<vmem>>
      %dma_wait3A_546 = arith.constant 0 : i32
      %dma_wait3A_547 = arith.constant 0 : i32
      %dma_wait3A_548 = tpu.memref_slice %arg10[%dma_wait3A_546, %dma_wait3A_547] : memref<10112x40xf32, #tpu.memory_space<vmem_shared>> -> memref<10112x40xf32, #tpu.memory_space<vmem_shared>>
      %dma_wait3A_549 = tpu.memref_slice %arg12[%dma_wait3A_538] : memref<8x!tpu.dma_semaphore, #tpu.memory_space<semaphore_mem>> -> memref<1x!tpu.dma_semaphore, #tpu.memory_space<semaphore_mem>>
      %dma_wait3A_550 = tpu.memref_squeeze %dma_wait3A_549 : memref<1x!tpu.dma_semaphore, #tpu.memory_space<semaphore_mem>> -> memref<!tpu.dma_semaphore, #tpu.memory_space<semaphore_mem>>
      tpu.wait_indirect_dma semaphore(%dma_wait3A_550 : memref<!tpu.dma_semaphore, #tpu.memory_space<semaphore_mem>>) src(%dma_wait3A_542 : memref<128x40xf32, #tpu.memory_space<vmem>>) dst(%dma_wait3A_548 : memref<10112x40xf32, #tpu.memory_space<vmem_shared>>)
      %add3A_551 = arith.constant 8 : i32
      %add3A_552 = arith.addi %add3A_536, %add3A_551 : i32
      %lt3A_553 = arith.constant 80 : i32
      %lt3A_554 = arith.cmpi slt, %add3A_552, %lt3A_553 : i32
      %convert_element_type3A_555 = arith.extui %lt3A_554 : i1 to i32
      %cond3A_556 = arith.constant 0 : i32
      %cond3A_557 = arith.cmpi ne, %convert_element_type3A_555, %cond3A_556 : i32
      scf.if %cond3A_557 {
        %add3A_558 = arith.constant 8 : i32
        %add3A_559 = arith.addi %add3A_536, %add3A_558 : i32
        %dma_start3A_560 = arith.constant 7 : i32
        %dma_start3A_561 = arith.constant 7 : i32
        %dma_start3A_562 = arith.constant 0 : i32
        %dma_start3A_563 = arith.constant 0 : i32
        %dma_start3A_564 = tpu.memref_slice %arg9[%dma_start3A_560, %dma_start3A_562, %dma_start3A_563] : memref<8x128x40xf32, #tpu.memory_space<vmem>> -> memref<1x128x40xf32, #tpu.memory_space<vmem>>
        %dma_start3A_565 = tpu.memref_squeeze %dma_start3A_564 : memref<1x128x40xf32, #tpu.memory_space<vmem>> -> memref<128x40xf32, #tpu.memory_space<vmem>>
        %dma_start3A_566 = arith.constant 0 : i32
        %dma_start3A_567 = tpu.memref_slice %arg7[%add3A_559, %dma_start3A_566] : memref<80x128xi32, #tpu.memory_space<vmem>> -> memref<1x128xi32, #tpu.memory_space<vmem>>
        %dma_start3A_568 = tpu.memref_squeeze %dma_start3A_567 : memref<1x128xi32, #tpu.memory_space<vmem>> -> memref<128xi32, #tpu.memory_space<vmem>>
        %dma_start3A_569 = arith.constant 0 : i32
        %dma_start3A_570 = arith.constant 0 : i32
        %dma_start3A_571 = tpu.memref_slice %arg2[%dma_start3A_569, %dma_start3A_570] : memref<10112x40xf32, #tpu.memory_space<hbm>> -> memref<10112x40xf32, #tpu.memory_space<hbm>>
        %dma_start3A_572 = tpu.memref_slice %arg11[%dma_start3A_561] : memref<8x!tpu.dma_semaphore, #tpu.memory_space<semaphore_mem>> -> memref<1x!tpu.dma_semaphore, #tpu.memory_space<semaphore_mem>>
        %dma_start3A_573 = tpu.memref_squeeze %dma_start3A_572 : memref<1x!tpu.dma_semaphore, #tpu.memory_space<semaphore_mem>> -> memref<!tpu.dma_semaphore, #tpu.memory_space<semaphore_mem>>
        tpu.enqueue_indirect_dma source(%dma_start3A_571 : memref<10112x40xf32, #tpu.memory_space<hbm>>) target(%dma_start3A_565 : memref<128x40xf32, #tpu.memory_space<vmem>>) offsets(%dma_start3A_568 : memref<128xi32, #tpu.memory_space<vmem>>) semaphore(%dma_start3A_573 : memref<!tpu.dma_semaphore, #tpu.memory_space<semaphore_mem>>)
      } else {
      }
    }
    %scan3A_127 = arith.constant 10 : i32
    %barrier3A_128 = arith.constant 0 : index
    tpu.barrier barrier_id(%barrier3A_128)
    %mul3A_129 = arith.constant 632 : i32
    %mul3A_130 = arith.muli %arg1, %mul3A_129 : i32
    %mul3A_131 = arith.constant 632 : i32
    %mul3A_132 = arith.muli %arg1, %mul3A_131 : i32
    "tpu.region"() ({
      %run_scoped3A = tpu.sem_alloc : memref<!tpu.dma_semaphore, #tpu.memory_space<semaphore_mem>>
      %dma_start3A_133 = arith.constant 0 : i32
      %dma_start3A_134 = tpu.memref_slice %arg6[%arg0, %mul3A_132, %dma_start3A_133] : memref<2x10112x40xf32, #tpu.memory_space<hbm>> -> memref<1x632x40xf32, #tpu.memory_space<hbm>>
      %dma_start3A_135 = tpu.memref_squeeze %dma_start3A_134 : memref<1x632x40xf32, #tpu.memory_space<hbm>> -> memref<632x40xf32, #tpu.memory_space<hbm>>
      %dma_start3A_136 = arith.constant 0 : i32
      %dma_start3A_137 = tpu.memref_slice %arg10[%mul3A_130, %dma_start3A_136] : memref<10112x40xf32, #tpu.memory_space<vmem_shared>> -> memref<632x40xf32, #tpu.memory_space<vmem_shared>>
      tpu.enqueue_dma source(%dma_start3A_137 : memref<632x40xf32, #tpu.memory_space<vmem_shared>>) target(%dma_start3A_135 : memref<632x40xf32, #tpu.memory_space<hbm>>) target_semaphore(%run_scoped3A : memref<!tpu.dma_semaphore, #tpu.memory_space<semaphore_mem>>)
      %dma_wait3A = arith.constant 0 : i32
      %dma_wait3A_138 = tpu.memref_slice %arg6[%arg0, %mul3A_132, %dma_wait3A] : memref<2x10112x40xf32, #tpu.memory_space<hbm>> -> memref<1x632x40xf32, #tpu.memory_space<hbm>>
      %dma_wait3A_139 = tpu.memref_squeeze %dma_wait3A_138 : memref<1x632x40xf32, #tpu.memory_space<hbm>> -> memref<632x40xf32, #tpu.memory_space<hbm>>
      %dma_wait3A_140 = arith.constant 0 : i32
      %dma_wait3A_141 = tpu.memref_slice %arg10[%mul3A_130, %dma_wait3A_140] : memref<10112x40xf32, #tpu.memory_space<vmem_shared>> -> memref<632x40xf32, #tpu.memory_space<vmem_shared>>
      tpu.wait_dma2 semaphore(%run_scoped3A : memref<!tpu.dma_semaphore, #tpu.memory_space<semaphore_mem>>) src(%dma_wait3A_141 : memref<632x40xf32, #tpu.memory_space<vmem_shared>>) dst(%dma_wait3A_139 : memref<632x40xf32, #tpu.memory_space<hbm>>)
      tpu.yield
    }) : () -> ()
    return
  }
}

module attributes {stable_mosaic.version = 14 : i64} {
  func.func @_dense_body(%arg0: i32, %arg1: memref<1264x128xf32, #tpu.memory_space<vmem>>, %arg2: memref<1264x32xf32, #tpu.memory_space<vmem>>, %arg3: memref<1264x32xf32, #tpu.memory_space<vmem>>, %arg4: memref<128x128xf32, #tpu.memory_space<vmem>>, %arg5: memref<128x128xf32, #tpu.memory_space<vmem>>, %arg6: memref<128x40xf32, #tpu.memory_space<vmem>>, %arg7: memref<1x40xf32, #tpu.memory_space<vmem>>, %arg8: memref<128x128xf32, #tpu.memory_space<vmem>>, %arg9: memref<128x128xf32, #tpu.memory_space<vmem>>, %arg10: memref<128x40xf32, #tpu.memory_space<vmem>>, %arg11: memref<1264x40xf32, #tpu.memory_space<vmem>>, %arg12: memref<1264x40xf32, #tpu.memory_space<vmem>>, %arg13: memref<1264x40xf32, #tpu.memory_space<vmem>>, %arg14: memref<1264x40xf32, #tpu.memory_space<vmem>>, %arg15: memref<1264x40xf32, #tpu.memory_space<vmem>>, %arg16: memref<1264x40xf32, #tpu.memory_space<vmem>>) attributes {dimension_semantics = [#tpu.dimension_semantics<arbitrary>], iteration_bounds = array<i64: 8>, scalar_prefetch = 0 : i64, scratch_operands = 0 : i64, tpu.core_type = #tpu.core_type<tc>, window_params = [{transform_indices = @transform_0, window_bounds = array<i64: 1264, 128>}, {transform_indices = @transform_1, window_bounds = array<i64: 1264, 32>}, {transform_indices = @transform_2, window_bounds = array<i64: 1264, 32>}, {pipeline_mode = #tpu.pipeline_mode<synchronous>, transform_indices = @transform_3, window_bounds = array<i64: 128, 128>}, {pipeline_mode = #tpu.pipeline_mode<synchronous>, transform_indices = @transform_4, window_bounds = array<i64: 128, 128>}, {pipeline_mode = #tpu.pipeline_mode<synchronous>, transform_indices = @transform_5, window_bounds = array<i64: 128, 40>}, {pipeline_mode = #tpu.pipeline_mode<synchronous>, transform_indices = @transform_6, window_bounds = array<i64: 1, 40>}, {pipeline_mode = #tpu.pipeline_mode<synchronous>, transform_indices = @transform_7, window_bounds = array<i64: 128, 128>}, {pipeline_mode = #tpu.pipeline_mode<synchronous>, transform_indices = @transform_8, window_bounds = array<i64: 128, 128>}, {pipeline_mode = #tpu.pipeline_mode<synchronous>, transform_indices = @transform_9, window_bounds = array<i64: 128, 40>}, {transform_indices = @transform_10, window_bounds = array<i64: 1264, 40>}, {transform_indices = @transform_11, window_bounds = array<i64: 1264, 40>}, {transform_indices = @transform_12, window_bounds = array<i64: 1264, 40>}, {transform_indices = @transform_13, window_bounds = array<i64: 1264, 40>}, {transform_indices = @transform_14, window_bounds = array<i64: 1264, 40>}, {transform_indices = @transform_15, window_bounds = array<i64: 1264, 40>}]} {
    %get3A = arith.constant 0 : index
    %get3A_0 = arith.constant 0 : index
    %get3A_1 = vector.load %arg4[%get3A, %get3A_0] : memref<128x128xf32, #tpu.memory_space<vmem>>, vector<128x128xf32>
    %get3A_2 = arith.constant 0 : index
    %get3A_3 = arith.constant 0 : index
    %get3A_4 = vector.load %arg5[%get3A_2, %get3A_3] : memref<128x128xf32, #tpu.memory_space<vmem>>, vector<128x128xf32>
    %get3A_5 = arith.constant 0 : index
    %get3A_6 = arith.constant 0 : index
    %get3A_7 = vector.load %arg6[%get3A_5, %get3A_6] : memref<128x40xf32, #tpu.memory_space<vmem>>, vector<128x40xf32>
    %get3A_8 = arith.constant 0 : index
    %get3A_9 = arith.constant 0 : index
    %get3A_10 = vector.load %arg8[%get3A_8, %get3A_9] : memref<128x128xf32, #tpu.memory_space<vmem>>, vector<128x128xf32>
    %get3A_11 = arith.constant 0 : index
    %get3A_12 = arith.constant 0 : index
    %get3A_13 = vector.load %arg9[%get3A_11, %get3A_12] : memref<128x128xf32, #tpu.memory_space<vmem>>, vector<128x128xf32>
    %get3A_14 = arith.constant 0 : index
    %get3A_15 = arith.constant 0 : index
    %get3A_16 = vector.load %arg10[%get3A_14, %get3A_15] : memref<128x40xf32, #tpu.memory_space<vmem>>, vector<128x40xf32>
    %dot_general3A = arith.constant dense<0.000000e+00> : vector<128x128xf32>
    %dot_general3A_17 = tpu.matmul %get3A_1, %get3A_4, %dot_general3A {dimension_numbers = #tpu.dot_dimension_numbers<[1], [0], [0], [1], [0, 0, 1, 1], [], []>, transpose_lhs_hint = false} : vector<128x128xf32>, vector<128x128xf32>, vector<128x128xf32> -> vector<128x128xf32>
    %dot_general3A_18 = arith.constant dense<0.000000e+00> : vector<128x40xf32>
    %dot_general3A_19 = tpu.matmul %dot_general3A_17, %get3A_7, %dot_general3A_18 {dimension_numbers = #tpu.dot_dimension_numbers<[1], [0], [0], [1], [0, 0, 1, 1], [], []>, transpose_lhs_hint = false} : vector<128x128xf32>, vector<128x40xf32>, vector<128x40xf32> -> vector<128x40xf32>
    %dot_general3A_20 = arith.constant dense<0.000000e+00> : vector<128x128xf32>
    %dot_general3A_21 = tpu.matmul %get3A_10, %get3A_4, %dot_general3A_20 {dimension_numbers = #tpu.dot_dimension_numbers<[1], [0], [0], [1], [0, 0, 1, 1], [], []>, transpose_lhs_hint = false} : vector<128x128xf32>, vector<128x128xf32>, vector<128x128xf32> -> vector<128x128xf32>
    %dot_general3A_22 = arith.constant dense<0.000000e+00> : vector<128x40xf32>
    %dot_general3A_23 = tpu.matmul %dot_general3A_21, %get3A_7, %dot_general3A_22 {dimension_numbers = #tpu.dot_dimension_numbers<[1], [0], [0], [1], [0, 0, 1, 1], [], []>, transpose_lhs_hint = false} : vector<128x128xf32>, vector<128x40xf32>, vector<128x40xf32> -> vector<128x40xf32>
    %dot_general3A_24 = arith.constant dense<0.000000e+00> : vector<128x128xf32>
    %dot_general3A_25 = tpu.matmul %get3A_1, %get3A_13, %dot_general3A_24 {dimension_numbers = #tpu.dot_dimension_numbers<[1], [0], [0], [1], [0, 0, 1, 1], [], []>, transpose_lhs_hint = false} : vector<128x128xf32>, vector<128x128xf32>, vector<128x128xf32> -> vector<128x128xf32>
    %dot_general3A_26 = arith.constant dense<0.000000e+00> : vector<128x40xf32>
    %dot_general3A_27 = tpu.matmul %dot_general3A_25, %get3A_7, %dot_general3A_26 {dimension_numbers = #tpu.dot_dimension_numbers<[1], [0], [0], [1], [0, 0, 1, 1], [], []>, transpose_lhs_hint = false} : vector<128x128xf32>, vector<128x40xf32>, vector<128x40xf32> -> vector<128x40xf32>
    %add3A = arith.addf %dot_general3A_23, %dot_general3A_27 : vector<128x40xf32>
    %dot_general3A_28 = arith.constant dense<0.000000e+00> : vector<128x128xf32>
    %dot_general3A_29 = tpu.matmul %get3A_1, %get3A_4, %dot_general3A_28 {dimension_numbers = #tpu.dot_dimension_numbers<[1], [0], [0], [1], [0, 0, 1, 1], [], []>, transpose_lhs_hint = false} : vector<128x128xf32>, vector<128x128xf32>, vector<128x128xf32> -> vector<128x128xf32>
    %dot_general3A_30 = arith.constant dense<0.000000e+00> : vector<128x40xf32>
    %dot_general3A_31 = tpu.matmul %dot_general3A_29, %get3A_16, %dot_general3A_30 {dimension_numbers = #tpu.dot_dimension_numbers<[1], [0], [0], [1], [0, 0, 1, 1], [], []>, transpose_lhs_hint = false} : vector<128x128xf32>, vector<128x40xf32>, vector<128x40xf32> -> vector<128x40xf32>
    %add3A_32 = arith.addf %add3A, %dot_general3A_31 : vector<128x40xf32>
    %dot_general3A_33 = arith.constant dense<0.000000e+00> : vector<128x128xf32>
    %dot_general3A_34 = tpu.matmul %get3A_10, %get3A_13, %dot_general3A_33 {dimension_numbers = #tpu.dot_dimension_numbers<[1], [0], [0], [1], [0, 0, 1, 1], [], []>, transpose_lhs_hint = false} : vector<128x128xf32>, vector<128x128xf32>, vector<128x128xf32> -> vector<128x128xf32>
    %dot_general3A_35 = arith.constant dense<0.000000e+00> : vector<128x40xf32>
    %dot_general3A_36 = tpu.matmul %dot_general3A_34, %get3A_7, %dot_general3A_35 {dimension_numbers = #tpu.dot_dimension_numbers<[1], [0], [0], [1], [0, 0, 1, 1], [], []>, transpose_lhs_hint = false} : vector<128x128xf32>, vector<128x40xf32>, vector<128x40xf32> -> vector<128x40xf32>
    %dot_general3A_37 = arith.constant dense<0.000000e+00> : vector<128x128xf32>
    %dot_general3A_38 = tpu.matmul %get3A_10, %get3A_4, %dot_general3A_37 {dimension_numbers = #tpu.dot_dimension_numbers<[1], [0], [0], [1], [0, 0, 1, 1], [], []>, transpose_lhs_hint = false} : vector<128x128xf32>, vector<128x128xf32>, vector<128x128xf32> -> vector<128x128xf32>
    %dot_general3A_39 = arith.constant dense<0.000000e+00> : vector<128x40xf32>
    %dot_general3A_40 = tpu.matmul %dot_general3A_38, %get3A_16, %dot_general3A_39 {dimension_numbers = #tpu.dot_dimension_numbers<[1], [0], [0], [1], [0, 0, 1, 1], [], []>, transpose_lhs_hint = false} : vector<128x128xf32>, vector<128x40xf32>, vector<128x40xf32> -> vector<128x40xf32>
    %add3A_41 = arith.addf %dot_general3A_36, %dot_general3A_40 : vector<128x40xf32>
    %dot_general3A_42 = arith.constant dense<0.000000e+00> : vector<128x128xf32>
    %dot_general3A_43 = tpu.matmul %get3A_1, %get3A_13, %dot_general3A_42 {dimension_numbers = #tpu.dot_dimension_numbers<[1], [0], [0], [1], [0, 0, 1, 1], [], []>, transpose_lhs_hint = false} : vector<128x128xf32>, vector<128x128xf32>, vector<128x128xf32> -> vector<128x128xf32>
    %dot_general3A_44 = arith.constant dense<0.000000e+00> : vector<128x40xf32>
    %dot_general3A_45 = tpu.matmul %dot_general3A_43, %get3A_16, %dot_general3A_44 {dimension_numbers = #tpu.dot_dimension_numbers<[1], [0], [0], [1], [0, 0, 1, 1], [], []>, transpose_lhs_hint = false} : vector<128x128xf32>, vector<128x40xf32>, vector<128x40xf32> -> vector<128x40xf32>
    %add3A_46 = arith.addf %add3A_41, %dot_general3A_45 : vector<128x40xf32>
    %dot_general3A_47 = arith.constant dense<0.000000e+00> : vector<128x128xf32>
    %dot_general3A_48 = tpu.matmul %get3A_10, %get3A_13, %dot_general3A_47 {dimension_numbers = #tpu.dot_dimension_numbers<[1], [0], [0], [1], [0, 0, 1, 1], [], []>, transpose_lhs_hint = false} : vector<128x128xf32>, vector<128x128xf32>, vector<128x128xf32> -> vector<128x128xf32>
    %dot_general3A_49 = arith.constant dense<0.000000e+00> : vector<128x40xf32>
    %dot_general3A_50 = tpu.matmul %dot_general3A_48, %get3A_16, %dot_general3A_49 {dimension_numbers = #tpu.dot_dimension_numbers<[1], [0], [0], [1], [0, 0, 1, 1], [], []>, transpose_lhs_hint = false} : vector<128x128xf32>, vector<128x40xf32>, vector<128x40xf32> -> vector<128x40xf32>
    %get3A_51 = arith.constant 0 : index
    %get3A_52 = arith.constant 0 : index
    %get3A_53 = vector.load %arg1[%get3A_51, %get3A_52] : memref<1264x128xf32, #tpu.memory_space<vmem>>, vector<1264x128xf32>
    %get3A_54 = arith.constant 0 : index
    %get3A_55 = arith.constant 0 : index
    %get3A_56 = vector.load %arg2[%get3A_54, %get3A_55] : memref<1264x32xf32, #tpu.memory_space<vmem>>, vector<1264x32xf32>
    %reduce_sum3A = arith.constant dense<0.000000e+00> : vector<1264xf32>
    %reduce_sum3A_57 = vector.multi_reduction <add>, %get3A_56, %reduce_sum3A [1] : vector<1264x32xf32> to vector<1264xf32>
    %broadcast_in_dim3A = vector.shape_cast %reduce_sum3A_57 : vector<1264xf32> to vector<1264x1xf32>
    %get3A_58 = arith.constant 0 : index
    %get3A_59 = arith.constant 0 : index
    %get3A_60 = vector.load %arg3[%get3A_58, %get3A_59] : memref<1264x32xf32, #tpu.memory_space<vmem>>, vector<1264x32xf32>
    %reduce_sum3A_61 = arith.constant dense<0.000000e+00> : vector<1264xf32>
    %reduce_sum3A_62 = vector.multi_reduction <add>, %get3A_60, %reduce_sum3A_61 [1] : vector<1264x32xf32> to vector<1264xf32>
    %broadcast_in_dim3A_63 = vector.shape_cast %reduce_sum3A_62 : vector<1264xf32> to vector<1264x1xf32>
    %max3A = arith.constant 1.000000e+00 : f32
    %max3A_64 = vector.broadcast %max3A : f32 to vector<1264x1xf32>
    %max3A_65 = arith.maximumf %broadcast_in_dim3A, %max3A_64 : vector<1264x1xf32>
    %rsqrt3A = math.rsqrt %max3A_65 : vector<1264x1xf32>
    %max3A_66 = arith.constant 1.000000e+00 : f32
    %max3A_67 = vector.broadcast %max3A_66 : f32 to vector<1264x1xf32>
    %max3A_68 = arith.maximumf %broadcast_in_dim3A_63, %max3A_67 : vector<1264x1xf32>
    %rsqrt3A_69 = math.rsqrt %max3A_68 : vector<1264x1xf32>
    %dot_general3A_70 = arith.constant dense<0.000000e+00> : vector<1264x40xf32>
    %dot_general3A_71 = tpu.matmul %get3A_53, %dot_general3A_50, %dot_general3A_70 {dimension_numbers = #tpu.dot_dimension_numbers<[1], [0], [0], [1], [0, 0, 1, 1], [], []>, transpose_lhs_hint = false} : vector<1264x128xf32>, vector<128x40xf32>, vector<1264x40xf32> -> vector<1264x40xf32>
    %get3A_72 = arith.constant 0 : index
    %get3A_73 = arith.constant 0 : index
    %get3A_74 = vector.load %arg7[%get3A_72, %get3A_73] : memref<1x40xf32, #tpu.memory_space<vmem>>, vector<1x40xf32>
    %add3A_75 = vector.broadcast %get3A_74 : vector<1x40xf32> to vector<1264x40xf32>
    %add3A_76 = arith.addf %dot_general3A_71, %add3A_75 : vector<1264x40xf32>
    %swap3A = arith.constant 0 : index
    %swap3A_77 = arith.constant 0 : index
    %swap3A_78 = vector.load %arg11[%swap3A, %swap3A_77] : memref<1264x40xf32, #tpu.memory_space<vmem>>, vector<1264x40xf32>
    tpu.vector_store %arg11[%swap3A, %swap3A_77], %add3A_76 {strides = array<i32>} : memref<1264x40xf32, #tpu.memory_space<vmem>>, vector<1264x40xf32>,
    %dot_general3A_79 = arith.constant dense<0.000000e+00> : vector<1264x40xf32>
    %dot_general3A_80 = tpu.matmul %get3A_53, %add3A_46, %dot_general3A_79 {dimension_numbers = #tpu.dot_dimension_numbers<[1], [0], [0], [1], [0, 0, 1, 1], [], []>, transpose_lhs_hint = false} : vector<1264x128xf32>, vector<128x40xf32>, vector<1264x40xf32> -> vector<1264x40xf32>
    %mul3A = vector.broadcast %rsqrt3A : vector<1264x1xf32> to vector<1264x40xf32>
    %mul3A_81 = arith.mulf %mul3A, %dot_general3A_80 : vector<1264x40xf32>
    %swap3A_82 = arith.constant 0 : index
    %swap3A_83 = arith.constant 0 : index
    %swap3A_84 = vector.load %arg12[%swap3A_82, %swap3A_83] : memref<1264x40xf32, #tpu.memory_space<vmem>>, vector<1264x40xf32>
    tpu.vector_store %arg12[%swap3A_82, %swap3A_83], %mul3A_81 {strides = array<i32>} : memref<1264x40xf32, #tpu.memory_space<vmem>>, vector<1264x40xf32>,
    %dot_general3A_85 = arith.constant dense<0.000000e+00> : vector<1264x40xf32>
    %dot_general3A_86 = tpu.matmul %get3A_53, %add3A_32, %dot_general3A_85 {dimension_numbers = #tpu.dot_dimension_numbers<[1], [0], [0], [1], [0, 0, 1, 1], [], []>, transpose_lhs_hint = false} : vector<1264x128xf32>, vector<128x40xf32>, vector<1264x40xf32> -> vector<1264x40xf32>
    %mul3A_87 = vector.broadcast %rsqrt3A : vector<1264x1xf32> to vector<1264x40xf32>
    %mul3A_88 = arith.mulf %mul3A_87, %dot_general3A_86 : vector<1264x40xf32>
    %swap3A_89 = arith.constant 0 : index
    %swap3A_90 = arith.constant 0 : index
    %swap3A_91 = vector.load %arg13[%swap3A_89, %swap3A_90] : memref<1264x40xf32, #tpu.memory_space<vmem>>, vector<1264x40xf32>
    tpu.vector_store %arg13[%swap3A_89, %swap3A_90], %mul3A_88 {strides = array<i32>} : memref<1264x40xf32, #tpu.memory_space<vmem>>, vector<1264x40xf32>,
    %dot_general3A_92 = arith.constant dense<0.000000e+00> : vector<1264x40xf32>
    %dot_general3A_93 = tpu.matmul %get3A_53, %dot_general3A_19, %dot_general3A_92 {dimension_numbers = #tpu.dot_dimension_numbers<[1], [0], [0], [1], [0, 0, 1, 1], [], []>, transpose_lhs_hint = false} : vector<1264x128xf32>, vector<128x40xf32>, vector<1264x40xf32> -> vector<1264x40xf32>
    %mul3A_94 = vector.broadcast %rsqrt3A : vector<1264x1xf32> to vector<1264x40xf32>
    %mul3A_95 = arith.mulf %mul3A_94, %dot_general3A_93 : vector<1264x40xf32>
    %swap3A_96 = arith.constant 0 : index
    %swap3A_97 = arith.constant 0 : index
    %swap3A_98 = vector.load %arg14[%swap3A_96, %swap3A_97] : memref<1264x40xf32, #tpu.memory_space<vmem>>, vector<1264x40xf32>
    tpu.vector_store %arg14[%swap3A_96, %swap3A_97], %mul3A_95 {strides = array<i32>} : memref<1264x40xf32, #tpu.memory_space<vmem>>, vector<1264x40xf32>,
    %mul3A_99 = arith.mulf %rsqrt3A, %rsqrt3A_69 : vector<1264x1xf32>
    %broadcast_in_dim3A_100 = vector.shape_cast %mul3A_99 : vector<1264x1xf32> to vector<1264x1xf32>
    %broadcast_in_dim3A_101 = vector.broadcast %broadcast_in_dim3A_100 : vector<1264x1xf32> to vector<1264x40xf32>
    %swap3A_102 = arith.constant 0 : index
    %swap3A_103 = arith.constant 0 : index
    %swap3A_104 = vector.load %arg15[%swap3A_102, %swap3A_103] : memref<1264x40xf32, #tpu.memory_space<vmem>>, vector<1264x40xf32>
    tpu.vector_store %arg15[%swap3A_102, %swap3A_103], %broadcast_in_dim3A_101 {strides = array<i32>} : memref<1264x40xf32, #tpu.memory_space<vmem>>, vector<1264x40xf32>,
    %broadcast_in_dim3A_105 = vector.shape_cast %rsqrt3A_69 : vector<1264x1xf32> to vector<1264x1xf32>
    %broadcast_in_dim3A_106 = vector.broadcast %broadcast_in_dim3A_105 : vector<1264x1xf32> to vector<1264x40xf32>
    %swap3A_107 = arith.constant 0 : index
    %swap3A_108 = arith.constant 0 : index
    %swap3A_109 = vector.load %arg16[%swap3A_107, %swap3A_108] : memref<1264x40xf32, #tpu.memory_space<vmem>>, vector<1264x40xf32>
    tpu.vector_store %arg16[%swap3A_107, %swap3A_108], %broadcast_in_dim3A_106 {strides = array<i32>} : memref<1264x40xf32, #tpu.memory_space<vmem>>, vector<1264x40xf32>,
    return
  }
  func.func @transform_0(%arg0: i32) -> (i32, i32) {
    %c0_i32 = arith.constant 0 : i32
    %c0_i32_0 = arith.constant 0 : i32
    return %arg0, %c0_i32 : i32, i32
  }
  func.func @transform_1(%arg0: i32) -> (i32, i32) {
    %c0_i32 = arith.constant 0 : i32
    %c0_i32_0 = arith.constant 0 : i32
    return %arg0, %c0_i32 : i32, i32
  }
  func.func @transform_2(%arg0: i32) -> (i32, i32) {
    %c0_i32 = arith.constant 0 : i32
    %c0_i32_0 = arith.constant 0 : i32
    return %arg0, %c0_i32 : i32, i32
  }
  func.func @transform_3(%arg0: i32) -> (i32, i32) {
    %c0_i32 = arith.constant 0 : i32
    %c0_i32_0 = arith.constant 0 : i32
    %c0_i32_1 = arith.constant 0 : i32
    return %c0_i32, %c0_i32_0 : i32, i32
  }
  func.func @transform_4(%arg0: i32) -> (i32, i32) {
    %c0_i32 = arith.constant 0 : i32
    %c0_i32_0 = arith.constant 0 : i32
    %c0_i32_1 = arith.constant 0 : i32
    return %c0_i32, %c0_i32_0 : i32, i32
  }
  func.func @transform_5(%arg0: i32) -> (i32, i32) {
    %c0_i32 = arith.constant 0 : i32
    %c0_i32_0 = arith.constant 0 : i32
    %c0_i32_1 = arith.constant 0 : i32
    return %c0_i32, %c0_i32_0 : i32, i32
  }
  func.func @transform_6(%arg0: i32) -> (i32, i32) {
    %c0_i32 = arith.constant 0 : i32
    %c0_i32_0 = arith.constant 0 : i32
    %c0_i32_1 = arith.constant 0 : i32
    return %c0_i32, %c0_i32_0 : i32, i32
  }
  func.func @transform_7(%arg0: i32) -> (i32, i32) {
    %c0_i32 = arith.constant 0 : i32
    %c0_i32_0 = arith.constant 0 : i32
    %c0_i32_1 = arith.constant 0 : i32
    return %c0_i32, %c0_i32_0 : i32, i32
  }
  func.func @transform_8(%arg0: i32) -> (i32, i32) {
    %c0_i32 = arith.constant 0 : i32
    %c0_i32_0 = arith.constant 0 : i32
    %c0_i32_1 = arith.constant 0 : i32
    return %c0_i32, %c0_i32_0 : i32, i32
  }
  func.func @transform_9(%arg0: i32) -> (i32, i32) {
    %c0_i32 = arith.constant 0 : i32
    %c0_i32_0 = arith.constant 0 : i32
    %c0_i32_1 = arith.constant 0 : i32
    return %c0_i32, %c0_i32_0 : i32, i32
  }
  func.func @transform_10(%arg0: i32) -> (i32, i32) {
    %c0_i32 = arith.constant 0 : i32
    %c0_i32_0 = arith.constant 0 : i32
    return %arg0, %c0_i32 : i32, i32
  }
  func.func @transform_11(%arg0: i32) -> (i32, i32) {
    %c0_i32 = arith.constant 0 : i32
    %c0_i32_0 = arith.constant 0 : i32
    return %arg0, %c0_i32 : i32, i32
  }
  func.func @transform_12(%arg0: i32) -> (i32, i32) {
    %c0_i32 = arith.constant 0 : i32
    %c0_i32_0 = arith.constant 0 : i32
    return %arg0, %c0_i32 : i32, i32
  }
  func.func @transform_13(%arg0: i32) -> (i32, i32) {
    %c0_i32 = arith.constant 0 : i32
    %c0_i32_0 = arith.constant 0 : i32
    return %arg0, %c0_i32 : i32, i32
  }
  func.func @transform_14(%arg0: i32) -> (i32, i32) {
    %c0_i32 = arith.constant 0 : i32
    %c0_i32_0 = arith.constant 0 : i32
    return %arg0, %c0_i32 : i32, i32
  }
  func.func @transform_15(%arg0: i32) -> (i32, i32) {
    %c0_i32 = arith.constant 0 : i32
    %c0_i32_0 = arith.constant 0 : i32
    return %arg0, %c0_i32 : i32, i32
  }
}

module attributes {stable_mosaic.version = 14 : i64} {
  func.func @_comb_body(%arg0: memref<2x404480xf32, #tpu.memory_space<vmem>>, %arg1: memref<404480xf32, #tpu.memory_space<vmem>>, %arg2: memref<404480xf32, #tpu.memory_space<vmem>>, %arg3: memref<404480xf32, #tpu.memory_space<vmem>>) attributes {dimension_semantics = [], scalar_prefetch = 0 : i64, scratch_operands = 0 : i64, tpu.core_type = #tpu.core_type<tc>} {
    %get3A = arith.constant 0 : index
    %get3A_0 = vector.load %arg1[%get3A] : memref<404480xf32, #tpu.memory_space<vmem>>, vector<404480xf32>
    %get3A_1 = arith.constant 0 : index
    %get3A_2 = vector.load %arg2[%get3A_1] : memref<404480xf32, #tpu.memory_space<vmem>>, vector<404480xf32>
    %get3A_3 = arith.constant 0 : index
    %get3A_4 = arith.constant 0 : index
    %get3A_5 = vector.load %arg0[%get3A_3, %get3A_4] : memref<2x404480xf32, #tpu.memory_space<vmem>>, vector<1x404480xf32>
    %get3A_6 = vector.shape_cast %get3A_5 : vector<1x404480xf32> to vector<404480xf32>
    %get3A_7 = arith.constant 1 : index
    %get3A_8 = arith.constant 0 : index
    %get3A_9 = vector.load %arg0[%get3A_7, %get3A_8] : memref<2x404480xf32, #tpu.memory_space<vmem>>, vector<1x404480xf32>
    %get3A_10 = vector.shape_cast %get3A_9 : vector<1x404480xf32> to vector<404480xf32>
    %add3A = arith.addf %get3A_6, %get3A_10 : vector<404480xf32>
    %mul3A = arith.mulf %get3A_2, %add3A : vector<404480xf32>
    %add3A_11 = arith.addf %get3A_0, %mul3A : vector<404480xf32>
    %swap3A = arith.constant 0 : index
    %swap3A_12 = vector.load %arg3[%swap3A] : memref<404480xf32, #tpu.memory_space<vmem>>, vector<404480xf32>
    tpu.vector_store %arg3[%swap3A], %add3A_11 {strides = array<i32>} : memref<404480xf32, #tpu.memory_space<vmem>>, vector<404480xf32>,
    return
  }
}

</mosaic_0001>

<sc_bundles>
// kernel: kernel.10.cloned.1.call-start
scs
__scs_entry_jumppad:
0x0: {  	(pc) =	sbr.rel $0x88, $3  }
0x1: {  	(tag) =	ssettag $0x0;
	lr =	simm.s32 $0x1  }
0x2: {  	[smem:$0x3F98] =	sst lr;
	_ =	strace $0xD0000000  }
0x3: {  	_ = 	snop  }
0x4: {  	_ = 	snop  }
0x5: {  	_ = 	snop  }
0x6: {  	_ = 	snop  }
0x7: {  	_ = 	snop  }
__scs_overlays_trampoline_lowered:
0x8: {  	[smem:$0x3FA7] =	sst s0  }
0x9: {  	[smem:$0x3FA8] =	sst s1  }
0xa: {  	[smem:$0x3FA9] =	sst s2  }
0xb: {  	[smem:$0x3FAA] =	sst s3  }
0xc: {  	[smem:$0x3FAB] =	sst s4  }
0xd: {  	[smem:$0x3FAC] =	sst s5  }
0xe: {  	[smem:$0x3FAD] =	sst s6  }
0xf: {  	[smem:$0x3FAE] =	sst s7  }
0x10: {  	[smem:$0x3FAF] =	sst s8  }
0x11: {  	[smem:$0x3FB0] =	sst s9;
	s0 =	simm.s32 @!p0 $0x0  }
0x12: {  	s1 =	sld [smem:$0x3F96];
	s0 =	simm.s32 @p0 $0x1  }
0x13: {  	[smem:$0x3FB1] =	sst s0;
	s0 =	simm.s32 @!p1 $0x0  }
0x14: {  	s2 =	sld [smem:$0x3F95];
	s0 =	simm.s32 @p1 $0x1  }
0x15: {  	[smem:$0x3FB2] =	sst s0;
	s0 =	simm.s32 @!p2 $0x0  }
0x16: {  	s3 =	sld [smem:$0x3FDB];
	s0 =	simm.s32 @p2 $0x1  }
0x17: {  	s4 =	simm.s32 $0x1BF5;
	[smem:$0x3FB4] =	sst s0  }
0x18: {  	s0 =	sld [smem:$0x3F97];
	_ =	swait.ge [sflag:s4], $0x0  }
0x19: {  	s7 =	sld [smem:$0x3F98]  }
0x1a: {  	s8 =	sadd.s32 $0xFFFFE003, lr  }
0x1b: {  	s9 =	sadd.s32 $0xFFFFFEF7, lr;
	s5 =	simm.s32 $0xFFFFFFFF;
	p2 =	slt.u32 s8, $0xFFFFF086  }
0x1c: {  	p1 =	slt.u32 s9, $0xF7A;
	s5 =	simm.s32 @!p2 $0x0  }
0x1d: {  	s5 =	simm.s32 @p1 $0x1;
	p0 =	seq.s32 s7, s2  }
0x1e: {  	s7 =	smul.u32 @!p0 $0xF7A, s2;
	p2 =	seq.s32 @!p0 s5, $0x0  }
0x1f: {  	s9 =	smul.u32 $0xF7A, s1;
	s8 =	simm.s32 @!p0 $0x1BF5;
	p2 =	por !p2, p0  }
0x20: {  	[sflag:s8] =	ssyncset.s32 @!p0 $0xFFFFF086;
	s6 =	sadd.s32 @!p0 s3, s7;
	s7 =	simm.s32 @!p0 $0x108  }
0x21: {  	s3 =	sadd.s32 s3, s9;
	s6 =	sadd.s32 @!p0 $0x88, s6;
	s7 =	simm.s32 @p2 $0x1082  }
0x22: {  	[simem:s7], [sflag:s8] =	dma.local @!p0 [hbm:s6], $0xF7A  }
0x23: {  	s9 =	sor.u32 $0xD0000000, s2;
	s6 =	simm.s32 $0x108;
	_ =	swait.ge @!p0 [sflag:s8], $0x0  }
0x24: {  	s3 =	sadd.s32 $0x88, s3;
	s6 =	simm.s32 @!p1 $0x1082;
	[sflag:s4] =	ssyncset.s32 $0xFFFFF086  }
0x25: {  	[simem:s6], [sflag:s4] =	dma.local [hbm:s3], $0xF7A  }
0x26: {  	[smem:$0x3F98] =	sst s1;
	(tag) =	ssettag s2;
	_ =	strace s9  }
0x27: {  	s1 =	sld [smem:$0x3FA8]  }
0x28: {  	s2 =	sld [smem:$0x3FA9]  }
0x29: {  	s4 =	sld [smem:$0x3FAB]  }
0x2a: {  	p0 =	seq.s32 s5, $0x0;
	s5 =	sld [smem:$0x3FAC]  }
0x2b: {  	s6 =	sld [smem:$0x3FAD]  }
0x2c: {  	s7 =	sld [smem:$0x3FAE]  }
0x2d: {  	s3 =	simm.s32 $0x108;
	s8 =	sld [smem:$0x3FAF]  }
0x2e: {  	s3 =	simm.s32 @!p0 $0x1082;
	s9 =	sld [smem:$0x3FB0]  }
0x2f: {  	lr =	sadd.s32 s0, s3;
	s0 =	sld [smem:$0x3FA7]  }
0x30: {  	s3 =	sld [smem:$0x3FAA]  }
0x31: {  	[smem:$0x3FB3] =	sst s10  }
0x32: {  	s10 =	sld [smem:$0x3FB1];
	_ =	sdelay $0x3  }
0x33: {  	p0 =	seq.s32 s10, $0x1;
	s10 =	sld [smem:$0x3FB3];
	_ =	sdelay $0x3  }
0x34: {  	[smem:$0x3FB3] =	sst s10  }
0x35: {  	s10 =	sld [smem:$0x3FB2];
	_ =	sdelay $0x3  }
0x36: {  	p1 =	seq.s32 s10, $0x1;
	s10 =	sld [smem:$0x3FB3];
	_ =	sdelay $0x3  }
0x37: {  	[smem:$0x3FB3] =	sst s10  }
0x38: {  	s10 =	sld [smem:$0x3FB4]  }
0x39: {  	_ = 	snop;
	(pc) =	sbr.ind lr, $3  }
0x3a: {  	_ = 	snop  }
0x3b: {  	_ = 	snop  }
0x3c: {  	p2 =	seq.s32 s10, $0x1;
	s10 =	sld [smem:$0x3FB3]  }
0x3d: {  	_ =	shalt  }
0x3e: {  	_ =	shalt  }
0x3f: {  	_ =	shalt  }
0x40: {  	_ =	shalt  }
0x41: {  	_ =	shalt  }
0x42: {  	_ =	shalt  }
0x43: {  	_ =	shalt  }
0x44: {  	_ =	shalt  }
0x45: {  	_ =	shalt  }
0x46: {  	_ =	shalt  }
0x47: {  	_ =	shalt  }
0x48: {  	_ =	shalt  }
0x49: {  	_ =	shalt  }
0x4a: {  	_ =	shalt  }
0x4b: {  	_ =	shalt  }
0x4c: {  	_ =	shalt  }
0x4d: {  	_ =	shalt  }
0x4e: {  	_ =	shalt  }
0x4f: {  	_ =	shalt  }
0x50: {  	_ =	shalt  }
0x51: {  	_ =	shalt  }
0x52: {  	_ =	shalt  }
0x53: {  	_ =	shalt  }
0x54: {  	_ =	shalt  }
0x55: {  	_ =	shalt  }
0x56: {  	_ =	shalt  }
0x57: {  	_ =	shalt  }
0x58: {  	_ =	shalt  }
0x59: {  	_ =	shalt  }
0x5a: {  	_ =	shalt  }
0x5b: {  	_ =	shalt  }
0x5c: {  	_ =	shalt  }
0x5d: {  	_ =	shalt  }
0x5e: {  	_ =	shalt  }
0x5f: {  	_ =	shalt  }
0x60: {  	_ =	shalt  }
0x61: {  	_ =	shalt  }
0x62: {  	_ =	shalt  }
0x63: {  	_ =	shalt  }
0x64: {  	_ =	shalt  }
0x65: {  	_ =	shalt  }
0x66: {  	_ =	shalt  }
0x67: {  	_ =	shalt  }
0x68: {  	_ =	shalt  }
0x69: {  	_ =	shalt  }
0x6a: {  	_ =	shalt  }
0x6b: {  	_ =	shalt  }
0x6c: {  	_ =	shalt  }
0x6d: {  	_ =	shalt  }
0x6e: {  	_ =	shalt  }
0x6f: {  	_ =	shalt  }
0x70: {  	_ =	shalt  }
0x71: {  	_ =	shalt  }
0x72: {  	_ =	shalt  }
0x73: {  	_ =	shalt  }
0x74: {  	_ =	shalt  }
0x75: {  	_ =	shalt  }
0x76: {  	_ =	shalt  }
0x77: {  	_ =	shalt  }
0x78: {  	_ =	shalt  }
0x79: {  	_ =	shalt  }
0x7a: {  	_ =	shalt  }
0x7b: {  	_ =	shalt  }
0x7c: {  	_ =	shalt  }
0x7d: {  	_ =	shalt  }
0x7e: {  	_ =	shalt  }
0x7f: {  	_ =	shalt  }
0x80: {  	_ =	shalt  }
0x81: {  	_ =	shalt  }
0x82: {  	_ =	shalt  }
0x83: {  	_ =	shalt  }
0x84: {  	_ =	shalt  }
0x85: {  	_ =	shalt  }
0x86: {  	_ =	shalt  }
0x87: {  	_ =	shalt  }
.Lfunc_end0:
.L_simem_size_0:
called_computation_lowered:
.L_overlay_start_0:
0x88: {  	s2 =	sld [smem:$0x3FD9]  }
0x89: {  	s3 =	sld [smem:$0x3FFE];
	_ =	sdelay $0x1  }
0x8a: {  	s1 =	srdreg.scid  }
0x8b: {  	s0 =	sand.u32 $0x1, s1  }
0x8c: {  	s16 =	sshll.u32 s0, $0xA;
	s2 =	sadd.s32 s3, s2  }
0x8d: {  	s2 =	sadd.s32 s2, s16  }
0x8e: {  	[smem:$0x3FBF] =	sst s2  }
0x8f: {  	_ = 	snop  }
0x90: {  	(tm) =	ssettm $0x1  }
0x91: {  	s17 =	sld [smem:$0x3FFB];
	_ =	sdelay $0x3  }
0x92: {  	_ =	strace s17  }
0x93: {  	s2 =	sld [smem:$0x3FFC];
	_ =	sdelay $0x3  }
0x94: {  	_ =	strace s2  }
0x95: {  	s2 =	sld [smem:$0x3FFD];
	_ =	sdelay $0x3  }
0x96: {  	_ =	strace s2  }
0x97: {  	_ =	strace $0x8FFFFFFF  }
0x98: {  	s18 =	sld [smem:$0x3FDB];
	_ =	sdelay $0x1  }
0x99: {  	s19 =	simm.s32 $_scs_section_size  }
0x9a: {  	s4 =	simm.s32 $_size__tile_overlayer_lowered;
	s5 =	simm.s32 $_tile_overlayer_lowered  }
0x9b: {  	s22 =	simm.s32 $0x1BFF;
	s21 =	sshll.u32 s5, $0x1;
	s2 =	sadd.s32 s19, s18  }
0x9c: {  	s6 =	simm.s32 $0x0;
	s20 =	sshll.u32 s4, $0x1;
	s4 =	sadd.s32 s21, s2  }
0x9d: {  	[timem:s6], [sflag:s22] =	dma.local [hbm:s4], s20  }
0x9e: {  	_ =	swait.ge [sflag:s22], s20  }
0x9f: {  	s3 =	ssub.s32 $0x0, s20;
	[sflag:s22] =	ssyncset.done $0x0  }
0xa0: {  	[sflag:s22] =	ssyncadd.s32 s3;
	_ =	sdelay $0x1  }
0xa1: {  	s23 =	simm.s32 $0x1B8B  }
0xa2: {  	_ =	swait.ge [sflag:s23], $0x1  }
0xa3: {  	[sflag:s23] =	ssyncset.done $0x0  }
0xa4: {  	s25 =	simm.s32 $0x1B8E;
	s24 =	sld [smem:$0x3FFE];
	[sflag:s23] =	ssyncadd.s32 $0xFFFFFFFF  }
0xa5: {  	s26 =	simm.s32 $execute0_lowered;
	[smem:$0x3FD2] =	sst s25  }
0xa6: {  	s4 =	sshll.u32 s26, $0x1;
	_ =	strace $0x80000046;
	[dreg:$0x1] =	wrdreg $0xFFFFFFFF  }
0xa7: {  	s28 =	simm.s32 $_size_execute0_lowered;
	s2 =	sadd.s32 s2, s4;
	[dreg:$0x0] =	wrdreg $0x0  }
0xa8: {  	s4 =	sshll.u32 s28, $0x1;
	[dreg:$0x2] =	wrdreg s2  }
0xa9: {  	[dreg:$0x3] =	wrdreg s4  }
0xaa: {  	[dreg:$0x4] =	wrdreg $0xC0  }
0xab: {  	_ =	task [dreg:s6], $0x5FFFF  }
0xac: {  	[dreg:$0x1] =	wrdreg $0xFFFFFFFF  }
0xad: {  	[dreg:$0x0] =	wrdreg $0x60  }
0xae: {  	[dreg:$0x2] =	wrdreg s24  }
0xaf: {  	[dreg:$0x3] =	wrdreg $0x9  }
0xb0: {  	_ =	task.clear_ibuf [dreg:s6], $0x4FFFF;
	_ =	strace $0x90000046  }
0xb1: {  	s29 =	simm.s32 $0x9;
	_ =	strace $0x80000048  }
0xb2: {  	_ =	swait.ge [sflag:s29], $0x1  }
0xb3: {  	[sflag:s29] =	ssyncadd.s32 $0xFFFFFFFF  }
0xb4: {  	_ =	strace $0x90000048  }
0xb5: {  	_ =	sfence  }
0xb6: {  	s30 =	sld [smem:$0x0];
	_ =	sdelay $0x2  }
0xb7: {  	s31 =	sshll.u32 s1, $0xD;
	s1 =	sshrl.u32 s1, $0x2  }
0xb8: {  	s3 =	sand.u32 $0x4000, s31;
	s1 =	sadd.s32 s1, s30  }
0xb9: {  	s0 =	sor.u32 s3, s0;
	s1 =	sshll.u32 s1, $0x11  }
0xba: {  	s0 =	sor.u32 s1, s0  }
0xbb: {  	s0 =	sadd.s32 $0x8F2B, s0  }
0xbc: {  	[sflag:s0] =	ssyncadd.remote.s32 $0x1  }
0xbd: {  	_ =	sfence.sel $0xFFFF  }
0xbe: {  	[dreg:$0x0] =	wrdreg $0xFFFFFFFF;
	(pc) =	sbr.abs _section_cstart, $3  }
0xbf: {  	[dreg:$0x1] =	wrdreg $0xFFFFFFFF  }
0xc0: {  	_ =	task.clear_ibuf [dreg:s6], $0x2FFFF;
	_ =	strace $0x9FFFFFFF  }
0xc1: {  	(tm) =	ssettm $0x7FFFFFFF  }
tec
execute0_lowered:
.L_overlay_start_1:
0x0: {  	(tag) =	ssettag $0x1  }
0x1: {  	s0 =	srdreg.scid  }
0x2: {  	s4 =	rddreg [dreg:$0x0];
	s2 =	simm.s32 $0x0;
	s3 =	sand.u32 $0x1, s0  }
0x3: {  	s9 =	simm.s32 $0x2800;
	s0 =	stileid.u32;
	s1 =	sshll.u32 s3, $0x4  }
0x4: {  	s10 =	simm.s32 $0x5000;
	s11 =	simm.s32 $0x7780;
	s5 =	sor.u32 s0, s1  }
0x5: {  	s12 =	simm.s32 $0x0;
	s3 =	ssub.s32 $0x2, s3;
	s6 =	smul.u32 $0x500, s5  }
0x6: {  	[smem:$0x7FF] =	sst s2;
	s7 =	sshrl.u32 s3, $0x1;
	s5 =	smul.u32 $0x4F00, s5  }
0x7: {  	s1 =	rddreg [dreg:$0x1];
	_ =	strace $0x80000047;
	s7 =	ssub.s32 s3, s7  }
0x8: {  	s7 =	smax.u32 s7, $0x1;
	s6 =	sadd.s32 s6, s4;
	s5 =	sshrl.u32 s5, $0x3  }
0x9: {  	s8 =	sadd.s32 s5, s4;
	s3 =	sadd.s32 $0xD800, s6;
	s4 =	sadd.s32 $0x3800, s6  }
0xa: {  	v0 =	vimm.f32 $0.0e+00;
	v1 =	vimm.f32 $1.000000000e+00;
	s5 =	sadd.s32 $0x17800, s8;
	s6 =	sadd.s32 $0x17CF0, s8;
	s8 =	simm.s32 $0x1  }
.LBB2_1:
0xb: {  	[tilespmem:s2], [sflag:$0x1] =	stream.linear.gather [hbm4b:s3+s2], $0x2800, $0x38;
	[tilespmem:$0x9F00] =	vst v63  }
0xc: {  	_ =	swait.ge [sflag:s8], $0x2800  }
0xd: {  	[sflag:s8] =	ssyncset.done $0x0  }
0xe: {  	[sflag:s8] =	ssyncadd.s32 $0xFFFFD800  }
0xf: {  	[tilespmem:s9], [sflag:$0x1] =	stream.linear.gather [hbm4b:s4+s2], $0x2800, $0x38;
	[tilespmem:$0x9F00] =	vst v63  }
0x10: {  	_ =	swait.ge [sflag:s8], $0x2800  }
0x11: {  	[sflag:s8] =	ssyncset.done $0x0  }
0x12: {  	s13 =	simm.s32 $0x0;
	[sflag:s8] =	ssyncadd.s32 $0xFFFFD800  }
.LBB2_2:
0x13: {  	p0 =	sne.s32 s13, $0x9DC0  }
.Ltmp0:
0x14: {  	_ = 	snop;
	(pc) =	sbr.rel @p0 .LBB2_2-.Ltmp0, $4  }
0x15: {  	_ = 	snop  }
0x16: {  	s14 =	sshra.s32 s13, $0x2  }
0x17: {  	[tilespmem:s14+$0x5000] =	vst v0  }
0x18: {  	s13 =	sadd.s32 $0x40, s13;
	[tilespmem:s14+$0x7780] =	vst v0  }
0x19: {  	s13 =	simm.s32 $0x0  }
.LBB2_4:
0x1a: {  	s14 =	sshra.s32 s13, $0x2  }
0x1b: {  	v2 =	vld [tilespmem:s14+$0x0];
	_ =	sdelay $0x7  }
0x1c: {  	[tilespmem:v2+s10+$0x0] =	vst.idx.add.f32.msk $0xffff, v1  }
0x1d: {  	v2 =	vld [tilespmem:s14+$0x2800];
	_ =	sdelay $0x7  }
0x1e: {  	[tilespmem:v2+s11+$0x0] =	vst.idx.add.f32.msk $0xffff, v1  }
0x1f: {  	v2 =	vld [tilespmem:s14+$0x10];
	_ =	sdelay $0x7  }
0x20: {  	[tilespmem:v2+s10+$0x0] =	vst.idx.add.f32.msk $0xffff, v1  }
0x21: {  	v2 =	vld [tilespmem:s14+$0x2810];
	_ =	sdelay $0x7  }
0x22: {  	[tilespmem:v2+s11+$0x0] =	vst.idx.add.f32.msk $0xffff, v1  }
0x23: {  	v2 =	vld [tilespmem:s14+$0x20];
	_ =	sdelay $0x7  }
0x24: {  	[tilespmem:v2+s10+$0x0] =	vst.idx.add.f32.msk $0xffff, v1  }
0x25: {  	v2 =	vld [tilespmem:s14+$0x2820];
	_ =	sdelay $0x7  }
0x26: {  	[tilespmem:v2+s11+$0x0] =	vst.idx.add.f32.msk $0xffff, v1  }
0x27: {  	v2 =	vld [tilespmem:s14+$0x30];
	_ =	sdelay $0x7  }
0x28: {  	[tilespmem:v2+s10+$0x0] =	vst.idx.add.f32.msk $0xffff, v1  }
0x29: {  	v2 =	vld [tilespmem:s14+$0x2830];
	_ =	sdelay $0x7  }
0x2a: {  	[tilespmem:v2+s11+$0x0] =	vst.idx.add.f32.msk $0xffff, v1  }
0x2b: {  	v2 =	vld [tilespmem:s14+$0x40];
	_ =	sdelay $0x7  }
0x2c: {  	[tilespmem:v2+s10+$0x0] =	vst.idx.add.f32.msk $0xffff, v1  }
0x2d: {  	v2 =	vld [tilespmem:s14+$0x2840];
	_ =	sdelay $0x7  }
0x2e: {  	[tilespmem:v2+s11+$0x0] =	vst.idx.add.f32.msk $0xffff, v1  }
0x2f: {  	v2 =	vld [tilespmem:s14+$0x50];
	_ =	sdelay $0x7  }
0x30: {  	[tilespmem:v2+s10+$0x0] =	vst.idx.add.f32.msk $0xffff, v1  }
0x31: {  	v2 =	vld [tilespmem:s14+$0x2850];
	_ =	sdelay $0x7  }
0x32: {  	[tilespmem:v2+s11+$0x0] =	vst.idx.add.f32.msk $0xffff, v1  }
0x33: {  	v2 =	vld [tilespmem:s14+$0x60];
	_ =	sdelay $0x7  }
0x34: {  	[tilespmem:v2+s10+$0x0] =	vst.idx.add.f32.msk $0xffff, v1  }
0x35: {  	v2 =	vld [tilespmem:s14+$0x2860];
	_ =	sdelay $0x7  }
0x36: {  	[tilespmem:v2+s11+$0x0] =	vst.idx.add.f32.msk $0xffff, v1  }
0x37: {  	v2 =	vld [tilespmem:s14+$0x70];
	_ =	sdelay $0x7  }
0x38: {  	[tilespmem:v2+s10+$0x0] =	vst.idx.add.f32.msk $0xffff, v1  }
0x39: {  	v2 =	vld [tilespmem:s14+$0x2870];
	_ =	sdelay $0x2  }
0x3a: {  	p0 =	sne.s32 s13, $0x9E00  }
.Ltmp1:
0x3b: {  	_ = 	snop;
	(pc) =	sbr.rel @p0 .LBB2_4-.Ltmp1, $2  }
0x3c: {  	_ =	sdelay $0x2  }
0x3d: {  	s13 =	sadd.s32 $0x200, s13;
	[tilespmem:v2+s11+$0x0] =	vst.idx.add.f32.msk $0xffff, v1  }
0x3e: {  	[hbm4b:s5+s2] =	stream.linear.scatter [tilespmem:s10], [sflag:$0x1], $0x2780, $0x38;
	[tilespmem:$0x9F00] =	vst v63  }
0x3f: {  	s12 =	sadd.s32 $0x1, s12;
	_ =	swait.ge [sflag:s8], $0x2780  }
0x40: {  	p0 =	sne.s32 s12, s7;
	[sflag:s8] =	ssyncset.done $0x0  }
.Ltmp2:
0x41: {  	[sflag:s8] =	ssyncadd.s32 $0xFFFFD880;
	(pc) =	sbr.rel @p0 .LBB2_1-.Ltmp2, $4  }
0x42: {  	[hbm4b:s6+s2] =	stream.linear.scatter [tilespmem:s11], [sflag:$0x1], $0x2780, $0x38;
	[tilespmem:$0x9F00] =	vst v63  }
0x43: {  	_ =	swait.ge [sflag:s8], $0x2780  }
0x44: {  	[sflag:s8] =	ssyncset.done $0x0  }
0x45: {  	[sflag:s8] =	ssyncadd.s32 $0xFFFFD880  }
0x46: {  	_ =	sfence.sel $0x180000  }
0x47: {  	[bflag:$0x0] =	sbarrier.arrive $0xFFFF  }
0x48: {  	p0 =	sne.s32 s0, $0x0;
	_ =	strace $0x90000047  }
0x49: {  	s0 =	sadd.s32 @!p0 $0x100000, s1;
	[bflag:$0x2] =	sbarrier.arrive $0xFFFF  }
0x4a: {  	[sflag:s0] =	ssyncadd.tile.s32 @!p0 $0x1;
	_ =	shalt  }
.Lfunc_end2:
_tile_overlayer_lowered:
.L_overlay_start_2:
0x4b: {  	(tag) =	ssettag $0x2  }
0x4c: {  	s0 =	rddreg [dreg:$0x0];
	s2 =	stileid.u32  }
0x4d: {  	s1 =	rddreg [dreg:$0x1];
	p0 =	sne.s32 s2, $0x0  }
0x4e: {  	s3 =	rddreg [dreg:$0x2];
	[bflag:$0x3] =	sbarrier.arrive $0xFFFF;
	s2 =	simm.s32 @!p0 $0x1C01  }
0x4f: {  	[timem:s3], [sflag:s2] =	dma.local @!p0 [hbm:s0], s1  }
0x50: {  	s0 =	simm.s32 @!p0 $0x1  }
0x51: {  	_ =	swait.ge @!p0 [sflag:s0], s1  }
0x52: {  	s1 =	ssub.s32 @!p0 $0x0, s1;
	[sflag:s0] =	ssyncset.done @!p0 $0x0  }
0x53: {  	[sflag:s0] =	ssyncadd.s32 @!p0 s1  }
0x54: {  	[bflag:$0x3] =	sbarrier.arrive $0xFFFF  }
0x55: {  	_ =	shalt  }

// kernel: kernel.13.cloned.1.call-start
scs
__scs_entry_jumppad:
0x0: {  	(pc) =	sbr.rel $0x88, $3  }
0x1: {  	(tag) =	ssettag $0x0;
	lr =	simm.s32 $0x1  }
0x2: {  	[smem:$0x3F98] =	sst lr;
	_ =	strace $0xD0000000  }
0x3: {  	_ = 	snop  }
0x4: {  	_ = 	snop  }
0x5: {  	_ = 	snop  }
0x6: {  	_ = 	snop  }
0x7: {  	_ = 	snop  }
__scs_overlays_trampoline_lowered:
0x8: {  	[smem:$0x3FA7] =	sst s0  }
0x9: {  	[smem:$0x3FA8] =	sst s1  }
0xa: {  	[smem:$0x3FA9] =	sst s2  }
0xb: {  	[smem:$0x3FAA] =	sst s3  }
0xc: {  	[smem:$0x3FAB] =	sst s4  }
0xd: {  	[smem:$0x3FAC] =	sst s5  }
0xe: {  	[smem:$0x3FAD] =	sst s6  }
0xf: {  	[smem:$0x3FAE] =	sst s7  }
0x10: {  	[smem:$0x3FAF] =	sst s8  }
0x11: {  	[smem:$0x3FB0] =	sst s9;
	s0 =	simm.s32 @!p0 $0x0  }
0x12: {  	s1 =	sld [smem:$0x3F96];
	s0 =	simm.s32 @p0 $0x1  }
0x13: {  	[smem:$0x3FB1] =	sst s0;
	s0 =	simm.s32 @!p1 $0x0  }
0x14: {  	s2 =	sld [smem:$0x3F95];
	s0 =	simm.s32 @p1 $0x1  }
0x15: {  	[smem:$0x3FB2] =	sst s0;
	s0 =	simm.s32 @!p2 $0x0  }
0x16: {  	s3 =	sld [smem:$0x3FDB];
	s0 =	simm.s32 @p2 $0x1  }
0x17: {  	s4 =	simm.s32 $0x1BF5;
	[smem:$0x3FB4] =	sst s0  }
0x18: {  	s0 =	sld [smem:$0x3F97];
	_ =	swait.ge [sflag:s4], $0x0  }
0x19: {  	s7 =	sld [smem:$0x3F98]  }
0x1a: {  	s8 =	sadd.s32 $0xFFFFE003, lr  }
0x1b: {  	s9 =	sadd.s32 $0xFFFFFEF7, lr;
	s5 =	simm.s32 $0xFFFFFFFF;
	p2 =	slt.u32 s8, $0xFFFFF086  }
0x1c: {  	p1 =	slt.u32 s9, $0xF7A;
	s5 =	simm.s32 @!p2 $0x0  }
0x1d: {  	s5 =	simm.s32 @p1 $0x1;
	p0 =	seq.s32 s7, s2  }
0x1e: {  	s7 =	smul.u32 @!p0 $0xF7A, s2;
	p2 =	seq.s32 @!p0 s5, $0x0  }
0x1f: {  	s9 =	smul.u32 $0xF7A, s1;
	s8 =	simm.s32 @!p0 $0x1BF5;
	p2 =	por !p2, p0  }
0x20: {  	[sflag:s8] =	ssyncset.s32 @!p0 $0xFFFFF086;
	s6 =	sadd.s32 @!p0 s3, s7;
	s7 =	simm.s32 @!p0 $0x108  }
0x21: {  	s3 =	sadd.s32 s3, s9;
	s6 =	sadd.s32 @!p0 $0x88, s6;
	s7 =	simm.s32 @p2 $0x1082  }
0x22: {  	[simem:s7], [sflag:s8] =	dma.local @!p0 [hbm:s6], $0xF7A  }
0x23: {  	s9 =	sor.u32 $0xD0000000, s2;
	s6 =	simm.s32 $0x108;
	_ =	swait.ge @!p0 [sflag:s8], $0x0  }
0x24: {  	s3 =	sadd.s32 $0x88, s3;
	s6 =	simm.s32 @!p1 $0x1082;
	[sflag:s4] =	ssyncset.s32 $0xFFFFF086  }
0x25: {  	[simem:s6], [sflag:s4] =	dma.local [hbm:s3], $0xF7A  }
0x26: {  	[smem:$0x3F98] =	sst s1;
	(tag) =	ssettag s2;
	_ =	strace s9  }
0x27: {  	s1 =	sld [smem:$0x3FA8]  }
0x28: {  	s2 =	sld [smem:$0x3FA9]  }
0x29: {  	s4 =	sld [smem:$0x3FAB]  }
0x2a: {  	p0 =	seq.s32 s5, $0x0;
	s5 =	sld [smem:$0x3FAC]  }
0x2b: {  	s6 =	sld [smem:$0x3FAD]  }
0x2c: {  	s7 =	sld [smem:$0x3FAE]  }
0x2d: {  	s3 =	simm.s32 $0x108;
	s8 =	sld [smem:$0x3FAF]  }
0x2e: {  	s3 =	simm.s32 @!p0 $0x1082;
	s9 =	sld [smem:$0x3FB0]  }
0x2f: {  	lr =	sadd.s32 s0, s3;
	s0 =	sld [smem:$0x3FA7]  }
0x30: {  	s3 =	sld [smem:$0x3FAA]  }
0x31: {  	[smem:$0x3FB3] =	sst s10  }
0x32: {  	s10 =	sld [smem:$0x3FB1];
	_ =	sdelay $0x3  }
0x33: {  	p0 =	seq.s32 s10, $0x1;
	s10 =	sld [smem:$0x3FB3];
	_ =	sdelay $0x3  }
0x34: {  	[smem:$0x3FB3] =	sst s10  }
0x35: {  	s10 =	sld [smem:$0x3FB2];
	_ =	sdelay $0x3  }
0x36: {  	p1 =	seq.s32 s10, $0x1;
	s10 =	sld [smem:$0x3FB3];
	_ =	sdelay $0x3  }
0x37: {  	[smem:$0x3FB3] =	sst s10  }
0x38: {  	s10 =	sld [smem:$0x3FB4]  }
0x39: {  	_ = 	snop;
	(pc) =	sbr.ind lr, $3  }
0x3a: {  	_ = 	snop  }
0x3b: {  	_ = 	snop  }
0x3c: {  	p2 =	seq.s32 s10, $0x1;
	s10 =	sld [smem:$0x3FB3]  }
0x3d: {  	_ =	shalt  }
0x3e: {  	_ =	shalt  }
0x3f: {  	_ =	shalt  }
0x40: {  	_ =	shalt  }
0x41: {  	_ =	shalt  }
0x42: {  	_ =	shalt  }
0x43: {  	_ =	shalt  }
0x44: {  	_ =	shalt  }
0x45: {  	_ =	shalt  }
0x46: {  	_ =	shalt  }
0x47: {  	_ =	shalt  }
0x48: {  	_ =	shalt  }
0x49: {  	_ =	shalt  }
0x4a: {  	_ =	shalt  }
0x4b: {  	_ =	shalt  }
0x4c: {  	_ =	shalt  }
0x4d: {  	_ =	shalt  }
0x4e: {  	_ =	shalt  }
0x4f: {  	_ =	shalt  }
0x50: {  	_ =	shalt  }
0x51: {  	_ =	shalt  }
0x52: {  	_ =	shalt  }
0x53: {  	_ =	shalt  }
0x54: {  	_ =	shalt  }
0x55: {  	_ =	shalt  }
0x56: {  	_ =	shalt  }
0x57: {  	_ =	shalt  }
0x58: {  	_ =	shalt  }
0x59: {  	_ =	shalt  }
0x5a: {  	_ =	shalt  }
0x5b: {  	_ =	shalt  }
0x5c: {  	_ =	shalt  }
0x5d: {  	_ =	shalt  }
0x5e: {  	_ =	shalt  }
0x5f: {  	_ =	shalt  }
0x60: {  	_ =	shalt  }
0x61: {  	_ =	shalt  }
0x62: {  	_ =	shalt  }
0x63: {  	_ =	shalt  }
0x64: {  	_ =	shalt  }
0x65: {  	_ =	shalt  }
0x66: {  	_ =	shalt  }
0x67: {  	_ =	shalt  }
0x68: {  	_ =	shalt  }
0x69: {  	_ =	shalt  }
0x6a: {  	_ =	shalt  }
0x6b: {  	_ =	shalt  }
0x6c: {  	_ =	shalt  }
0x6d: {  	_ =	shalt  }
0x6e: {  	_ =	shalt  }
0x6f: {  	_ =	shalt  }
0x70: {  	_ =	shalt  }
0x71: {  	_ =	shalt  }
0x72: {  	_ =	shalt  }
0x73: {  	_ =	shalt  }
0x74: {  	_ =	shalt  }
0x75: {  	_ =	shalt  }
0x76: {  	_ =	shalt  }
0x77: {  	_ =	shalt  }
0x78: {  	_ =	shalt  }
0x79: {  	_ =	shalt  }
0x7a: {  	_ =	shalt  }
0x7b: {  	_ =	shalt  }
0x7c: {  	_ =	shalt  }
0x7d: {  	_ =	shalt  }
0x7e: {  	_ =	shalt  }
0x7f: {  	_ =	shalt  }
0x80: {  	_ =	shalt  }
0x81: {  	_ =	shalt  }
0x82: {  	_ =	shalt  }
0x83: {  	_ =	shalt  }
0x84: {  	_ =	shalt  }
0x85: {  	_ =	shalt  }
0x86: {  	_ =	shalt  }
0x87: {  	_ =	shalt  }
.Lfunc_end0:
.L_simem_size_0:
called_computation.1_lowered:
.L_overlay_start_0:
0x88: {  	s2 =	sld [smem:$0x3FD9]  }
0x89: {  	s3 =	sld [smem:$0x3FFE];
	_ =	sdelay $0x1  }
0x8a: {  	s1 =	srdreg.scid  }
0x8b: {  	s0 =	sand.u32 $0x1, s1  }
0x8c: {  	s17 =	sshll.u32 s0, $0xA;
	s2 =	sadd.s32 s3, s2  }
0x8d: {  	s2 =	sadd.s32 s2, s17  }
0x8e: {  	[smem:$0x3FBF] =	sst s2  }
0x8f: {  	_ = 	snop  }
0x90: {  	s2 =	sld [smem:$0x3FD0];
	(tm) =	ssettm $0x1  }
0x91: {  	s18 =	sld [smem:$0x3FFB];
	_ =	sdelay $0x3  }
0x92: {  	_ =	strace s18  }
0x93: {  	s3 =	sld [smem:$0x3FFC];
	_ =	sdelay $0x3  }
0x94: {  	_ =	strace s3  }
0x95: {  	s3 =	sld [smem:$0x3FFD];
	_ =	sdelay $0x3  }
0x96: {  	_ =	strace s3  }
0x97: {  	_ =	strace $0x8FFFFFFF  }
0x98: {  	s19 =	sld [smem:$0x3FDB];
	_ =	sdelay $0x1  }
0x99: {  	s4 =	simm.s32 $_scs_section_size  }
0x9a: {  	s5 =	simm.s32 $_size__tile_overlayer_lowered;
	s6 =	simm.s32 $_tile_overlayer_lowered  }
0x9b: {  	s22 =	simm.s32 $0x1BFF;
	s21 =	sshll.u32 s6, $0x1;
	s3 =	sadd.s32 s4, s19  }
0x9c: {  	s7 =	simm.s32 $0x0;
	s20 =	sshll.u32 s5, $0x1;
	s5 =	sadd.s32 s21, s3  }
0x9d: {  	[timem:s7], [sflag:s22] =	dma.local [hbm:s5], s20  }
0x9e: {  	_ =	swait.ge [sflag:s22], s20  }
0x9f: {  	s4 =	ssub.s32 $0x0, s20;
	[sflag:s22] =	ssyncset.done $0x0  }
0xa0: {  	[sflag:s22] =	ssyncadd.s32 s4;
	_ =	sdelay $0x1  }
0xa1: {  	s23 =	simm.s32 $0x1B8B  }
0xa2: {  	_ =	swait.ge [sflag:s23], $0x1  }
0xa3: {  	[sflag:s23] =	ssyncset.done $0x0  }
0xa4: {  	s25 =	simm.s32 $0x1B8E;
	s24 =	sld [smem:$0x3FFE];
	[sflag:s23] =	ssyncadd.s32 $0xFFFFFFFF  }
0xa5: {  	s26 =	simm.s32 $execute0_lowered;
	[smem:$0x3FD2] =	sst s25  }
0xa6: {  	s5 =	sshll.u32 s26, $0x1;
	_ =	strace $0x80000049;
	[dreg:$0x1] =	wrdreg $0xFFFFFFFF  }
0xa7: {  	s28 =	simm.s32 $_size_execute0_lowered;
	s3 =	sadd.s32 s3, s5;
	[dreg:$0x0] =	wrdreg $0x0  }
0xa8: {  	s5 =	sshll.u32 s28, $0x1;
	[dreg:$0x2] =	wrdreg s3  }
0xa9: {  	[dreg:$0x3] =	wrdreg s5  }
0xaa: {  	[dreg:$0x4] =	wrdreg $0xC0  }
0xab: {  	_ =	task [dreg:s7], $0x5FFFF  }
0xac: {  	[dreg:$0x1] =	wrdreg $0xFFFFFFFF  }
0xad: {  	[dreg:$0x0] =	wrdreg $0x60  }
0xae: {  	[dreg:$0x2] =	wrdreg s2  }
0xaf: {  	[dreg:$0x3] =	wrdreg s24  }
0xb0: {  	[dreg:$0x4] =	wrdreg $0xF0000  }
0xb1: {  	[dreg:$0x5] =	wrdreg $0x9  }
0xb2: {  	_ =	task.clear_ibuf [dreg:s7], $0x6FFFF;
	_ =	strace $0x90000049  }
0xb3: {  	s29 =	simm.s32 $0x9;
	_ =	strace $0x8000004B  }
0xb4: {  	_ =	swait.ge [sflag:s29], $0x1  }
0xb5: {  	[sflag:s29] =	ssyncadd.s32 $0xFFFFFFFF  }
0xb6: {  	_ =	strace $0x9000004B  }
0xb7: {  	_ =	sfence  }
0xb8: {  	s30 =	sld [smem:$0x0];
	_ =	sdelay $0x2  }
0xb9: {  	s31 =	sshll.u32 s1, $0xD;
	s1 =	sshrl.u32 s1, $0x2  }
0xba: {  	s3 =	sand.u32 $0x4000, s31;
	s1 =	sadd.s32 s1, s30  }
0xbb: {  	s0 =	sor.u32 s3, s0;
	s1 =	sshll.u32 s1, $0x11  }
0xbc: {  	s0 =	sor.u32 s1, s0  }
0xbd: {  	s0 =	sadd.s32 $0x8F2B, s0  }
0xbe: {  	[sflag:s0] =	ssyncadd.remote.s32 $0x1  }
0xbf: {  	_ =	sfence.sel $0xFFFF  }
0xc0: {  	[dreg:$0x0] =	wrdreg $0xFFFFFFFF;
	(pc) =	sbr.abs _section_cstart, $3  }
0xc1: {  	[dreg:$0x1] =	wrdreg $0xFFFFFFFF  }
0xc2: {  	_ =	task.clear_ibuf [dreg:s7], $0x2FFFF;
	_ =	strace $0x9FFFFFFF  }
0xc3: {  	(tm) =	ssettm $0x7FFFFFFF  }
tec
execute0_lowered:
.L_overlay_start_1:
0x0: {  	(tag) =	ssettag $0x1  }
0x1: {  	s1 =	rddreg [dreg:$0x0]  }
0x2: {  	s0 =	srdreg.scid;
	s4 =	rddreg [dreg:$0x1]  }
0x3: {  	s9 =	stileid.u32;
	s3 =	rddreg [dreg:$0x2]  }
0x4: {  	s6 =	simm.s32 $0x0;
	s13 =	simm.s32 $0x11;
	s14 =	simm.s32 $0x80  }
0x5: {  	s15 =	simm.s32 $0x5000;
	s16 =	simm.s32 $0x6400;
	s18 =	simm.s32 $0x7800  }
0x6: {  	s20 =	simm.s32 $0x8C00;
	s29 =	simm.s32 $0xDC00;
	s30 =	simm.s32 $0x1  }
0x7: {  	s31 =	simm.s32 $0x2;
	s11 =	simm.s32 $0x5;
	s17 =	simm.s32 $0x6  }
0x8: {  	s19 =	simm.s32 $0x7;
	s21 =	simm.s32 $0x8;
	s28 =	simm.s32 $0xB  }
0x9: {  	s10 =	simm.s32 $0x0;
	s0 =	sand.u32 $0x1, s0;
	s5 =	smul.u32 $0x62C0, s9  }
0xa: {  	[smem:$0x7FF] =	sst s6;
	s26 =	sshll.u32 s9, $0x6;
	s2 =	sshll.u32 s0, $0x4  }
0xb: {  	s22 =	smul.u32 $0x62C00, s0;
	_ =	strace $0x8000004A;
	s0 =	ssub.s32 $0x2, s0  }
0xc: {  	[dreg:$0xb] =	wrdreg s10;
	s2 =	sor.u32 s9, s2;
	s7 =	sshrl.u32 s5, $0x3  }
0xd: {  	s8 =	sshrl.u32 s0, $0x1;
	s24 =	sadd.s32 s5, s3;
	s9 =	simm.s32 $0x10  }
0xe: {  	s2 =	smul.u32 $0x500, s2;
	s6 =	sadd.s32 s5, s22;
	s7 =	sadd.s32 s7, s4  }
0xf: {  	s0 =	ssub.s32 s0, s8;
	s12 =	sshrl.u32 s24, $0x3;
	s22 =	simm.s32 $0xA000  }
0x10: {  	s24 =	simm.s32 $0xB400;
	s5 =	simm.s32 $0xC;
	s8 =	simm.s32 $0xF  }
0x11: {  	s6 =	sshrl.u32 s6, $0x3;
	s25 =	sadd.s32 $0x17800, s7;
	[dreg:$0x9] =	wrdreg s12  }
0x12: {  	s0 =	smax.u32 s0, $0x1;
	s7 =	simm.s32 $0xE;
	[dreg:$0x6] =	wrdreg s25  }
0x13: {  	s2 =	sadd.s32 s2, s4;
	s4 =	sadd.s32 s6, s4;
	[dreg:$0x8] =	wrdreg s0  }
.Ltmp0:
0x14: {  	s0 =	sor.u32 $0x1C11, s26;
	s26 =	simm.s32 $0xC800;
	(pc) =	sbr.rel .LBB2_1-.Ltmp0, $4  }
0x15: {  	s25 =	simm.s32 $0xA;
	s23 =	sadd.s32 $0xD800, s2;
	[dreg:$0xa] =	wrdreg s0  }
0x16: {  	s6 =	simm.s32 $0xD;
	s2 =	sadd.s32 $0x3800, s2;
	[dreg:$0x4] =	wrdreg s23  }
0x17: {  	s4 =	sadd.s32 $0x23E00, s4;
	s0 =	simm.s32 $0x4;
	[dreg:$0x5] =	wrdreg s2  }
0x18: {  	[dreg:$0x7] =	wrdreg s4;
	s2 =	simm.s32 $0x3;
	s23 =	simm.s32 $0x9  }
.LBB2_4:
0x19: {  	_ =	swait.ge [sflag:s25], $0x1400  }
0x1a: {  	[sflag:s25] =	ssyncset.done $0x0  }
0x1b: {  	[sflag:s25] =	ssyncadd.s32 $0xFFFFEC00  }
0x1c: {  	_ =	swait.ge [sflag:s28], $0x1400  }
0x1d: {  	[sflag:s28] =	ssyncset.done $0x0  }
0x1e: {  	[sflag:s28] =	ssyncadd.s32 $0xFFFFEC00  }
0x1f: {  	_ =	swait.ge [sflag:s5], $0x1400  }
0x20: {  	[sflag:s5] =	ssyncset.done $0x0  }
0x21: {  	[sflag:s5] =	ssyncadd.s32 $0xFFFFEC00  }
0x22: {  	_ =	swait.ge [sflag:s6], $0x1400  }
0x23: {  	[sflag:s6] =	ssyncset.done $0x0  }
0x24: {  	[sflag:s6] =	ssyncadd.s32 $0xFFFFEC00  }
0x25: {  	_ =	swait.ge [sflag:s7], $0x1400  }
0x26: {  	[sflag:s7] =	ssyncset.done $0x0  }
0x27: {  	[sflag:s7] =	ssyncadd.s32 $0xFFFFEC00  }
0x28: {  	_ =	swait.ge [sflag:s8], $0x1400  }
0x29: {  	[sflag:s8] =	ssyncset.done $0x0  }
0x2a: {  	[sflag:s8] =	ssyncadd.s32 $0xFFFFEC00  }
0x2b: {  	_ =	swait.ge [sflag:s9], $0x1400  }
0x2c: {  	[sflag:s9] =	ssyncset.done $0x0  }
0x2d: {  	[sflag:s9] =	ssyncadd.s32 $0xFFFFEC00  }
0x2e: {  	[bflag:$0x0] =	sbarrier.arrive $0xFFFF  }
0x2f: {  	s10 =	rddreg [dreg:$0x7]  }
0x30: {  	s12 =	rddreg [dreg:$0x9]  }
0x31: {  	s13 =	simm.s32 $0x11;
	s4 =	rddreg [dreg:$0xa]  }
0x32: {  	[hbm:s10], [sflag:s4] =	dma.local [spmem:s12], $0xC58  }
0x33: {  	_ =	swait.ge [sflag:s13], $0xC58  }
0x34: {  	s10 =	rddreg [dreg:$0xb]  }
0x35: {  	s12 =	rddreg [dreg:$0x8];
	s4 =	sadd.s32 $0x1, s10  }
0x36: {  	p0 =	sne.s32 s4, s12  }
.Ltmp1:
0x37: {  	_ = 	snop;
	(pc) =	sbr.rel @!p0 .LBB2_5-.Ltmp1, $3  }
0x38: {  	_ =	sdelay $0x1  }
0x39: {  	[sflag:s13] =	ssyncset.done $0x0  }
0x3a: {  	[sflag:s13] =	ssyncadd.s32 $0xFFFFF3A8;
	[dreg:$0xb] =	wrdreg s4  }
.LBB2_1:
0x3b: {  	s4 =	simm.s32 $0x0;
	s12 =	rddreg [dreg:$0x4]  }
0x3c: {  	[tilespmem:s4], [sflag:$0x11] =	stream.linear.gather [hbm4b:s12+s4], $0x2800, $0x38;
	[tilespmem:$0x152C0] =	vst v63  }
0x3d: {  	_ =	swait.ge [sflag:s13], $0x2800  }
0x3e: {  	s10 =	simm.s32 $0x0;
	[sflag:s13] =	ssyncset.done $0x0  }
0x3f: {  	s4 =	simm.s32 $0x2800;
	s12 =	rddreg [dreg:$0x5];
	[sflag:s13] =	ssyncadd.s32 $0xFFFFD800  }
0x40: {  	[tilespmem:s4], [sflag:$0x11] =	stream.linear.gather [hbm4b:s12+s10], $0x2800, $0x38;
	[tilespmem:$0x152C0] =	vst v63  }
0x41: {  	s10 =	rddreg [dreg:$0xa];
	_ =	swait.ge [sflag:s13], $0x2800  }
0x42: {  	[sflag:s13] =	ssyncset.done $0x0;
	s12 =	rddreg [dreg:$0x6]  }
0x43: {  	s4 =	rddreg [dreg:$0x9];
	[sflag:s13] =	ssyncadd.s32 $0xFFFFD800  }
0x44: {  	[spmem:s4], [sflag:s10] =	dma.local [hbm:s12], $0xC58  }
0x45: {  	_ =	swait.ge [sflag:s13], $0xC58  }
0x46: {  	[sflag:s13] =	ssyncset.done $0x0  }
0x47: {  	[sflag:s13] =	ssyncadd.s32 $0xFFFFF3A8  }
0x48: {  	s13 =	simm.s32 $0x0;
	[bflag:$0x0] =	sbarrier.arrive $0xFFFF  }
0x49: {  	[tilespmem:s15], [sflag:$0x1] =	stream.indirect.gather [hbm4b:s1+s14], $0x28, s13, s14, $0xb8;
	[tilespmem:$0x152C0] =	vst v63  }
0x4a: {  	_ = 	snop  }
0x4b: {  	[tilespmem:s16], [sflag:$0x2] =	stream.indirect.gather [hbm4b:s1+s14], $0x28, s14, s14, $0xb8;
	[tilespmem:$0x152C0] =	vst v63  }
0x4c: {  	s4 =	simm.s32 $0x100  }
0x4d: {  	[tilespmem:s18], [sflag:$0x3] =	stream.indirect.gather [hbm4b:s1+s14], $0x28, s4, s14, $0xb8;
	[tilespmem:$0x152C0] =	vst v63  }
0x4e: {  	s12 =	simm.s32 $0x180  }
0x4f: {  	[tilespmem:s20], [sflag:$0x4] =	stream.indirect.gather [hbm4b:s1+s14], $0x28, s12, s14, $0xb8;
	[tilespmem:$0x152C0] =	vst v63  }
0x50: {  	s13 =	simm.s32 $0x200  }
0x51: {  	[tilespmem:s22], [sflag:$0x5] =	stream.indirect.gather [hbm4b:s1+s14], $0x28, s13, s14, $0xb8;
	[tilespmem:$0x152C0] =	vst v63  }
0x52: {  	s4 =	simm.s32 $0x280  }
0x53: {  	[tilespmem:s24], [sflag:$0x6] =	stream.indirect.gather [hbm4b:s1+s14], $0x28, s4, s14, $0xb8;
	[tilespmem:$0x152C0] =	vst v63  }
0x54: {  	s12 =	simm.s32 $0x300  }
0x55: {  	[tilespmem:s26], [sflag:$0x7] =	stream.indirect.gather [hbm4b:s1+s14], $0x28, s12, s14, $0xb8;
	[tilespmem:$0x152C0] =	vst v63  }
0x56: {  	s13 =	simm.s32 $0x380;
	s12 =	simm.s32 $0x0  }
0x57: {  	[tilespmem:s29], [sflag:$0x8] =	stream.indirect.gather [hbm4b:s1+s14], $0x28, s13, s14, $0xb8;
	[tilespmem:$0x152C0] =	vst v63  }
.LBB2_2:
0x58: {  	_ =	swait.ge [sflag:s30], $0x1400  }
0x59: {  	s13 =	sshra.s32 s12, $0x2;
	[sflag:s30] =	ssyncset.done $0x0  }
0x5a: {  	s10 =	sadd.s32 $0x2800, s13;
	[sflag:s30] =	ssyncadd.s32 $0xFFFFEC00  }
0x5b: {  	[spmem:s3] =	stream.indirect.scatter.add.f32 [tilespmem:s15], [sflag:$0x9], $0x28, s10, s14, $0xb8;
	[tilespmem:$0x152C0] =	vst v63  }
0x5c: {  	_ =	swait.ge [sflag:s31], $0x1400  }
0x5d: {  	[sflag:s31] =	ssyncset.done $0x0  }
0x5e: {  	s4 =	sadd.s32 $0x2880, s13;
	[sflag:s31] =	ssyncadd.s32 $0xFFFFEC00  }
0x5f: {  	[spmem:s3] =	stream.indirect.scatter.add.f32 [tilespmem:s16], [sflag:$0xA], $0x28, s4, s14, $0xb8;
	[tilespmem:$0x152C0] =	vst v63  }
0x60: {  	_ =	swait.ge [sflag:s2], $0x1400  }
0x61: {  	[sflag:s2] =	ssyncset.done $0x0  }
0x62: {  	s4 =	sadd.s32 $0x2900, s13;
	[sflag:s2] =	ssyncadd.s32 $0xFFFFEC00  }
0x63: {  	[spmem:s3] =	stream.indirect.scatter.add.f32 [tilespmem:s18], [sflag:$0xB], $0x28, s4, s14, $0xb8;
	[tilespmem:$0x152C0] =	vst v63  }
0x64: {  	_ =	swait.ge [sflag:s0], $0x1400  }
0x65: {  	[sflag:s0] =	ssyncset.done $0x0  }
0x66: {  	s4 =	sadd.s32 $0x2980, s13;
	[sflag:s0] =	ssyncadd.s32 $0xFFFFEC00  }
0x67: {  	[spmem:s3] =	stream.indirect.scatter.add.f32 [tilespmem:s20], [sflag:$0xC], $0x28, s4, s14, $0xb8;
	[tilespmem:$0x152C0] =	vst v63  }
0x68: {  	_ =	swait.ge [sflag:s11], $0x1400  }
0x69: {  	[sflag:s11] =	ssyncset.done $0x0  }
0x6a: {  	s4 =	sadd.s32 $0x2A00, s13;
	[sflag:s11] =	ssyncadd.s32 $0xFFFFEC00  }
0x6b: {  	[spmem:s3] =	stream.indirect.scatter.add.f32 [tilespmem:s22], [sflag:$0xD], $0x28, s4, s14, $0xb8;
	[tilespmem:$0x152C0] =	vst v63  }
0x6c: {  	_ =	swait.ge [sflag:s17], $0x1400  }
0x6d: {  	[sflag:s17] =	ssyncset.done $0x0  }
0x6e: {  	s4 =	sadd.s32 $0x2A80, s13;
	[sflag:s17] =	ssyncadd.s32 $0xFFFFEC00  }
0x6f: {  	[spmem:s3] =	stream.indirect.scatter.add.f32 [tilespmem:s24], [sflag:$0xE], $0x28, s4, s14, $0xb8;
	[tilespmem:$0x152C0] =	vst v63  }
0x70: {  	_ =	swait.ge [sflag:s19], $0x1400  }
0x71: {  	[sflag:s19] =	ssyncset.done $0x0  }
0x72: {  	s4 =	sadd.s32 $0x2B00, s13;
	[sflag:s19] =	ssyncadd.s32 $0xFFFFEC00  }
0x73: {  	[spmem:s3] =	stream.indirect.scatter.add.f32 [tilespmem:s26], [sflag:$0xF], $0x28, s4, s14, $0xb8;
	[tilespmem:$0x152C0] =	vst v63  }
0x74: {  	_ =	swait.ge [sflag:s21], $0x1400  }
0x75: {  	p0 =	seq.s32 s12, $0x9000;
	[sflag:s21] =	ssyncset.done $0x0  }
.Ltmp2:
0x76: {  	s4 =	sadd.s32 $0x2B80, s13;
	[sflag:s21] =	ssyncadd.s32 $0xFFFFEC00;
	(pc) =	sbr.rel @p0 .LBB2_4-.Ltmp2, $4  }
0x77: {  	[spmem:s3] =	stream.indirect.scatter.add.f32 [tilespmem:s29], [sflag:$0x10], $0x28, s4, s14, $0xb8;
	[tilespmem:$0x152C0] =	vst v63  }
0x78: {  	_ =	swait.ge [sflag:s23], $0x1400  }
0x79: {  	[sflag:s23] =	ssyncset.done $0x0  }
0x7a: {  	[sflag:s23] =	ssyncadd.s32 $0xFFFFEC00  }
0x7b: {  	s10 =	sadd.s32 $0x400, s13  }
0x7c: {  	[tilespmem:s15], [sflag:$0x1] =	stream.indirect.gather [hbm4b:s1+s14], $0x28, s10, s14, $0xb8;
	[tilespmem:$0x152C0] =	vst v63  }
0x7d: {  	_ =	swait.ge [sflag:s25], $0x1400  }
0x7e: {  	[sflag:s25] =	ssyncset.done $0x0  }
0x7f: {  	s4 =	sadd.s32 $0x480, s13;
	[sflag:s25] =	ssyncadd.s32 $0xFFFFEC00  }
0x80: {  	[tilespmem:s16], [sflag:$0x2] =	stream.indirect.gather [hbm4b:s1+s14], $0x28, s4, s14, $0xb8;
	[tilespmem:$0x152C0] =	vst v63  }
0x81: {  	_ =	swait.ge [sflag:s28], $0x1400  }
0x82: {  	[sflag:s28] =	ssyncset.done $0x0  }
0x83: {  	s4 =	sadd.s32 $0x500, s13;
	[sflag:s28] =	ssyncadd.s32 $0xFFFFEC00  }
0x84: {  	[tilespmem:s18], [sflag:$0x3] =	stream.indirect.gather [hbm4b:s1+s14], $0x28, s4, s14, $0xb8;
	[tilespmem:$0x152C0] =	vst v63  }
0x85: {  	_ =	swait.ge [sflag:s5], $0x1400  }
0x86: {  	[sflag:s5] =	ssyncset.done $0x0  }
0x87: {  	s4 =	sadd.s32 $0x580, s13;
	[sflag:s5] =	ssyncadd.s32 $0xFFFFEC00  }
0x88: {  	[tilespmem:s20], [sflag:$0x4] =	stream.indirect.gather [hbm4b:s1+s14], $0x28, s4, s14, $0xb8;
	[tilespmem:$0x152C0] =	vst v63  }
0x89: {  	_ =	swait.ge [sflag:s6], $0x1400  }
0x8a: {  	[sflag:s6] =	ssyncset.done $0x0  }
0x8b: {  	s4 =	sadd.s32 $0x600, s13;
	[sflag:s6] =	ssyncadd.s32 $0xFFFFEC00  }
0x8c: {  	[tilespmem:s22], [sflag:$0x5] =	stream.indirect.gather [hbm4b:s1+s14], $0x28, s4, s14, $0xb8;
	[tilespmem:$0x152C0] =	vst v63  }
0x8d: {  	_ =	swait.ge [sflag:s7], $0x1400  }
0x8e: {  	[sflag:s7] =	ssyncset.done $0x0  }
0x8f: {  	s4 =	sadd.s32 $0x680, s13;
	[sflag:s7] =	ssyncadd.s32 $0xFFFFEC00  }
0x90: {  	[tilespmem:s24], [sflag:$0x6] =	stream.indirect.gather [hbm4b:s1+s14], $0x28, s4, s14, $0xb8;
	[tilespmem:$0x152C0] =	vst v63  }
0x91: {  	_ =	swait.ge [sflag:s8], $0x1400  }
0x92: {  	[sflag:s8] =	ssyncset.done $0x0  }
0x93: {  	s4 =	sadd.s32 $0x700, s13;
	[sflag:s8] =	ssyncadd.s32 $0xFFFFEC00  }
0x94: {  	[tilespmem:s26], [sflag:$0x7] =	stream.indirect.gather [hbm4b:s1+s14], $0x28, s4, s14, $0xb8;
	[tilespmem:$0x152C0] =	vst v63  }
.Ltmp3:
0x95: {  	_ = 	snop;
	(pc) =	sbr.rel .LBB2_2-.Ltmp3, $4  }
0x96: {  	_ =	swait.ge [sflag:s9], $0x1400  }
0x97: {  	[sflag:s9] =	ssyncset.done $0x0  }
0x98: {  	s12 =	sadd.s32 $0x1000, s12;
	s13 =	sadd.s32 $0x780, s13;
	[sflag:s9] =	ssyncadd.s32 $0xFFFFEC00  }
0x99: {  	[tilespmem:s29], [sflag:$0x8] =	stream.indirect.gather [hbm4b:s1+s14], $0x28, s13, s14, $0xb8;
	[tilespmem:$0x152C0] =	vst v63  }
.LBB2_5:
0x9a: {  	_ =	sfence.sel $0x180000  }
0x9b: {  	[bflag:$0x0] =	sbarrier.arrive $0xFFFF  }
0x9c: {  	_ =	strace $0x9000004A  }
0x9d: {  	s0 =	stileid.u32;
	[bflag:$0x2] =	sbarrier.arrive $0xFFFF  }
0x9e: {  	p0 =	sne.s32 s0, $0x0;
	s0 =	rddreg [dreg:$0x3]  }
0x9f: {  	s0 =	sadd.s32 @!p0 $0x100000, s0  }
0xa0: {  	[sflag:s0] =	ssyncadd.tile.s32 @!p0 $0x1;
	_ =	shalt  }
.Lfunc_end2:
_tile_overlayer_lowered:
.L_overlay_start_2:
0xa1: {  	(tag) =	ssettag $0x2  }
0xa2: {  	s0 =	rddreg [dreg:$0x0];
	s2 =	stileid.u32  }
0xa3: {  	s1 =	rddreg [dreg:$0x1];
	p0 =	sne.s32 s2, $0x0  }
0xa4: {  	s3 =	rddreg [dreg:$0x2];
	[bflag:$0x3] =	sbarrier.arrive $0xFFFF;
	s2 =	simm.s32 @!p0 $0x1C11  }
0xa5: {  	[timem:s3], [sflag:s2] =	dma.local @!p0 [hbm:s0], s1  }
0xa6: {  	s0 =	simm.s32 @!p0 $0x11  }
0xa7: {  	_ =	swait.ge @!p0 [sflag:s0], s1  }
0xa8: {  	s1 =	ssub.s32 @!p0 $0x0, s1;
	[sflag:s0] =	ssyncset.done @!p0 $0x0  }
0xa9: {  	[sflag:s0] =	ssyncadd.s32 @!p0 s1  }
0xaa: {  	[bflag:$0x3] =	sbarrier.arrive $0xFFFF  }
0xab: {  	_ =	shalt  }

// kernel: kernel.16.cloned.1.call-start
scs
__scs_entry_jumppad:
0x0: {  	(pc) =	sbr.rel $0x88, $3  }
0x1: {  	(tag) =	ssettag $0x0;
	lr =	simm.s32 $0x1  }
0x2: {  	[smem:$0x3F98] =	sst lr;
	_ =	strace $0xD0000000  }
0x3: {  	_ = 	snop  }
0x4: {  	_ = 	snop  }
0x5: {  	_ = 	snop  }
0x6: {  	_ = 	snop  }
0x7: {  	_ = 	snop  }
__scs_overlays_trampoline_lowered:
0x8: {  	[smem:$0x3FA7] =	sst s0  }
0x9: {  	[smem:$0x3FA8] =	sst s1  }
0xa: {  	[smem:$0x3FA9] =	sst s2  }
0xb: {  	[smem:$0x3FAA] =	sst s3  }
0xc: {  	[smem:$0x3FAB] =	sst s4  }
0xd: {  	[smem:$0x3FAC] =	sst s5  }
0xe: {  	[smem:$0x3FAD] =	sst s6  }
0xf: {  	[smem:$0x3FAE] =	sst s7  }
0x10: {  	[smem:$0x3FAF] =	sst s8  }
0x11: {  	[smem:$0x3FB0] =	sst s9;
	s0 =	simm.s32 @!p0 $0x0  }
0x12: {  	s1 =	sld [smem:$0x3F96];
	s0 =	simm.s32 @p0 $0x1  }
0x13: {  	[smem:$0x3FB1] =	sst s0;
	s0 =	simm.s32 @!p1 $0x0  }
0x14: {  	s2 =	sld [smem:$0x3F95];
	s0 =	simm.s32 @p1 $0x1  }
0x15: {  	[smem:$0x3FB2] =	sst s0;
	s0 =	simm.s32 @!p2 $0x0  }
0x16: {  	s3 =	sld [smem:$0x3FDB];
	s0 =	simm.s32 @p2 $0x1  }
0x17: {  	s4 =	simm.s32 $0x1BF5;
	[smem:$0x3FB4] =	sst s0  }
0x18: {  	s0 =	sld [smem:$0x3F97];
	_ =	swait.ge [sflag:s4], $0x0  }
0x19: {  	s7 =	sld [smem:$0x3F98]  }
0x1a: {  	s8 =	sadd.s32 $0xFFFFE003, lr  }
0x1b: {  	s9 =	sadd.s32 $0xFFFFFEF7, lr;
	s5 =	simm.s32 $0xFFFFFFFF;
	p2 =	slt.u32 s8, $0xFFFFF086  }
0x1c: {  	p1 =	slt.u32 s9, $0xF7A;
	s5 =	simm.s32 @!p2 $0x0  }
0x1d: {  	s5 =	simm.s32 @p1 $0x1;
	p0 =	seq.s32 s7, s2  }
0x1e: {  	s7 =	smul.u32 @!p0 $0xF7A, s2;
	p2 =	seq.s32 @!p0 s5, $0x0  }
0x1f: {  	s9 =	smul.u32 $0xF7A, s1;
	s8 =	simm.s32 @!p0 $0x1BF5;
	p2 =	por !p2, p0  }
0x20: {  	[sflag:s8] =	ssyncset.s32 @!p0 $0xFFFFF086;
	s6 =	sadd.s32 @!p0 s3, s7;
	s7 =	simm.s32 @!p0 $0x108  }
0x21: {  	s3 =	sadd.s32 s3, s9;
	s6 =	sadd.s32 @!p0 $0x88, s6;
	s7 =	simm.s32 @p2 $0x1082  }
0x22: {  	[simem:s7], [sflag:s8] =	dma.local @!p0 [hbm:s6], $0xF7A  }
0x23: {  	s9 =	sor.u32 $0xD0000000, s2;
	s6 =	simm.s32 $0x108;
	_ =	swait.ge @!p0 [sflag:s8], $0x0  }
0x24: {  	s3 =	sadd.s32 $0x88, s3;
	s6 =	simm.s32 @!p1 $0x1082;
	[sflag:s4] =	ssyncset.s32 $0xFFFFF086  }
0x25: {  	[simem:s6], [sflag:s4] =	dma.local [hbm:s3], $0xF7A  }
0x26: {  	[smem:$0x3F98] =	sst s1;
	(tag) =	ssettag s2;
	_ =	strace s9  }
0x27: {  	s1 =	sld [smem:$0x3FA8]  }
0x28: {  	s2 =	sld [smem:$0x3FA9]  }
0x29: {  	s4 =	sld [smem:$0x3FAB]  }
0x2a: {  	p0 =	seq.s32 s5, $0x0;
	s5 =	sld [smem:$0x3FAC]  }
0x2b: {  	s6 =	sld [smem:$0x3FAD]  }
0x2c: {  	s7 =	sld [smem:$0x3FAE]  }
0x2d: {  	s3 =	simm.s32 $0x108;
	s8 =	sld [smem:$0x3FAF]  }
0x2e: {  	s3 =	simm.s32 @!p0 $0x1082;
	s9 =	sld [smem:$0x3FB0]  }
0x2f: {  	lr =	sadd.s32 s0, s3;
	s0 =	sld [smem:$0x3FA7]  }
0x30: {  	s3 =	sld [smem:$0x3FAA]  }
0x31: {  	[smem:$0x3FB3] =	sst s10  }
0x32: {  	s10 =	sld [smem:$0x3FB1];
	_ =	sdelay $0x3  }
0x33: {  	p0 =	seq.s32 s10, $0x1;
	s10 =	sld [smem:$0x3FB3];
	_ =	sdelay $0x3  }
0x34: {  	[smem:$0x3FB3] =	sst s10  }
0x35: {  	s10 =	sld [smem:$0x3FB2];
	_ =	sdelay $0x3  }
0x36: {  	p1 =	seq.s32 s10, $0x1;
	s10 =	sld [smem:$0x3FB3];
	_ =	sdelay $0x3  }
0x37: {  	[smem:$0x3FB3] =	sst s10  }
0x38: {  	s10 =	sld [smem:$0x3FB4]  }
0x39: {  	_ = 	snop;
	(pc) =	sbr.ind lr, $3  }
0x3a: {  	_ = 	snop  }
0x3b: {  	_ = 	snop  }
0x3c: {  	p2 =	seq.s32 s10, $0x1;
	s10 =	sld [smem:$0x3FB3]  }
0x3d: {  	_ =	shalt  }
0x3e: {  	_ =	shalt  }
0x3f: {  	_ =	shalt  }
0x40: {  	_ =	shalt  }
0x41: {  	_ =	shalt  }
0x42: {  	_ =	shalt  }
0x43: {  	_ =	shalt  }
0x44: {  	_ =	shalt  }
0x45: {  	_ =	shalt  }
0x46: {  	_ =	shalt  }
0x47: {  	_ =	shalt  }
0x48: {  	_ =	shalt  }
0x49: {  	_ =	shalt  }
0x4a: {  	_ =	shalt  }
0x4b: {  	_ =	shalt  }
0x4c: {  	_ =	shalt  }
0x4d: {  	_ =	shalt  }
0x4e: {  	_ =	shalt  }
0x4f: {  	_ =	shalt  }
0x50: {  	_ =	shalt  }
0x51: {  	_ =	shalt  }
0x52: {  	_ =	shalt  }
0x53: {  	_ =	shalt  }
0x54: {  	_ =	shalt  }
0x55: {  	_ =	shalt  }
0x56: {  	_ =	shalt  }
0x57: {  	_ =	shalt  }
0x58: {  	_ =	shalt  }
0x59: {  	_ =	shalt  }
0x5a: {  	_ =	shalt  }
0x5b: {  	_ =	shalt  }
0x5c: {  	_ =	shalt  }
0x5d: {  	_ =	shalt  }
0x5e: {  	_ =	shalt  }
0x5f: {  	_ =	shalt  }
0x60: {  	_ =	shalt  }
0x61: {  	_ =	shalt  }
0x62: {  	_ =	shalt  }
0x63: {  	_ =	shalt  }
0x64: {  	_ =	shalt  }
0x65: {  	_ =	shalt  }
0x66: {  	_ =	shalt  }
0x67: {  	_ =	shalt  }
0x68: {  	_ =	shalt  }
0x69: {  	_ =	shalt  }
0x6a: {  	_ =	shalt  }
0x6b: {  	_ =	shalt  }
0x6c: {  	_ =	shalt  }
0x6d: {  	_ =	shalt  }
0x6e: {  	_ =	shalt  }
0x6f: {  	_ =	shalt  }
0x70: {  	_ =	shalt  }
0x71: {  	_ =	shalt  }
0x72: {  	_ =	shalt  }
0x73: {  	_ =	shalt  }
0x74: {  	_ =	shalt  }
0x75: {  	_ =	shalt  }
0x76: {  	_ =	shalt  }
0x77: {  	_ =	shalt  }
0x78: {  	_ =	shalt  }
0x79: {  	_ =	shalt  }
0x7a: {  	_ =	shalt  }
0x7b: {  	_ =	shalt  }
0x7c: {  	_ =	shalt  }
0x7d: {  	_ =	shalt  }
0x7e: {  	_ =	shalt  }
0x7f: {  	_ =	shalt  }
0x80: {  	_ =	shalt  }
0x81: {  	_ =	shalt  }
0x82: {  	_ =	shalt  }
0x83: {  	_ =	shalt  }
0x84: {  	_ =	shalt  }
0x85: {  	_ =	shalt  }
0x86: {  	_ =	shalt  }
0x87: {  	_ =	shalt  }
.Lfunc_end0:
.L_simem_size_0:
called_computation.2_lowered:
.L_overlay_start_0:
0x88: {  	s2 =	sld [smem:$0x3FD9]  }
0x89: {  	s3 =	sld [smem:$0x3FFE];
	_ =	sdelay $0x1  }
0x8a: {  	s1 =	srdreg.scid  }
0x8b: {  	s0 =	sand.u32 $0x1, s1  }
0x8c: {  	s17 =	sshll.u32 s0, $0xA;
	s2 =	sadd.s32 s3, s2  }
0x8d: {  	s2 =	sadd.s32 s2, s17  }
0x8e: {  	[smem:$0x3FBF] =	sst s2  }
0x8f: {  	_ = 	snop  }
0x90: {  	s2 =	sld [smem:$0x3FD0];
	(tm) =	ssettm $0x1  }
0x91: {  	s18 =	sld [smem:$0x3FFB];
	_ =	sdelay $0x3  }
0x92: {  	_ =	strace s18  }
0x93: {  	s3 =	sld [smem:$0x3FFC];
	_ =	sdelay $0x3  }
0x94: {  	_ =	strace s3  }
0x95: {  	s3 =	sld [smem:$0x3FFD];
	_ =	sdelay $0x3  }
0x96: {  	_ =	strace s3  }
0x97: {  	_ =	strace $0x8FFFFFFF  }
0x98: {  	s19 =	sld [smem:$0x3FDB];
	_ =	sdelay $0x1  }
0x99: {  	s4 =	simm.s32 $_scs_section_size  }
0x9a: {  	s5 =	simm.s32 $_size__tile_overlayer_lowered;
	s6 =	simm.s32 $_tile_overlayer_lowered  }
0x9b: {  	s22 =	simm.s32 $0x1BFF;
	s21 =	sshll.u32 s6, $0x1;
	s3 =	sadd.s32 s4, s19  }
0x9c: {  	s7 =	simm.s32 $0x0;
	s20 =	sshll.u32 s5, $0x1;
	s5 =	sadd.s32 s21, s3  }
0x9d: {  	[timem:s7], [sflag:s22] =	dma.local [hbm:s5], s20  }
0x9e: {  	_ =	swait.ge [sflag:s22], s20  }
0x9f: {  	s4 =	ssub.s32 $0x0, s20;
	[sflag:s22] =	ssyncset.done $0x0  }
0xa0: {  	[sflag:s22] =	ssyncadd.s32 s4;
	_ =	sdelay $0x1  }
0xa1: {  	s23 =	simm.s32 $0x1B8B  }
0xa2: {  	_ =	swait.ge [sflag:s23], $0x1  }
0xa3: {  	[sflag:s23] =	ssyncset.done $0x0  }
0xa4: {  	s25 =	simm.s32 $0x1B8E;
	s24 =	sld [smem:$0x3FFE];
	[sflag:s23] =	ssyncadd.s32 $0xFFFFFFFF  }
0xa5: {  	s26 =	simm.s32 $execute0_lowered;
	[smem:$0x3FD2] =	sst s25  }
0xa6: {  	s5 =	sshll.u32 s26, $0x1;
	_ =	strace $0x8000004C;
	[dreg:$0x1] =	wrdreg $0xFFFFFFFF  }
0xa7: {  	s28 =	simm.s32 $_size_execute0_lowered;
	s3 =	sadd.s32 s3, s5;
	[dreg:$0x0] =	wrdreg $0x0  }
0xa8: {  	s5 =	sshll.u32 s28, $0x1;
	[dreg:$0x2] =	wrdreg s3  }
0xa9: {  	[dreg:$0x3] =	wrdreg s5  }
0xaa: {  	[dreg:$0x4] =	wrdreg $0xC0  }
0xab: {  	_ =	task [dreg:s7], $0x5FFFF  }
0xac: {  	[dreg:$0x1] =	wrdreg $0xFFFFFFFF  }
0xad: {  	[dreg:$0x0] =	wrdreg $0x60  }
0xae: {  	[dreg:$0x2] =	wrdreg s2  }
0xaf: {  	[dreg:$0x3] =	wrdreg s24  }
0xb0: {  	[dreg:$0x4] =	wrdreg $0xF0000  }
0xb1: {  	[dreg:$0x5] =	wrdreg $0x9  }
0xb2: {  	_ =	task.clear_ibuf [dreg:s7], $0x6FFFF;
	_ =	strace $0x9000004C  }
0xb3: {  	s29 =	simm.s32 $0x9;
	_ =	strace $0x8000004E  }
0xb4: {  	_ =	swait.ge [sflag:s29], $0x1  }
0xb5: {  	[sflag:s29] =	ssyncadd.s32 $0xFFFFFFFF  }
0xb6: {  	_ =	strace $0x9000004E  }
0xb7: {  	_ =	sfence  }
0xb8: {  	s30 =	sld [smem:$0x0];
	_ =	sdelay $0x2  }
0xb9: {  	s31 =	sshll.u32 s1, $0xD;
	s1 =	sshrl.u32 s1, $0x2  }
0xba: {  	s3 =	sand.u32 $0x4000, s31;
	s1 =	sadd.s32 s1, s30  }
0xbb: {  	s0 =	sor.u32 s3, s0;
	s1 =	sshll.u32 s1, $0x11  }
0xbc: {  	s0 =	sor.u32 s1, s0  }
0xbd: {  	s0 =	sadd.s32 $0x8F2B, s0  }
0xbe: {  	[sflag:s0] =	ssyncadd.remote.s32 $0x1  }
0xbf: {  	_ =	sfence.sel $0xFFFF  }
0xc0: {  	[dreg:$0x0] =	wrdreg $0xFFFFFFFF;
	(pc) =	sbr.abs _section_cstart, $3  }
0xc1: {  	[dreg:$0x1] =	wrdreg $0xFFFFFFFF  }
0xc2: {  	_ =	task.clear_ibuf [dreg:s7], $0x2FFFF;
	_ =	strace $0x9FFFFFFF  }
0xc3: {  	(tm) =	ssettm $0x7FFFFFFF  }
tec
execute0_lowered:
.L_overlay_start_1:
0x0: {  	(tag) =	ssettag $0x1  }
0x1: {  	s1 =	rddreg [dreg:$0x0]  }
0x2: {  	s0 =	srdreg.scid;
	s4 =	rddreg [dreg:$0x1]  }
0x3: {  	s9 =	stileid.u32;
	s3 =	rddreg [dreg:$0x2]  }
0x4: {  	s6 =	simm.s32 $0x0;
	s13 =	simm.s32 $0x11;
	s14 =	simm.s32 $0x80  }
0x5: {  	s15 =	simm.s32 $0x5000;
	s16 =	simm.s32 $0x6400;
	s18 =	simm.s32 $0x7800  }
0x6: {  	s20 =	simm.s32 $0x8C00;
	s29 =	simm.s32 $0xDC00;
	s30 =	simm.s32 $0x1  }
0x7: {  	s31 =	simm.s32 $0x2;
	s11 =	simm.s32 $0x5;
	s17 =	simm.s32 $0x6  }
0x8: {  	s19 =	simm.s32 $0x7;
	s21 =	simm.s32 $0x8;
	s28 =	simm.s32 $0xB  }
0x9: {  	s10 =	simm.s32 $0x0;
	s0 =	sand.u32 $0x1, s0;
	s5 =	smul.u32 $0x62C0, s9  }
0xa: {  	[smem:$0x7FF] =	sst s6;
	s26 =	sshll.u32 s9, $0x6;
	s2 =	sshll.u32 s0, $0x4  }
0xb: {  	s22 =	smul.u32 $0x62C00, s0;
	_ =	strace $0x8000004D;
	s0 =	ssub.s32 $0x2, s0  }
0xc: {  	[dreg:$0xb] =	wrdreg s10;
	s2 =	sor.u32 s9, s2;
	s7 =	sshrl.u32 s5, $0x3  }
0xd: {  	s8 =	sshrl.u32 s0, $0x1;
	s24 =	sadd.s32 s5, s3;
	s9 =	simm.s32 $0x10  }
0xe: {  	s2 =	smul.u32 $0x500, s2;
	s6 =	sadd.s32 s5, s22;
	s7 =	sadd.s32 s7, s4  }
0xf: {  	s0 =	ssub.s32 s0, s8;
	s12 =	sshrl.u32 s24, $0x3;
	s22 =	simm.s32 $0xA000  }
0x10: {  	s24 =	simm.s32 $0xB400;
	s5 =	simm.s32 $0xC;
	s8 =	simm.s32 $0xF  }
0x11: {  	s6 =	sshrl.u32 s6, $0x3;
	s25 =	sadd.s32 $0x17800, s7;
	[dreg:$0x9] =	wrdreg s12  }
0x12: {  	s0 =	smax.u32 s0, $0x1;
	s7 =	simm.s32 $0xE;
	[dreg:$0x6] =	wrdreg s25  }
0x13: {  	s2 =	sadd.s32 s2, s4;
	s4 =	sadd.s32 s6, s4;
	[dreg:$0x8] =	wrdreg s0  }
.Ltmp0:
0x14: {  	s0 =	sor.u32 $0x1C11, s26;
	s26 =	simm.s32 $0xC800;
	(pc) =	sbr.rel .LBB2_1-.Ltmp0, $4  }
0x15: {  	s25 =	simm.s32 $0xA;
	s23 =	sadd.s32 $0xD800, s2;
	[dreg:$0xa] =	wrdreg s0  }
0x16: {  	s6 =	simm.s32 $0xD;
	s2 =	sadd.s32 $0x3800, s2;
	[dreg:$0x4] =	wrdreg s23  }
0x17: {  	s4 =	sadd.s32 $0x23E00, s4;
	s0 =	simm.s32 $0x4;
	[dreg:$0x5] =	wrdreg s2  }
0x18: {  	[dreg:$0x7] =	wrdreg s4;
	s2 =	simm.s32 $0x3;
	s23 =	simm.s32 $0x9  }
.LBB2_4:
0x19: {  	_ =	swait.ge [sflag:s25], $0x1400  }
0x1a: {  	[sflag:s25] =	ssyncset.done $0x0  }
0x1b: {  	[sflag:s25] =	ssyncadd.s32 $0xFFFFEC00  }
0x1c: {  	_ =	swait.ge [sflag:s28], $0x1400  }
0x1d: {  	[sflag:s28] =	ssyncset.done $0x0  }
0x1e: {  	[sflag:s28] =	ssyncadd.s32 $0xFFFFEC00  }
0x1f: {  	_ =	swait.ge [sflag:s5], $0x1400  }
0x20: {  	[sflag:s5] =	ssyncset.done $0x0  }
0x21: {  	[sflag:s5] =	ssyncadd.s32 $0xFFFFEC00  }
0x22: {  	_ =	swait.ge [sflag:s6], $0x1400  }
0x23: {  	[sflag:s6] =	ssyncset.done $0x0  }
0x24: {  	[sflag:s6] =	ssyncadd.s32 $0xFFFFEC00  }
0x25: {  	_ =	swait.ge [sflag:s7], $0x1400  }
0x26: {  	[sflag:s7] =	ssyncset.done $0x0  }
0x27: {  	[sflag:s7] =	ssyncadd.s32 $0xFFFFEC00  }
0x28: {  	_ =	swait.ge [sflag:s8], $0x1400  }
0x29: {  	[sflag:s8] =	ssyncset.done $0x0  }
0x2a: {  	[sflag:s8] =	ssyncadd.s32 $0xFFFFEC00  }
0x2b: {  	_ =	swait.ge [sflag:s9], $0x1400  }
0x2c: {  	[sflag:s9] =	ssyncset.done $0x0  }
0x2d: {  	[sflag:s9] =	ssyncadd.s32 $0xFFFFEC00  }
0x2e: {  	[bflag:$0x0] =	sbarrier.arrive $0xFFFF  }
0x2f: {  	s10 =	rddreg [dreg:$0x7]  }
0x30: {  	s12 =	rddreg [dreg:$0x9]  }
0x31: {  	s13 =	simm.s32 $0x11;
	s4 =	rddreg [dreg:$0xa]  }
0x32: {  	[hbm:s10], [sflag:s4] =	dma.local [spmem:s12], $0xC58  }
0x33: {  	_ =	swait.ge [sflag:s13], $0xC58  }
0x34: {  	s10 =	rddreg [dreg:$0xb]  }
0x35: {  	s12 =	rddreg [dreg:$0x8];
	s4 =	sadd.s32 $0x1, s10  }
0x36: {  	p0 =	sne.s32 s4, s12  }
.Ltmp1:
0x37: {  	_ = 	snop;
	(pc) =	sbr.rel @!p0 .LBB2_5-.Ltmp1, $3  }
0x38: {  	_ =	sdelay $0x1  }
0x39: {  	[sflag:s13] =	ssyncset.done $0x0  }
0x3a: {  	[sflag:s13] =	ssyncadd.s32 $0xFFFFF3A8;
	[dreg:$0xb] =	wrdreg s4  }
.LBB2_1:
0x3b: {  	s4 =	simm.s32 $0x0;
	s12 =	rddreg [dreg:$0x4]  }
0x3c: {  	[tilespmem:s4], [sflag:$0x11] =	stream.linear.gather [hbm4b:s12+s4], $0x2800, $0x38;
	[tilespmem:$0x152C0] =	vst v63  }
0x3d: {  	_ =	swait.ge [sflag:s13], $0x2800  }
0x3e: {  	s10 =	simm.s32 $0x0;
	[sflag:s13] =	ssyncset.done $0x0  }
0x3f: {  	s4 =	simm.s32 $0x2800;
	s12 =	rddreg [dreg:$0x5];
	[sflag:s13] =	ssyncadd.s32 $0xFFFFD800  }
0x40: {  	[tilespmem:s4], [sflag:$0x11] =	stream.linear.gather [hbm4b:s12+s10], $0x2800, $0x38;
	[tilespmem:$0x152C0] =	vst v63  }
0x41: {  	s10 =	rddreg [dreg:$0xa];
	_ =	swait.ge [sflag:s13], $0x2800  }
0x42: {  	[sflag:s13] =	ssyncset.done $0x0;
	s12 =	rddreg [dreg:$0x6]  }
0x43: {  	s4 =	rddreg [dreg:$0x9];
	[sflag:s13] =	ssyncadd.s32 $0xFFFFD800  }
0x44: {  	[spmem:s4], [sflag:s10] =	dma.local [hbm:s12], $0xC58  }
0x45: {  	_ =	swait.ge [sflag:s13], $0xC58  }
0x46: {  	[sflag:s13] =	ssyncset.done $0x0  }
0x47: {  	[sflag:s13] =	ssyncadd.s32 $0xFFFFF3A8  }
0x48: {  	s13 =	simm.s32 $0x0;
	[bflag:$0x0] =	sbarrier.arrive $0xFFFF  }
0x49: {  	[tilespmem:s15], [sflag:$0x1] =	stream.indirect.gather [hbm4b:s1+s14], $0x28, s13, s14, $0xb8;
	[tilespmem:$0x152C0] =	vst v63  }
0x4a: {  	_ = 	snop  }
0x4b: {  	[tilespmem:s16], [sflag:$0x2] =	stream.indirect.gather [hbm4b:s1+s14], $0x28, s14, s14, $0xb8;
	[tilespmem:$0x152C0] =	vst v63  }
0x4c: {  	s4 =	simm.s32 $0x100  }
0x4d: {  	[tilespmem:s18], [sflag:$0x3] =	stream.indirect.gather [hbm4b:s1+s14], $0x28, s4, s14, $0xb8;
	[tilespmem:$0x152C0] =	vst v63  }
0x4e: {  	s12 =	simm.s32 $0x180  }
0x4f: {  	[tilespmem:s20], [sflag:$0x4] =	stream.indirect.gather [hbm4b:s1+s14], $0x28, s12, s14, $0xb8;
	[tilespmem:$0x152C0] =	vst v63  }
0x50: {  	s13 =	simm.s32 $0x200  }
0x51: {  	[tilespmem:s22], [sflag:$0x5] =	stream.indirect.gather [hbm4b:s1+s14], $0x28, s13, s14, $0xb8;
	[tilespmem:$0x152C0] =	vst v63  }
0x52: {  	s4 =	simm.s32 $0x280  }
0x53: {  	[tilespmem:s24], [sflag:$0x6] =	stream.indirect.gather [hbm4b:s1+s14], $0x28, s4, s14, $0xb8;
	[tilespmem:$0x152C0] =	vst v63  }
0x54: {  	s12 =	simm.s32 $0x300  }
0x55: {  	[tilespmem:s26], [sflag:$0x7] =	stream.indirect.gather [hbm4b:s1+s14], $0x28, s12, s14, $0xb8;
	[tilespmem:$0x152C0] =	vst v63  }
0x56: {  	s13 =	simm.s32 $0x380;
	s12 =	simm.s32 $0x0  }
0x57: {  	[tilespmem:s29], [sflag:$0x8] =	stream.indirect.gather [hbm4b:s1+s14], $0x28, s13, s14, $0xb8;
	[tilespmem:$0x152C0] =	vst v63  }
.LBB2_2:
0x58: {  	_ =	swait.ge [sflag:s30], $0x1400  }
0x59: {  	s13 =	sshra.s32 s12, $0x2;
	[sflag:s30] =	ssyncset.done $0x0  }
0x5a: {  	s10 =	sadd.s32 $0x2800, s13;
	[sflag:s30] =	ssyncadd.s32 $0xFFFFEC00  }
0x5b: {  	[spmem:s3] =	stream.indirect.scatter.add.f32 [tilespmem:s15], [sflag:$0x9], $0x28, s10, s14, $0xb8;
	[tilespmem:$0x152C0] =	vst v63  }
0x5c: {  	_ =	swait.ge [sflag:s31], $0x1400  }
0x5d: {  	[sflag:s31] =	ssyncset.done $0x0  }
0x5e: {  	s4 =	sadd.s32 $0x2880, s13;
	[sflag:s31] =	ssyncadd.s32 $0xFFFFEC00  }
0x5f: {  	[spmem:s3] =	stream.indirect.scatter.add.f32 [tilespmem:s16], [sflag:$0xA], $0x28, s4, s14, $0xb8;
	[tilespmem:$0x152C0] =	vst v63  }
0x60: {  	_ =	swait.ge [sflag:s2], $0x1400  }
0x61: {  	[sflag:s2] =	ssyncset.done $0x0  }
0x62: {  	s4 =	sadd.s32 $0x2900, s13;
	[sflag:s2] =	ssyncadd.s32 $0xFFFFEC00  }
0x63: {  	[spmem:s3] =	stream.indirect.scatter.add.f32 [tilespmem:s18], [sflag:$0xB], $0x28, s4, s14, $0xb8;
	[tilespmem:$0x152C0] =	vst v63  }
0x64: {  	_ =	swait.ge [sflag:s0], $0x1400  }
0x65: {  	[sflag:s0] =	ssyncset.done $0x0  }
0x66: {  	s4 =	sadd.s32 $0x2980, s13;
	[sflag:s0] =	ssyncadd.s32 $0xFFFFEC00  }
0x67: {  	[spmem:s3] =	stream.indirect.scatter.add.f32 [tilespmem:s20], [sflag:$0xC], $0x28, s4, s14, $0xb8;
	[tilespmem:$0x152C0] =	vst v63  }
0x68: {  	_ =	swait.ge [sflag:s11], $0x1400  }
0x69: {  	[sflag:s11] =	ssyncset.done $0x0  }
0x6a: {  	s4 =	sadd.s32 $0x2A00, s13;
	[sflag:s11] =	ssyncadd.s32 $0xFFFFEC00  }
0x6b: {  	[spmem:s3] =	stream.indirect.scatter.add.f32 [tilespmem:s22], [sflag:$0xD], $0x28, s4, s14, $0xb8;
	[tilespmem:$0x152C0] =	vst v63  }
0x6c: {  	_ =	swait.ge [sflag:s17], $0x1400  }
0x6d: {  	[sflag:s17] =	ssyncset.done $0x0  }
0x6e: {  	s4 =	sadd.s32 $0x2A80, s13;
	[sflag:s17] =	ssyncadd.s32 $0xFFFFEC00  }
0x6f: {  	[spmem:s3] =	stream.indirect.scatter.add.f32 [tilespmem:s24], [sflag:$0xE], $0x28, s4, s14, $0xb8;
	[tilespmem:$0x152C0] =	vst v63  }
0x70: {  	_ =	swait.ge [sflag:s19], $0x1400  }
0x71: {  	[sflag:s19] =	ssyncset.done $0x0  }
0x72: {  	s4 =	sadd.s32 $0x2B00, s13;
	[sflag:s19] =	ssyncadd.s32 $0xFFFFEC00  }
0x73: {  	[spmem:s3] =	stream.indirect.scatter.add.f32 [tilespmem:s26], [sflag:$0xF], $0x28, s4, s14, $0xb8;
	[tilespmem:$0x152C0] =	vst v63  }
0x74: {  	_ =	swait.ge [sflag:s21], $0x1400  }
0x75: {  	p0 =	seq.s32 s12, $0x9000;
	[sflag:s21] =	ssyncset.done $0x0  }
.Ltmp2:
0x76: {  	s4 =	sadd.s32 $0x2B80, s13;
	[sflag:s21] =	ssyncadd.s32 $0xFFFFEC00;
	(pc) =	sbr.rel @p0 .LBB2_4-.Ltmp2, $4  }
0x77: {  	[spmem:s3] =	stream.indirect.scatter.add.f32 [tilespmem:s29], [sflag:$0x10], $0x28, s4, s14, $0xb8;
	[tilespmem:$0x152C0] =	vst v63  }
0x78: {  	_ =	swait.ge [sflag:s23], $0x1400  }
0x79: {  	[sflag:s23] =	ssyncset.done $0x0  }
0x7a: {  	[sflag:s23] =	ssyncadd.s32 $0xFFFFEC00  }
0x7b: {  	s10 =	sadd.s32 $0x400, s13  }
0x7c: {  	[tilespmem:s15], [sflag:$0x1] =	stream.indirect.gather [hbm4b:s1+s14], $0x28, s10, s14, $0xb8;
	[tilespmem:$0x152C0] =	vst v63  }
0x7d: {  	_ =	swait.ge [sflag:s25], $0x1400  }
0x7e: {  	[sflag:s25] =	ssyncset.done $0x0  }
0x7f: {  	s4 =	sadd.s32 $0x480, s13;
	[sflag:s25] =	ssyncadd.s32 $0xFFFFEC00  }
0x80: {  	[tilespmem:s16], [sflag:$0x2] =	stream.indirect.gather [hbm4b:s1+s14], $0x28, s4, s14, $0xb8;
	[tilespmem:$0x152C0] =	vst v63  }
0x81: {  	_ =	swait.ge [sflag:s28], $0x1400  }
0x82: {  	[sflag:s28] =	ssyncset.done $0x0  }
0x83: {  	s4 =	sadd.s32 $0x500, s13;
	[sflag:s28] =	ssyncadd.s32 $0xFFFFEC00  }
0x84: {  	[tilespmem:s18], [sflag:$0x3] =	stream.indirect.gather [hbm4b:s1+s14], $0x28, s4, s14, $0xb8;
	[tilespmem:$0x152C0] =	vst v63  }
0x85: {  	_ =	swait.ge [sflag:s5], $0x1400  }
0x86: {  	[sflag:s5] =	ssyncset.done $0x0  }
0x87: {  	s4 =	sadd.s32 $0x580, s13;
	[sflag:s5] =	ssyncadd.s32 $0xFFFFEC00  }
0x88: {  	[tilespmem:s20], [sflag:$0x4] =	stream.indirect.gather [hbm4b:s1+s14], $0x28, s4, s14, $0xb8;
	[tilespmem:$0x152C0] =	vst v63  }
0x89: {  	_ =	swait.ge [sflag:s6], $0x1400  }
0x8a: {  	[sflag:s6] =	ssyncset.done $0x0  }
0x8b: {  	s4 =	sadd.s32 $0x600, s13;
	[sflag:s6] =	ssyncadd.s32 $0xFFFFEC00  }
0x8c: {  	[tilespmem:s22], [sflag:$0x5] =	stream.indirect.gather [hbm4b:s1+s14], $0x28, s4, s14, $0xb8;
	[tilespmem:$0x152C0] =	vst v63  }
0x8d: {  	_ =	swait.ge [sflag:s7], $0x1400  }
0x8e: {  	[sflag:s7] =	ssyncset.done $0x0  }
0x8f: {  	s4 =	sadd.s32 $0x680, s13;
	[sflag:s7] =	ssyncadd.s32 $0xFFFFEC00  }
0x90: {  	[tilespmem:s24], [sflag:$0x6] =	stream.indirect.gather [hbm4b:s1+s14], $0x28, s4, s14, $0xb8;
	[tilespmem:$0x152C0] =	vst v63  }
0x91: {  	_ =	swait.ge [sflag:s8], $0x1400  }
0x92: {  	[sflag:s8] =	ssyncset.done $0x0  }
0x93: {  	s4 =	sadd.s32 $0x700, s13;
	[sflag:s8] =	ssyncadd.s32 $0xFFFFEC00  }
0x94: {  	[tilespmem:s26], [sflag:$0x7] =	stream.indirect.gather [hbm4b:s1+s14], $0x28, s4, s14, $0xb8;
	[tilespmem:$0x152C0] =	vst v63  }
.Ltmp3:
0x95: {  	_ = 	snop;
	(pc) =	sbr.rel .LBB2_2-.Ltmp3, $4  }
0x96: {  	_ =	swait.ge [sflag:s9], $0x1400  }
0x97: {  	[sflag:s9] =	ssyncset.done $0x0  }
0x98: {  	s12 =	sadd.s32 $0x1000, s12;
	s13 =	sadd.s32 $0x780, s13;
	[sflag:s9] =	ssyncadd.s32 $0xFFFFEC00  }
0x99: {  	[tilespmem:s29], [sflag:$0x8] =	stream.indirect.gather [hbm4b:s1+s14], $0x28, s13, s14, $0xb8;
	[tilespmem:$0x152C0] =	vst v63  }
.LBB2_5:
0x9a: {  	_ =	sfence.sel $0x180000  }
0x9b: {  	[bflag:$0x0] =	sbarrier.arrive $0xFFFF  }
0x9c: {  	_ =	strace $0x9000004D  }
0x9d: {  	s0 =	stileid.u32;
	[bflag:$0x2] =	sbarrier.arrive $0xFFFF  }
0x9e: {  	p0 =	sne.s32 s0, $0x0;
	s0 =	rddreg [dreg:$0x3]  }
0x9f: {  	s0 =	sadd.s32 @!p0 $0x100000, s0  }
0xa0: {  	[sflag:s0] =	ssyncadd.tile.s32 @!p0 $0x1;
	_ =	shalt  }
.Lfunc_end2:
_tile_overlayer_lowered:
.L_overlay_start_2:
0xa1: {  	(tag) =	ssettag $0x2  }
0xa2: {  	s0 =	rddreg [dreg:$0x0];
	s2 =	stileid.u32  }
0xa3: {  	s1 =	rddreg [dreg:$0x1];
	p0 =	sne.s32 s2, $0x0  }
0xa4: {  	s3 =	rddreg [dreg:$0x2];
	[bflag:$0x3] =	sbarrier.arrive $0xFFFF;
	s2 =	simm.s32 @!p0 $0x1C11  }
0xa5: {  	[timem:s3], [sflag:s2] =	dma.local @!p0 [hbm:s0], s1  }
0xa6: {  	s0 =	simm.s32 @!p0 $0x11  }
0xa7: {  	_ =	swait.ge @!p0 [sflag:s0], s1  }
0xa8: {  	s1 =	ssub.s32 @!p0 $0x0, s1;
	[sflag:s0] =	ssyncset.done @!p0 $0x0  }
0xa9: {  	[sflag:s0] =	ssyncadd.s32 @!p0 s1  }
0xaa: {  	[bflag:$0x3] =	sbarrier.arrive $0xFFFF  }
0xab: {  	_ =	shalt  }

// kernel: kernel.19.cloned.1.call-start
scs
__scs_entry_jumppad:
0x0: {  	(pc) =	sbr.rel $0x88, $3  }
0x1: {  	(tag) =	ssettag $0x0;
	lr =	simm.s32 $0x1  }
0x2: {  	[smem:$0x3F98] =	sst lr;
	_ =	strace $0xD0000000  }
0x3: {  	_ = 	snop  }
0x4: {  	_ = 	snop  }
0x5: {  	_ = 	snop  }
0x6: {  	_ = 	snop  }
0x7: {  	_ = 	snop  }
__scs_overlays_trampoline_lowered:
0x8: {  	[smem:$0x3FA7] =	sst s0  }
0x9: {  	[smem:$0x3FA8] =	sst s1  }
0xa: {  	[smem:$0x3FA9] =	sst s2  }
0xb: {  	[smem:$0x3FAA] =	sst s3  }
0xc: {  	[smem:$0x3FAB] =	sst s4  }
0xd: {  	[smem:$0x3FAC] =	sst s5  }
0xe: {  	[smem:$0x3FAD] =	sst s6  }
0xf: {  	[smem:$0x3FAE] =	sst s7  }
0x10: {  	[smem:$0x3FAF] =	sst s8  }
0x11: {  	[smem:$0x3FB0] =	sst s9;
	s0 =	simm.s32 @!p0 $0x0  }
0x12: {  	s1 =	sld [smem:$0x3F96];
	s0 =	simm.s32 @p0 $0x1  }
0x13: {  	[smem:$0x3FB1] =	sst s0;
	s0 =	simm.s32 @!p1 $0x0  }
0x14: {  	s2 =	sld [smem:$0x3F95];
	s0 =	simm.s32 @p1 $0x1  }
0x15: {  	[smem:$0x3FB2] =	sst s0;
	s0 =	simm.s32 @!p2 $0x0  }
0x16: {  	s3 =	sld [smem:$0x3FDB];
	s0 =	simm.s32 @p2 $0x1  }
0x17: {  	s4 =	simm.s32 $0x1BF5;
	[smem:$0x3FB4] =	sst s0  }
0x18: {  	s0 =	sld [smem:$0x3F97];
	_ =	swait.ge [sflag:s4], $0x0  }
0x19: {  	s7 =	sld [smem:$0x3F98]  }
0x1a: {  	s8 =	sadd.s32 $0xFFFFE003, lr  }
0x1b: {  	s9 =	sadd.s32 $0xFFFFFEF7, lr;
	s5 =	simm.s32 $0xFFFFFFFF;
	p2 =	slt.u32 s8, $0xFFFFF086  }
0x1c: {  	p1 =	slt.u32 s9, $0xF7A;
	s5 =	simm.s32 @!p2 $0x0  }
0x1d: {  	s5 =	simm.s32 @p1 $0x1;
	p0 =	seq.s32 s7, s2  }
0x1e: {  	s7 =	smul.u32 @!p0 $0xF7A, s2;
	p2 =	seq.s32 @!p0 s5, $0x0  }
0x1f: {  	s9 =	smul.u32 $0xF7A, s1;
	s8 =	simm.s32 @!p0 $0x1BF5;
	p2 =	por !p2, p0  }
0x20: {  	[sflag:s8] =	ssyncset.s32 @!p0 $0xFFFFF086;
	s6 =	sadd.s32 @!p0 s3, s7;
	s7 =	simm.s32 @!p0 $0x108  }
0x21: {  	s3 =	sadd.s32 s3, s9;
	s6 =	sadd.s32 @!p0 $0x88, s6;
	s7 =	simm.s32 @p2 $0x1082  }
0x22: {  	[simem:s7], [sflag:s8] =	dma.local @!p0 [hbm:s6], $0xF7A  }
0x23: {  	s9 =	sor.u32 $0xD0000000, s2;
	s6 =	simm.s32 $0x108;
	_ =	swait.ge @!p0 [sflag:s8], $0x0  }
0x24: {  	s3 =	sadd.s32 $0x88, s3;
	s6 =	simm.s32 @!p1 $0x1082;
	[sflag:s4] =	ssyncset.s32 $0xFFFFF086  }
0x25: {  	[simem:s6], [sflag:s4] =	dma.local [hbm:s3], $0xF7A  }
0x26: {  	[smem:$0x3F98] =	sst s1;
	(tag) =	ssettag s2;
	_ =	strace s9  }
0x27: {  	s1 =	sld [smem:$0x3FA8]  }
0x28: {  	s2 =	sld [smem:$0x3FA9]  }
0x29: {  	s4 =	sld [smem:$0x3FAB]  }
0x2a: {  	p0 =	seq.s32 s5, $0x0;
	s5 =	sld [smem:$0x3FAC]  }
0x2b: {  	s6 =	sld [smem:$0x3FAD]  }
0x2c: {  	s7 =	sld [smem:$0x3FAE]  }
0x2d: {  	s3 =	simm.s32 $0x108;
	s8 =	sld [smem:$0x3FAF]  }
0x2e: {  	s3 =	simm.s32 @!p0 $0x1082;
	s9 =	sld [smem:$0x3FB0]  }
0x2f: {  	lr =	sadd.s32 s0, s3;
	s0 =	sld [smem:$0x3FA7]  }
0x30: {  	s3 =	sld [smem:$0x3FAA]  }
0x31: {  	[smem:$0x3FB3] =	sst s10  }
0x32: {  	s10 =	sld [smem:$0x3FB1];
	_ =	sdelay $0x3  }
0x33: {  	p0 =	seq.s32 s10, $0x1;
	s10 =	sld [smem:$0x3FB3];
	_ =	sdelay $0x3  }
0x34: {  	[smem:$0x3FB3] =	sst s10  }
0x35: {  	s10 =	sld [smem:$0x3FB2];
	_ =	sdelay $0x3  }
0x36: {  	p1 =	seq.s32 s10, $0x1;
	s10 =	sld [smem:$0x3FB3];
	_ =	sdelay $0x3  }
0x37: {  	[smem:$0x3FB3] =	sst s10  }
0x38: {  	s10 =	sld [smem:$0x3FB4]  }
0x39: {  	_ = 	snop;
	(pc) =	sbr.ind lr, $3  }
0x3a: {  	_ = 	snop  }
0x3b: {  	_ = 	snop  }
0x3c: {  	p2 =	seq.s32 s10, $0x1;
	s10 =	sld [smem:$0x3FB3]  }
0x3d: {  	_ =	shalt  }
0x3e: {  	_ =	shalt  }
0x3f: {  	_ =	shalt  }
0x40: {  	_ =	shalt  }
0x41: {  	_ =	shalt  }
0x42: {  	_ =	shalt  }
0x43: {  	_ =	shalt  }
0x44: {  	_ =	shalt  }
0x45: {  	_ =	shalt  }
0x46: {  	_ =	shalt  }
0x47: {  	_ =	shalt  }
0x48: {  	_ =	shalt  }
0x49: {  	_ =	shalt  }
0x4a: {  	_ =	shalt  }
0x4b: {  	_ =	shalt  }
0x4c: {  	_ =	shalt  }
0x4d: {  	_ =	shalt  }
0x4e: {  	_ =	shalt  }
0x4f: {  	_ =	shalt  }
0x50: {  	_ =	shalt  }
0x51: {  	_ =	shalt  }
0x52: {  	_ =	shalt  }
0x53: {  	_ =	shalt  }
0x54: {  	_ =	shalt  }
0x55: {  	_ =	shalt  }
0x56: {  	_ =	shalt  }
0x57: {  	_ =	shalt  }
0x58: {  	_ =	shalt  }
0x59: {  	_ =	shalt  }
0x5a: {  	_ =	shalt  }
0x5b: {  	_ =	shalt  }
0x5c: {  	_ =	shalt  }
0x5d: {  	_ =	shalt  }
0x5e: {  	_ =	shalt  }
0x5f: {  	_ =	shalt  }
0x60: {  	_ =	shalt  }
0x61: {  	_ =	shalt  }
0x62: {  	_ =	shalt  }
0x63: {  	_ =	shalt  }
0x64: {  	_ =	shalt  }
0x65: {  	_ =	shalt  }
0x66: {  	_ =	shalt  }
0x67: {  	_ =	shalt  }
0x68: {  	_ =	shalt  }
0x69: {  	_ =	shalt  }
0x6a: {  	_ =	shalt  }
0x6b: {  	_ =	shalt  }
0x6c: {  	_ =	shalt  }
0x6d: {  	_ =	shalt  }
0x6e: {  	_ =	shalt  }
0x6f: {  	_ =	shalt  }
0x70: {  	_ =	shalt  }
0x71: {  	_ =	shalt  }
0x72: {  	_ =	shalt  }
0x73: {  	_ =	shalt  }
0x74: {  	_ =	shalt  }
0x75: {  	_ =	shalt  }
0x76: {  	_ =	shalt  }
0x77: {  	_ =	shalt  }
0x78: {  	_ =	shalt  }
0x79: {  	_ =	shalt  }
0x7a: {  	_ =	shalt  }
0x7b: {  	_ =	shalt  }
0x7c: {  	_ =	shalt  }
0x7d: {  	_ =	shalt  }
0x7e: {  	_ =	shalt  }
0x7f: {  	_ =	shalt  }
0x80: {  	_ =	shalt  }
0x81: {  	_ =	shalt  }
0x82: {  	_ =	shalt  }
0x83: {  	_ =	shalt  }
0x84: {  	_ =	shalt  }
0x85: {  	_ =	shalt  }
0x86: {  	_ =	shalt  }
0x87: {  	_ =	shalt  }
.Lfunc_end0:
.L_simem_size_0:
called_computation.3_lowered:
.L_overlay_start_0:
0x88: {  	s2 =	sld [smem:$0x3FD9]  }
0x89: {  	s3 =	sld [smem:$0x3FFE];
	_ =	sdelay $0x1  }
0x8a: {  	s1 =	srdreg.scid  }
0x8b: {  	s0 =	sand.u32 $0x1, s1  }
0x8c: {  	s17 =	sshll.u32 s0, $0xA;
	s2 =	sadd.s32 s3, s2  }
0x8d: {  	s2 =	sadd.s32 s2, s17  }
0x8e: {  	[smem:$0x3FBF] =	sst s2  }
0x8f: {  	_ = 	snop  }
0x90: {  	s2 =	sld [smem:$0x3FD0];
	(tm) =	ssettm $0x1  }
0x91: {  	s18 =	sld [smem:$0x3FFB];
	_ =	sdelay $0x3  }
0x92: {  	_ =	strace s18  }
0x93: {  	s3 =	sld [smem:$0x3FFC];
	_ =	sdelay $0x3  }
0x94: {  	_ =	strace s3  }
0x95: {  	s3 =	sld [smem:$0x3FFD];
	_ =	sdelay $0x3  }
0x96: {  	_ =	strace s3  }
0x97: {  	_ =	strace $0x8FFFFFFF  }
0x98: {  	s19 =	sld [smem:$0x3FDB];
	_ =	sdelay $0x1  }
0x99: {  	s4 =	simm.s32 $_scs_section_size  }
0x9a: {  	s5 =	simm.s32 $_size__tile_overlayer_lowered;
	s6 =	simm.s32 $_tile_overlayer_lowered  }
0x9b: {  	s22 =	simm.s32 $0x1BFF;
	s21 =	sshll.u32 s6, $0x1;
	s3 =	sadd.s32 s4, s19  }
0x9c: {  	s7 =	simm.s32 $0x0;
	s20 =	sshll.u32 s5, $0x1;
	s5 =	sadd.s32 s21, s3  }
0x9d: {  	[timem:s7], [sflag:s22] =	dma.local [hbm:s5], s20  }
0x9e: {  	_ =	swait.ge [sflag:s22], s20  }
0x9f: {  	s4 =	ssub.s32 $0x0, s20;
	[sflag:s22] =	ssyncset.done $0x0  }
0xa0: {  	[sflag:s22] =	ssyncadd.s32 s4;
	_ =	sdelay $0x1  }
0xa1: {  	s23 =	simm.s32 $0x1B8B  }
0xa2: {  	_ =	swait.ge [sflag:s23], $0x1  }
0xa3: {  	[sflag:s23] =	ssyncset.done $0x0  }
0xa4: {  	s25 =	simm.s32 $0x1B8E;
	s24 =	sld [smem:$0x3FFE];
	[sflag:s23] =	ssyncadd.s32 $0xFFFFFFFF  }
0xa5: {  	s26 =	simm.s32 $execute0_lowered;
	[smem:$0x3FD2] =	sst s25  }
0xa6: {  	s5 =	sshll.u32 s26, $0x1;
	_ =	strace $0x8000004F;
	[dreg:$0x1] =	wrdreg $0xFFFFFFFF  }
0xa7: {  	s28 =	simm.s32 $_size_execute0_lowered;
	s3 =	sadd.s32 s3, s5;
	[dreg:$0x0] =	wrdreg $0x0  }
0xa8: {  	s5 =	sshll.u32 s28, $0x1;
	[dreg:$0x2] =	wrdreg s3  }
0xa9: {  	[dreg:$0x3] =	wrdreg s5  }
0xaa: {  	[dreg:$0x4] =	wrdreg $0xC0  }
0xab: {  	_ =	task [dreg:s7], $0x5FFFF  }
0xac: {  	[dreg:$0x1] =	wrdreg $0xFFFFFFFF  }
0xad: {  	[dreg:$0x0] =	wrdreg $0x60  }
0xae: {  	[dreg:$0x2] =	wrdreg s2  }
0xaf: {  	[dreg:$0x3] =	wrdreg s24  }
0xb0: {  	[dreg:$0x4] =	wrdreg $0xF0000  }
0xb1: {  	[dreg:$0x5] =	wrdreg $0x9  }
0xb2: {  	_ =	task.clear_ibuf [dreg:s7], $0x6FFFF;
	_ =	strace $0x9000004F  }
0xb3: {  	s29 =	simm.s32 $0x9;
	_ =	strace $0x80000051  }
0xb4: {  	_ =	swait.ge [sflag:s29], $0x1  }
0xb5: {  	[sflag:s29] =	ssyncadd.s32 $0xFFFFFFFF  }
0xb6: {  	_ =	strace $0x90000051  }
0xb7: {  	_ =	sfence  }
0xb8: {  	s30 =	sld [smem:$0x0];
	_ =	sdelay $0x2  }
0xb9: {  	s31 =	sshll.u32 s1, $0xD;
	s1 =	sshrl.u32 s1, $0x2  }
0xba: {  	s3 =	sand.u32 $0x4000, s31;
	s1 =	sadd.s32 s1, s30  }
0xbb: {  	s0 =	sor.u32 s3, s0;
	s1 =	sshll.u32 s1, $0x11  }
0xbc: {  	s0 =	sor.u32 s1, s0  }
0xbd: {  	s0 =	sadd.s32 $0x8F2B, s0  }
0xbe: {  	[sflag:s0] =	ssyncadd.remote.s32 $0x1  }
0xbf: {  	_ =	sfence.sel $0xFFFF  }
0xc0: {  	[dreg:$0x0] =	wrdreg $0xFFFFFFFF;
	(pc) =	sbr.abs _section_cstart, $3  }
0xc1: {  	[dreg:$0x1] =	wrdreg $0xFFFFFFFF  }
0xc2: {  	_ =	task.clear_ibuf [dreg:s7], $0x2FFFF;
	_ =	strace $0x9FFFFFFF  }
0xc3: {  	(tm) =	ssettm $0x7FFFFFFF  }
tec
execute0_lowered:
.L_overlay_start_1:
0x0: {  	(tag) =	ssettag $0x1  }
0x1: {  	s1 =	rddreg [dreg:$0x0]  }
0x2: {  	s0 =	srdreg.scid;
	s4 =	rddreg [dreg:$0x1]  }
0x3: {  	s9 =	stileid.u32;
	s3 =	rddreg [dreg:$0x2]  }
0x4: {  	s6 =	simm.s32 $0x0;
	s13 =	simm.s32 $0x11;
	s14 =	simm.s32 $0x80  }
0x5: {  	s15 =	simm.s32 $0x5000;
	s16 =	simm.s32 $0x6400;
	s18 =	simm.s32 $0x7800  }
0x6: {  	s20 =	simm.s32 $0x8C00;
	s29 =	simm.s32 $0xDC00;
	s30 =	simm.s32 $0x1  }
0x7: {  	s31 =	simm.s32 $0x2;
	s11 =	simm.s32 $0x5;
	s17 =	simm.s32 $0x6  }
0x8: {  	s19 =	simm.s32 $0x7;
	s21 =	simm.s32 $0x8;
	s28 =	simm.s32 $0xB  }
0x9: {  	s10 =	simm.s32 $0x0;
	s0 =	sand.u32 $0x1, s0;
	s5 =	smul.u32 $0x62C0, s9  }
0xa: {  	[smem:$0x7FF] =	sst s6;
	s26 =	sshll.u32 s9, $0x6;
	s2 =	sshll.u32 s0, $0x4  }
0xb: {  	s22 =	smul.u32 $0x62C00, s0;
	_ =	strace $0x80000050;
	s0 =	ssub.s32 $0x2, s0  }
0xc: {  	[dreg:$0xb] =	wrdreg s10;
	s2 =	sor.u32 s9, s2;
	s7 =	sshrl.u32 s5, $0x3  }
0xd: {  	s8 =	sshrl.u32 s0, $0x1;
	s24 =	sadd.s32 s5, s3;
	s9 =	simm.s32 $0x10  }
0xe: {  	s2 =	smul.u32 $0x500, s2;
	s6 =	sadd.s32 s5, s22;
	s7 =	sadd.s32 s7, s4  }
0xf: {  	s0 =	ssub.s32 s0, s8;
	s12 =	sshrl.u32 s24, $0x3;
	s22 =	simm.s32 $0xA000  }
0x10: {  	s24 =	simm.s32 $0xB400;
	s5 =	simm.s32 $0xC;
	s8 =	simm.s32 $0xF  }
0x11: {  	s6 =	sshrl.u32 s6, $0x3;
	s25 =	sadd.s32 $0x17800, s7;
	[dreg:$0x9] =	wrdreg s12  }
0x12: {  	s0 =	smax.u32 s0, $0x1;
	s7 =	simm.s32 $0xE;
	[dreg:$0x6] =	wrdreg s25  }
0x13: {  	s2 =	sadd.s32 s2, s4;
	s4 =	sadd.s32 s6, s4;
	[dreg:$0x8] =	wrdreg s0  }
.Ltmp0:
0x14: {  	s0 =	sor.u32 $0x1C11, s26;
	s26 =	simm.s32 $0xC800;
	(pc) =	sbr.rel .LBB2_1-.Ltmp0, $4  }
0x15: {  	s25 =	simm.s32 $0xA;
	s23 =	sadd.s32 $0xD800, s2;
	[dreg:$0xa] =	wrdreg s0  }
0x16: {  	s6 =	simm.s32 $0xD;
	s2 =	sadd.s32 $0x3800, s2;
	[dreg:$0x4] =	wrdreg s23  }
0x17: {  	s4 =	sadd.s32 $0x23E00, s4;
	s0 =	simm.s32 $0x4;
	[dreg:$0x5] =	wrdreg s2  }
0x18: {  	[dreg:$0x7] =	wrdreg s4;
	s2 =	simm.s32 $0x3;
	s23 =	simm.s32 $0x9  }
.LBB2_4:
0x19: {  	_ =	swait.ge [sflag:s25], $0x1400  }
0x1a: {  	[sflag:s25] =	ssyncset.done $0x0  }
0x1b: {  	[sflag:s25] =	ssyncadd.s32 $0xFFFFEC00  }
0x1c: {  	_ =	swait.ge [sflag:s28], $0x1400  }
0x1d: {  	[sflag:s28] =	ssyncset.done $0x0  }
0x1e: {  	[sflag:s28] =	ssyncadd.s32 $0xFFFFEC00  }
0x1f: {  	_ =	swait.ge [sflag:s5], $0x1400  }
0x20: {  	[sflag:s5] =	ssyncset.done $0x0  }
0x21: {  	[sflag:s5] =	ssyncadd.s32 $0xFFFFEC00  }
0x22: {  	_ =	swait.ge [sflag:s6], $0x1400  }
0x23: {  	[sflag:s6] =	ssyncset.done $0x0  }
0x24: {  	[sflag:s6] =	ssyncadd.s32 $0xFFFFEC00  }
0x25: {  	_ =	swait.ge [sflag:s7], $0x1400  }
0x26: {  	[sflag:s7] =	ssyncset.done $0x0  }
0x27: {  	[sflag:s7] =	ssyncadd.s32 $0xFFFFEC00  }
0x28: {  	_ =	swait.ge [sflag:s8], $0x1400  }
0x29: {  	[sflag:s8] =	ssyncset.done $0x0  }
0x2a: {  	[sflag:s8] =	ssyncadd.s32 $0xFFFFEC00  }
0x2b: {  	_ =	swait.ge [sflag:s9], $0x1400  }
0x2c: {  	[sflag:s9] =	ssyncset.done $0x0  }
0x2d: {  	[sflag:s9] =	ssyncadd.s32 $0xFFFFEC00  }
0x2e: {  	[bflag:$0x0] =	sbarrier.arrive $0xFFFF  }
0x2f: {  	s10 =	rddreg [dreg:$0x7]  }
0x30: {  	s12 =	rddreg [dreg:$0x9]  }
0x31: {  	s13 =	simm.s32 $0x11;
	s4 =	rddreg [dreg:$0xa]  }
0x32: {  	[hbm:s10], [sflag:s4] =	dma.local [spmem:s12], $0xC58  }
0x33: {  	_ =	swait.ge [sflag:s13], $0xC58  }
0x34: {  	s10 =	rddreg [dreg:$0xb]  }
0x35: {  	s12 =	rddreg [dreg:$0x8];
	s4 =	sadd.s32 $0x1, s10  }
0x36: {  	p0 =	sne.s32 s4, s12  }
.Ltmp1:
0x37: {  	_ = 	snop;
	(pc) =	sbr.rel @!p0 .LBB2_5-.Ltmp1, $3  }
0x38: {  	_ =	sdelay $0x1  }
0x39: {  	[sflag:s13] =	ssyncset.done $0x0  }
0x3a: {  	[sflag:s13] =	ssyncadd.s32 $0xFFFFF3A8;
	[dreg:$0xb] =	wrdreg s4  }
.LBB2_1:
0x3b: {  	s4 =	simm.s32 $0x0;
	s12 =	rddreg [dreg:$0x4]  }
0x3c: {  	[tilespmem:s4], [sflag:$0x11] =	stream.linear.gather [hbm4b:s12+s4], $0x2800, $0x38;
	[tilespmem:$0x152C0] =	vst v63  }
0x3d: {  	_ =	swait.ge [sflag:s13], $0x2800  }
0x3e: {  	s10 =	simm.s32 $0x0;
	[sflag:s13] =	ssyncset.done $0x0  }
0x3f: {  	s4 =	simm.s32 $0x2800;
	s12 =	rddreg [dreg:$0x5];
	[sflag:s13] =	ssyncadd.s32 $0xFFFFD800  }
0x40: {  	[tilespmem:s4], [sflag:$0x11] =	stream.linear.gather [hbm4b:s12+s10], $0x2800, $0x38;
	[tilespmem:$0x152C0] =	vst v63  }
0x41: {  	s10 =	rddreg [dreg:$0xa];
	_ =	swait.ge [sflag:s13], $0x2800  }
0x42: {  	[sflag:s13] =	ssyncset.done $0x0;
	s12 =	rddreg [dreg:$0x6]  }
0x43: {  	s4 =	rddreg [dreg:$0x9];
	[sflag:s13] =	ssyncadd.s32 $0xFFFFD800  }
0x44: {  	[spmem:s4], [sflag:s10] =	dma.local [hbm:s12], $0xC58  }
0x45: {  	_ =	swait.ge [sflag:s13], $0xC58  }
0x46: {  	[sflag:s13] =	ssyncset.done $0x0  }
0x47: {  	[sflag:s13] =	ssyncadd.s32 $0xFFFFF3A8  }
0x48: {  	s13 =	simm.s32 $0x0;
	[bflag:$0x0] =	sbarrier.arrive $0xFFFF  }
0x49: {  	[tilespmem:s15], [sflag:$0x1] =	stream.indirect.gather [hbm4b:s1+s14], $0x28, s13, s14, $0xb8;
	[tilespmem:$0x152C0] =	vst v63  }
0x4a: {  	_ = 	snop  }
0x4b: {  	[tilespmem:s16], [sflag:$0x2] =	stream.indirect.gather [hbm4b:s1+s14], $0x28, s14, s14, $0xb8;
	[tilespmem:$0x152C0] =	vst v63  }
0x4c: {  	s4 =	simm.s32 $0x100  }
0x4d: {  	[tilespmem:s18], [sflag:$0x3] =	stream.indirect.gather [hbm4b:s1+s14], $0x28, s4, s14, $0xb8;
	[tilespmem:$0x152C0] =	vst v63  }
0x4e: {  	s12 =	simm.s32 $0x180  }
0x4f: {  	[tilespmem:s20], [sflag:$0x4] =	stream.indirect.gather [hbm4b:s1+s14], $0x28, s12, s14, $0xb8;
	[tilespmem:$0x152C0] =	vst v63  }
0x50: {  	s13 =	simm.s32 $0x200  }
0x51: {  	[tilespmem:s22], [sflag:$0x5] =	stream.indirect.gather [hbm4b:s1+s14], $0x28, s13, s14, $0xb8;
	[tilespmem:$0x152C0] =	vst v63  }
0x52: {  	s4 =	simm.s32 $0x280  }
0x53: {  	[tilespmem:s24], [sflag:$0x6] =	stream.indirect.gather [hbm4b:s1+s14], $0x28, s4, s14, $0xb8;
	[tilespmem:$0x152C0] =	vst v63  }
0x54: {  	s12 =	simm.s32 $0x300  }
0x55: {  	[tilespmem:s26], [sflag:$0x7] =	stream.indirect.gather [hbm4b:s1+s14], $0x28, s12, s14, $0xb8;
	[tilespmem:$0x152C0] =	vst v63  }
0x56: {  	s13 =	simm.s32 $0x380;
	s12 =	simm.s32 $0x0  }
0x57: {  	[tilespmem:s29], [sflag:$0x8] =	stream.indirect.gather [hbm4b:s1+s14], $0x28, s13, s14, $0xb8;
	[tilespmem:$0x152C0] =	vst v63  }
.LBB2_2:
0x58: {  	_ =	swait.ge [sflag:s30], $0x1400  }
0x59: {  	s13 =	sshra.s32 s12, $0x2;
	[sflag:s30] =	ssyncset.done $0x0  }
0x5a: {  	s10 =	sadd.s32 $0x2800, s13;
	[sflag:s30] =	ssyncadd.s32 $0xFFFFEC00  }
0x5b: {  	[spmem:s3] =	stream.indirect.scatter.add.f32 [tilespmem:s15], [sflag:$0x9], $0x28, s10, s14, $0xb8;
	[tilespmem:$0x152C0] =	vst v63  }
0x5c: {  	_ =	swait.ge [sflag:s31], $0x1400  }
0x5d: {  	[sflag:s31] =	ssyncset.done $0x0  }
0x5e: {  	s4 =	sadd.s32 $0x2880, s13;
	[sflag:s31] =	ssyncadd.s32 $0xFFFFEC00  }
0x5f: {  	[spmem:s3] =	stream.indirect.scatter.add.f32 [tilespmem:s16], [sflag:$0xA], $0x28, s4, s14, $0xb8;
	[tilespmem:$0x152C0] =	vst v63  }
0x60: {  	_ =	swait.ge [sflag:s2], $0x1400  }
0x61: {  	[sflag:s2] =	ssyncset.done $0x0  }
0x62: {  	s4 =	sadd.s32 $0x2900, s13;
	[sflag:s2] =	ssyncadd.s32 $0xFFFFEC00  }
0x63: {  	[spmem:s3] =	stream.indirect.scatter.add.f32 [tilespmem:s18], [sflag:$0xB], $0x28, s4, s14, $0xb8;
	[tilespmem:$0x152C0] =	vst v63  }
0x64: {  	_ =	swait.ge [sflag:s0], $0x1400  }
0x65: {  	[sflag:s0] =	ssyncset.done $0x0  }
0x66: {  	s4 =	sadd.s32 $0x2980, s13;
	[sflag:s0] =	ssyncadd.s32 $0xFFFFEC00  }
0x67: {  	[spmem:s3] =	stream.indirect.scatter.add.f32 [tilespmem:s20], [sflag:$0xC], $0x28, s4, s14, $0xb8;
	[tilespmem:$0x152C0] =	vst v63  }
0x68: {  	_ =	swait.ge [sflag:s11], $0x1400  }
0x69: {  	[sflag:s11] =	ssyncset.done $0x0  }
0x6a: {  	s4 =	sadd.s32 $0x2A00, s13;
	[sflag:s11] =	ssyncadd.s32 $0xFFFFEC00  }
0x6b: {  	[spmem:s3] =	stream.indirect.scatter.add.f32 [tilespmem:s22], [sflag:$0xD], $0x28, s4, s14, $0xb8;
	[tilespmem:$0x152C0] =	vst v63  }
0x6c: {  	_ =	swait.ge [sflag:s17], $0x1400  }
0x6d: {  	[sflag:s17] =	ssyncset.done $0x0  }
0x6e: {  	s4 =	sadd.s32 $0x2A80, s13;
	[sflag:s17] =	ssyncadd.s32 $0xFFFFEC00  }
0x6f: {  	[spmem:s3] =	stream.indirect.scatter.add.f32 [tilespmem:s24], [sflag:$0xE], $0x28, s4, s14, $0xb8;
	[tilespmem:$0x152C0] =	vst v63  }
0x70: {  	_ =	swait.ge [sflag:s19], $0x1400  }
0x71: {  	[sflag:s19] =	ssyncset.done $0x0  }
0x72: {  	s4 =	sadd.s32 $0x2B00, s13;
	[sflag:s19] =	ssyncadd.s32 $0xFFFFEC00  }
0x73: {  	[spmem:s3] =	stream.indirect.scatter.add.f32 [tilespmem:s26], [sflag:$0xF], $0x28, s4, s14, $0xb8;
	[tilespmem:$0x152C0] =	vst v63  }
0x74: {  	_ =	swait.ge [sflag:s21], $0x1400  }
0x75: {  	p0 =	seq.s32 s12, $0x9000;
	[sflag:s21] =	ssyncset.done $0x0  }
.Ltmp2:
0x76: {  	s4 =	sadd.s32 $0x2B80, s13;
	[sflag:s21] =	ssyncadd.s32 $0xFFFFEC00;
	(pc) =	sbr.rel @p0 .LBB2_4-.Ltmp2, $4  }
0x77: {  	[spmem:s3] =	stream.indirect.scatter.add.f32 [tilespmem:s29], [sflag:$0x10], $0x28, s4, s14, $0xb8;
	[tilespmem:$0x152C0] =	vst v63  }
0x78: {  	_ =	swait.ge [sflag:s23], $0x1400  }
0x79: {  	[sflag:s23] =	ssyncset.done $0x0  }
0x7a: {  	[sflag:s23] =	ssyncadd.s32 $0xFFFFEC00  }
0x7b: {  	s10 =	sadd.s32 $0x400, s13  }
0x7c: {  	[tilespmem:s15], [sflag:$0x1] =	stream.indirect.gather [hbm4b:s1+s14], $0x28, s10, s14, $0xb8;
	[tilespmem:$0x152C0] =	vst v63  }
0x7d: {  	_ =	swait.ge [sflag:s25], $0x1400  }
0x7e: {  	[sflag:s25] =	ssyncset.done $0x0  }
0x7f: {  	s4 =	sadd.s32 $0x480, s13;
	[sflag:s25] =	ssyncadd.s32 $0xFFFFEC00  }
0x80: {  	[tilespmem:s16], [sflag:$0x2] =	stream.indirect.gather [hbm4b:s1+s14], $0x28, s4, s14, $0xb8;
	[tilespmem:$0x152C0] =	vst v63  }
0x81: {  	_ =	swait.ge [sflag:s28], $0x1400  }
0x82: {  	[sflag:s28] =	ssyncset.done $0x0  }
0x83: {  	s4 =	sadd.s32 $0x500, s13;
	[sflag:s28] =	ssyncadd.s32 $0xFFFFEC00  }
0x84: {  	[tilespmem:s18], [sflag:$0x3] =	stream.indirect.gather [hbm4b:s1+s14], $0x28, s4, s14, $0xb8;
	[tilespmem:$0x152C0] =	vst v63  }
0x85: {  	_ =	swait.ge [sflag:s5], $0x1400  }
0x86: {  	[sflag:s5] =	ssyncset.done $0x0  }
0x87: {  	s4 =	sadd.s32 $0x580, s13;
	[sflag:s5] =	ssyncadd.s32 $0xFFFFEC00  }
0x88: {  	[tilespmem:s20], [sflag:$0x4] =	stream.indirect.gather [hbm4b:s1+s14], $0x28, s4, s14, $0xb8;
	[tilespmem:$0x152C0] =	vst v63  }
0x89: {  	_ =	swait.ge [sflag:s6], $0x1400  }
0x8a: {  	[sflag:s6] =	ssyncset.done $0x0  }
0x8b: {  	s4 =	sadd.s32 $0x600, s13;
	[sflag:s6] =	ssyncadd.s32 $0xFFFFEC00  }
0x8c: {  	[tilespmem:s22], [sflag:$0x5] =	stream.indirect.gather [hbm4b:s1+s14], $0x28, s4, s14, $0xb8;
	[tilespmem:$0x152C0] =	vst v63  }
0x8d: {  	_ =	swait.ge [sflag:s7], $0x1400  }
0x8e: {  	[sflag:s7] =	ssyncset.done $0x0  }
0x8f: {  	s4 =	sadd.s32 $0x680, s13;
	[sflag:s7] =	ssyncadd.s32 $0xFFFFEC00  }
0x90: {  	[tilespmem:s24], [sflag:$0x6] =	stream.indirect.gather [hbm4b:s1+s14], $0x28, s4, s14, $0xb8;
	[tilespmem:$0x152C0] =	vst v63  }
0x91: {  	_ =	swait.ge [sflag:s8], $0x1400  }
0x92: {  	[sflag:s8] =	ssyncset.done $0x0  }
0x93: {  	s4 =	sadd.s32 $0x700, s13;
	[sflag:s8] =	ssyncadd.s32 $0xFFFFEC00  }
0x94: {  	[tilespmem:s26], [sflag:$0x7] =	stream.indirect.gather [hbm4b:s1+s14], $0x28, s4, s14, $0xb8;
	[tilespmem:$0x152C0] =	vst v63  }
.Ltmp3:
0x95: {  	_ = 	snop;
	(pc) =	sbr.rel .LBB2_2-.Ltmp3, $4  }
0x96: {  	_ =	swait.ge [sflag:s9], $0x1400  }
0x97: {  	[sflag:s9] =	ssyncset.done $0x0  }
0x98: {  	s12 =	sadd.s32 $0x1000, s12;
	s13 =	sadd.s32 $0x780, s13;
	[sflag:s9] =	ssyncadd.s32 $0xFFFFEC00  }
0x99: {  	[tilespmem:s29], [sflag:$0x8] =	stream.indirect.gather [hbm4b:s1+s14], $0x28, s13, s14, $0xb8;
	[tilespmem:$0x152C0] =	vst v63  }
.LBB2_5:
0x9a: {  	_ =	sfence.sel $0x180000  }
0x9b: {  	[bflag:$0x0] =	sbarrier.arrive $0xFFFF  }
0x9c: {  	_ =	strace $0x90000050  }
0x9d: {  	s0 =	stileid.u32;
	[bflag:$0x2] =	sbarrier.arrive $0xFFFF  }
0x9e: {  	p0 =	sne.s32 s0, $0x0;
	s0 =	rddreg [dreg:$0x3]  }
0x9f: {  	s0 =	sadd.s32 @!p0 $0x100000, s0  }
0xa0: {  	[sflag:s0] =	ssyncadd.tile.s32 @!p0 $0x1;
	_ =	shalt  }
.Lfunc_end2:
_tile_overlayer_lowered:
.L_overlay_start_2:
0xa1: {  	(tag) =	ssettag $0x2  }
0xa2: {  	s0 =	rddreg [dreg:$0x0];
	s2 =	stileid.u32  }
0xa3: {  	s1 =	rddreg [dreg:$0x1];
	p0 =	sne.s32 s2, $0x0  }
0xa4: {  	s3 =	rddreg [dreg:$0x2];
	[bflag:$0x3] =	sbarrier.arrive $0xFFFF;
	s2 =	simm.s32 @!p0 $0x1C11  }
0xa5: {  	[timem:s3], [sflag:s2] =	dma.local @!p0 [hbm:s0], s1  }
0xa6: {  	s0 =	simm.s32 @!p0 $0x11  }
0xa7: {  	_ =	swait.ge @!p0 [sflag:s0], s1  }
0xa8: {  	s1 =	ssub.s32 @!p0 $0x0, s1;
	[sflag:s0] =	ssyncset.done @!p0 $0x0  }
0xa9: {  	[sflag:s0] =	ssyncadd.s32 @!p0 s1  }
0xaa: {  	[bflag:$0x3] =	sbarrier.arrive $0xFFFF  }
0xab: {  	_ =	shalt  }

</sc_bundles>
